<compile_context>
chip_gen: v7x
topology: tpu7x:2x2x1
jax: 0.10.2.dev20260603
libtpu: 0.0.44.dev20260713+nightly
codegen_flags: <defaults>
</compile_context>

<pallas_src>
import functools
import jax
import jax.numpy as jnp
from jax import lax
from jax.experimental import pallas as pl
from jax.experimental.pallas import tpu as pltpu
from jax.experimental.pallas import tpu_sc as plsc

_EPS = 1e-5
_NC = 2
_NS = 16
_B = 128
_DEGW = 16
_RK = 16


def _deg_sc(col3, zeros16, ones16):
    ns, k, b = col3.shape
    np_ = zeros16.shape[0]
    rpt = np_ // _NS
    kh = k // 2
    mesh = plsc.VectorSubcoreMesh(core_axis_name="c", subcore_axis_name="s")

    @functools.partial(
        pl.kernel,
        out_type=jax.ShapeDtypeStruct((_NC, np_, _DEGW), jnp.float32),
        mesh=mesh,
        scratch_types=[
            pltpu.VMEM((k, b), jnp.int32),
            pltpu.VMEM((_B, _DEGW), jnp.float32),
            pltpu.VMEM_SHARED((np_, _DEGW), jnp.float32),
        ],
        compiler_params=pltpu.CompilerParams(use_tc_tiling_on_sc=False),
    )
    def deg_kernel(col_hbm, z_hbm, ones_hbm, out_hbm, colb, onesb, deg_s):
        c = lax.axis_index("c")
        s = lax.axis_index("s")
        pltpu.sync_copy(col_hbm.at[s], colb)
        pltpu.sync_copy(ones_hbm, onesb)

        @pl.when(s == 0)
        def _():
            pltpu.sync_copy(z_hbm, deg_s)

        plsc.subcore_barrier()

        def body(j, carry):
            pltpu.sync_copy(onesb, deg_s.at[colb.at[j]], add=True)
            return carry

        lax.fori_loop(c * kh, (c + 1) * kh, body, 0)
        plsc.subcore_barrier()
        off = s * rpt
        pltpu.sync_copy(deg_s.at[pl.ds(off, rpt)],
                        out_hbm.at[c, pl.ds(off, rpt)])

    return deg_kernel(col3, zeros16, ones16)


def _edge_scatter_sc(row3, col3, hs2, zeros_h):
    ns, k, b = row3.shape
    _, np_, dhh = hs2.shape
    rpt = np_ // _NS
    nblk = k // _RK
    mesh = plsc.VectorSubcoreMesh(core_axis_name="c", subcore_axis_name="s")

    @functools.partial(
        pl.kernel,
        out_type=jax.ShapeDtypeStruct((_NC, np_, dhh), jnp.float32),
        mesh=mesh,
        scratch_types=[
            pltpu.VMEM((2, _RK, b), jnp.int32),
            pltpu.VMEM((k, b), jnp.int32),
            pltpu.VMEM((2, _B, dhh), jnp.float32),
            pltpu.VMEM_SHARED((np_, dhh), jnp.float32),
            pltpu.VMEM_SHARED((np_, dhh), jnp.float32),
            pltpu.SemaphoreType.DMA,
            pltpu.SemaphoreType.DMA,
            pltpu.SemaphoreType.DMA,
            pltpu.SemaphoreType.DMA,
        ],
        compiler_params=pltpu.CompilerParams(use_tc_tiling_on_sc=False),
    )
    def sc_kernel(row_hbm, col_hbm, hs_hbm, z_hbm, out_hbm,
                  rowb, colb, datab, hs_s, acc_s,
                  gsem0, gsem1, isem0, isem1):
        c = lax.axis_index("c")
        s = lax.axis_index("s")
        off = s * rpt
        pltpu.sync_copy(col_hbm.at[s], colb)
        pltpu.sync_copy(hs_hbm.at[c, pl.ds(off, rpt)],
                        hs_s.at[pl.ds(off, rpt)])

        @pl.when(s == 0)
        def _():
            pltpu.sync_copy(z_hbm, acc_s)

        plsc.subcore_barrier()

        pltpu.async_copy(row_hbm.at[s, pl.ds(0, _RK)], rowb.at[0], isem0)
        pltpu.async_copy(row_hbm.at[s, pl.ds(_RK, _RK)], rowb.at[1], isem1)

        def block(base, r, isem):
            pltpu.async_copy(hs_s.at[rowb.at[r, 0]], datab.at[0], gsem0)
            for jj in range(_RK):
                u = jj % 2
                gsem = gsem0 if u == 0 else gsem1
                osem = gsem1 if u == 0 else gsem0
                if jj + 1 < _RK:
                    pltpu.async_copy(hs_s.at[rowb.at[r, jj + 1]],
                                     datab.at[1 - u], osem)
                pltpu.make_async_copy(hs_s.at[rowb.at[r, jj]], datab.at[u],
                                      gsem).wait()
                pltpu.sync_copy(datab.at[u], acc_s.at[colb.at[base + jj]],
                                add=True)

        def body(i, carry):
            b0 = i * 2
            base0 = b0 * _RK
            pltpu.make_async_copy(row_hbm.at[s, pl.ds(base0, _RK)],
                                  rowb.at[0], isem0).wait()
            block(base0, 0, isem0)

            @pl.when(b0 + 2 < nblk)
            def _():
                pltpu.async_copy(row_hbm.at[s, pl.ds(base0 + 2 * _RK, _RK)],
                                 rowb.at[0], isem0)

            base1 = base0 + _RK
            pltpu.make_async_copy(row_hbm.at[s, pl.ds(base1, _RK)],
                                  rowb.at[1], isem1).wait()
            block(base1, 1, isem1)

            @pl.when(b0 + 3 < nblk)
            def _():
                pltpu.async_copy(row_hbm.at[s, pl.ds(base1 + 2 * _RK, _RK)],
                                 rowb.at[1], isem1)

            return carry

        lax.fori_loop(0, nblk // 2, body, 0)
        plsc.subcore_barrier()
        pltpu.sync_copy(acc_s.at[pl.ds(off, rpt)],
                        out_hbm.at[c, pl.ds(off, rpt)])

    return sc_kernel(row3, col3, hs2, zeros_h)


def _embed_tc(x_pad, we_t, b_emb, g_emb, be_emb, rm_emb, rv_emb, degp):
    np_, din = x_pad.shape
    dh = we_t.shape[1]
    dhh = dh // 2
    rb = 1264
    grid = np_ // rb

    def body(x_ref, w_ref, b_ref, g_ref, be_ref, rm_ref, rv_ref, deg_ref,
             out_ref):
        h = jnp.dot(x_ref[...], w_ref[...],
                    preferred_element_type=jnp.float32) + b_ref[...]
        h = jnp.maximum(h, 0.0)
        h = (h - rm_ref[...]) * lax.rsqrt(rv_ref[...] + _EPS) * g_ref[...] \
            + be_ref[...]
        deg = deg_ref[0, :, 0:1] + deg_ref[1, :, 0:1] + 1.0
        hs = h * lax.rsqrt(deg)
        out_ref[0] = hs[:, :dhh]
        out_ref[1] = hs[:, dhh:]

    full = lambda shape: pl.BlockSpec(shape, lambda i: (0,) * len(shape))
    return pl.pallas_call(
        body,
        grid=(grid,),
        in_specs=[
            pl.BlockSpec((rb, din), lambda i: (i, 0)),
            full((din, dh)),
            full((1, dh)), full((1, dh)), full((1, dh)),
            full((1, dh)), full((1, dh)),
            pl.BlockSpec((_NC, rb, _DEGW), lambda i: (0, i, 0)),
        ],
        out_specs=pl.BlockSpec((2, rb, dhh), lambda i: (0, i, 0)),
        out_shape=jax.ShapeDtypeStruct((2, np_, dhh), jnp.float32),
    )(x_pad, we_t, b_emb, g_emb, be_emb, rm_emb, rv_emb, degp)


def _head_tc(sp, hs2, degp, wc_t, bc, w1_t, b1, w2_t, b2, w3_t, b3):
    _, np_, dhh = hs2.shape
    dout = w3_t.shape[1]
    rb = 1264
    grid = np_ // rb

    def body(s_ref, hs_ref, deg_ref, wc_ref, bc_ref, w1_ref, b1_ref,
             w2_ref, b2_ref, w3_ref, b3_ref, out_ref):
        deg = deg_ref[0, :, 0:1] + deg_ref[1, :, 0:1] + 1.0
        agg = jnp.concatenate(
            [s_ref[0] + hs_ref[0], s_ref[1] + hs_ref[1]], axis=1)
        agg = agg * lax.rsqrt(deg)
        z = jnp.dot(agg, wc_ref[...],
                    preferred_element_type=jnp.float32) + bc_ref[...]
        z = jnp.maximum(z, 0.0)
        z = jnp.dot(z, w1_ref[...],
                    preferred_element_type=jnp.float32) + b1_ref[...]
        z = jnp.maximum(z, 0.0)
        z = jnp.dot(z, w2_ref[...],
                    preferred_element_type=jnp.float32) + b2_ref[...]
        z = jnp.maximum(z, 0.0)
        z = jnp.dot(z, w3_ref[...],
                    preferred_element_type=jnp.float32) + b3_ref[...]
        out_ref[...] = jax.nn.sigmoid(z)

    full = lambda shape: pl.BlockSpec(shape, lambda i: (0,) * len(shape))
    return pl.pallas_call(
        body,
        grid=(grid,),
        in_specs=[
            pl.BlockSpec((_NC, rb, dhh), lambda i: (0, i, 0)),
            pl.BlockSpec((_NC, rb, dhh), lambda i: (0, i, 0)),
            pl.BlockSpec((_NC, rb, _DEGW), lambda i: (0, i, 0)),
            full(wc_t.shape), full(bc.shape),
            full(w1_t.shape), full(b1.shape),
            full(w2_t.shape), full(b2.shape),
            full(w3_t.shape), full(b3.shape),
        ],
        out_specs=pl.BlockSpec((rb, dout), lambda i: (i, 0)),
        out_shape=jax.ShapeDtypeStruct((np_, dout), jnp.float32),
    )(sp, hs2, degp, wc_t, bc, w1_t, b1, w2_t, b2, w3_t, b3)


def kernel(x, edge_index, W_emb, b_emb, g_emb, be_emb, rm_emb, rv_emb,
           W_conv, b_conv, W1, b1, W2, b2, W3, b3):
    n, din = x.shape
    e = edge_index.shape[1]

    np_ = ((n + 1 + 127) // 128) * 128
    k = -(-e // (_NS * _B))
    k += (-k) % (2 * _RK)
    ep = _NS * k * _B

    row = edge_index[0]
    col = edge_index[1]
    pad = jnp.full((ep - e,), n, dtype=edge_index.dtype)
    row3 = jnp.concatenate([row, pad]).reshape(_NS, k, _B)
    col3 = jnp.concatenate([col, pad]).reshape(_NS, k, _B)
    x_pad = jnp.pad(x, ((0, np_ - n), (0, 0)))

    zeros16 = jnp.zeros((np_, _DEGW), jnp.float32)
    ones16 = jnp.ones((_B, _DEGW), jnp.float32)
    zeros_h = jnp.zeros((np_, W_emb.shape[0] // 2), jnp.float32)

    row1 = lambda v: v.reshape(1, -1)

    degp = _deg_sc(col3, zeros16, ones16)
    hs2 = _embed_tc(x_pad, W_emb.T, row1(b_emb), row1(g_emb), row1(be_emb),
                    row1(rm_emb), row1(rv_emb), degp)
    sp = _edge_scatter_sc(row3, col3, hs2, zeros_h)
    out = _head_tc(sp, hs2, degp, W_conv.T, row1(b_conv), W1.T, row1(b1),
                   W2.T, row1(b2), W3.T, row1(b3))
    return out[:n]

# --- scband reference (transcript-rebuilt; emitter-appended) ---
"""Pipeline reference for scband-sgcnet-41308995452969 (READ-ONLY COPY).

The authoritative reference and input builder live on the scoring server;
editing this copy changes nothing except your own understanding.
"""

import jax, jax.numpy as jnp
import numpy as np

N = 10000
E = 320000
D_IN = 128
D_H = 128
EPS = 1e-5


def setup_inputs(seed: int = 0) -> dict:
    key = jax.random.key(seed)
    ks = jax.random.split(key, 16)
    x = jax.random.normal(ks[0], (N, D_IN), dtype=jnp.float32)
    edge_index = jax.random.randint(ks[1], (2, E), 0, N, dtype=jnp.int32)

    def lin_init(k, out_d, in_d):
        k1, k2 = jax.random.split(k)
        s = 1.0 / np.sqrt(in_d)
        W = jax.random.uniform(k1, (out_d, in_d), dtype=jnp.float32, minval=-s, maxval=s)
        b = jax.random.uniform(k2, (out_d,), dtype=jnp.float32, minval=-s, maxval=s)
        return W, b

    W_emb, b_emb = lin_init(ks[2], D_H, D_IN)
    g_emb = jnp.ones((D_H,), dtype=jnp.float32)
    be_emb = jnp.zeros((D_H,), dtype=jnp.float32)
    rm_emb = jnp.zeros((D_H,), dtype=jnp.float32)
    rv_emb = jnp.ones((D_H,), dtype=jnp.float32)
    W_conv, b_conv = lin_init(ks[3], 128, D_H)
    W1, b1 = lin_init(ks[4], 64, 128)
    W2, b2 = lin_init(ks[5], 32, 64)
    W3, b3 = lin_init(ks[6], 18, 32)
    return {"x": x, "edge_index": edge_index,
            "W_emb": W_emb, "b_emb": b_emb, "g_emb": g_emb, "be_emb": be_emb,
            "rm_emb": rm_emb, "rv_emb": rv_emb,
            "W_conv": W_conv, "b_conv": b_conv,
            "W1": W1, "b1": b1, "W2": W2, "b2": b2, "W3": W3, "b3": b3}


def _bn_eval(x, gamma, beta, mean, var):
    return (x - mean) / jnp.sqrt(var + EPS) * gamma + beta


def _sgconv(x, edge_index, W, b):
    # SGConv with K=1: symmetric gcn_norm with self-loops, then linear
    n = x.shape[0]
    loop = jnp.arange(n, dtype=edge_index.dtype)
    row = jnp.concatenate([edge_index[0], loop])
    col = jnp.concatenate([edge_index[1], loop])
    ew = jnp.ones(row.shape[0], dtype=x.dtype)
    deg = jax.ops.segment_sum(ew, col, num_segments=n)
    dinv = jnp.where(deg > 0, 1.0 / jnp.sqrt(deg), 0.0)
    norm = dinv[row] * ew * dinv[col]
    msg = x[row] * norm[:, None]
    agg = jax.ops.segment_sum(msg, col, num_segments=n)
    return agg @ W.T + b


def reference(x, edge_index, W_emb, b_emb, g_emb, be_emb, rm_emb, rv_emb,
              W_conv, b_conv, W1, b1, W2, b2, W3, b3):
    # embedding: Linear -> ReLU -> BatchNorm1d (eval mode)
    h = x @ W_emb.T + b_emb
    h = jax.nn.relu(h)
    h = _bn_eval(h, g_emb, be_emb, rm_emb, rv_emb)
    # SGConv + ReLU
    h = jax.nn.relu(_sgconv(h, edge_index, W_conv, b_conv))
    h = jax.nn.relu(h @ W1.T + b1)
    h = jax.nn.relu(h @ W2.T + b2)
    # dropout is identity in eval mode
    out = jax.nn.sigmoid(h @ W3.T + b3)
    return out

if __name__ == "__main__":
    import jax
    _d = setup_inputs()
    print(jax.jit(kernel)(*tuple(_d.values())))

</pallas_src>

<mosaic_0001>
#map = affine_map<(d0, d1) -> (0, 0, 0)>
#map1 = affine_map<(d0, d1) -> (0, 0)>
module attributes {stable_mosaic.version = 14 : i64} {
  func.func @deg_kernel(%arg0: i32, %arg1: i32, %arg2: memref<16x160x128xi32, #tpu.memory_space<hbm>>, %arg3: memref<10112x16xf32, #tpu.memory_space<hbm>>, %arg4: memref<128x16xf32, #tpu.memory_space<hbm>>, %arg5: memref<2x10112x16xf32, #tpu.memory_space<hbm>>, %arg6: memref<160x128xi32, #tpu.memory_space<vmem>>, %arg7: memref<128x16xf32, #tpu.memory_space<vmem>>, %arg8: memref<10112x16xf32, #tpu.memory_space<vmem_shared>>) attributes {dimension_semantics = [#tpu.dimension_semantics<core_parallel>, #tpu.dimension_semantics<subcore_parallel>], iteration_bounds = array<i64: 2, 16>, scalar_prefetch = 0 : i64, scratch_operands = 3 : i64, tpu.core_type = #tpu.core_type<sc_vector_subcore>, window_params = [{transform_indices = #map}, {transform_indices = #map1}, {transform_indices = #map1}, {transform_indices = #map}]} {
    "tpu.region"() ({
      %run_scoped3A = tpu.sem_alloc : memref<!tpu.dma_semaphore, #tpu.memory_space<semaphore_mem>>
      %dma_start3A = arith.constant 0 : i32
      %dma_start3A_17 = arith.constant 0 : i32
      %dma_start3A_18 = tpu.memref_slice %arg2[%arg1, %dma_start3A, %dma_start3A_17] : memref<16x160x128xi32, #tpu.memory_space<hbm>> -> memref<1x160x128xi32, #tpu.memory_space<hbm>>
      %dma_start3A_19 = tpu.memref_squeeze %dma_start3A_18 : memref<1x160x128xi32, #tpu.memory_space<hbm>> -> memref<160x128xi32, #tpu.memory_space<hbm>>
      %dma_start3A_20 = arith.constant 0 : i32
      %dma_start3A_21 = arith.constant 0 : i32
      %dma_start3A_22 = tpu.memref_slice %arg2[%arg1, %dma_start3A_20, %dma_start3A_21] : memref<16x160x128xi32, #tpu.memory_space<hbm>> -> memref<1x160x128xi32, #tpu.memory_space<hbm>>
      %dma_start3A_23 = tpu.memref_squeeze %dma_start3A_22 : memref<1x160x128xi32, #tpu.memory_space<hbm>> -> memref<160x128xi32, #tpu.memory_space<hbm>>
      tpu.enqueue_dma source(%dma_start3A_23 : memref<160x128xi32, #tpu.memory_space<hbm>>) target(%arg6 : memref<160x128xi32, #tpu.memory_space<vmem>>) target_semaphore(%run_scoped3A : memref<!tpu.dma_semaphore, #tpu.memory_space<semaphore_mem>>)
      %dma_wait3A = arith.constant 0 : i32
      %dma_wait3A_24 = arith.constant 0 : i32
      %dma_wait3A_25 = tpu.memref_slice %arg2[%arg1, %dma_wait3A, %dma_wait3A_24] : memref<16x160x128xi32, #tpu.memory_space<hbm>> -> memref<1x160x128xi32, #tpu.memory_space<hbm>>
      %dma_wait3A_26 = tpu.memref_squeeze %dma_wait3A_25 : memref<1x160x128xi32, #tpu.memory_space<hbm>> -> memref<160x128xi32, #tpu.memory_space<hbm>>
      %dma_wait3A_27 = arith.constant 0 : i32
      %dma_wait3A_28 = arith.constant 0 : i32
      %dma_wait3A_29 = tpu.memref_slice %arg2[%arg1, %dma_wait3A_27, %dma_wait3A_28] : memref<16x160x128xi32, #tpu.memory_space<hbm>> -> memref<1x160x128xi32, #tpu.memory_space<hbm>>
      %dma_wait3A_30 = tpu.memref_squeeze %dma_wait3A_29 : memref<1x160x128xi32, #tpu.memory_space<hbm>> -> memref<160x128xi32, #tpu.memory_space<hbm>>
      tpu.wait_dma2 semaphore(%run_scoped3A : memref<!tpu.dma_semaphore, #tpu.memory_space<semaphore_mem>>) src(%dma_wait3A_30 : memref<160x128xi32, #tpu.memory_space<hbm>>) dst(%arg6 : memref<160x128xi32, #tpu.memory_space<vmem>>)
      tpu.yield
    }) : () -> ()
    "tpu.region"() ({
      %run_scoped3A = tpu.sem_alloc : memref<!tpu.dma_semaphore, #tpu.memory_space<semaphore_mem>>
      tpu.enqueue_dma source(%arg4 : memref<128x16xf32, #tpu.memory_space<hbm>>) target(%arg7 : memref<128x16xf32, #tpu.memory_space<vmem>>) target_semaphore(%run_scoped3A : memref<!tpu.dma_semaphore, #tpu.memory_space<semaphore_mem>>)
      tpu.wait_dma2 semaphore(%run_scoped3A : memref<!tpu.dma_semaphore, #tpu.memory_space<semaphore_mem>>) src(%arg4 : memref<128x16xf32, #tpu.memory_space<hbm>>) dst(%arg7 : memref<128x16xf32, #tpu.memory_space<vmem>>)
      tpu.yield
    }) : () -> ()
    %eq3A = arith.constant 0 : i32
    %eq3A_0 = arith.cmpi eq, %arg1, %eq3A : i32
    %convert_element_type3A = arith.extui %eq3A_0 : i1 to i32
    %cond3A = arith.constant 0 : i32
    %cond3A_1 = arith.cmpi ne, %convert_element_type3A, %cond3A : i32
    scf.if %cond3A_1 {
      "tpu.region"() ({
        %run_scoped3A = tpu.sem_alloc : memref<!tpu.dma_semaphore, #tpu.memory_space<semaphore_mem>>
        tpu.enqueue_dma source(%arg3 : memref<10112x16xf32, #tpu.memory_space<hbm>>) target(%arg8 : memref<10112x16xf32, #tpu.memory_space<vmem_shared>>) target_semaphore(%run_scoped3A : memref<!tpu.dma_semaphore, #tpu.memory_space<semaphore_mem>>)
        tpu.wait_dma2 semaphore(%run_scoped3A : memref<!tpu.dma_semaphore, #tpu.memory_space<semaphore_mem>>) src(%arg3 : memref<10112x16xf32, #tpu.memory_space<hbm>>) dst(%arg8 : memref<10112x16xf32, #tpu.memory_space<vmem_shared>>)
        tpu.yield
      }) : () -> ()
    } else {
    }
    %barrier3A = arith.constant 0 : index
    tpu.barrier barrier_id(%barrier3A)
    %mul3A = arith.constant 80 : i32
    %mul3A_2 = arith.muli %arg0, %mul3A : i32
    %add3A = arith.constant 1 : i32
    %add3A_3 = arith.addi %arg0, %add3A : i32
    %mul3A_4 = arith.constant 80 : i32
    %mul3A_5 = arith.muli %add3A_3, %mul3A_4 : i32
    %while3A = arith.constant 0 : i32
    %while3A_6 = arith.subi %mul3A_5, %mul3A_2 : i32
    %while3A_7 = arith.addi %mul3A_2, %while3A_6 : i32
    %while3A_8 = arith.constant 1 : i32
    %while3A_9 = arith.divsi %while3A_6, %while3A_8 : i32
    %while3A_10 = arith.muli %while3A_9, %while3A_8 : i32
    %while3A_11 = arith.addi %mul3A_2, %while3A_10 : i32
    %while3A_12 = arith.constant 1 : i32
    scf.for %while3A_17 = %mul3A_2 to %while3A_11 step %while3A_12  : i32 {
      "tpu.region"() ({
        %run_scoped3A = tpu.sem_alloc : memref<!tpu.dma_semaphore, #tpu.memory_space<semaphore_mem>>
        %dma_start3A = arith.constant 0 : i32
        %dma_start3A_18 = tpu.memref_slice %arg6[%while3A_17, %dma_start3A] : memref<160x128xi32, #tpu.memory_space<vmem>> -> memref<1x128xi32, #tpu.memory_space<vmem>>
        %dma_start3A_19 = tpu.memref_squeeze %dma_start3A_18 : memref<1x128xi32, #tpu.memory_space<vmem>> -> memref<128xi32, #tpu.memory_space<vmem>>
        %dma_start3A_20 = arith.constant 0 : i32
        %dma_start3A_21 = arith.constant 0 : i32
        %dma_start3A_22 = tpu.memref_slice %arg8[%dma_start3A_20, %dma_start3A_21] : memref<10112x16xf32, #tpu.memory_space<vmem_shared>> -> memref<10112x16xf32, #tpu.memory_space<vmem_shared>>
        tpu.enqueue_indirect_dma source(%arg7 : memref<128x16xf32, #tpu.memory_space<vmem>>) target(%dma_start3A_22 : memref<10112x16xf32, #tpu.memory_space<vmem_shared>>) offsets(%dma_start3A_19 : memref<128xi32, #tpu.memory_space<vmem>>) semaphore(%run_scoped3A : memref<!tpu.dma_semaphore, #tpu.memory_space<semaphore_mem>>) {add = true}
        %dma_wait3A = arith.constant 0 : i32
        %dma_wait3A_23 = tpu.memref_slice %arg6[%while3A_17, %dma_wait3A] : memref<160x128xi32, #tpu.memory_space<vmem>> -> memref<1x128xi32, #tpu.memory_space<vmem>>
        %dma_wait3A_24 = tpu.memref_squeeze %dma_wait3A_23 : memref<1x128xi32, #tpu.memory_space<vmem>> -> memref<128xi32, #tpu.memory_space<vmem>>
        %dma_wait3A_25 = arith.constant 0 : i32
        %dma_wait3A_26 = arith.constant 0 : i32
        %dma_wait3A_27 = tpu.memref_slice %arg8[%dma_wait3A_25, %dma_wait3A_26] : memref<10112x16xf32, #tpu.memory_space<vmem_shared>> -> memref<10112x16xf32, #tpu.memory_space<vmem_shared>>
        tpu.wait_indirect_dma semaphore(%run_scoped3A : memref<!tpu.dma_semaphore, #tpu.memory_space<semaphore_mem>>) src(%arg7 : memref<128x16xf32, #tpu.memory_space<vmem>>) dst(%dma_wait3A_27 : memref<10112x16xf32, #tpu.memory_space<vmem_shared>>)
        tpu.yield
      }) : () -> ()
    }
    %while3A_13 = arith.constant 1 : i32
    scf.for %while3A_17 = %while3A_11 to %while3A_7 step %while3A_13  : i32 {
      "tpu.region"() ({
        %run_scoped3A = tpu.sem_alloc : memref<!tpu.dma_semaphore, #tpu.memory_space<semaphore_mem>>
        %dma_start3A = arith.constant 0 : i32
        %dma_start3A_18 = tpu.memref_slice %arg6[%while3A_17, %dma_start3A] : memref<160x128xi32, #tpu.memory_space<vmem>> -> memref<1x128xi32, #tpu.memory_space<vmem>>
        %dma_start3A_19 = tpu.memref_squeeze %dma_start3A_18 : memref<1x128xi32, #tpu.memory_space<vmem>> -> memref<128xi32, #tpu.memory_space<vmem>>
        %dma_start3A_20 = arith.constant 0 : i32
        %dma_start3A_21 = arith.constant 0 : i32
        %dma_start3A_22 = tpu.memref_slice %arg8[%dma_start3A_20, %dma_start3A_21] : memref<10112x16xf32, #tpu.memory_space<vmem_shared>> -> memref<10112x16xf32, #tpu.memory_space<vmem_shared>>
        tpu.enqueue_indirect_dma source(%arg7 : memref<128x16xf32, #tpu.memory_space<vmem>>) target(%dma_start3A_22 : memref<10112x16xf32, #tpu.memory_space<vmem_shared>>) offsets(%dma_start3A_19 : memref<128xi32, #tpu.memory_space<vmem>>) semaphore(%run_scoped3A : memref<!tpu.dma_semaphore, #tpu.memory_space<semaphore_mem>>) {add = true}
        %dma_wait3A = arith.constant 0 : i32
        %dma_wait3A_23 = tpu.memref_slice %arg6[%while3A_17, %dma_wait3A] : memref<160x128xi32, #tpu.memory_space<vmem>> -> memref<1x128xi32, #tpu.memory_space<vmem>>
        %dma_wait3A_24 = tpu.memref_squeeze %dma_wait3A_23 : memref<1x128xi32, #tpu.memory_space<vmem>> -> memref<128xi32, #tpu.memory_space<vmem>>
        %dma_wait3A_25 = arith.constant 0 : i32
        %dma_wait3A_26 = arith.constant 0 : i32
        %dma_wait3A_27 = tpu.memref_slice %arg8[%dma_wait3A_25, %dma_wait3A_26] : memref<10112x16xf32, #tpu.memory_space<vmem_shared>> -> memref<10112x16xf32, #tpu.memory_space<vmem_shared>>
        tpu.wait_indirect_dma semaphore(%run_scoped3A : memref<!tpu.dma_semaphore, #tpu.memory_space<semaphore_mem>>) src(%arg7 : memref<128x16xf32, #tpu.memory_space<vmem>>) dst(%dma_wait3A_27 : memref<10112x16xf32, #tpu.memory_space<vmem_shared>>)
        tpu.yield
      }) : () -> ()
    }
    %barrier3A_14 = arith.constant 0 : index
    tpu.barrier barrier_id(%barrier3A_14)
    %mul3A_15 = arith.constant 632 : i32
    %mul3A_16 = arith.muli %arg1, %mul3A_15 : i32
    "tpu.region"() ({
      %run_scoped3A = tpu.sem_alloc : memref<!tpu.dma_semaphore, #tpu.memory_space<semaphore_mem>>
      %dma_start3A = arith.constant 0 : i32
      %dma_start3A_17 = tpu.memref_slice %arg5[%arg0, %mul3A_16, %dma_start3A] : memref<2x10112x16xf32, #tpu.memory_space<hbm>> -> memref<1x632x16xf32, #tpu.memory_space<hbm>>
      %dma_start3A_18 = tpu.memref_squeeze %dma_start3A_17 : memref<1x632x16xf32, #tpu.memory_space<hbm>> -> memref<632x16xf32, #tpu.memory_space<hbm>>
      %dma_start3A_19 = arith.constant 0 : i32
      %dma_start3A_20 = tpu.memref_slice %arg8[%mul3A_16, %dma_start3A_19] : memref<10112x16xf32, #tpu.memory_space<vmem_shared>> -> memref<632x16xf32, #tpu.memory_space<vmem_shared>>
      tpu.enqueue_dma source(%dma_start3A_20 : memref<632x16xf32, #tpu.memory_space<vmem_shared>>) target(%dma_start3A_18 : memref<632x16xf32, #tpu.memory_space<hbm>>) target_semaphore(%run_scoped3A : memref<!tpu.dma_semaphore, #tpu.memory_space<semaphore_mem>>)
      %dma_wait3A = arith.constant 0 : i32
      %dma_wait3A_21 = tpu.memref_slice %arg5[%arg0, %mul3A_16, %dma_wait3A] : memref<2x10112x16xf32, #tpu.memory_space<hbm>> -> memref<1x632x16xf32, #tpu.memory_space<hbm>>
      %dma_wait3A_22 = tpu.memref_squeeze %dma_wait3A_21 : memref<1x632x16xf32, #tpu.memory_space<hbm>> -> memref<632x16xf32, #tpu.memory_space<hbm>>
      %dma_wait3A_23 = arith.constant 0 : i32
      %dma_wait3A_24 = tpu.memref_slice %arg8[%mul3A_16, %dma_wait3A_23] : memref<10112x16xf32, #tpu.memory_space<vmem_shared>> -> memref<632x16xf32, #tpu.memory_space<vmem_shared>>
      tpu.wait_dma2 semaphore(%run_scoped3A : memref<!tpu.dma_semaphore, #tpu.memory_space<semaphore_mem>>) src(%dma_wait3A_24 : memref<632x16xf32, #tpu.memory_space<vmem_shared>>) dst(%dma_wait3A_22 : memref<632x16xf32, #tpu.memory_space<hbm>>)
      tpu.yield
    }) : () -> ()
    return
  }
}

#map = affine_map<(d0, d1) -> (0, 0, 0)>
#map1 = affine_map<(d0, d1) -> (0, 0)>
module attributes {stable_mosaic.version = 14 : i64} {
  func.func @sc_kernel(%arg0: i32, %arg1: i32, %arg2: memref<16x160x128xi32, #tpu.memory_space<hbm>>, %arg3: memref<16x160x128xi32, #tpu.memory_space<hbm>>, %arg4: memref<2x10112x64xf32, #tpu.memory_space<hbm>>, %arg5: memref<10112x64xf32, #tpu.memory_space<hbm>>, %arg6: memref<2x10112x64xf32, #tpu.memory_space<hbm>>, %arg7: memref<2x16x128xi32, #tpu.memory_space<vmem>>, %arg8: memref<160x128xi32, #tpu.memory_space<vmem>>, %arg9: memref<2x128x64xf32, #tpu.memory_space<vmem>>, %arg10: memref<10112x64xf32, #tpu.memory_space<vmem_shared>>, %arg11: memref<10112x64xf32, #tpu.memory_space<vmem_shared>>, %arg12: memref<!tpu.dma_semaphore, #tpu.memory_space<semaphore_mem>>, %arg13: memref<!tpu.dma_semaphore, #tpu.memory_space<semaphore_mem>>, %arg14: memref<!tpu.dma_semaphore, #tpu.memory_space<semaphore_mem>>, %arg15: memref<!tpu.dma_semaphore, #tpu.memory_space<semaphore_mem>>) attributes {dimension_semantics = [#tpu.dimension_semantics<core_parallel>, #tpu.dimension_semantics<subcore_parallel>], iteration_bounds = array<i64: 2, 16>, scalar_prefetch = 0 : i64, scratch_operands = 9 : i64, tpu.core_type = #tpu.core_type<sc_vector_subcore>, window_params = [{transform_indices = #map}, {transform_indices = #map}, {transform_indices = #map}, {transform_indices = #map1}, {transform_indices = #map}]} {
    %mul3A = arith.constant 632 : i32
    %mul3A_0 = arith.muli %arg1, %mul3A : i32
    "tpu.region"() ({
      %run_scoped3A = tpu.sem_alloc : memref<!tpu.dma_semaphore, #tpu.memory_space<semaphore_mem>>
      %dma_start3A_42 = arith.constant 0 : i32
      %dma_start3A_43 = arith.constant 0 : i32
      %dma_start3A_44 = tpu.memref_slice %arg3[%arg1, %dma_start3A_42, %dma_start3A_43] : memref<16x160x128xi32, #tpu.memory_space<hbm>> -> memref<1x160x128xi32, #tpu.memory_space<hbm>>
      %dma_start3A_45 = tpu.memref_squeeze %dma_start3A_44 : memref<1x160x128xi32, #tpu.memory_space<hbm>> -> memref<160x128xi32, #tpu.memory_space<hbm>>
      %dma_start3A_46 = arith.constant 0 : i32
      %dma_start3A_47 = arith.constant 0 : i32
      %dma_start3A_48 = tpu.memref_slice %arg3[%arg1, %dma_start3A_46, %dma_start3A_47] : memref<16x160x128xi32, #tpu.memory_space<hbm>> -> memref<1x160x128xi32, #tpu.memory_space<hbm>>
      %dma_start3A_49 = tpu.memref_squeeze %dma_start3A_48 : memref<1x160x128xi32, #tpu.memory_space<hbm>> -> memref<160x128xi32, #tpu.memory_space<hbm>>
      tpu.enqueue_dma source(%dma_start3A_49 : memref<160x128xi32, #tpu.memory_space<hbm>>) target(%arg8 : memref<160x128xi32, #tpu.memory_space<vmem>>) target_semaphore(%run_scoped3A : memref<!tpu.dma_semaphore, #tpu.memory_space<semaphore_mem>>)
      %dma_wait3A = arith.constant 0 : i32
      %dma_wait3A_50 = arith.constant 0 : i32
      %dma_wait3A_51 = tpu.memref_slice %arg3[%arg1, %dma_wait3A, %dma_wait3A_50] : memref<16x160x128xi32, #tpu.memory_space<hbm>> -> memref<1x160x128xi32, #tpu.memory_space<hbm>>
      %dma_wait3A_52 = tpu.memref_squeeze %dma_wait3A_51 : memref<1x160x128xi32, #tpu.memory_space<hbm>> -> memref<160x128xi32, #tpu.memory_space<hbm>>
      %dma_wait3A_53 = arith.constant 0 : i32
      %dma_wait3A_54 = arith.constant 0 : i32
      %dma_wait3A_55 = tpu.memref_slice %arg3[%arg1, %dma_wait3A_53, %dma_wait3A_54] : memref<16x160x128xi32, #tpu.memory_space<hbm>> -> memref<1x160x128xi32, #tpu.memory_space<hbm>>
      %dma_wait3A_56 = tpu.memref_squeeze %dma_wait3A_55 : memref<1x160x128xi32, #tpu.memory_space<hbm>> -> memref<160x128xi32, #tpu.memory_space<hbm>>
      tpu.wait_dma2 semaphore(%run_scoped3A : memref<!tpu.dma_semaphore, #tpu.memory_space<semaphore_mem>>) src(%dma_wait3A_56 : memref<160x128xi32, #tpu.memory_space<hbm>>) dst(%arg8 : memref<160x128xi32, #tpu.memory_space<vmem>>)
      tpu.yield
    }) : () -> ()
    "tpu.region"() ({
      %run_scoped3A = tpu.sem_alloc : memref<!tpu.dma_semaphore, #tpu.memory_space<semaphore_mem>>
      %dma_start3A_42 = arith.constant 0 : i32
      %dma_start3A_43 = tpu.memref_slice %arg10[%mul3A_0, %dma_start3A_42] : memref<10112x64xf32, #tpu.memory_space<vmem_shared>> -> memref<632x64xf32, #tpu.memory_space<vmem_shared>>
      %dma_start3A_44 = arith.constant 0 : i32
      %dma_start3A_45 = tpu.memref_slice %arg4[%arg0, %mul3A_0, %dma_start3A_44] : memref<2x10112x64xf32, #tpu.memory_space<hbm>> -> memref<1x632x64xf32, #tpu.memory_space<hbm>>
      %dma_start3A_46 = tpu.memref_squeeze %dma_start3A_45 : memref<1x632x64xf32, #tpu.memory_space<hbm>> -> memref<632x64xf32, #tpu.memory_space<hbm>>
      tpu.enqueue_dma source(%dma_start3A_46 : memref<632x64xf32, #tpu.memory_space<hbm>>) target(%dma_start3A_43 : memref<632x64xf32, #tpu.memory_space<vmem_shared>>) target_semaphore(%run_scoped3A : memref<!tpu.dma_semaphore, #tpu.memory_space<semaphore_mem>>)
      %dma_wait3A = arith.constant 0 : i32
      %dma_wait3A_47 = tpu.memref_slice %arg10[%mul3A_0, %dma_wait3A] : memref<10112x64xf32, #tpu.memory_space<vmem_shared>> -> memref<632x64xf32, #tpu.memory_space<vmem_shared>>
      %dma_wait3A_48 = arith.constant 0 : i32
      %dma_wait3A_49 = tpu.memref_slice %arg4[%arg0, %mul3A_0, %dma_wait3A_48] : memref<2x10112x64xf32, #tpu.memory_space<hbm>> -> memref<1x632x64xf32, #tpu.memory_space<hbm>>
      %dma_wait3A_50 = tpu.memref_squeeze %dma_wait3A_49 : memref<1x632x64xf32, #tpu.memory_space<hbm>> -> memref<632x64xf32, #tpu.memory_space<hbm>>
      tpu.wait_dma2 semaphore(%run_scoped3A : memref<!tpu.dma_semaphore, #tpu.memory_space<semaphore_mem>>) src(%dma_wait3A_50 : memref<632x64xf32, #tpu.memory_space<hbm>>) dst(%dma_wait3A_47 : memref<632x64xf32, #tpu.memory_space<vmem_shared>>)
      tpu.yield
    }) : () -> ()
    %eq3A = arith.constant 0 : i32
    %eq3A_1 = arith.cmpi eq, %arg1, %eq3A : i32
    %convert_element_type3A = arith.extui %eq3A_1 : i1 to i32
    %cond3A = arith.constant 0 : i32
    %cond3A_2 = arith.cmpi ne, %convert_element_type3A, %cond3A : i32
    scf.if %cond3A_2 {
      "tpu.region"() ({
        %run_scoped3A = tpu.sem_alloc : memref<!tpu.dma_semaphore, #tpu.memory_space<semaphore_mem>>
        tpu.enqueue_dma source(%arg5 : memref<10112x64xf32, #tpu.memory_space<hbm>>) target(%arg11 : memref<10112x64xf32, #tpu.memory_space<vmem_shared>>) target_semaphore(%run_scoped3A : memref<!tpu.dma_semaphore, #tpu.memory_space<semaphore_mem>>)
        tpu.wait_dma2 semaphore(%run_scoped3A : memref<!tpu.dma_semaphore, #tpu.memory_space<semaphore_mem>>) src(%arg5 : memref<10112x64xf32, #tpu.memory_space<hbm>>) dst(%arg11 : memref<10112x64xf32, #tpu.memory_space<vmem_shared>>)
        tpu.yield
      }) : () -> ()
    } else {
    }
    %barrier3A = arith.constant 0 : index
    tpu.barrier barrier_id(%barrier3A)
    %dma_start3A = arith.constant 0 : i32
    %dma_start3A_3 = arith.constant 0 : i32
    %dma_start3A_4 = arith.constant 0 : i32
    %dma_start3A_5 = tpu.memref_slice %arg7[%dma_start3A, %dma_start3A_3, %dma_start3A_4] : memref<2x16x128xi32, #tpu.memory_space<vmem>> -> memref<1x16x128xi32, #tpu.memory_space<vmem>>
    %dma_start3A_6 = tpu.memref_squeeze %dma_start3A_5 : memref<1x16x128xi32, #tpu.memory_space<vmem>> -> memref<16x128xi32, #tpu.memory_space<vmem>>
    %dma_start3A_7 = arith.constant 0 : i32
    %dma_start3A_8 = arith.constant 0 : i32
    %dma_start3A_9 = tpu.memref_slice %arg2[%arg1, %dma_start3A_7, %dma_start3A_8] : memref<16x160x128xi32, #tpu.memory_space<hbm>> -> memref<1x16x128xi32, #tpu.memory_space<hbm>>
    %dma_start3A_10 = tpu.memref_squeeze %dma_start3A_9 : memref<1x16x128xi32, #tpu.memory_space<hbm>> -> memref<16x128xi32, #tpu.memory_space<hbm>>
    %dma_start3A_11 = arith.constant 0 : i32
    %dma_start3A_12 = arith.constant 0 : i32
    %dma_start3A_13 = tpu.memref_slice %arg7[%dma_start3A, %dma_start3A_11, %dma_start3A_12] : memref<2x16x128xi32, #tpu.memory_space<vmem>> -> memref<1x16x128xi32, #tpu.memory_space<vmem>>
    %dma_start3A_14 = tpu.memref_squeeze %dma_start3A_13 : memref<1x16x128xi32, #tpu.memory_space<vmem>> -> memref<16x128xi32, #tpu.memory_space<vmem>>
    %dma_start3A_15 = arith.constant 0 : i32
    %dma_start3A_16 = arith.constant 0 : i32
    %dma_start3A_17 = tpu.memref_slice %arg2[%arg1, %dma_start3A_15, %dma_start3A_16] : memref<16x160x128xi32, #tpu.memory_space<hbm>> -> memref<1x16x128xi32, #tpu.memory_space<hbm>>
    %dma_start3A_18 = tpu.memref_squeeze %dma_start3A_17 : memref<1x16x128xi32, #tpu.memory_space<hbm>> -> memref<16x128xi32, #tpu.memory_space<hbm>>
    tpu.enqueue_dma source(%dma_start3A_18 : memref<16x128xi32, #tpu.memory_space<hbm>>) target(%dma_start3A_14 : memref<16x128xi32, #tpu.memory_space<vmem>>) target_semaphore(%arg14 : memref<!tpu.dma_semaphore, #tpu.memory_space<semaphore_mem>>)
    %dma_start3A_19 = arith.constant 1 : i32
    %dma_start3A_20 = arith.constant 0 : i32
    %dma_start3A_21 = arith.constant 0 : i32
    %dma_start3A_22 = tpu.memref_slice %arg7[%dma_start3A_19, %dma_start3A_20, %dma_start3A_21] : memref<2x16x128xi32, #tpu.memory_space<vmem>> -> memref<1x16x128xi32, #tpu.memory_space<vmem>>
    %dma_start3A_23 = tpu.memref_squeeze %dma_start3A_22 : memref<1x16x128xi32, #tpu.memory_space<vmem>> -> memref<16x128xi32, #tpu.memory_space<vmem>>
    %dma_start3A_24 = arith.constant 16 : i32
    %dma_start3A_25 = arith.constant 0 : i32
    %dma_start3A_26 = tpu.memref_slice %arg2[%arg1, %dma_start3A_24, %dma_start3A_25] : memref<16x160x128xi32, #tpu.memory_space<hbm>> -> memref<1x16x128xi32, #tpu.memory_space<hbm>>
    %dma_start3A_27 = tpu.memref_squeeze %dma_start3A_26 : memref<1x16x128xi32, #tpu.memory_space<hbm>> -> memref<16x128xi32, #tpu.memory_space<hbm>>
    %dma_start3A_28 = arith.constant 0 : i32
    %dma_start3A_29 = arith.constant 0 : i32
    %dma_start3A_30 = tpu.memref_slice %arg7[%dma_start3A_19, %dma_start3A_28, %dma_start3A_29] : memref<2x16x128xi32, #tpu.memory_space<vmem>> -> memref<1x16x128xi32, #tpu.memory_space<vmem>>
    %dma_start3A_31 = tpu.memref_squeeze %dma_start3A_30 : memref<1x16x128xi32, #tpu.memory_space<vmem>> -> memref<16x128xi32, #tpu.memory_space<vmem>>
    %dma_start3A_32 = arith.constant 16 : i32
    %dma_start3A_33 = arith.constant 0 : i32
    %dma_start3A_34 = tpu.memref_slice %arg2[%arg1, %dma_start3A_32, %dma_start3A_33] : memref<16x160x128xi32, #tpu.memory_space<hbm>> -> memref<1x16x128xi32, #tpu.memory_space<hbm>>
    %dma_start3A_35 = tpu.memref_squeeze %dma_start3A_34 : memref<1x16x128xi32, #tpu.memory_space<hbm>> -> memref<16x128xi32, #tpu.memory_space<hbm>>
    tpu.enqueue_dma source(%dma_start3A_35 : memref<16x128xi32, #tpu.memory_space<hbm>>) target(%dma_start3A_31 : memref<16x128xi32, #tpu.memory_space<vmem>>) target_semaphore(%arg15 : memref<!tpu.dma_semaphore, #tpu.memory_space<semaphore_mem>>)
    %scan3A = arith.constant 0 : i32
    %scan3A_36 = arith.constant 0 : i32
    %scan3A_37 = arith.constant 5 : i32
    %scan3A_38 = arith.addi %scan3A_36, %scan3A_37 : i32
    %scan3A_39 = arith.constant 1 : i32
    scf.for %scan3A_42 = %scan3A_36 to %scan3A_38 step %scan3A_39  : i32 {
      %mul3A_43 = arith.constant 2 : i32
      %mul3A_44 = arith.muli %scan3A_42, %mul3A_43 : i32
      %mul3A_45 = arith.constant 16 : i32
      %mul3A_46 = arith.muli %mul3A_44, %mul3A_45 : i32
      %dma_wait3A = arith.constant 0 : i32
      %dma_wait3A_47 = arith.constant 0 : i32
      %dma_wait3A_48 = arith.constant 0 : i32
      %dma_wait3A_49 = tpu.memref_slice %arg7[%dma_wait3A, %dma_wait3A_47, %dma_wait3A_48] : memref<2x16x128xi32, #tpu.memory_space<vmem>> -> memref<1x16x128xi32, #tpu.memory_space<vmem>>
      %dma_wait3A_50 = tpu.memref_squeeze %dma_wait3A_49 : memref<1x16x128xi32, #tpu.memory_space<vmem>> -> memref<16x128xi32, #tpu.memory_space<vmem>>
      %dma_wait3A_51 = arith.constant 0 : i32
      %dma_wait3A_52 = tpu.memref_slice %arg2[%arg1, %mul3A_46, %dma_wait3A_51] : memref<16x160x128xi32, #tpu.memory_space<hbm>> -> memref<1x16x128xi32, #tpu.memory_space<hbm>>
      %dma_wait3A_53 = tpu.memref_squeeze %dma_wait3A_52 : memref<1x16x128xi32, #tpu.memory_space<hbm>> -> memref<16x128xi32, #tpu.memory_space<hbm>>
      %dma_wait3A_54 = arith.constant 0 : i32
      %dma_wait3A_55 = arith.constant 0 : i32
      %dma_wait3A_56 = tpu.memref_slice %arg7[%dma_wait3A, %dma_wait3A_54, %dma_wait3A_55] : memref<2x16x128xi32, #tpu.memory_space<vmem>> -> memref<1x16x128xi32, #tpu.memory_space<vmem>>
      %dma_wait3A_57 = tpu.memref_squeeze %dma_wait3A_56 : memref<1x16x128xi32, #tpu.memory_space<vmem>> -> memref<16x128xi32, #tpu.memory_space<vmem>>
      %dma_wait3A_58 = arith.constant 0 : i32
      %dma_wait3A_59 = tpu.memref_slice %arg2[%arg1, %mul3A_46, %dma_wait3A_58] : memref<16x160x128xi32, #tpu.memory_space<hbm>> -> memref<1x16x128xi32, #tpu.memory_space<hbm>>
      %dma_wait3A_60 = tpu.memref_squeeze %dma_wait3A_59 : memref<1x16x128xi32, #tpu.memory_space<hbm>> -> memref<16x128xi32, #tpu.memory_space<hbm>>
      tpu.wait_dma2 semaphore(%arg14 : memref<!tpu.dma_semaphore, #tpu.memory_space<semaphore_mem>>) src(%dma_wait3A_60 : memref<16x128xi32, #tpu.memory_space<hbm>>) dst(%dma_wait3A_57 : memref<16x128xi32, #tpu.memory_space<vmem>>)
      %dma_start3A_61 = arith.constant 0 : i32
      %dma_start3A_62 = arith.constant 0 : i32
      %dma_start3A_63 = arith.constant 0 : i32
      %dma_start3A_64 = arith.constant 0 : i32
      %dma_start3A_65 = arith.constant 0 : i32
      %dma_start3A_66 = tpu.memref_slice %arg9[%dma_start3A_63, %dma_start3A_64, %dma_start3A_65] : memref<2x128x64xf32, #tpu.memory_space<vmem>> -> memref<1x128x64xf32, #tpu.memory_space<vmem>>
      %dma_start3A_67 = tpu.memref_squeeze %dma_start3A_66 : memref<1x128x64xf32, #tpu.memory_space<vmem>> -> memref<128x64xf32, #tpu.memory_space<vmem>>
      %dma_start3A_68 = arith.constant 0 : i32
      %dma_start3A_69 = tpu.memref_slice %arg7[%dma_start3A_61, %dma_start3A_62, %dma_start3A_68] : memref<2x16x128xi32, #tpu.memory_space<vmem>> -> memref<1x1x128xi32, #tpu.memory_space<vmem>>
      %dma_start3A_70 = tpu.memref_squeeze %dma_start3A_69 : memref<1x1x128xi32, #tpu.memory_space<vmem>> -> memref<128xi32, #tpu.memory_space<vmem>>
      %dma_start3A_71 = arith.constant 0 : i32
      %dma_start3A_72 = arith.constant 0 : i32
      %dma_start3A_73 = tpu.memref_slice %arg10[%dma_start3A_71, %dma_start3A_72] : memref<10112x64xf32, #tpu.memory_space<vmem_shared>> -> memref<10112x64xf32, #tpu.memory_space<vmem_shared>>
      tpu.enqueue_indirect_dma source(%dma_start3A_73 : memref<10112x64xf32, #tpu.memory_space<vmem_shared>>) target(%dma_start3A_67 : memref<128x64xf32, #tpu.memory_space<vmem>>) offsets(%dma_start3A_70 : memref<128xi32, #tpu.memory_space<vmem>>) semaphore(%arg12 : memref<!tpu.dma_semaphore, #tpu.memory_space<semaphore_mem>>)
      %dma_start3A_74 = arith.constant 0 : i32
      %dma_start3A_75 = arith.constant 1 : i32
      %dma_start3A_76 = arith.constant 1 : i32
      %dma_start3A_77 = arith.constant 0 : i32
      %dma_start3A_78 = arith.constant 0 : i32
      %dma_start3A_79 = tpu.memref_slice %arg9[%dma_start3A_76, %dma_start3A_77, %dma_start3A_78] : memref<2x128x64xf32, #tpu.memory_space<vmem>> -> memref<1x128x64xf32, #tpu.memory_space<vmem>>
      %dma_start3A_80 = tpu.memref_squeeze %dma_start3A_79 : memref<1x128x64xf32, #tpu.memory_space<vmem>> -> memref<128x64xf32, #tpu.memory_space<vmem>>
      %dma_start3A_81 = arith.constant 0 : i32
      %dma_start3A_82 = tpu.memref_slice %arg7[%dma_start3A_74, %dma_start3A_75, %dma_start3A_81] : memref<2x16x128xi32, #tpu.memory_space<vmem>> -> memref<1x1x128xi32, #tpu.memory_space<vmem>>
      %dma_start3A_83 = tpu.memref_squeeze %dma_start3A_82 : memref<1x1x128xi32, #tpu.memory_space<vmem>> -> memref<128xi32, #tpu.memory_space<vmem>>
      %dma_start3A_84 = arith.constant 0 : i32
      %dma_start3A_85 = arith.constant 0 : i32
      %dma_start3A_86 = tpu.memref_slice %arg10[%dma_start3A_84, %dma_start3A_85] : memref<10112x64xf32, #tpu.memory_space<vmem_shared>> -> memref<10112x64xf32, #tpu.memory_space<vmem_shared>>
      tpu.enqueue_indirect_dma source(%dma_start3A_86 : memref<10112x64xf32, #tpu.memory_space<vmem_shared>>) target(%dma_start3A_80 : memref<128x64xf32, #tpu.memory_space<vmem>>) offsets(%dma_start3A_83 : memref<128xi32, #tpu.memory_space<vmem>>) semaphore(%arg13 : memref<!tpu.dma_semaphore, #tpu.memory_space<semaphore_mem>>)
      %dma_wait3A_87 = arith.constant 0 : i32
      %dma_wait3A_88 = arith.constant 0 : i32
      %dma_wait3A_89 = arith.constant 0 : i32
      %dma_wait3A_90 = arith.constant 0 : i32
      %dma_wait3A_91 = arith.constant 0 : i32
      %dma_wait3A_92 = tpu.memref_slice %arg9[%dma_wait3A_89, %dma_wait3A_90, %dma_wait3A_91] : memref<2x128x64xf32, #tpu.memory_space<vmem>> -> memref<1x128x64xf32, #tpu.memory_space<vmem>>
      %dma_wait3A_93 = tpu.memref_squeeze %dma_wait3A_92 : memref<1x128x64xf32, #tpu.memory_space<vmem>> -> memref<128x64xf32, #tpu.memory_space<vmem>>
      %dma_wait3A_94 = arith.constant 0 : i32
      %dma_wait3A_95 = tpu.memref_slice %arg7[%dma_wait3A_87, %dma_wait3A_88, %dma_wait3A_94] : memref<2x16x128xi32, #tpu.memory_space<vmem>> -> memref<1x1x128xi32, #tpu.memory_space<vmem>>
      %dma_wait3A_96 = tpu.memref_squeeze %dma_wait3A_95 : memref<1x1x128xi32, #tpu.memory_space<vmem>> -> memref<128xi32, #tpu.memory_space<vmem>>
      %dma_wait3A_97 = arith.constant 0 : i32
      %dma_wait3A_98 = arith.constant 0 : i32
      %dma_wait3A_99 = tpu.memref_slice %arg10[%dma_wait3A_97, %dma_wait3A_98] : memref<10112x64xf32, #tpu.memory_space<vmem_shared>> -> memref<10112x64xf32, #tpu.memory_space<vmem_shared>>
      tpu.wait_indirect_dma semaphore(%arg12 : memref<!tpu.dma_semaphore, #tpu.memory_space<semaphore_mem>>) src(%dma_wait3A_99 : memref<10112x64xf32, #tpu.memory_space<vmem_shared>>) dst(%dma_wait3A_93 : memref<128x64xf32, #tpu.memory_space<vmem>>)
      %add3A = arith.constant 0 : i32
      %add3A_100 = arith.addi %mul3A_46, %add3A : i32
      %run_scoped3A = arith.constant 0 : i32
      "tpu.region"() ({
        %run_scoped3A_1017 = tpu.sem_alloc : memref<!tpu.dma_semaphore, #tpu.memory_space<semaphore_mem>>
        %dma_start3A_1018 = arith.constant 0 : i32
        %dma_start3A_1019 = arith.constant 0 : i32
        %dma_start3A_1020 = tpu.memref_slice %arg9[%run_scoped3A, %dma_start3A_1018, %dma_start3A_1019] : memref<2x128x64xf32, #tpu.memory_space<vmem>> -> memref<1x128x64xf32, #tpu.memory_space<vmem>>
        %dma_start3A_1021 = tpu.memref_squeeze %dma_start3A_1020 : memref<1x128x64xf32, #tpu.memory_space<vmem>> -> memref<128x64xf32, #tpu.memory_space<vmem>>
        %dma_start3A_1022 = arith.constant 0 : i32
        %dma_start3A_1023 = tpu.memref_slice %arg8[%add3A_100, %dma_start3A_1022] : memref<160x128xi32, #tpu.memory_space<vmem>> -> memref<1x128xi32, #tpu.memory_space<vmem>>
        %dma_start3A_1024 = tpu.memref_squeeze %dma_start3A_1023 : memref<1x128xi32, #tpu.memory_space<vmem>> -> memref<128xi32, #tpu.memory_space<vmem>>
        %dma_start3A_1025 = arith.constant 0 : i32
        %dma_start3A_1026 = arith.constant 0 : i32
        %dma_start3A_1027 = tpu.memref_slice %arg11[%dma_start3A_1025, %dma_start3A_1026] : memref<10112x64xf32, #tpu.memory_space<vmem_shared>> -> memref<10112x64xf32, #tpu.memory_space<vmem_shared>>
        tpu.enqueue_indirect_dma source(%dma_start3A_1021 : memref<128x64xf32, #tpu.memory_space<vmem>>) target(%dma_start3A_1027 : memref<10112x64xf32, #tpu.memory_space<vmem_shared>>) offsets(%dma_start3A_1024 : memref<128xi32, #tpu.memory_space<vmem>>) semaphore(%run_scoped3A_1017 : memref<!tpu.dma_semaphore, #tpu.memory_space<semaphore_mem>>) {add = true}
        %dma_wait3A_1028 = arith.constant 0 : i32
        %dma_wait3A_1029 = arith.constant 0 : i32
        %dma_wait3A_1030 = tpu.memref_slice %arg9[%run_scoped3A, %dma_wait3A_1028, %dma_wait3A_1029] : memref<2x128x64xf32, #tpu.memory_space<vmem>> -> memref<1x128x64xf32, #tpu.memory_space<vmem>>
        %dma_wait3A_1031 = tpu.memref_squeeze %dma_wait3A_1030 : memref<1x128x64xf32, #tpu.memory_space<vmem>> -> memref<128x64xf32, #tpu.memory_space<vmem>>
        %dma_wait3A_1032 = arith.constant 0 : i32
        %dma_wait3A_1033 = tpu.memref_slice %arg8[%add3A_100, %dma_wait3A_1032] : memref<160x128xi32, #tpu.memory_space<vmem>> -> memref<1x128xi32, #tpu.memory_space<vmem>>
        %dma_wait3A_1034 = tpu.memref_squeeze %dma_wait3A_1033 : memref<1x128xi32, #tpu.memory_space<vmem>> -> memref<128xi32, #tpu.memory_space<vmem>>
        %dma_wait3A_1035 = arith.constant 0 : i32
        %dma_wait3A_1036 = arith.constant 0 : i32
        %dma_wait3A_1037 = tpu.memref_slice %arg11[%dma_wait3A_1035, %dma_wait3A_1036] : memref<10112x64xf32, #tpu.memory_space<vmem_shared>> -> memref<10112x64xf32, #tpu.memory_space<vmem_shared>>
        tpu.wait_indirect_dma semaphore(%run_scoped3A_1017 : memref<!tpu.dma_semaphore, #tpu.memory_space<semaphore_mem>>) src(%dma_wait3A_1031 : memref<128x64xf32, #tpu.memory_space<vmem>>) dst(%dma_wait3A_1037 : memref<10112x64xf32, #tpu.memory_space<vmem_shared>>)
        tpu.yield
      }) : () -> ()
      %dma_start3A_101 = arith.constant 0 : i32
      %dma_start3A_102 = arith.constant 2 : i32
      %dma_start3A_103 = arith.constant 0 : i32
      %dma_start3A_104 = arith.constant 0 : i32
      %dma_start3A_105 = arith.constant 0 : i32
      %dma_start3A_106 = tpu.memref_slice %arg9[%dma_start3A_103, %dma_start3A_104, %dma_start3A_105] : memref<2x128x64xf32, #tpu.memory_space<vmem>> -> memref<1x128x64xf32, #tpu.memory_space<vmem>>
      %dma_start3A_107 = tpu.memref_squeeze %dma_start3A_106 : memref<1x128x64xf32, #tpu.memory_space<vmem>> -> memref<128x64xf32, #tpu.memory_space<vmem>>
      %dma_start3A_108 = arith.constant 0 : i32
      %dma_start3A_109 = tpu.memref_slice %arg7[%dma_start3A_101, %dma_start3A_102, %dma_start3A_108] : memref<2x16x128xi32, #tpu.memory_space<vmem>> -> memref<1x1x128xi32, #tpu.memory_space<vmem>>
      %dma_start3A_110 = tpu.memref_squeeze %dma_start3A_109 : memref<1x1x128xi32, #tpu.memory_space<vmem>> -> memref<128xi32, #tpu.memory_space<vmem>>
      %dma_start3A_111 = arith.constant 0 : i32
      %dma_start3A_112 = arith.constant 0 : i32
      %dma_start3A_113 = tpu.memref_slice %arg10[%dma_start3A_111, %dma_start3A_112] : memref<10112x64xf32, #tpu.memory_space<vmem_shared>> -> memref<10112x64xf32, #tpu.memory_space<vmem_shared>>
      tpu.enqueue_indirect_dma source(%dma_start3A_113 : memref<10112x64xf32, #tpu.memory_space<vmem_shared>>) target(%dma_start3A_107 : memref<128x64xf32, #tpu.memory_space<vmem>>) offsets(%dma_start3A_110 : memref<128xi32, #tpu.memory_space<vmem>>) semaphore(%arg12 : memref<!tpu.dma_semaphore, #tpu.memory_space<semaphore_mem>>)
      %dma_wait3A_114 = arith.constant 0 : i32
      %dma_wait3A_115 = arith.constant 1 : i32
      %dma_wait3A_116 = arith.constant 1 : i32
      %dma_wait3A_117 = arith.constant 0 : i32
      %dma_wait3A_118 = arith.constant 0 : i32
      %dma_wait3A_119 = tpu.memref_slice %arg9[%dma_wait3A_116, %dma_wait3A_117, %dma_wait3A_118] : memref<2x128x64xf32, #tpu.memory_space<vmem>> -> memref<1x128x64xf32, #tpu.memory_space<vmem>>
      %dma_wait3A_120 = tpu.memref_squeeze %dma_wait3A_119 : memref<1x128x64xf32, #tpu.memory_space<vmem>> -> memref<128x64xf32, #tpu.memory_space<vmem>>
      %dma_wait3A_121 = arith.constant 0 : i32
      %dma_wait3A_122 = tpu.memref_slice %arg7[%dma_wait3A_114, %dma_wait3A_115, %dma_wait3A_121] : memref<2x16x128xi32, #tpu.memory_space<vmem>> -> memref<1x1x128xi32, #tpu.memory_space<vmem>>
      %dma_wait3A_123 = tpu.memref_squeeze %dma_wait3A_122 : memref<1x1x128xi32, #tpu.memory_space<vmem>> -> memref<128xi32, #tpu.memory_space<vmem>>
      %dma_wait3A_124 = arith.constant 0 : i32
      %dma_wait3A_125 = arith.constant 0 : i32
      %dma_wait3A_126 = tpu.memref_slice %arg10[%dma_wait3A_124, %dma_wait3A_125] : memref<10112x64xf32, #tpu.memory_space<vmem_shared>> -> memref<10112x64xf32, #tpu.memory_space<vmem_shared>>
      tpu.wait_indirect_dma semaphore(%arg13 : memref<!tpu.dma_semaphore, #tpu.memory_space<semaphore_mem>>) src(%dma_wait3A_126 : memref<10112x64xf32, #tpu.memory_space<vmem_shared>>) dst(%dma_wait3A_120 : memref<128x64xf32, #tpu.memory_space<vmem>>)
      %add3A_127 = arith.constant 1 : i32
      %add3A_128 = arith.addi %mul3A_46, %add3A_127 : i32
      %run_scoped3A_129 = arith.constant 1 : i32
      "tpu.region"() ({
        %run_scoped3A_1017 = tpu.sem_alloc : memref<!tpu.dma_semaphore, #tpu.memory_space<semaphore_mem>>
        %dma_start3A_1018 = arith.constant 0 : i32
        %dma_start3A_1019 = arith.constant 0 : i32
        %dma_start3A_1020 = tpu.memref_slice %arg9[%run_scoped3A_129, %dma_start3A_1018, %dma_start3A_1019] : memref<2x128x64xf32, #tpu.memory_space<vmem>> -> memref<1x128x64xf32, #tpu.memory_space<vmem>>
        %dma_start3A_1021 = tpu.memref_squeeze %dma_start3A_1020 : memref<1x128x64xf32, #tpu.memory_space<vmem>> -> memref<128x64xf32, #tpu.memory_space<vmem>>
        %dma_start3A_1022 = arith.constant 0 : i32
        %dma_start3A_1023 = tpu.memref_slice %arg8[%add3A_128, %dma_start3A_1022] : memref<160x128xi32, #tpu.memory_space<vmem>> -> memref<1x128xi32, #tpu.memory_space<vmem>>
        %dma_start3A_1024 = tpu.memref_squeeze %dma_start3A_1023 : memref<1x128xi32, #tpu.memory_space<vmem>> -> memref<128xi32, #tpu.memory_space<vmem>>
        %dma_start3A_1025 = arith.constant 0 : i32
        %dma_start3A_1026 = arith.constant 0 : i32
        %dma_start3A_1027 = tpu.memref_slice %arg11[%dma_start3A_1025, %dma_start3A_1026] : memref<10112x64xf32, #tpu.memory_space<vmem_shared>> -> memref<10112x64xf32, #tpu.memory_space<vmem_shared>>
        tpu.enqueue_indirect_dma source(%dma_start3A_1021 : memref<128x64xf32, #tpu.memory_space<vmem>>) target(%dma_start3A_1027 : memref<10112x64xf32, #tpu.memory_space<vmem_shared>>) offsets(%dma_start3A_1024 : memref<128xi32, #tpu.memory_space<vmem>>) semaphore(%run_scoped3A_1017 : memref<!tpu.dma_semaphore, #tpu.memory_space<semaphore_mem>>) {add = true}
        %dma_wait3A_1028 = arith.constant 0 : i32
        %dma_wait3A_1029 = arith.constant 0 : i32
        %dma_wait3A_1030 = tpu.memref_slice %arg9[%run_scoped3A_129, %dma_wait3A_1028, %dma_wait3A_1029] : memref<2x128x64xf32, #tpu.memory_space<vmem>> -> memref<1x128x64xf32, #tpu.memory_space<vmem>>
        %dma_wait3A_1031 = tpu.memref_squeeze %dma_wait3A_1030 : memref<1x128x64xf32, #tpu.memory_space<vmem>> -> memref<128x64xf32, #tpu.memory_space<vmem>>
        %dma_wait3A_1032 = arith.constant 0 : i32
        %dma_wait3A_1033 = tpu.memref_slice %arg8[%add3A_128, %dma_wait3A_1032] : memref<160x128xi32, #tpu.memory_space<vmem>> -> memref<1x128xi32, #tpu.memory_space<vmem>>
        %dma_wait3A_1034 = tpu.memref_squeeze %dma_wait3A_1033 : memref<1x128xi32, #tpu.memory_space<vmem>> -> memref<128xi32, #tpu.memory_space<vmem>>
        %dma_wait3A_1035 = arith.constant 0 : i32
        %dma_wait3A_1036 = arith.constant 0 : i32
        %dma_wait3A_1037 = tpu.memref_slice %arg11[%dma_wait3A_1035, %dma_wait3A_1036] : memref<10112x64xf32, #tpu.memory_space<vmem_shared>> -> memref<10112x64xf32, #tpu.memory_space<vmem_shared>>
        tpu.wait_indirect_dma semaphore(%run_scoped3A_1017 : memref<!tpu.dma_semaphore, #tpu.memory_space<semaphore_mem>>) src(%dma_wait3A_1031 : memref<128x64xf32, #tpu.memory_space<vmem>>) dst(%dma_wait3A_1037 : memref<10112x64xf32, #tpu.memory_space<vmem_shared>>)
        tpu.yield
      }) : () -> ()
      %dma_start3A_130 = arith.constant 0 : i32
      %dma_start3A_131 = arith.constant 3 : i32
      %dma_start3A_132 = arith.constant 1 : i32
      %dma_start3A_133 = arith.constant 0 : i32
      %dma_start3A_134 = arith.constant 0 : i32
      %dma_start3A_135 = tpu.memref_slice %arg9[%dma_start3A_132, %dma_start3A_133, %dma_start3A_134] : memref<2x128x64xf32, #tpu.memory_space<vmem>> -> memref<1x128x64xf32, #tpu.memory_space<vmem>>
      %dma_start3A_136 = tpu.memref_squeeze %dma_start3A_135 : memref<1x128x64xf32, #tpu.memory_space<vmem>> -> memref<128x64xf32, #tpu.memory_space<vmem>>
      %dma_start3A_137 = arith.constant 0 : i32
      %dma_start3A_138 = tpu.memref_slice %arg7[%dma_start3A_130, %dma_start3A_131, %dma_start3A_137] : memref<2x16x128xi32, #tpu.memory_space<vmem>> -> memref<1x1x128xi32, #tpu.memory_space<vmem>>
      %dma_start3A_139 = tpu.memref_squeeze %dma_start3A_138 : memref<1x1x128xi32, #tpu.memory_space<vmem>> -> memref<128xi32, #tpu.memory_space<vmem>>
      %dma_start3A_140 = arith.constant 0 : i32
      %dma_start3A_141 = arith.constant 0 : i32
      %dma_start3A_142 = tpu.memref_slice %arg10[%dma_start3A_140, %dma_start3A_141] : memref<10112x64xf32, #tpu.memory_space<vmem_shared>> -> memref<10112x64xf32, #tpu.memory_space<vmem_shared>>
      tpu.enqueue_indirect_dma source(%dma_start3A_142 : memref<10112x64xf32, #tpu.memory_space<vmem_shared>>) target(%dma_start3A_136 : memref<128x64xf32, #tpu.memory_space<vmem>>) offsets(%dma_start3A_139 : memref<128xi32, #tpu.memory_space<vmem>>) semaphore(%arg13 : memref<!tpu.dma_semaphore, #tpu.memory_space<semaphore_mem>>)
      %dma_wait3A_143 = arith.constant 0 : i32
      %dma_wait3A_144 = arith.constant 2 : i32
      %dma_wait3A_145 = arith.constant 0 : i32
      %dma_wait3A_146 = arith.constant 0 : i32
      %dma_wait3A_147 = arith.constant 0 : i32
      %dma_wait3A_148 = tpu.memref_slice %arg9[%dma_wait3A_145, %dma_wait3A_146, %dma_wait3A_147] : memref<2x128x64xf32, #tpu.memory_space<vmem>> -> memref<1x128x64xf32, #tpu.memory_space<vmem>>
      %dma_wait3A_149 = tpu.memref_squeeze %dma_wait3A_148 : memref<1x128x64xf32, #tpu.memory_space<vmem>> -> memref<128x64xf32, #tpu.memory_space<vmem>>
      %dma_wait3A_150 = arith.constant 0 : i32
      %dma_wait3A_151 = tpu.memref_slice %arg7[%dma_wait3A_143, %dma_wait3A_144, %dma_wait3A_150] : memref<2x16x128xi32, #tpu.memory_space<vmem>> -> memref<1x1x128xi32, #tpu.memory_space<vmem>>
      %dma_wait3A_152 = tpu.memref_squeeze %dma_wait3A_151 : memref<1x1x128xi32, #tpu.memory_space<vmem>> -> memref<128xi32, #tpu.memory_space<vmem>>
      %dma_wait3A_153 = arith.constant 0 : i32
      %dma_wait3A_154 = arith.constant 0 : i32
      %dma_wait3A_155 = tpu.memref_slice %arg10[%dma_wait3A_153, %dma_wait3A_154] : memref<10112x64xf32, #tpu.memory_space<vmem_shared>> -> memref<10112x64xf32, #tpu.memory_space<vmem_shared>>
      tpu.wait_indirect_dma semaphore(%arg12 : memref<!tpu.dma_semaphore, #tpu.memory_space<semaphore_mem>>) src(%dma_wait3A_155 : memref<10112x64xf32, #tpu.memory_space<vmem_shared>>) dst(%dma_wait3A_149 : memref<128x64xf32, #tpu.memory_space<vmem>>)
      %add3A_156 = arith.constant 2 : i32
      %add3A_157 = arith.addi %mul3A_46, %add3A_156 : i32
      %run_scoped3A_158 = arith.constant 0 : i32
      "tpu.region"() ({
        %run_scoped3A_1017 = tpu.sem_alloc : memref<!tpu.dma_semaphore, #tpu.memory_space<semaphore_mem>>
        %dma_start3A_1018 = arith.constant 0 : i32
        %dma_start3A_1019 = arith.constant 0 : i32
        %dma_start3A_1020 = tpu.memref_slice %arg9[%run_scoped3A_158, %dma_start3A_1018, %dma_start3A_1019] : memref<2x128x64xf32, #tpu.memory_space<vmem>> -> memref<1x128x64xf32, #tpu.memory_space<vmem>>
        %dma_start3A_1021 = tpu.memref_squeeze %dma_start3A_1020 : memref<1x128x64xf32, #tpu.memory_space<vmem>> -> memref<128x64xf32, #tpu.memory_space<vmem>>
        %dma_start3A_1022 = arith.constant 0 : i32
        %dma_start3A_1023 = tpu.memref_slice %arg8[%add3A_157, %dma_start3A_1022] : memref<160x128xi32, #tpu.memory_space<vmem>> -> memref<1x128xi32, #tpu.memory_space<vmem>>
        %dma_start3A_1024 = tpu.memref_squeeze %dma_start3A_1023 : memref<1x128xi32, #tpu.memory_space<vmem>> -> memref<128xi32, #tpu.memory_space<vmem>>
        %dma_start3A_1025 = arith.constant 0 : i32
        %dma_start3A_1026 = arith.constant 0 : i32
        %dma_start3A_1027 = tpu.memref_slice %arg11[%dma_start3A_1025, %dma_start3A_1026] : memref<10112x64xf32, #tpu.memory_space<vmem_shared>> -> memref<10112x64xf32, #tpu.memory_space<vmem_shared>>
        tpu.enqueue_indirect_dma source(%dma_start3A_1021 : memref<128x64xf32, #tpu.memory_space<vmem>>) target(%dma_start3A_1027 : memref<10112x64xf32, #tpu.memory_space<vmem_shared>>) offsets(%dma_start3A_1024 : memref<128xi32, #tpu.memory_space<vmem>>) semaphore(%run_scoped3A_1017 : memref<!tpu.dma_semaphore, #tpu.memory_space<semaphore_mem>>) {add = true}
        %dma_wait3A_1028 = arith.constant 0 : i32
        %dma_wait3A_1029 = arith.constant 0 : i32
        %dma_wait3A_1030 = tpu.memref_slice %arg9[%run_scoped3A_158, %dma_wait3A_1028, %dma_wait3A_1029] : memref<2x128x64xf32, #tpu.memory_space<vmem>> -> memref<1x128x64xf32, #tpu.memory_space<vmem>>
        %dma_wait3A_1031 = tpu.memref_squeeze %dma_wait3A_1030 : memref<1x128x64xf32, #tpu.memory_space<vmem>> -> memref<128x64xf32, #tpu.memory_space<vmem>>
        %dma_wait3A_1032 = arith.constant 0 : i32
        %dma_wait3A_1033 = tpu.memref_slice %arg8[%add3A_157, %dma_wait3A_1032] : memref<160x128xi32, #tpu.memory_space<vmem>> -> memref<1x128xi32, #tpu.memory_space<vmem>>
        %dma_wait3A_1034 = tpu.memref_squeeze %dma_wait3A_1033 : memref<1x128xi32, #tpu.memory_space<vmem>> -> memref<128xi32, #tpu.memory_space<vmem>>
        %dma_wait3A_1035 = arith.constant 0 : i32
        %dma_wait3A_1036 = arith.constant 0 : i32
        %dma_wait3A_1037 = tpu.memref_slice %arg11[%dma_wait3A_1035, %dma_wait3A_1036] : memref<10112x64xf32, #tpu.memory_space<vmem_shared>> -> memref<10112x64xf32, #tpu.memory_space<vmem_shared>>
        tpu.wait_indirect_dma semaphore(%run_scoped3A_1017 : memref<!tpu.dma_semaphore, #tpu.memory_space<semaphore_mem>>) src(%dma_wait3A_1031 : memref<128x64xf32, #tpu.memory_space<vmem>>) dst(%dma_wait3A_1037 : memref<10112x64xf32, #tpu.memory_space<vmem_shared>>)
        tpu.yield
      }) : () -> ()
      %dma_start3A_159 = arith.constant 0 : i32
      %dma_start3A_160 = arith.constant 4 : i32
      %dma_start3A_161 = arith.constant 0 : i32
      %dma_start3A_162 = arith.constant 0 : i32
      %dma_start3A_163 = arith.constant 0 : i32
      %dma_start3A_164 = tpu.memref_slice %arg9[%dma_start3A_161, %dma_start3A_162, %dma_start3A_163] : memref<2x128x64xf32, #tpu.memory_space<vmem>> -> memref<1x128x64xf32, #tpu.memory_space<vmem>>
      %dma_start3A_165 = tpu.memref_squeeze %dma_start3A_164 : memref<1x128x64xf32, #tpu.memory_space<vmem>> -> memref<128x64xf32, #tpu.memory_space<vmem>>
      %dma_start3A_166 = arith.constant 0 : i32
      %dma_start3A_167 = tpu.memref_slice %arg7[%dma_start3A_159, %dma_start3A_160, %dma_start3A_166] : memref<2x16x128xi32, #tpu.memory_space<vmem>> -> memref<1x1x128xi32, #tpu.memory_space<vmem>>
      %dma_start3A_168 = tpu.memref_squeeze %dma_start3A_167 : memref<1x1x128xi32, #tpu.memory_space<vmem>> -> memref<128xi32, #tpu.memory_space<vmem>>
      %dma_start3A_169 = arith.constant 0 : i32
      %dma_start3A_170 = arith.constant 0 : i32
      %dma_start3A_171 = tpu.memref_slice %arg10[%dma_start3A_169, %dma_start3A_170] : memref<10112x64xf32, #tpu.memory_space<vmem_shared>> -> memref<10112x64xf32, #tpu.memory_space<vmem_shared>>
      tpu.enqueue_indirect_dma source(%dma_start3A_171 : memref<10112x64xf32, #tpu.memory_space<vmem_shared>>) target(%dma_start3A_165 : memref<128x64xf32, #tpu.memory_space<vmem>>) offsets(%dma_start3A_168 : memref<128xi32, #tpu.memory_space<vmem>>) semaphore(%arg12 : memref<!tpu.dma_semaphore, #tpu.memory_space<semaphore_mem>>)
      %dma_wait3A_172 = arith.constant 0 : i32
      %dma_wait3A_173 = arith.constant 3 : i32
      %dma_wait3A_174 = arith.constant 1 : i32
      %dma_wait3A_175 = arith.constant 0 : i32
      %dma_wait3A_176 = arith.constant 0 : i32
      %dma_wait3A_177 = tpu.memref_slice %arg9[%dma_wait3A_174, %dma_wait3A_175, %dma_wait3A_176] : memref<2x128x64xf32, #tpu.memory_space<vmem>> -> memref<1x128x64xf32, #tpu.memory_space<vmem>>
      %dma_wait3A_178 = tpu.memref_squeeze %dma_wait3A_177 : memref<1x128x64xf32, #tpu.memory_space<vmem>> -> memref<128x64xf32, #tpu.memory_space<vmem>>
      %dma_wait3A_179 = arith.constant 0 : i32
      %dma_wait3A_180 = tpu.memref_slice %arg7[%dma_wait3A_172, %dma_wait3A_173, %dma_wait3A_179] : memref<2x16x128xi32, #tpu.memory_space<vmem>> -> memref<1x1x128xi32, #tpu.memory_space<vmem>>
      %dma_wait3A_181 = tpu.memref_squeeze %dma_wait3A_180 : memref<1x1x128xi32, #tpu.memory_space<vmem>> -> memref<128xi32, #tpu.memory_space<vmem>>
      %dma_wait3A_182 = arith.constant 0 : i32
      %dma_wait3A_183 = arith.constant 0 : i32
      %dma_wait3A_184 = tpu.memref_slice %arg10[%dma_wait3A_182, %dma_wait3A_183] : memref<10112x64xf32, #tpu.memory_space<vmem_shared>> -> memref<10112x64xf32, #tpu.memory_space<vmem_shared>>
      tpu.wait_indirect_dma semaphore(%arg13 : memref<!tpu.dma_semaphore, #tpu.memory_space<semaphore_mem>>) src(%dma_wait3A_184 : memref<10112x64xf32, #tpu.memory_space<vmem_shared>>) dst(%dma_wait3A_178 : memref<128x64xf32, #tpu.memory_space<vmem>>)
      %add3A_185 = arith.constant 3 : i32
      %add3A_186 = arith.addi %mul3A_46, %add3A_185 : i32
      %run_scoped3A_187 = arith.constant 1 : i32
      "tpu.region"() ({
        %run_scoped3A_1017 = tpu.sem_alloc : memref<!tpu.dma_semaphore, #tpu.memory_space<semaphore_mem>>
        %dma_start3A_1018 = arith.constant 0 : i32
        %dma_start3A_1019 = arith.constant 0 : i32
        %dma_start3A_1020 = tpu.memref_slice %arg9[%run_scoped3A_187, %dma_start3A_1018, %dma_start3A_1019] : memref<2x128x64xf32, #tpu.memory_space<vmem>> -> memref<1x128x64xf32, #tpu.memory_space<vmem>>
        %dma_start3A_1021 = tpu.memref_squeeze %dma_start3A_1020 : memref<1x128x64xf32, #tpu.memory_space<vmem>> -> memref<128x64xf32, #tpu.memory_space<vmem>>
        %dma_start3A_1022 = arith.constant 0 : i32
        %dma_start3A_1023 = tpu.memref_slice %arg8[%add3A_186, %dma_start3A_1022] : memref<160x128xi32, #tpu.memory_space<vmem>> -> memref<1x128xi32, #tpu.memory_space<vmem>>
        %dma_start3A_1024 = tpu.memref_squeeze %dma_start3A_1023 : memref<1x128xi32, #tpu.memory_space<vmem>> -> memref<128xi32, #tpu.memory_space<vmem>>
        %dma_start3A_1025 = arith.constant 0 : i32
        %dma_start3A_1026 = arith.constant 0 : i32
        %dma_start3A_1027 = tpu.memref_slice %arg11[%dma_start3A_1025, %dma_start3A_1026] : memref<10112x64xf32, #tpu.memory_space<vmem_shared>> -> memref<10112x64xf32, #tpu.memory_space<vmem_shared>>
        tpu.enqueue_indirect_dma source(%dma_start3A_1021 : memref<128x64xf32, #tpu.memory_space<vmem>>) target(%dma_start3A_1027 : memref<10112x64xf32, #tpu.memory_space<vmem_shared>>) offsets(%dma_start3A_1024 : memref<128xi32, #tpu.memory_space<vmem>>) semaphore(%run_scoped3A_1017 : memref<!tpu.dma_semaphore, #tpu.memory_space<semaphore_mem>>) {add = true}
        %dma_wait3A_1028 = arith.constant 0 : i32
        %dma_wait3A_1029 = arith.constant 0 : i32
        %dma_wait3A_1030 = tpu.memref_slice %arg9[%run_scoped3A_187, %dma_wait3A_1028, %dma_wait3A_1029] : memref<2x128x64xf32, #tpu.memory_space<vmem>> -> memref<1x128x64xf32, #tpu.memory_space<vmem>>
        %dma_wait3A_1031 = tpu.memref_squeeze %dma_wait3A_1030 : memref<1x128x64xf32, #tpu.memory_space<vmem>> -> memref<128x64xf32, #tpu.memory_space<vmem>>
        %dma_wait3A_1032 = arith.constant 0 : i32
        %dma_wait3A_1033 = tpu.memref_slice %arg8[%add3A_186, %dma_wait3A_1032] : memref<160x128xi32, #tpu.memory_space<vmem>> -> memref<1x128xi32, #tpu.memory_space<vmem>>
        %dma_wait3A_1034 = tpu.memref_squeeze %dma_wait3A_1033 : memref<1x128xi32, #tpu.memory_space<vmem>> -> memref<128xi32, #tpu.memory_space<vmem>>
        %dma_wait3A_1035 = arith.constant 0 : i32
        %dma_wait3A_1036 = arith.constant 0 : i32
        %dma_wait3A_1037 = tpu.memref_slice %arg11[%dma_wait3A_1035, %dma_wait3A_1036] : memref<10112x64xf32, #tpu.memory_space<vmem_shared>> -> memref<10112x64xf32, #tpu.memory_space<vmem_shared>>
        tpu.wait_indirect_dma semaphore(%run_scoped3A_1017 : memref<!tpu.dma_semaphore, #tpu.memory_space<semaphore_mem>>) src(%dma_wait3A_1031 : memref<128x64xf32, #tpu.memory_space<vmem>>) dst(%dma_wait3A_1037 : memref<10112x64xf32, #tpu.memory_space<vmem_shared>>)
        tpu.yield
      }) : () -> ()
      %dma_start3A_188 = arith.constant 0 : i32
      %dma_start3A_189 = arith.constant 5 : i32
      %dma_start3A_190 = arith.constant 1 : i32
      %dma_start3A_191 = arith.constant 0 : i32
      %dma_start3A_192 = arith.constant 0 : i32
      %dma_start3A_193 = tpu.memref_slice %arg9[%dma_start3A_190, %dma_start3A_191, %dma_start3A_192] : memref<2x128x64xf32, #tpu.memory_space<vmem>> -> memref<1x128x64xf32, #tpu.memory_space<vmem>>
      %dma_start3A_194 = tpu.memref_squeeze %dma_start3A_193 : memref<1x128x64xf32, #tpu.memory_space<vmem>> -> memref<128x64xf32, #tpu.memory_space<vmem>>
      %dma_start3A_195 = arith.constant 0 : i32
      %dma_start3A_196 = tpu.memref_slice %arg7[%dma_start3A_188, %dma_start3A_189, %dma_start3A_195] : memref<2x16x128xi32, #tpu.memory_space<vmem>> -> memref<1x1x128xi32, #tpu.memory_space<vmem>>
      %dma_start3A_197 = tpu.memref_squeeze %dma_start3A_196 : memref<1x1x128xi32, #tpu.memory_space<vmem>> -> memref<128xi32, #tpu.memory_space<vmem>>
      %dma_start3A_198 = arith.constant 0 : i32
      %dma_start3A_199 = arith.constant 0 : i32
      %dma_start3A_200 = tpu.memref_slice %arg10[%dma_start3A_198, %dma_start3A_199] : memref<10112x64xf32, #tpu.memory_space<vmem_shared>> -> memref<10112x64xf32, #tpu.memory_space<vmem_shared>>
      tpu.enqueue_indirect_dma source(%dma_start3A_200 : memref<10112x64xf32, #tpu.memory_space<vmem_shared>>) target(%dma_start3A_194 : memref<128x64xf32, #tpu.memory_space<vmem>>) offsets(%dma_start3A_197 : memref<128xi32, #tpu.memory_space<vmem>>) semaphore(%arg13 : memref<!tpu.dma_semaphore, #tpu.memory_space<semaphore_mem>>)
      %dma_wait3A_201 = arith.constant 0 : i32
      %dma_wait3A_202 = arith.constant 4 : i32
      %dma_wait3A_203 = arith.constant 0 : i32
      %dma_wait3A_204 = arith.constant 0 : i32
      %dma_wait3A_205 = arith.constant 0 : i32
      %dma_wait3A_206 = tpu.memref_slice %arg9[%dma_wait3A_203, %dma_wait3A_204, %dma_wait3A_205] : memref<2x128x64xf32, #tpu.memory_space<vmem>> -> memref<1x128x64xf32, #tpu.memory_space<vmem>>
      %dma_wait3A_207 = tpu.memref_squeeze %dma_wait3A_206 : memref<1x128x64xf32, #tpu.memory_space<vmem>> -> memref<128x64xf32, #tpu.memory_space<vmem>>
      %dma_wait3A_208 = arith.constant 0 : i32
      %dma_wait3A_209 = tpu.memref_slice %arg7[%dma_wait3A_201, %dma_wait3A_202, %dma_wait3A_208] : memref<2x16x128xi32, #tpu.memory_space<vmem>> -> memref<1x1x128xi32, #tpu.memory_space<vmem>>
      %dma_wait3A_210 = tpu.memref_squeeze %dma_wait3A_209 : memref<1x1x128xi32, #tpu.memory_space<vmem>> -> memref<128xi32, #tpu.memory_space<vmem>>
      %dma_wait3A_211 = arith.constant 0 : i32
      %dma_wait3A_212 = arith.constant 0 : i32
      %dma_wait3A_213 = tpu.memref_slice %arg10[%dma_wait3A_211, %dma_wait3A_212] : memref<10112x64xf32, #tpu.memory_space<vmem_shared>> -> memref<10112x64xf32, #tpu.memory_space<vmem_shared>>
      tpu.wait_indirect_dma semaphore(%arg12 : memref<!tpu.dma_semaphore, #tpu.memory_space<semaphore_mem>>) src(%dma_wait3A_213 : memref<10112x64xf32, #tpu.memory_space<vmem_shared>>) dst(%dma_wait3A_207 : memref<128x64xf32, #tpu.memory_space<vmem>>)
      %add3A_214 = arith.constant 4 : i32
      %add3A_215 = arith.addi %mul3A_46, %add3A_214 : i32
      %run_scoped3A_216 = arith.constant 0 : i32
      "tpu.region"() ({
        %run_scoped3A_1017 = tpu.sem_alloc : memref<!tpu.dma_semaphore, #tpu.memory_space<semaphore_mem>>
        %dma_start3A_1018 = arith.constant 0 : i32
        %dma_start3A_1019 = arith.constant 0 : i32
        %dma_start3A_1020 = tpu.memref_slice %arg9[%run_scoped3A_216, %dma_start3A_1018, %dma_start3A_1019] : memref<2x128x64xf32, #tpu.memory_space<vmem>> -> memref<1x128x64xf32, #tpu.memory_space<vmem>>
        %dma_start3A_1021 = tpu.memref_squeeze %dma_start3A_1020 : memref<1x128x64xf32, #tpu.memory_space<vmem>> -> memref<128x64xf32, #tpu.memory_space<vmem>>
        %dma_start3A_1022 = arith.constant 0 : i32
        %dma_start3A_1023 = tpu.memref_slice %arg8[%add3A_215, %dma_start3A_1022] : memref<160x128xi32, #tpu.memory_space<vmem>> -> memref<1x128xi32, #tpu.memory_space<vmem>>
        %dma_start3A_1024 = tpu.memref_squeeze %dma_start3A_1023 : memref<1x128xi32, #tpu.memory_space<vmem>> -> memref<128xi32, #tpu.memory_space<vmem>>
        %dma_start3A_1025 = arith.constant 0 : i32
        %dma_start3A_1026 = arith.constant 0 : i32
        %dma_start3A_1027 = tpu.memref_slice %arg11[%dma_start3A_1025, %dma_start3A_1026] : memref<10112x64xf32, #tpu.memory_space<vmem_shared>> -> memref<10112x64xf32, #tpu.memory_space<vmem_shared>>
        tpu.enqueue_indirect_dma source(%dma_start3A_1021 : memref<128x64xf32, #tpu.memory_space<vmem>>) target(%dma_start3A_1027 : memref<10112x64xf32, #tpu.memory_space<vmem_shared>>) offsets(%dma_start3A_1024 : memref<128xi32, #tpu.memory_space<vmem>>) semaphore(%run_scoped3A_1017 : memref<!tpu.dma_semaphore, #tpu.memory_space<semaphore_mem>>) {add = true}
        %dma_wait3A_1028 = arith.constant 0 : i32
        %dma_wait3A_1029 = arith.constant 0 : i32
        %dma_wait3A_1030 = tpu.memref_slice %arg9[%run_scoped3A_216, %dma_wait3A_1028, %dma_wait3A_1029] : memref<2x128x64xf32, #tpu.memory_space<vmem>> -> memref<1x128x64xf32, #tpu.memory_space<vmem>>
        %dma_wait3A_1031 = tpu.memref_squeeze %dma_wait3A_1030 : memref<1x128x64xf32, #tpu.memory_space<vmem>> -> memref<128x64xf32, #tpu.memory_space<vmem>>
        %dma_wait3A_1032 = arith.constant 0 : i32
        %dma_wait3A_1033 = tpu.memref_slice %arg8[%add3A_215, %dma_wait3A_1032] : memref<160x128xi32, #tpu.memory_space<vmem>> -> memref<1x128xi32, #tpu.memory_space<vmem>>
        %dma_wait3A_1034 = tpu.memref_squeeze %dma_wait3A_1033 : memref<1x128xi32, #tpu.memory_space<vmem>> -> memref<128xi32, #tpu.memory_space<vmem>>
        %dma_wait3A_1035 = arith.constant 0 : i32
        %dma_wait3A_1036 = arith.constant 0 : i32
        %dma_wait3A_1037 = tpu.memref_slice %arg11[%dma_wait3A_1035, %dma_wait3A_1036] : memref<10112x64xf32, #tpu.memory_space<vmem_shared>> -> memref<10112x64xf32, #tpu.memory_space<vmem_shared>>
        tpu.wait_indirect_dma semaphore(%run_scoped3A_1017 : memref<!tpu.dma_semaphore, #tpu.memory_space<semaphore_mem>>) src(%dma_wait3A_1031 : memref<128x64xf32, #tpu.memory_space<vmem>>) dst(%dma_wait3A_1037 : memref<10112x64xf32, #tpu.memory_space<vmem_shared>>)
        tpu.yield
      }) : () -> ()
      %dma_start3A_217 = arith.constant 0 : i32
      %dma_start3A_218 = arith.constant 6 : i32
      %dma_start3A_219 = arith.constant 0 : i32
      %dma_start3A_220 = arith.constant 0 : i32
      %dma_start3A_221 = arith.constant 0 : i32
      %dma_start3A_222 = tpu.memref_slice %arg9[%dma_start3A_219, %dma_start3A_220, %dma_start3A_221] : memref<2x128x64xf32, #tpu.memory_space<vmem>> -> memref<1x128x64xf32, #tpu.memory_space<vmem>>
      %dma_start3A_223 = tpu.memref_squeeze %dma_start3A_222 : memref<1x128x64xf32, #tpu.memory_space<vmem>> -> memref<128x64xf32, #tpu.memory_space<vmem>>
      %dma_start3A_224 = arith.constant 0 : i32
      %dma_start3A_225 = tpu.memref_slice %arg7[%dma_start3A_217, %dma_start3A_218, %dma_start3A_224] : memref<2x16x128xi32, #tpu.memory_space<vmem>> -> memref<1x1x128xi32, #tpu.memory_space<vmem>>
      %dma_start3A_226 = tpu.memref_squeeze %dma_start3A_225 : memref<1x1x128xi32, #tpu.memory_space<vmem>> -> memref<128xi32, #tpu.memory_space<vmem>>
      %dma_start3A_227 = arith.constant 0 : i32
      %dma_start3A_228 = arith.constant 0 : i32
      %dma_start3A_229 = tpu.memref_slice %arg10[%dma_start3A_227, %dma_start3A_228] : memref<10112x64xf32, #tpu.memory_space<vmem_shared>> -> memref<10112x64xf32, #tpu.memory_space<vmem_shared>>
      tpu.enqueue_indirect_dma source(%dma_start3A_229 : memref<10112x64xf32, #tpu.memory_space<vmem_shared>>) target(%dma_start3A_223 : memref<128x64xf32, #tpu.memory_space<vmem>>) offsets(%dma_start3A_226 : memref<128xi32, #tpu.memory_space<vmem>>) semaphore(%arg12 : memref<!tpu.dma_semaphore, #tpu.memory_space<semaphore_mem>>)
      %dma_wait3A_230 = arith.constant 0 : i32
      %dma_wait3A_231 = arith.constant 5 : i32
      %dma_wait3A_232 = arith.constant 1 : i32
      %dma_wait3A_233 = arith.constant 0 : i32
      %dma_wait3A_234 = arith.constant 0 : i32
      %dma_wait3A_235 = tpu.memref_slice %arg9[%dma_wait3A_232, %dma_wait3A_233, %dma_wait3A_234] : memref<2x128x64xf32, #tpu.memory_space<vmem>> -> memref<1x128x64xf32, #tpu.memory_space<vmem>>
      %dma_wait3A_236 = tpu.memref_squeeze %dma_wait3A_235 : memref<1x128x64xf32, #tpu.memory_space<vmem>> -> memref<128x64xf32, #tpu.memory_space<vmem>>
      %dma_wait3A_237 = arith.constant 0 : i32
      %dma_wait3A_238 = tpu.memref_slice %arg7[%dma_wait3A_230, %dma_wait3A_231, %dma_wait3A_237] : memref<2x16x128xi32, #tpu.memory_space<vmem>> -> memref<1x1x128xi32, #tpu.memory_space<vmem>>
      %dma_wait3A_239 = tpu.memref_squeeze %dma_wait3A_238 : memref<1x1x128xi32, #tpu.memory_space<vmem>> -> memref<128xi32, #tpu.memory_space<vmem>>
      %dma_wait3A_240 = arith.constant 0 : i32
      %dma_wait3A_241 = arith.constant 0 : i32
      %dma_wait3A_242 = tpu.memref_slice %arg10[%dma_wait3A_240, %dma_wait3A_241] : memref<10112x64xf32, #tpu.memory_space<vmem_shared>> -> memref<10112x64xf32, #tpu.memory_space<vmem_shared>>
      tpu.wait_indirect_dma semaphore(%arg13 : memref<!tpu.dma_semaphore, #tpu.memory_space<semaphore_mem>>) src(%dma_wait3A_242 : memref<10112x64xf32, #tpu.memory_space<vmem_shared>>) dst(%dma_wait3A_236 : memref<128x64xf32, #tpu.memory_space<vmem>>)
      %add3A_243 = arith.constant 5 : i32
      %add3A_244 = arith.addi %mul3A_46, %add3A_243 : i32
      %run_scoped3A_245 = arith.constant 1 : i32
      "tpu.region"() ({
        %run_scoped3A_1017 = tpu.sem_alloc : memref<!tpu.dma_semaphore, #tpu.memory_space<semaphore_mem>>
        %dma_start3A_1018 = arith.constant 0 : i32
        %dma_start3A_1019 = arith.constant 0 : i32
        %dma_start3A_1020 = tpu.memref_slice %arg9[%run_scoped3A_245, %dma_start3A_1018, %dma_start3A_1019] : memref<2x128x64xf32, #tpu.memory_space<vmem>> -> memref<1x128x64xf32, #tpu.memory_space<vmem>>
        %dma_start3A_1021 = tpu.memref_squeeze %dma_start3A_1020 : memref<1x128x64xf32, #tpu.memory_space<vmem>> -> memref<128x64xf32, #tpu.memory_space<vmem>>
        %dma_start3A_1022 = arith.constant 0 : i32
        %dma_start3A_1023 = tpu.memref_slice %arg8[%add3A_244, %dma_start3A_1022] : memref<160x128xi32, #tpu.memory_space<vmem>> -> memref<1x128xi32, #tpu.memory_space<vmem>>
        %dma_start3A_1024 = tpu.memref_squeeze %dma_start3A_1023 : memref<1x128xi32, #tpu.memory_space<vmem>> -> memref<128xi32, #tpu.memory_space<vmem>>
        %dma_start3A_1025 = arith.constant 0 : i32
        %dma_start3A_1026 = arith.constant 0 : i32
        %dma_start3A_1027 = tpu.memref_slice %arg11[%dma_start3A_1025, %dma_start3A_1026] : memref<10112x64xf32, #tpu.memory_space<vmem_shared>> -> memref<10112x64xf32, #tpu.memory_space<vmem_shared>>
        tpu.enqueue_indirect_dma source(%dma_start3A_1021 : memref<128x64xf32, #tpu.memory_space<vmem>>) target(%dma_start3A_1027 : memref<10112x64xf32, #tpu.memory_space<vmem_shared>>) offsets(%dma_start3A_1024 : memref<128xi32, #tpu.memory_space<vmem>>) semaphore(%run_scoped3A_1017 : memref<!tpu.dma_semaphore, #tpu.memory_space<semaphore_mem>>) {add = true}
        %dma_wait3A_1028 = arith.constant 0 : i32
        %dma_wait3A_1029 = arith.constant 0 : i32
        %dma_wait3A_1030 = tpu.memref_slice %arg9[%run_scoped3A_245, %dma_wait3A_1028, %dma_wait3A_1029] : memref<2x128x64xf32, #tpu.memory_space<vmem>> -> memref<1x128x64xf32, #tpu.memory_space<vmem>>
        %dma_wait3A_1031 = tpu.memref_squeeze %dma_wait3A_1030 : memref<1x128x64xf32, #tpu.memory_space<vmem>> -> memref<128x64xf32, #tpu.memory_space<vmem>>
        %dma_wait3A_1032 = arith.constant 0 : i32
        %dma_wait3A_1033 = tpu.memref_slice %arg8[%add3A_244, %dma_wait3A_1032] : memref<160x128xi32, #tpu.memory_space<vmem>> -> memref<1x128xi32, #tpu.memory_space<vmem>>
        %dma_wait3A_1034 = tpu.memref_squeeze %dma_wait3A_1033 : memref<1x128xi32, #tpu.memory_space<vmem>> -> memref<128xi32, #tpu.memory_space<vmem>>
        %dma_wait3A_1035 = arith.constant 0 : i32
        %dma_wait3A_1036 = arith.constant 0 : i32
        %dma_wait3A_1037 = tpu.memref_slice %arg11[%dma_wait3A_1035, %dma_wait3A_1036] : memref<10112x64xf32, #tpu.memory_space<vmem_shared>> -> memref<10112x64xf32, #tpu.memory_space<vmem_shared>>
        tpu.wait_indirect_dma semaphore(%run_scoped3A_1017 : memref<!tpu.dma_semaphore, #tpu.memory_space<semaphore_mem>>) src(%dma_wait3A_1031 : memref<128x64xf32, #tpu.memory_space<vmem>>) dst(%dma_wait3A_1037 : memref<10112x64xf32, #tpu.memory_space<vmem_shared>>)
        tpu.yield
      }) : () -> ()
      %dma_start3A_246 = arith.constant 0 : i32
      %dma_start3A_247 = arith.constant 7 : i32
      %dma_start3A_248 = arith.constant 1 : i32
      %dma_start3A_249 = arith.constant 0 : i32
      %dma_start3A_250 = arith.constant 0 : i32
      %dma_start3A_251 = tpu.memref_slice %arg9[%dma_start3A_248, %dma_start3A_249, %dma_start3A_250] : memref<2x128x64xf32, #tpu.memory_space<vmem>> -> memref<1x128x64xf32, #tpu.memory_space<vmem>>
      %dma_start3A_252 = tpu.memref_squeeze %dma_start3A_251 : memref<1x128x64xf32, #tpu.memory_space<vmem>> -> memref<128x64xf32, #tpu.memory_space<vmem>>
      %dma_start3A_253 = arith.constant 0 : i32
      %dma_start3A_254 = tpu.memref_slice %arg7[%dma_start3A_246, %dma_start3A_247, %dma_start3A_253] : memref<2x16x128xi32, #tpu.memory_space<vmem>> -> memref<1x1x128xi32, #tpu.memory_space<vmem>>
      %dma_start3A_255 = tpu.memref_squeeze %dma_start3A_254 : memref<1x1x128xi32, #tpu.memory_space<vmem>> -> memref<128xi32, #tpu.memory_space<vmem>>
      %dma_start3A_256 = arith.constant 0 : i32
      %dma_start3A_257 = arith.constant 0 : i32
      %dma_start3A_258 = tpu.memref_slice %arg10[%dma_start3A_256, %dma_start3A_257] : memref<10112x64xf32, #tpu.memory_space<vmem_shared>> -> memref<10112x64xf32, #tpu.memory_space<vmem_shared>>
      tpu.enqueue_indirect_dma source(%dma_start3A_258 : memref<10112x64xf32, #tpu.memory_space<vmem_shared>>) target(%dma_start3A_252 : memref<128x64xf32, #tpu.memory_space<vmem>>) offsets(%dma_start3A_255 : memref<128xi32, #tpu.memory_space<vmem>>) semaphore(%arg13 : memref<!tpu.dma_semaphore, #tpu.memory_space<semaphore_mem>>)
      %dma_wait3A_259 = arith.constant 0 : i32
      %dma_wait3A_260 = arith.constant 6 : i32
      %dma_wait3A_261 = arith.constant 0 : i32
      %dma_wait3A_262 = arith.constant 0 : i32
      %dma_wait3A_263 = arith.constant 0 : i32
      %dma_wait3A_264 = tpu.memref_slice %arg9[%dma_wait3A_261, %dma_wait3A_262, %dma_wait3A_263] : memref<2x128x64xf32, #tpu.memory_space<vmem>> -> memref<1x128x64xf32, #tpu.memory_space<vmem>>
      %dma_wait3A_265 = tpu.memref_squeeze %dma_wait3A_264 : memref<1x128x64xf32, #tpu.memory_space<vmem>> -> memref<128x64xf32, #tpu.memory_space<vmem>>
      %dma_wait3A_266 = arith.constant 0 : i32
      %dma_wait3A_267 = tpu.memref_slice %arg7[%dma_wait3A_259, %dma_wait3A_260, %dma_wait3A_266] : memref<2x16x128xi32, #tpu.memory_space<vmem>> -> memref<1x1x128xi32, #tpu.memory_space<vmem>>
      %dma_wait3A_268 = tpu.memref_squeeze %dma_wait3A_267 : memref<1x1x128xi32, #tpu.memory_space<vmem>> -> memref<128xi32, #tpu.memory_space<vmem>>
      %dma_wait3A_269 = arith.constant 0 : i32
      %dma_wait3A_270 = arith.constant 0 : i32
      %dma_wait3A_271 = tpu.memref_slice %arg10[%dma_wait3A_269, %dma_wait3A_270] : memref<10112x64xf32, #tpu.memory_space<vmem_shared>> -> memref<10112x64xf32, #tpu.memory_space<vmem_shared>>
      tpu.wait_indirect_dma semaphore(%arg12 : memref<!tpu.dma_semaphore, #tpu.memory_space<semaphore_mem>>) src(%dma_wait3A_271 : memref<10112x64xf32, #tpu.memory_space<vmem_shared>>) dst(%dma_wait3A_265 : memref<128x64xf32, #tpu.memory_space<vmem>>)
      %add3A_272 = arith.constant 6 : i32
      %add3A_273 = arith.addi %mul3A_46, %add3A_272 : i32
      %run_scoped3A_274 = arith.constant 0 : i32
      "tpu.region"() ({
        %run_scoped3A_1017 = tpu.sem_alloc : memref<!tpu.dma_semaphore, #tpu.memory_space<semaphore_mem>>
        %dma_start3A_1018 = arith.constant 0 : i32
        %dma_start3A_1019 = arith.constant 0 : i32
        %dma_start3A_1020 = tpu.memref_slice %arg9[%run_scoped3A_274, %dma_start3A_1018, %dma_start3A_1019] : memref<2x128x64xf32, #tpu.memory_space<vmem>> -> memref<1x128x64xf32, #tpu.memory_space<vmem>>
        %dma_start3A_1021 = tpu.memref_squeeze %dma_start3A_1020 : memref<1x128x64xf32, #tpu.memory_space<vmem>> -> memref<128x64xf32, #tpu.memory_space<vmem>>
        %dma_start3A_1022 = arith.constant 0 : i32
        %dma_start3A_1023 = tpu.memref_slice %arg8[%add3A_273, %dma_start3A_1022] : memref<160x128xi32, #tpu.memory_space<vmem>> -> memref<1x128xi32, #tpu.memory_space<vmem>>
        %dma_start3A_1024 = tpu.memref_squeeze %dma_start3A_1023 : memref<1x128xi32, #tpu.memory_space<vmem>> -> memref<128xi32, #tpu.memory_space<vmem>>
        %dma_start3A_1025 = arith.constant 0 : i32
        %dma_start3A_1026 = arith.constant 0 : i32
        %dma_start3A_1027 = tpu.memref_slice %arg11[%dma_start3A_1025, %dma_start3A_1026] : memref<10112x64xf32, #tpu.memory_space<vmem_shared>> -> memref<10112x64xf32, #tpu.memory_space<vmem_shared>>
        tpu.enqueue_indirect_dma source(%dma_start3A_1021 : memref<128x64xf32, #tpu.memory_space<vmem>>) target(%dma_start3A_1027 : memref<10112x64xf32, #tpu.memory_space<vmem_shared>>) offsets(%dma_start3A_1024 : memref<128xi32, #tpu.memory_space<vmem>>) semaphore(%run_scoped3A_1017 : memref<!tpu.dma_semaphore, #tpu.memory_space<semaphore_mem>>) {add = true}
        %dma_wait3A_1028 = arith.constant 0 : i32
        %dma_wait3A_1029 = arith.constant 0 : i32
        %dma_wait3A_1030 = tpu.memref_slice %arg9[%run_scoped3A_274, %dma_wait3A_1028, %dma_wait3A_1029] : memref<2x128x64xf32, #tpu.memory_space<vmem>> -> memref<1x128x64xf32, #tpu.memory_space<vmem>>
        %dma_wait3A_1031 = tpu.memref_squeeze %dma_wait3A_1030 : memref<1x128x64xf32, #tpu.memory_space<vmem>> -> memref<128x64xf32, #tpu.memory_space<vmem>>
        %dma_wait3A_1032 = arith.constant 0 : i32
        %dma_wait3A_1033 = tpu.memref_slice %arg8[%add3A_273, %dma_wait3A_1032] : memref<160x128xi32, #tpu.memory_space<vmem>> -> memref<1x128xi32, #tpu.memory_space<vmem>>
        %dma_wait3A_1034 = tpu.memref_squeeze %dma_wait3A_1033 : memref<1x128xi32, #tpu.memory_space<vmem>> -> memref<128xi32, #tpu.memory_space<vmem>>
        %dma_wait3A_1035 = arith.constant 0 : i32
        %dma_wait3A_1036 = arith.constant 0 : i32
        %dma_wait3A_1037 = tpu.memref_slice %arg11[%dma_wait3A_1035, %dma_wait3A_1036] : memref<10112x64xf32, #tpu.memory_space<vmem_shared>> -> memref<10112x64xf32, #tpu.memory_space<vmem_shared>>
        tpu.wait_indirect_dma semaphore(%run_scoped3A_1017 : memref<!tpu.dma_semaphore, #tpu.memory_space<semaphore_mem>>) src(%dma_wait3A_1031 : memref<128x64xf32, #tpu.memory_space<vmem>>) dst(%dma_wait3A_1037 : memref<10112x64xf32, #tpu.memory_space<vmem_shared>>)
        tpu.yield
      }) : () -> ()
      %dma_start3A_275 = arith.constant 0 : i32
      %dma_start3A_276 = arith.constant 8 : i32
      %dma_start3A_277 = arith.constant 0 : i32
      %dma_start3A_278 = arith.constant 0 : i32
      %dma_start3A_279 = arith.constant 0 : i32
      %dma_start3A_280 = tpu.memref_slice %arg9[%dma_start3A_277, %dma_start3A_278, %dma_start3A_279] : memref<2x128x64xf32, #tpu.memory_space<vmem>> -> memref<1x128x64xf32, #tpu.memory_space<vmem>>
      %dma_start3A_281 = tpu.memref_squeeze %dma_start3A_280 : memref<1x128x64xf32, #tpu.memory_space<vmem>> -> memref<128x64xf32, #tpu.memory_space<vmem>>
      %dma_start3A_282 = arith.constant 0 : i32
      %dma_start3A_283 = tpu.memref_slice %arg7[%dma_start3A_275, %dma_start3A_276, %dma_start3A_282] : memref<2x16x128xi32, #tpu.memory_space<vmem>> -> memref<1x1x128xi32, #tpu.memory_space<vmem>>
      %dma_start3A_284 = tpu.memref_squeeze %dma_start3A_283 : memref<1x1x128xi32, #tpu.memory_space<vmem>> -> memref<128xi32, #tpu.memory_space<vmem>>
      %dma_start3A_285 = arith.constant 0 : i32
      %dma_start3A_286 = arith.constant 0 : i32
      %dma_start3A_287 = tpu.memref_slice %arg10[%dma_start3A_285, %dma_start3A_286] : memref<10112x64xf32, #tpu.memory_space<vmem_shared>> -> memref<10112x64xf32, #tpu.memory_space<vmem_shared>>
      tpu.enqueue_indirect_dma source(%dma_start3A_287 : memref<10112x64xf32, #tpu.memory_space<vmem_shared>>) target(%dma_start3A_281 : memref<128x64xf32, #tpu.memory_space<vmem>>) offsets(%dma_start3A_284 : memref<128xi32, #tpu.memory_space<vmem>>) semaphore(%arg12 : memref<!tpu.dma_semaphore, #tpu.memory_space<semaphore_mem>>)
      %dma_wait3A_288 = arith.constant 0 : i32
      %dma_wait3A_289 = arith.constant 7 : i32
      %dma_wait3A_290 = arith.constant 1 : i32
      %dma_wait3A_291 = arith.constant 0 : i32
      %dma_wait3A_292 = arith.constant 0 : i32
      %dma_wait3A_293 = tpu.memref_slice %arg9[%dma_wait3A_290, %dma_wait3A_291, %dma_wait3A_292] : memref<2x128x64xf32, #tpu.memory_space<vmem>> -> memref<1x128x64xf32, #tpu.memory_space<vmem>>
      %dma_wait3A_294 = tpu.memref_squeeze %dma_wait3A_293 : memref<1x128x64xf32, #tpu.memory_space<vmem>> -> memref<128x64xf32, #tpu.memory_space<vmem>>
      %dma_wait3A_295 = arith.constant 0 : i32
      %dma_wait3A_296 = tpu.memref_slice %arg7[%dma_wait3A_288, %dma_wait3A_289, %dma_wait3A_295] : memref<2x16x128xi32, #tpu.memory_space<vmem>> -> memref<1x1x128xi32, #tpu.memory_space<vmem>>
      %dma_wait3A_297 = tpu.memref_squeeze %dma_wait3A_296 : memref<1x1x128xi32, #tpu.memory_space<vmem>> -> memref<128xi32, #tpu.memory_space<vmem>>
      %dma_wait3A_298 = arith.constant 0 : i32
      %dma_wait3A_299 = arith.constant 0 : i32
      %dma_wait3A_300 = tpu.memref_slice %arg10[%dma_wait3A_298, %dma_wait3A_299] : memref<10112x64xf32, #tpu.memory_space<vmem_shared>> -> memref<10112x64xf32, #tpu.memory_space<vmem_shared>>
      tpu.wait_indirect_dma semaphore(%arg13 : memref<!tpu.dma_semaphore, #tpu.memory_space<semaphore_mem>>) src(%dma_wait3A_300 : memref<10112x64xf32, #tpu.memory_space<vmem_shared>>) dst(%dma_wait3A_294 : memref<128x64xf32, #tpu.memory_space<vmem>>)
      %add3A_301 = arith.constant 7 : i32
      %add3A_302 = arith.addi %mul3A_46, %add3A_301 : i32
      %run_scoped3A_303 = arith.constant 1 : i32
      "tpu.region"() ({
        %run_scoped3A_1017 = tpu.sem_alloc : memref<!tpu.dma_semaphore, #tpu.memory_space<semaphore_mem>>
        %dma_start3A_1018 = arith.constant 0 : i32
        %dma_start3A_1019 = arith.constant 0 : i32
        %dma_start3A_1020 = tpu.memref_slice %arg9[%run_scoped3A_303, %dma_start3A_1018, %dma_start3A_1019] : memref<2x128x64xf32, #tpu.memory_space<vmem>> -> memref<1x128x64xf32, #tpu.memory_space<vmem>>
        %dma_start3A_1021 = tpu.memref_squeeze %dma_start3A_1020 : memref<1x128x64xf32, #tpu.memory_space<vmem>> -> memref<128x64xf32, #tpu.memory_space<vmem>>
        %dma_start3A_1022 = arith.constant 0 : i32
        %dma_start3A_1023 = tpu.memref_slice %arg8[%add3A_302, %dma_start3A_1022] : memref<160x128xi32, #tpu.memory_space<vmem>> -> memref<1x128xi32, #tpu.memory_space<vmem>>
        %dma_start3A_1024 = tpu.memref_squeeze %dma_start3A_1023 : memref<1x128xi32, #tpu.memory_space<vmem>> -> memref<128xi32, #tpu.memory_space<vmem>>
        %dma_start3A_1025 = arith.constant 0 : i32
        %dma_start3A_1026 = arith.constant 0 : i32
        %dma_start3A_1027 = tpu.memref_slice %arg11[%dma_start3A_1025, %dma_start3A_1026] : memref<10112x64xf32, #tpu.memory_space<vmem_shared>> -> memref<10112x64xf32, #tpu.memory_space<vmem_shared>>
        tpu.enqueue_indirect_dma source(%dma_start3A_1021 : memref<128x64xf32, #tpu.memory_space<vmem>>) target(%dma_start3A_1027 : memref<10112x64xf32, #tpu.memory_space<vmem_shared>>) offsets(%dma_start3A_1024 : memref<128xi32, #tpu.memory_space<vmem>>) semaphore(%run_scoped3A_1017 : memref<!tpu.dma_semaphore, #tpu.memory_space<semaphore_mem>>) {add = true}
        %dma_wait3A_1028 = arith.constant 0 : i32
        %dma_wait3A_1029 = arith.constant 0 : i32
        %dma_wait3A_1030 = tpu.memref_slice %arg9[%run_scoped3A_303, %dma_wait3A_1028, %dma_wait3A_1029] : memref<2x128x64xf32, #tpu.memory_space<vmem>> -> memref<1x128x64xf32, #tpu.memory_space<vmem>>
        %dma_wait3A_1031 = tpu.memref_squeeze %dma_wait3A_1030 : memref<1x128x64xf32, #tpu.memory_space<vmem>> -> memref<128x64xf32, #tpu.memory_space<vmem>>
        %dma_wait3A_1032 = arith.constant 0 : i32
        %dma_wait3A_1033 = tpu.memref_slice %arg8[%add3A_302, %dma_wait3A_1032] : memref<160x128xi32, #tpu.memory_space<vmem>> -> memref<1x128xi32, #tpu.memory_space<vmem>>
        %dma_wait3A_1034 = tpu.memref_squeeze %dma_wait3A_1033 : memref<1x128xi32, #tpu.memory_space<vmem>> -> memref<128xi32, #tpu.memory_space<vmem>>
        %dma_wait3A_1035 = arith.constant 0 : i32
        %dma_wait3A_1036 = arith.constant 0 : i32
        %dma_wait3A_1037 = tpu.memref_slice %arg11[%dma_wait3A_1035, %dma_wait3A_1036] : memref<10112x64xf32, #tpu.memory_space<vmem_shared>> -> memref<10112x64xf32, #tpu.memory_space<vmem_shared>>
        tpu.wait_indirect_dma semaphore(%run_scoped3A_1017 : memref<!tpu.dma_semaphore, #tpu.memory_space<semaphore_mem>>) src(%dma_wait3A_1031 : memref<128x64xf32, #tpu.memory_space<vmem>>) dst(%dma_wait3A_1037 : memref<10112x64xf32, #tpu.memory_space<vmem_shared>>)
        tpu.yield
      }) : () -> ()
      %dma_start3A_304 = arith.constant 0 : i32
      %dma_start3A_305 = arith.constant 9 : i32
      %dma_start3A_306 = arith.constant 1 : i32
      %dma_start3A_307 = arith.constant 0 : i32
      %dma_start3A_308 = arith.constant 0 : i32
      %dma_start3A_309 = tpu.memref_slice %arg9[%dma_start3A_306, %dma_start3A_307, %dma_start3A_308] : memref<2x128x64xf32, #tpu.memory_space<vmem>> -> memref<1x128x64xf32, #tpu.memory_space<vmem>>
      %dma_start3A_310 = tpu.memref_squeeze %dma_start3A_309 : memref<1x128x64xf32, #tpu.memory_space<vmem>> -> memref<128x64xf32, #tpu.memory_space<vmem>>
      %dma_start3A_311 = arith.constant 0 : i32
      %dma_start3A_312 = tpu.memref_slice %arg7[%dma_start3A_304, %dma_start3A_305, %dma_start3A_311] : memref<2x16x128xi32, #tpu.memory_space<vmem>> -> memref<1x1x128xi32, #tpu.memory_space<vmem>>
      %dma_start3A_313 = tpu.memref_squeeze %dma_start3A_312 : memref<1x1x128xi32, #tpu.memory_space<vmem>> -> memref<128xi32, #tpu.memory_space<vmem>>
      %dma_start3A_314 = arith.constant 0 : i32
      %dma_start3A_315 = arith.constant 0 : i32
      %dma_start3A_316 = tpu.memref_slice %arg10[%dma_start3A_314, %dma_start3A_315] : memref<10112x64xf32, #tpu.memory_space<vmem_shared>> -> memref<10112x64xf32, #tpu.memory_space<vmem_shared>>
      tpu.enqueue_indirect_dma source(%dma_start3A_316 : memref<10112x64xf32, #tpu.memory_space<vmem_shared>>) target(%dma_start3A_310 : memref<128x64xf32, #tpu.memory_space<vmem>>) offsets(%dma_start3A_313 : memref<128xi32, #tpu.memory_space<vmem>>) semaphore(%arg13 : memref<!tpu.dma_semaphore, #tpu.memory_space<semaphore_mem>>)
      %dma_wait3A_317 = arith.constant 0 : i32
      %dma_wait3A_318 = arith.constant 8 : i32
      %dma_wait3A_319 = arith.constant 0 : i32
      %dma_wait3A_320 = arith.constant 0 : i32
      %dma_wait3A_321 = arith.constant 0 : i32
      %dma_wait3A_322 = tpu.memref_slice %arg9[%dma_wait3A_319, %dma_wait3A_320, %dma_wait3A_321] : memref<2x128x64xf32, #tpu.memory_space<vmem>> -> memref<1x128x64xf32, #tpu.memory_space<vmem>>
      %dma_wait3A_323 = tpu.memref_squeeze %dma_wait3A_322 : memref<1x128x64xf32, #tpu.memory_space<vmem>> -> memref<128x64xf32, #tpu.memory_space<vmem>>
      %dma_wait3A_324 = arith.constant 0 : i32
      %dma_wait3A_325 = tpu.memref_slice %arg7[%dma_wait3A_317, %dma_wait3A_318, %dma_wait3A_324] : memref<2x16x128xi32, #tpu.memory_space<vmem>> -> memref<1x1x128xi32, #tpu.memory_space<vmem>>
      %dma_wait3A_326 = tpu.memref_squeeze %dma_wait3A_325 : memref<1x1x128xi32, #tpu.memory_space<vmem>> -> memref<128xi32, #tpu.memory_space<vmem>>
      %dma_wait3A_327 = arith.constant 0 : i32
      %dma_wait3A_328 = arith.constant 0 : i32
      %dma_wait3A_329 = tpu.memref_slice %arg10[%dma_wait3A_327, %dma_wait3A_328] : memref<10112x64xf32, #tpu.memory_space<vmem_shared>> -> memref<10112x64xf32, #tpu.memory_space<vmem_shared>>
      tpu.wait_indirect_dma semaphore(%arg12 : memref<!tpu.dma_semaphore, #tpu.memory_space<semaphore_mem>>) src(%dma_wait3A_329 : memref<10112x64xf32, #tpu.memory_space<vmem_shared>>) dst(%dma_wait3A_323 : memref<128x64xf32, #tpu.memory_space<vmem>>)
      %add3A_330 = arith.constant 8 : i32
      %add3A_331 = arith.addi %mul3A_46, %add3A_330 : i32
      %run_scoped3A_332 = arith.constant 0 : i32
      "tpu.region"() ({
        %run_scoped3A_1017 = tpu.sem_alloc : memref<!tpu.dma_semaphore, #tpu.memory_space<semaphore_mem>>
        %dma_start3A_1018 = arith.constant 0 : i32
        %dma_start3A_1019 = arith.constant 0 : i32
        %dma_start3A_1020 = tpu.memref_slice %arg9[%run_scoped3A_332, %dma_start3A_1018, %dma_start3A_1019] : memref<2x128x64xf32, #tpu.memory_space<vmem>> -> memref<1x128x64xf32, #tpu.memory_space<vmem>>
        %dma_start3A_1021 = tpu.memref_squeeze %dma_start3A_1020 : memref<1x128x64xf32, #tpu.memory_space<vmem>> -> memref<128x64xf32, #tpu.memory_space<vmem>>
        %dma_start3A_1022 = arith.constant 0 : i32
        %dma_start3A_1023 = tpu.memref_slice %arg8[%add3A_331, %dma_start3A_1022] : memref<160x128xi32, #tpu.memory_space<vmem>> -> memref<1x128xi32, #tpu.memory_space<vmem>>
        %dma_start3A_1024 = tpu.memref_squeeze %dma_start3A_1023 : memref<1x128xi32, #tpu.memory_space<vmem>> -> memref<128xi32, #tpu.memory_space<vmem>>
        %dma_start3A_1025 = arith.constant 0 : i32
        %dma_start3A_1026 = arith.constant 0 : i32
        %dma_start3A_1027 = tpu.memref_slice %arg11[%dma_start3A_1025, %dma_start3A_1026] : memref<10112x64xf32, #tpu.memory_space<vmem_shared>> -> memref<10112x64xf32, #tpu.memory_space<vmem_shared>>
        tpu.enqueue_indirect_dma source(%dma_start3A_1021 : memref<128x64xf32, #tpu.memory_space<vmem>>) target(%dma_start3A_1027 : memref<10112x64xf32, #tpu.memory_space<vmem_shared>>) offsets(%dma_start3A_1024 : memref<128xi32, #tpu.memory_space<vmem>>) semaphore(%run_scoped3A_1017 : memref<!tpu.dma_semaphore, #tpu.memory_space<semaphore_mem>>) {add = true}
        %dma_wait3A_1028 = arith.constant 0 : i32
        %dma_wait3A_1029 = arith.constant 0 : i32
        %dma_wait3A_1030 = tpu.memref_slice %arg9[%run_scoped3A_332, %dma_wait3A_1028, %dma_wait3A_1029] : memref<2x128x64xf32, #tpu.memory_space<vmem>> -> memref<1x128x64xf32, #tpu.memory_space<vmem>>
        %dma_wait3A_1031 = tpu.memref_squeeze %dma_wait3A_1030 : memref<1x128x64xf32, #tpu.memory_space<vmem>> -> memref<128x64xf32, #tpu.memory_space<vmem>>
        %dma_wait3A_1032 = arith.constant 0 : i32
        %dma_wait3A_1033 = tpu.memref_slice %arg8[%add3A_331, %dma_wait3A_1032] : memref<160x128xi32, #tpu.memory_space<vmem>> -> memref<1x128xi32, #tpu.memory_space<vmem>>
        %dma_wait3A_1034 = tpu.memref_squeeze %dma_wait3A_1033 : memref<1x128xi32, #tpu.memory_space<vmem>> -> memref<128xi32, #tpu.memory_space<vmem>>
        %dma_wait3A_1035 = arith.constant 0 : i32
        %dma_wait3A_1036 = arith.constant 0 : i32
        %dma_wait3A_1037 = tpu.memref_slice %arg11[%dma_wait3A_1035, %dma_wait3A_1036] : memref<10112x64xf32, #tpu.memory_space<vmem_shared>> -> memref<10112x64xf32, #tpu.memory_space<vmem_shared>>
        tpu.wait_indirect_dma semaphore(%run_scoped3A_1017 : memref<!tpu.dma_semaphore, #tpu.memory_space<semaphore_mem>>) src(%dma_wait3A_1031 : memref<128x64xf32, #tpu.memory_space<vmem>>) dst(%dma_wait3A_1037 : memref<10112x64xf32, #tpu.memory_space<vmem_shared>>)
        tpu.yield
      }) : () -> ()
      %dma_start3A_333 = arith.constant 0 : i32
      %dma_start3A_334 = arith.constant 10 : i32
      %dma_start3A_335 = arith.constant 0 : i32
      %dma_start3A_336 = arith.constant 0 : i32
      %dma_start3A_337 = arith.constant 0 : i32
      %dma_start3A_338 = tpu.memref_slice %arg9[%dma_start3A_335, %dma_start3A_336, %dma_start3A_337] : memref<2x128x64xf32, #tpu.memory_space<vmem>> -> memref<1x128x64xf32, #tpu.memory_space<vmem>>
      %dma_start3A_339 = tpu.memref_squeeze %dma_start3A_338 : memref<1x128x64xf32, #tpu.memory_space<vmem>> -> memref<128x64xf32, #tpu.memory_space<vmem>>
      %dma_start3A_340 = arith.constant 0 : i32
      %dma_start3A_341 = tpu.memref_slice %arg7[%dma_start3A_333, %dma_start3A_334, %dma_start3A_340] : memref<2x16x128xi32, #tpu.memory_space<vmem>> -> memref<1x1x128xi32, #tpu.memory_space<vmem>>
      %dma_start3A_342 = tpu.memref_squeeze %dma_start3A_341 : memref<1x1x128xi32, #tpu.memory_space<vmem>> -> memref<128xi32, #tpu.memory_space<vmem>>
      %dma_start3A_343 = arith.constant 0 : i32
      %dma_start3A_344 = arith.constant 0 : i32
      %dma_start3A_345 = tpu.memref_slice %arg10[%dma_start3A_343, %dma_start3A_344] : memref<10112x64xf32, #tpu.memory_space<vmem_shared>> -> memref<10112x64xf32, #tpu.memory_space<vmem_shared>>
      tpu.enqueue_indirect_dma source(%dma_start3A_345 : memref<10112x64xf32, #tpu.memory_space<vmem_shared>>) target(%dma_start3A_339 : memref<128x64xf32, #tpu.memory_space<vmem>>) offsets(%dma_start3A_342 : memref<128xi32, #tpu.memory_space<vmem>>) semaphore(%arg12 : memref<!tpu.dma_semaphore, #tpu.memory_space<semaphore_mem>>)
      %dma_wait3A_346 = arith.constant 0 : i32
      %dma_wait3A_347 = arith.constant 9 : i32
      %dma_wait3A_348 = arith.constant 1 : i32
      %dma_wait3A_349 = arith.constant 0 : i32
      %dma_wait3A_350 = arith.constant 0 : i32
      %dma_wait3A_351 = tpu.memref_slice %arg9[%dma_wait3A_348, %dma_wait3A_349, %dma_wait3A_350] : memref<2x128x64xf32, #tpu.memory_space<vmem>> -> memref<1x128x64xf32, #tpu.memory_space<vmem>>
      %dma_wait3A_352 = tpu.memref_squeeze %dma_wait3A_351 : memref<1x128x64xf32, #tpu.memory_space<vmem>> -> memref<128x64xf32, #tpu.memory_space<vmem>>
      %dma_wait3A_353 = arith.constant 0 : i32
      %dma_wait3A_354 = tpu.memref_slice %arg7[%dma_wait3A_346, %dma_wait3A_347, %dma_wait3A_353] : memref<2x16x128xi32, #tpu.memory_space<vmem>> -> memref<1x1x128xi32, #tpu.memory_space<vmem>>
      %dma_wait3A_355 = tpu.memref_squeeze %dma_wait3A_354 : memref<1x1x128xi32, #tpu.memory_space<vmem>> -> memref<128xi32, #tpu.memory_space<vmem>>
      %dma_wait3A_356 = arith.constant 0 : i32
      %dma_wait3A_357 = arith.constant 0 : i32
      %dma_wait3A_358 = tpu.memref_slice %arg10[%dma_wait3A_356, %dma_wait3A_357] : memref<10112x64xf32, #tpu.memory_space<vmem_shared>> -> memref<10112x64xf32, #tpu.memory_space<vmem_shared>>
      tpu.wait_indirect_dma semaphore(%arg13 : memref<!tpu.dma_semaphore, #tpu.memory_space<semaphore_mem>>) src(%dma_wait3A_358 : memref<10112x64xf32, #tpu.memory_space<vmem_shared>>) dst(%dma_wait3A_352 : memref<128x64xf32, #tpu.memory_space<vmem>>)
      %add3A_359 = arith.constant 9 : i32
      %add3A_360 = arith.addi %mul3A_46, %add3A_359 : i32
      %run_scoped3A_361 = arith.constant 1 : i32
      "tpu.region"() ({
        %run_scoped3A_1017 = tpu.sem_alloc : memref<!tpu.dma_semaphore, #tpu.memory_space<semaphore_mem>>
        %dma_start3A_1018 = arith.constant 0 : i32
        %dma_start3A_1019 = arith.constant 0 : i32
        %dma_start3A_1020 = tpu.memref_slice %arg9[%run_scoped3A_361, %dma_start3A_1018, %dma_start3A_1019] : memref<2x128x64xf32, #tpu.memory_space<vmem>> -> memref<1x128x64xf32, #tpu.memory_space<vmem>>
        %dma_start3A_1021 = tpu.memref_squeeze %dma_start3A_1020 : memref<1x128x64xf32, #tpu.memory_space<vmem>> -> memref<128x64xf32, #tpu.memory_space<vmem>>
        %dma_start3A_1022 = arith.constant 0 : i32
        %dma_start3A_1023 = tpu.memref_slice %arg8[%add3A_360, %dma_start3A_1022] : memref<160x128xi32, #tpu.memory_space<vmem>> -> memref<1x128xi32, #tpu.memory_space<vmem>>
        %dma_start3A_1024 = tpu.memref_squeeze %dma_start3A_1023 : memref<1x128xi32, #tpu.memory_space<vmem>> -> memref<128xi32, #tpu.memory_space<vmem>>
        %dma_start3A_1025 = arith.constant 0 : i32
        %dma_start3A_1026 = arith.constant 0 : i32
        %dma_start3A_1027 = tpu.memref_slice %arg11[%dma_start3A_1025, %dma_start3A_1026] : memref<10112x64xf32, #tpu.memory_space<vmem_shared>> -> memref<10112x64xf32, #tpu.memory_space<vmem_shared>>
        tpu.enqueue_indirect_dma source(%dma_start3A_1021 : memref<128x64xf32, #tpu.memory_space<vmem>>) target(%dma_start3A_1027 : memref<10112x64xf32, #tpu.memory_space<vmem_shared>>) offsets(%dma_start3A_1024 : memref<128xi32, #tpu.memory_space<vmem>>) semaphore(%run_scoped3A_1017 : memref<!tpu.dma_semaphore, #tpu.memory_space<semaphore_mem>>) {add = true}
        %dma_wait3A_1028 = arith.constant 0 : i32
        %dma_wait3A_1029 = arith.constant 0 : i32
        %dma_wait3A_1030 = tpu.memref_slice %arg9[%run_scoped3A_361, %dma_wait3A_1028, %dma_wait3A_1029] : memref<2x128x64xf32, #tpu.memory_space<vmem>> -> memref<1x128x64xf32, #tpu.memory_space<vmem>>
        %dma_wait3A_1031 = tpu.memref_squeeze %dma_wait3A_1030 : memref<1x128x64xf32, #tpu.memory_space<vmem>> -> memref<128x64xf32, #tpu.memory_space<vmem>>
        %dma_wait3A_1032 = arith.constant 0 : i32
        %dma_wait3A_1033 = tpu.memref_slice %arg8[%add3A_360, %dma_wait3A_1032] : memref<160x128xi32, #tpu.memory_space<vmem>> -> memref<1x128xi32, #tpu.memory_space<vmem>>
        %dma_wait3A_1034 = tpu.memref_squeeze %dma_wait3A_1033 : memref<1x128xi32, #tpu.memory_space<vmem>> -> memref<128xi32, #tpu.memory_space<vmem>>
        %dma_wait3A_1035 = arith.constant 0 : i32
        %dma_wait3A_1036 = arith.constant 0 : i32
        %dma_wait3A_1037 = tpu.memref_slice %arg11[%dma_wait3A_1035, %dma_wait3A_1036] : memref<10112x64xf32, #tpu.memory_space<vmem_shared>> -> memref<10112x64xf32, #tpu.memory_space<vmem_shared>>
        tpu.wait_indirect_dma semaphore(%run_scoped3A_1017 : memref<!tpu.dma_semaphore, #tpu.memory_space<semaphore_mem>>) src(%dma_wait3A_1031 : memref<128x64xf32, #tpu.memory_space<vmem>>) dst(%dma_wait3A_1037 : memref<10112x64xf32, #tpu.memory_space<vmem_shared>>)
        tpu.yield
      }) : () -> ()
      %dma_start3A_362 = arith.constant 0 : i32
      %dma_start3A_363 = arith.constant 11 : i32
      %dma_start3A_364 = arith.constant 1 : i32
      %dma_start3A_365 = arith.constant 0 : i32
      %dma_start3A_366 = arith.constant 0 : i32
      %dma_start3A_367 = tpu.memref_slice %arg9[%dma_start3A_364, %dma_start3A_365, %dma_start3A_366] : memref<2x128x64xf32, #tpu.memory_space<vmem>> -> memref<1x128x64xf32, #tpu.memory_space<vmem>>
      %dma_start3A_368 = tpu.memref_squeeze %dma_start3A_367 : memref<1x128x64xf32, #tpu.memory_space<vmem>> -> memref<128x64xf32, #tpu.memory_space<vmem>>
      %dma_start3A_369 = arith.constant 0 : i32
      %dma_start3A_370 = tpu.memref_slice %arg7[%dma_start3A_362, %dma_start3A_363, %dma_start3A_369] : memref<2x16x128xi32, #tpu.memory_space<vmem>> -> memref<1x1x128xi32, #tpu.memory_space<vmem>>
      %dma_start3A_371 = tpu.memref_squeeze %dma_start3A_370 : memref<1x1x128xi32, #tpu.memory_space<vmem>> -> memref<128xi32, #tpu.memory_space<vmem>>
      %dma_start3A_372 = arith.constant 0 : i32
      %dma_start3A_373 = arith.constant 0 : i32
      %dma_start3A_374 = tpu.memref_slice %arg10[%dma_start3A_372, %dma_start3A_373] : memref<10112x64xf32, #tpu.memory_space<vmem_shared>> -> memref<10112x64xf32, #tpu.memory_space<vmem_shared>>
      tpu.enqueue_indirect_dma source(%dma_start3A_374 : memref<10112x64xf32, #tpu.memory_space<vmem_shared>>) target(%dma_start3A_368 : memref<128x64xf32, #tpu.memory_space<vmem>>) offsets(%dma_start3A_371 : memref<128xi32, #tpu.memory_space<vmem>>) semaphore(%arg13 : memref<!tpu.dma_semaphore, #tpu.memory_space<semaphore_mem>>)
      %dma_wait3A_375 = arith.constant 0 : i32
      %dma_wait3A_376 = arith.constant 10 : i32
      %dma_wait3A_377 = arith.constant 0 : i32
      %dma_wait3A_378 = arith.constant 0 : i32
      %dma_wait3A_379 = arith.constant 0 : i32
      %dma_wait3A_380 = tpu.memref_slice %arg9[%dma_wait3A_377, %dma_wait3A_378, %dma_wait3A_379] : memref<2x128x64xf32, #tpu.memory_space<vmem>> -> memref<1x128x64xf32, #tpu.memory_space<vmem>>
      %dma_wait3A_381 = tpu.memref_squeeze %dma_wait3A_380 : memref<1x128x64xf32, #tpu.memory_space<vmem>> -> memref<128x64xf32, #tpu.memory_space<vmem>>
      %dma_wait3A_382 = arith.constant 0 : i32
      %dma_wait3A_383 = tpu.memref_slice %arg7[%dma_wait3A_375, %dma_wait3A_376, %dma_wait3A_382] : memref<2x16x128xi32, #tpu.memory_space<vmem>> -> memref<1x1x128xi32, #tpu.memory_space<vmem>>
      %dma_wait3A_384 = tpu.memref_squeeze %dma_wait3A_383 : memref<1x1x128xi32, #tpu.memory_space<vmem>> -> memref<128xi32, #tpu.memory_space<vmem>>
      %dma_wait3A_385 = arith.constant 0 : i32
      %dma_wait3A_386 = arith.constant 0 : i32
      %dma_wait3A_387 = tpu.memref_slice %arg10[%dma_wait3A_385, %dma_wait3A_386] : memref<10112x64xf32, #tpu.memory_space<vmem_shared>> -> memref<10112x64xf32, #tpu.memory_space<vmem_shared>>
      tpu.wait_indirect_dma semaphore(%arg12 : memref<!tpu.dma_semaphore, #tpu.memory_space<semaphore_mem>>) src(%dma_wait3A_387 : memref<10112x64xf32, #tpu.memory_space<vmem_shared>>) dst(%dma_wait3A_381 : memref<128x64xf32, #tpu.memory_space<vmem>>)
      %add3A_388 = arith.constant 10 : i32
      %add3A_389 = arith.addi %mul3A_46, %add3A_388 : i32
      %run_scoped3A_390 = arith.constant 0 : i32
      "tpu.region"() ({
        %run_scoped3A_1017 = tpu.sem_alloc : memref<!tpu.dma_semaphore, #tpu.memory_space<semaphore_mem>>
        %dma_start3A_1018 = arith.constant 0 : i32
        %dma_start3A_1019 = arith.constant 0 : i32
        %dma_start3A_1020 = tpu.memref_slice %arg9[%run_scoped3A_390, %dma_start3A_1018, %dma_start3A_1019] : memref<2x128x64xf32, #tpu.memory_space<vmem>> -> memref<1x128x64xf32, #tpu.memory_space<vmem>>
        %dma_start3A_1021 = tpu.memref_squeeze %dma_start3A_1020 : memref<1x128x64xf32, #tpu.memory_space<vmem>> -> memref<128x64xf32, #tpu.memory_space<vmem>>
        %dma_start3A_1022 = arith.constant 0 : i32
        %dma_start3A_1023 = tpu.memref_slice %arg8[%add3A_389, %dma_start3A_1022] : memref<160x128xi32, #tpu.memory_space<vmem>> -> memref<1x128xi32, #tpu.memory_space<vmem>>
        %dma_start3A_1024 = tpu.memref_squeeze %dma_start3A_1023 : memref<1x128xi32, #tpu.memory_space<vmem>> -> memref<128xi32, #tpu.memory_space<vmem>>
        %dma_start3A_1025 = arith.constant 0 : i32
        %dma_start3A_1026 = arith.constant 0 : i32
        %dma_start3A_1027 = tpu.memref_slice %arg11[%dma_start3A_1025, %dma_start3A_1026] : memref<10112x64xf32, #tpu.memory_space<vmem_shared>> -> memref<10112x64xf32, #tpu.memory_space<vmem_shared>>
        tpu.enqueue_indirect_dma source(%dma_start3A_1021 : memref<128x64xf32, #tpu.memory_space<vmem>>) target(%dma_start3A_1027 : memref<10112x64xf32, #tpu.memory_space<vmem_shared>>) offsets(%dma_start3A_1024 : memref<128xi32, #tpu.memory_space<vmem>>) semaphore(%run_scoped3A_1017 : memref<!tpu.dma_semaphore, #tpu.memory_space<semaphore_mem>>) {add = true}
        %dma_wait3A_1028 = arith.constant 0 : i32
        %dma_wait3A_1029 = arith.constant 0 : i32
        %dma_wait3A_1030 = tpu.memref_slice %arg9[%run_scoped3A_390, %dma_wait3A_1028, %dma_wait3A_1029] : memref<2x128x64xf32, #tpu.memory_space<vmem>> -> memref<1x128x64xf32, #tpu.memory_space<vmem>>
        %dma_wait3A_1031 = tpu.memref_squeeze %dma_wait3A_1030 : memref<1x128x64xf32, #tpu.memory_space<vmem>> -> memref<128x64xf32, #tpu.memory_space<vmem>>
        %dma_wait3A_1032 = arith.constant 0 : i32
        %dma_wait3A_1033 = tpu.memref_slice %arg8[%add3A_389, %dma_wait3A_1032] : memref<160x128xi32, #tpu.memory_space<vmem>> -> memref<1x128xi32, #tpu.memory_space<vmem>>
        %dma_wait3A_1034 = tpu.memref_squeeze %dma_wait3A_1033 : memref<1x128xi32, #tpu.memory_space<vmem>> -> memref<128xi32, #tpu.memory_space<vmem>>
        %dma_wait3A_1035 = arith.constant 0 : i32
        %dma_wait3A_1036 = arith.constant 0 : i32
        %dma_wait3A_1037 = tpu.memref_slice %arg11[%dma_wait3A_1035, %dma_wait3A_1036] : memref<10112x64xf32, #tpu.memory_space<vmem_shared>> -> memref<10112x64xf32, #tpu.memory_space<vmem_shared>>
        tpu.wait_indirect_dma semaphore(%run_scoped3A_1017 : memref<!tpu.dma_semaphore, #tpu.memory_space<semaphore_mem>>) src(%dma_wait3A_1031 : memref<128x64xf32, #tpu.memory_space<vmem>>) dst(%dma_wait3A_1037 : memref<10112x64xf32, #tpu.memory_space<vmem_shared>>)
        tpu.yield
      }) : () -> ()
      %dma_start3A_391 = arith.constant 0 : i32
      %dma_start3A_392 = arith.constant 12 : i32
      %dma_start3A_393 = arith.constant 0 : i32
      %dma_start3A_394 = arith.constant 0 : i32
      %dma_start3A_395 = arith.constant 0 : i32
      %dma_start3A_396 = tpu.memref_slice %arg9[%dma_start3A_393, %dma_start3A_394, %dma_start3A_395] : memref<2x128x64xf32, #tpu.memory_space<vmem>> -> memref<1x128x64xf32, #tpu.memory_space<vmem>>
      %dma_start3A_397 = tpu.memref_squeeze %dma_start3A_396 : memref<1x128x64xf32, #tpu.memory_space<vmem>> -> memref<128x64xf32, #tpu.memory_space<vmem>>
      %dma_start3A_398 = arith.constant 0 : i32
      %dma_start3A_399 = tpu.memref_slice %arg7[%dma_start3A_391, %dma_start3A_392, %dma_start3A_398] : memref<2x16x128xi32, #tpu.memory_space<vmem>> -> memref<1x1x128xi32, #tpu.memory_space<vmem>>
      %dma_start3A_400 = tpu.memref_squeeze %dma_start3A_399 : memref<1x1x128xi32, #tpu.memory_space<vmem>> -> memref<128xi32, #tpu.memory_space<vmem>>
      %dma_start3A_401 = arith.constant 0 : i32
      %dma_start3A_402 = arith.constant 0 : i32
      %dma_start3A_403 = tpu.memref_slice %arg10[%dma_start3A_401, %dma_start3A_402] : memref<10112x64xf32, #tpu.memory_space<vmem_shared>> -> memref<10112x64xf32, #tpu.memory_space<vmem_shared>>
      tpu.enqueue_indirect_dma source(%dma_start3A_403 : memref<10112x64xf32, #tpu.memory_space<vmem_shared>>) target(%dma_start3A_397 : memref<128x64xf32, #tpu.memory_space<vmem>>) offsets(%dma_start3A_400 : memref<128xi32, #tpu.memory_space<vmem>>) semaphore(%arg12 : memref<!tpu.dma_semaphore, #tpu.memory_space<semaphore_mem>>)
      %dma_wait3A_404 = arith.constant 0 : i32
      %dma_wait3A_405 = arith.constant 11 : i32
      %dma_wait3A_406 = arith.constant 1 : i32
      %dma_wait3A_407 = arith.constant 0 : i32
      %dma_wait3A_408 = arith.constant 0 : i32
      %dma_wait3A_409 = tpu.memref_slice %arg9[%dma_wait3A_406, %dma_wait3A_407, %dma_wait3A_408] : memref<2x128x64xf32, #tpu.memory_space<vmem>> -> memref<1x128x64xf32, #tpu.memory_space<vmem>>
      %dma_wait3A_410 = tpu.memref_squeeze %dma_wait3A_409 : memref<1x128x64xf32, #tpu.memory_space<vmem>> -> memref<128x64xf32, #tpu.memory_space<vmem>>
      %dma_wait3A_411 = arith.constant 0 : i32
      %dma_wait3A_412 = tpu.memref_slice %arg7[%dma_wait3A_404, %dma_wait3A_405, %dma_wait3A_411] : memref<2x16x128xi32, #tpu.memory_space<vmem>> -> memref<1x1x128xi32, #tpu.memory_space<vmem>>
      %dma_wait3A_413 = tpu.memref_squeeze %dma_wait3A_412 : memref<1x1x128xi32, #tpu.memory_space<vmem>> -> memref<128xi32, #tpu.memory_space<vmem>>
      %dma_wait3A_414 = arith.constant 0 : i32
      %dma_wait3A_415 = arith.constant 0 : i32
      %dma_wait3A_416 = tpu.memref_slice %arg10[%dma_wait3A_414, %dma_wait3A_415] : memref<10112x64xf32, #tpu.memory_space<vmem_shared>> -> memref<10112x64xf32, #tpu.memory_space<vmem_shared>>
      tpu.wait_indirect_dma semaphore(%arg13 : memref<!tpu.dma_semaphore, #tpu.memory_space<semaphore_mem>>) src(%dma_wait3A_416 : memref<10112x64xf32, #tpu.memory_space<vmem_shared>>) dst(%dma_wait3A_410 : memref<128x64xf32, #tpu.memory_space<vmem>>)
      %add3A_417 = arith.constant 11 : i32
      %add3A_418 = arith.addi %mul3A_46, %add3A_417 : i32
      %run_scoped3A_419 = arith.constant 1 : i32
      "tpu.region"() ({
        %run_scoped3A_1017 = tpu.sem_alloc : memref<!tpu.dma_semaphore, #tpu.memory_space<semaphore_mem>>
        %dma_start3A_1018 = arith.constant 0 : i32
        %dma_start3A_1019 = arith.constant 0 : i32
        %dma_start3A_1020 = tpu.memref_slice %arg9[%run_scoped3A_419, %dma_start3A_1018, %dma_start3A_1019] : memref<2x128x64xf32, #tpu.memory_space<vmem>> -> memref<1x128x64xf32, #tpu.memory_space<vmem>>
        %dma_start3A_1021 = tpu.memref_squeeze %dma_start3A_1020 : memref<1x128x64xf32, #tpu.memory_space<vmem>> -> memref<128x64xf32, #tpu.memory_space<vmem>>
        %dma_start3A_1022 = arith.constant 0 : i32
        %dma_start3A_1023 = tpu.memref_slice %arg8[%add3A_418, %dma_start3A_1022] : memref<160x128xi32, #tpu.memory_space<vmem>> -> memref<1x128xi32, #tpu.memory_space<vmem>>
        %dma_start3A_1024 = tpu.memref_squeeze %dma_start3A_1023 : memref<1x128xi32, #tpu.memory_space<vmem>> -> memref<128xi32, #tpu.memory_space<vmem>>
        %dma_start3A_1025 = arith.constant 0 : i32
        %dma_start3A_1026 = arith.constant 0 : i32
        %dma_start3A_1027 = tpu.memref_slice %arg11[%dma_start3A_1025, %dma_start3A_1026] : memref<10112x64xf32, #tpu.memory_space<vmem_shared>> -> memref<10112x64xf32, #tpu.memory_space<vmem_shared>>
        tpu.enqueue_indirect_dma source(%dma_start3A_1021 : memref<128x64xf32, #tpu.memory_space<vmem>>) target(%dma_start3A_1027 : memref<10112x64xf32, #tpu.memory_space<vmem_shared>>) offsets(%dma_start3A_1024 : memref<128xi32, #tpu.memory_space<vmem>>) semaphore(%run_scoped3A_1017 : memref<!tpu.dma_semaphore, #tpu.memory_space<semaphore_mem>>) {add = true}
        %dma_wait3A_1028 = arith.constant 0 : i32
        %dma_wait3A_1029 = arith.constant 0 : i32
        %dma_wait3A_1030 = tpu.memref_slice %arg9[%run_scoped3A_419, %dma_wait3A_1028, %dma_wait3A_1029] : memref<2x128x64xf32, #tpu.memory_space<vmem>> -> memref<1x128x64xf32, #tpu.memory_space<vmem>>
        %dma_wait3A_1031 = tpu.memref_squeeze %dma_wait3A_1030 : memref<1x128x64xf32, #tpu.memory_space<vmem>> -> memref<128x64xf32, #tpu.memory_space<vmem>>
        %dma_wait3A_1032 = arith.constant 0 : i32
        %dma_wait3A_1033 = tpu.memref_slice %arg8[%add3A_418, %dma_wait3A_1032] : memref<160x128xi32, #tpu.memory_space<vmem>> -> memref<1x128xi32, #tpu.memory_space<vmem>>
        %dma_wait3A_1034 = tpu.memref_squeeze %dma_wait3A_1033 : memref<1x128xi32, #tpu.memory_space<vmem>> -> memref<128xi32, #tpu.memory_space<vmem>>
        %dma_wait3A_1035 = arith.constant 0 : i32
        %dma_wait3A_1036 = arith.constant 0 : i32
        %dma_wait3A_1037 = tpu.memref_slice %arg11[%dma_wait3A_1035, %dma_wait3A_1036] : memref<10112x64xf32, #tpu.memory_space<vmem_shared>> -> memref<10112x64xf32, #tpu.memory_space<vmem_shared>>
        tpu.wait_indirect_dma semaphore(%run_scoped3A_1017 : memref<!tpu.dma_semaphore, #tpu.memory_space<semaphore_mem>>) src(%dma_wait3A_1031 : memref<128x64xf32, #tpu.memory_space<vmem>>) dst(%dma_wait3A_1037 : memref<10112x64xf32, #tpu.memory_space<vmem_shared>>)
        tpu.yield
      }) : () -> ()
      %dma_start3A_420 = arith.constant 0 : i32
      %dma_start3A_421 = arith.constant 13 : i32
      %dma_start3A_422 = arith.constant 1 : i32
      %dma_start3A_423 = arith.constant 0 : i32
      %dma_start3A_424 = arith.constant 0 : i32
      %dma_start3A_425 = tpu.memref_slice %arg9[%dma_start3A_422, %dma_start3A_423, %dma_start3A_424] : memref<2x128x64xf32, #tpu.memory_space<vmem>> -> memref<1x128x64xf32, #tpu.memory_space<vmem>>
      %dma_start3A_426 = tpu.memref_squeeze %dma_start3A_425 : memref<1x128x64xf32, #tpu.memory_space<vmem>> -> memref<128x64xf32, #tpu.memory_space<vmem>>
      %dma_start3A_427 = arith.constant 0 : i32
      %dma_start3A_428 = tpu.memref_slice %arg7[%dma_start3A_420, %dma_start3A_421, %dma_start3A_427] : memref<2x16x128xi32, #tpu.memory_space<vmem>> -> memref<1x1x128xi32, #tpu.memory_space<vmem>>
      %dma_start3A_429 = tpu.memref_squeeze %dma_start3A_428 : memref<1x1x128xi32, #tpu.memory_space<vmem>> -> memref<128xi32, #tpu.memory_space<vmem>>
      %dma_start3A_430 = arith.constant 0 : i32
      %dma_start3A_431 = arith.constant 0 : i32
      %dma_start3A_432 = tpu.memref_slice %arg10[%dma_start3A_430, %dma_start3A_431] : memref<10112x64xf32, #tpu.memory_space<vmem_shared>> -> memref<10112x64xf32, #tpu.memory_space<vmem_shared>>
      tpu.enqueue_indirect_dma source(%dma_start3A_432 : memref<10112x64xf32, #tpu.memory_space<vmem_shared>>) target(%dma_start3A_426 : memref<128x64xf32, #tpu.memory_space<vmem>>) offsets(%dma_start3A_429 : memref<128xi32, #tpu.memory_space<vmem>>) semaphore(%arg13 : memref<!tpu.dma_semaphore, #tpu.memory_space<semaphore_mem>>)
      %dma_wait3A_433 = arith.constant 0 : i32
      %dma_wait3A_434 = arith.constant 12 : i32
      %dma_wait3A_435 = arith.constant 0 : i32
      %dma_wait3A_436 = arith.constant 0 : i32
      %dma_wait3A_437 = arith.constant 0 : i32
      %dma_wait3A_438 = tpu.memref_slice %arg9[%dma_wait3A_435, %dma_wait3A_436, %dma_wait3A_437] : memref<2x128x64xf32, #tpu.memory_space<vmem>> -> memref<1x128x64xf32, #tpu.memory_space<vmem>>
      %dma_wait3A_439 = tpu.memref_squeeze %dma_wait3A_438 : memref<1x128x64xf32, #tpu.memory_space<vmem>> -> memref<128x64xf32, #tpu.memory_space<vmem>>
      %dma_wait3A_440 = arith.constant 0 : i32
      %dma_wait3A_441 = tpu.memref_slice %arg7[%dma_wait3A_433, %dma_wait3A_434, %dma_wait3A_440] : memref<2x16x128xi32, #tpu.memory_space<vmem>> -> memref<1x1x128xi32, #tpu.memory_space<vmem>>
      %dma_wait3A_442 = tpu.memref_squeeze %dma_wait3A_441 : memref<1x1x128xi32, #tpu.memory_space<vmem>> -> memref<128xi32, #tpu.memory_space<vmem>>
      %dma_wait3A_443 = arith.constant 0 : i32
      %dma_wait3A_444 = arith.constant 0 : i32
      %dma_wait3A_445 = tpu.memref_slice %arg10[%dma_wait3A_443, %dma_wait3A_444] : memref<10112x64xf32, #tpu.memory_space<vmem_shared>> -> memref<10112x64xf32, #tpu.memory_space<vmem_shared>>
      tpu.wait_indirect_dma semaphore(%arg12 : memref<!tpu.dma_semaphore, #tpu.memory_space<semaphore_mem>>) src(%dma_wait3A_445 : memref<10112x64xf32, #tpu.memory_space<vmem_shared>>) dst(%dma_wait3A_439 : memref<128x64xf32, #tpu.memory_space<vmem>>)
      %add3A_446 = arith.constant 12 : i32
      %add3A_447 = arith.addi %mul3A_46, %add3A_446 : i32
      %run_scoped3A_448 = arith.constant 0 : i32
      "tpu.region"() ({
        %run_scoped3A_1017 = tpu.sem_alloc : memref<!tpu.dma_semaphore, #tpu.memory_space<semaphore_mem>>
        %dma_start3A_1018 = arith.constant 0 : i32
        %dma_start3A_1019 = arith.constant 0 : i32
        %dma_start3A_1020 = tpu.memref_slice %arg9[%run_scoped3A_448, %dma_start3A_1018, %dma_start3A_1019] : memref<2x128x64xf32, #tpu.memory_space<vmem>> -> memref<1x128x64xf32, #tpu.memory_space<vmem>>
        %dma_start3A_1021 = tpu.memref_squeeze %dma_start3A_1020 : memref<1x128x64xf32, #tpu.memory_space<vmem>> -> memref<128x64xf32, #tpu.memory_space<vmem>>
        %dma_start3A_1022 = arith.constant 0 : i32
        %dma_start3A_1023 = tpu.memref_slice %arg8[%add3A_447, %dma_start3A_1022] : memref<160x128xi32, #tpu.memory_space<vmem>> -> memref<1x128xi32, #tpu.memory_space<vmem>>
        %dma_start3A_1024 = tpu.memref_squeeze %dma_start3A_1023 : memref<1x128xi32, #tpu.memory_space<vmem>> -> memref<128xi32, #tpu.memory_space<vmem>>
        %dma_start3A_1025 = arith.constant 0 : i32
        %dma_start3A_1026 = arith.constant 0 : i32
        %dma_start3A_1027 = tpu.memref_slice %arg11[%dma_start3A_1025, %dma_start3A_1026] : memref<10112x64xf32, #tpu.memory_space<vmem_shared>> -> memref<10112x64xf32, #tpu.memory_space<vmem_shared>>
        tpu.enqueue_indirect_dma source(%dma_start3A_1021 : memref<128x64xf32, #tpu.memory_space<vmem>>) target(%dma_start3A_1027 : memref<10112x64xf32, #tpu.memory_space<vmem_shared>>) offsets(%dma_start3A_1024 : memref<128xi32, #tpu.memory_space<vmem>>) semaphore(%run_scoped3A_1017 : memref<!tpu.dma_semaphore, #tpu.memory_space<semaphore_mem>>) {add = true}
        %dma_wait3A_1028 = arith.constant 0 : i32
        %dma_wait3A_1029 = arith.constant 0 : i32
        %dma_wait3A_1030 = tpu.memref_slice %arg9[%run_scoped3A_448, %dma_wait3A_1028, %dma_wait3A_1029] : memref<2x128x64xf32, #tpu.memory_space<vmem>> -> memref<1x128x64xf32, #tpu.memory_space<vmem>>
        %dma_wait3A_1031 = tpu.memref_squeeze %dma_wait3A_1030 : memref<1x128x64xf32, #tpu.memory_space<vmem>> -> memref<128x64xf32, #tpu.memory_space<vmem>>
        %dma_wait3A_1032 = arith.constant 0 : i32
        %dma_wait3A_1033 = tpu.memref_slice %arg8[%add3A_447, %dma_wait3A_1032] : memref<160x128xi32, #tpu.memory_space<vmem>> -> memref<1x128xi32, #tpu.memory_space<vmem>>
        %dma_wait3A_1034 = tpu.memref_squeeze %dma_wait3A_1033 : memref<1x128xi32, #tpu.memory_space<vmem>> -> memref<128xi32, #tpu.memory_space<vmem>>
        %dma_wait3A_1035 = arith.constant 0 : i32
        %dma_wait3A_1036 = arith.constant 0 : i32
        %dma_wait3A_1037 = tpu.memref_slice %arg11[%dma_wait3A_1035, %dma_wait3A_1036] : memref<10112x64xf32, #tpu.memory_space<vmem_shared>> -> memref<10112x64xf32, #tpu.memory_space<vmem_shared>>
        tpu.wait_indirect_dma semaphore(%run_scoped3A_1017 : memref<!tpu.dma_semaphore, #tpu.memory_space<semaphore_mem>>) src(%dma_wait3A_1031 : memref<128x64xf32, #tpu.memory_space<vmem>>) dst(%dma_wait3A_1037 : memref<10112x64xf32, #tpu.memory_space<vmem_shared>>)
        tpu.yield
      }) : () -> ()
      %dma_start3A_449 = arith.constant 0 : i32
      %dma_start3A_450 = arith.constant 14 : i32
      %dma_start3A_451 = arith.constant 0 : i32
      %dma_start3A_452 = arith.constant 0 : i32
      %dma_start3A_453 = arith.constant 0 : i32
      %dma_start3A_454 = tpu.memref_slice %arg9[%dma_start3A_451, %dma_start3A_452, %dma_start3A_453] : memref<2x128x64xf32, #tpu.memory_space<vmem>> -> memref<1x128x64xf32, #tpu.memory_space<vmem>>
      %dma_start3A_455 = tpu.memref_squeeze %dma_start3A_454 : memref<1x128x64xf32, #tpu.memory_space<vmem>> -> memref<128x64xf32, #tpu.memory_space<vmem>>
      %dma_start3A_456 = arith.constant 0 : i32
      %dma_start3A_457 = tpu.memref_slice %arg7[%dma_start3A_449, %dma_start3A_450, %dma_start3A_456] : memref<2x16x128xi32, #tpu.memory_space<vmem>> -> memref<1x1x128xi32, #tpu.memory_space<vmem>>
      %dma_start3A_458 = tpu.memref_squeeze %dma_start3A_457 : memref<1x1x128xi32, #tpu.memory_space<vmem>> -> memref<128xi32, #tpu.memory_space<vmem>>
      %dma_start3A_459 = arith.constant 0 : i32
      %dma_start3A_460 = arith.constant 0 : i32
      %dma_start3A_461 = tpu.memref_slice %arg10[%dma_start3A_459, %dma_start3A_460] : memref<10112x64xf32, #tpu.memory_space<vmem_shared>> -> memref<10112x64xf32, #tpu.memory_space<vmem_shared>>
      tpu.enqueue_indirect_dma source(%dma_start3A_461 : memref<10112x64xf32, #tpu.memory_space<vmem_shared>>) target(%dma_start3A_455 : memref<128x64xf32, #tpu.memory_space<vmem>>) offsets(%dma_start3A_458 : memref<128xi32, #tpu.memory_space<vmem>>) semaphore(%arg12 : memref<!tpu.dma_semaphore, #tpu.memory_space<semaphore_mem>>)
      %dma_wait3A_462 = arith.constant 0 : i32
      %dma_wait3A_463 = arith.constant 13 : i32
      %dma_wait3A_464 = arith.constant 1 : i32
      %dma_wait3A_465 = arith.constant 0 : i32
      %dma_wait3A_466 = arith.constant 0 : i32
      %dma_wait3A_467 = tpu.memref_slice %arg9[%dma_wait3A_464, %dma_wait3A_465, %dma_wait3A_466] : memref<2x128x64xf32, #tpu.memory_space<vmem>> -> memref<1x128x64xf32, #tpu.memory_space<vmem>>
      %dma_wait3A_468 = tpu.memref_squeeze %dma_wait3A_467 : memref<1x128x64xf32, #tpu.memory_space<vmem>> -> memref<128x64xf32, #tpu.memory_space<vmem>>
      %dma_wait3A_469 = arith.constant 0 : i32
      %dma_wait3A_470 = tpu.memref_slice %arg7[%dma_wait3A_462, %dma_wait3A_463, %dma_wait3A_469] : memref<2x16x128xi32, #tpu.memory_space<vmem>> -> memref<1x1x128xi32, #tpu.memory_space<vmem>>
      %dma_wait3A_471 = tpu.memref_squeeze %dma_wait3A_470 : memref<1x1x128xi32, #tpu.memory_space<vmem>> -> memref<128xi32, #tpu.memory_space<vmem>>
      %dma_wait3A_472 = arith.constant 0 : i32
      %dma_wait3A_473 = arith.constant 0 : i32
      %dma_wait3A_474 = tpu.memref_slice %arg10[%dma_wait3A_472, %dma_wait3A_473] : memref<10112x64xf32, #tpu.memory_space<vmem_shared>> -> memref<10112x64xf32, #tpu.memory_space<vmem_shared>>
      tpu.wait_indirect_dma semaphore(%arg13 : memref<!tpu.dma_semaphore, #tpu.memory_space<semaphore_mem>>) src(%dma_wait3A_474 : memref<10112x64xf32, #tpu.memory_space<vmem_shared>>) dst(%dma_wait3A_468 : memref<128x64xf32, #tpu.memory_space<vmem>>)
      %add3A_475 = arith.constant 13 : i32
      %add3A_476 = arith.addi %mul3A_46, %add3A_475 : i32
      %run_scoped3A_477 = arith.constant 1 : i32
      "tpu.region"() ({
        %run_scoped3A_1017 = tpu.sem_alloc : memref<!tpu.dma_semaphore, #tpu.memory_space<semaphore_mem>>
        %dma_start3A_1018 = arith.constant 0 : i32
        %dma_start3A_1019 = arith.constant 0 : i32
        %dma_start3A_1020 = tpu.memref_slice %arg9[%run_scoped3A_477, %dma_start3A_1018, %dma_start3A_1019] : memref<2x128x64xf32, #tpu.memory_space<vmem>> -> memref<1x128x64xf32, #tpu.memory_space<vmem>>
        %dma_start3A_1021 = tpu.memref_squeeze %dma_start3A_1020 : memref<1x128x64xf32, #tpu.memory_space<vmem>> -> memref<128x64xf32, #tpu.memory_space<vmem>>
        %dma_start3A_1022 = arith.constant 0 : i32
        %dma_start3A_1023 = tpu.memref_slice %arg8[%add3A_476, %dma_start3A_1022] : memref<160x128xi32, #tpu.memory_space<vmem>> -> memref<1x128xi32, #tpu.memory_space<vmem>>
        %dma_start3A_1024 = tpu.memref_squeeze %dma_start3A_1023 : memref<1x128xi32, #tpu.memory_space<vmem>> -> memref<128xi32, #tpu.memory_space<vmem>>
        %dma_start3A_1025 = arith.constant 0 : i32
        %dma_start3A_1026 = arith.constant 0 : i32
        %dma_start3A_1027 = tpu.memref_slice %arg11[%dma_start3A_1025, %dma_start3A_1026] : memref<10112x64xf32, #tpu.memory_space<vmem_shared>> -> memref<10112x64xf32, #tpu.memory_space<vmem_shared>>
        tpu.enqueue_indirect_dma source(%dma_start3A_1021 : memref<128x64xf32, #tpu.memory_space<vmem>>) target(%dma_start3A_1027 : memref<10112x64xf32, #tpu.memory_space<vmem_shared>>) offsets(%dma_start3A_1024 : memref<128xi32, #tpu.memory_space<vmem>>) semaphore(%run_scoped3A_1017 : memref<!tpu.dma_semaphore, #tpu.memory_space<semaphore_mem>>) {add = true}
        %dma_wait3A_1028 = arith.constant 0 : i32
        %dma_wait3A_1029 = arith.constant 0 : i32
        %dma_wait3A_1030 = tpu.memref_slice %arg9[%run_scoped3A_477, %dma_wait3A_1028, %dma_wait3A_1029] : memref<2x128x64xf32, #tpu.memory_space<vmem>> -> memref<1x128x64xf32, #tpu.memory_space<vmem>>
        %dma_wait3A_1031 = tpu.memref_squeeze %dma_wait3A_1030 : memref<1x128x64xf32, #tpu.memory_space<vmem>> -> memref<128x64xf32, #tpu.memory_space<vmem>>
        %dma_wait3A_1032 = arith.constant 0 : i32
        %dma_wait3A_1033 = tpu.memref_slice %arg8[%add3A_476, %dma_wait3A_1032] : memref<160x128xi32, #tpu.memory_space<vmem>> -> memref<1x128xi32, #tpu.memory_space<vmem>>
        %dma_wait3A_1034 = tpu.memref_squeeze %dma_wait3A_1033 : memref<1x128xi32, #tpu.memory_space<vmem>> -> memref<128xi32, #tpu.memory_space<vmem>>
        %dma_wait3A_1035 = arith.constant 0 : i32
        %dma_wait3A_1036 = arith.constant 0 : i32
        %dma_wait3A_1037 = tpu.memref_slice %arg11[%dma_wait3A_1035, %dma_wait3A_1036] : memref<10112x64xf32, #tpu.memory_space<vmem_shared>> -> memref<10112x64xf32, #tpu.memory_space<vmem_shared>>
        tpu.wait_indirect_dma semaphore(%run_scoped3A_1017 : memref<!tpu.dma_semaphore, #tpu.memory_space<semaphore_mem>>) src(%dma_wait3A_1031 : memref<128x64xf32, #tpu.memory_space<vmem>>) dst(%dma_wait3A_1037 : memref<10112x64xf32, #tpu.memory_space<vmem_shared>>)
        tpu.yield
      }) : () -> ()
      %dma_start3A_478 = arith.constant 0 : i32
      %dma_start3A_479 = arith.constant 15 : i32
      %dma_start3A_480 = arith.constant 1 : i32
      %dma_start3A_481 = arith.constant 0 : i32
      %dma_start3A_482 = arith.constant 0 : i32
      %dma_start3A_483 = tpu.memref_slice %arg9[%dma_start3A_480, %dma_start3A_481, %dma_start3A_482] : memref<2x128x64xf32, #tpu.memory_space<vmem>> -> memref<1x128x64xf32, #tpu.memory_space<vmem>>
      %dma_start3A_484 = tpu.memref_squeeze %dma_start3A_483 : memref<1x128x64xf32, #tpu.memory_space<vmem>> -> memref<128x64xf32, #tpu.memory_space<vmem>>
      %dma_start3A_485 = arith.constant 0 : i32
      %dma_start3A_486 = tpu.memref_slice %arg7[%dma_start3A_478, %dma_start3A_479, %dma_start3A_485] : memref<2x16x128xi32, #tpu.memory_space<vmem>> -> memref<1x1x128xi32, #tpu.memory_space<vmem>>
      %dma_start3A_487 = tpu.memref_squeeze %dma_start3A_486 : memref<1x1x128xi32, #tpu.memory_space<vmem>> -> memref<128xi32, #tpu.memory_space<vmem>>
      %dma_start3A_488 = arith.constant 0 : i32
      %dma_start3A_489 = arith.constant 0 : i32
      %dma_start3A_490 = tpu.memref_slice %arg10[%dma_start3A_488, %dma_start3A_489] : memref<10112x64xf32, #tpu.memory_space<vmem_shared>> -> memref<10112x64xf32, #tpu.memory_space<vmem_shared>>
      tpu.enqueue_indirect_dma source(%dma_start3A_490 : memref<10112x64xf32, #tpu.memory_space<vmem_shared>>) target(%dma_start3A_484 : memref<128x64xf32, #tpu.memory_space<vmem>>) offsets(%dma_start3A_487 : memref<128xi32, #tpu.memory_space<vmem>>) semaphore(%arg13 : memref<!tpu.dma_semaphore, #tpu.memory_space<semaphore_mem>>)
      %dma_wait3A_491 = arith.constant 0 : i32
      %dma_wait3A_492 = arith.constant 14 : i32
      %dma_wait3A_493 = arith.constant 0 : i32
      %dma_wait3A_494 = arith.constant 0 : i32
      %dma_wait3A_495 = arith.constant 0 : i32
      %dma_wait3A_496 = tpu.memref_slice %arg9[%dma_wait3A_493, %dma_wait3A_494, %dma_wait3A_495] : memref<2x128x64xf32, #tpu.memory_space<vmem>> -> memref<1x128x64xf32, #tpu.memory_space<vmem>>
      %dma_wait3A_497 = tpu.memref_squeeze %dma_wait3A_496 : memref<1x128x64xf32, #tpu.memory_space<vmem>> -> memref<128x64xf32, #tpu.memory_space<vmem>>
      %dma_wait3A_498 = arith.constant 0 : i32
      %dma_wait3A_499 = tpu.memref_slice %arg7[%dma_wait3A_491, %dma_wait3A_492, %dma_wait3A_498] : memref<2x16x128xi32, #tpu.memory_space<vmem>> -> memref<1x1x128xi32, #tpu.memory_space<vmem>>
      %dma_wait3A_500 = tpu.memref_squeeze %dma_wait3A_499 : memref<1x1x128xi32, #tpu.memory_space<vmem>> -> memref<128xi32, #tpu.memory_space<vmem>>
      %dma_wait3A_501 = arith.constant 0 : i32
      %dma_wait3A_502 = arith.constant 0 : i32
      %dma_wait3A_503 = tpu.memref_slice %arg10[%dma_wait3A_501, %dma_wait3A_502] : memref<10112x64xf32, #tpu.memory_space<vmem_shared>> -> memref<10112x64xf32, #tpu.memory_space<vmem_shared>>
      tpu.wait_indirect_dma semaphore(%arg12 : memref<!tpu.dma_semaphore, #tpu.memory_space<semaphore_mem>>) src(%dma_wait3A_503 : memref<10112x64xf32, #tpu.memory_space<vmem_shared>>) dst(%dma_wait3A_497 : memref<128x64xf32, #tpu.memory_space<vmem>>)
      %add3A_504 = arith.constant 14 : i32
      %add3A_505 = arith.addi %mul3A_46, %add3A_504 : i32
      %run_scoped3A_506 = arith.constant 0 : i32
      "tpu.region"() ({
        %run_scoped3A_1017 = tpu.sem_alloc : memref<!tpu.dma_semaphore, #tpu.memory_space<semaphore_mem>>
        %dma_start3A_1018 = arith.constant 0 : i32
        %dma_start3A_1019 = arith.constant 0 : i32
        %dma_start3A_1020 = tpu.memref_slice %arg9[%run_scoped3A_506, %dma_start3A_1018, %dma_start3A_1019] : memref<2x128x64xf32, #tpu.memory_space<vmem>> -> memref<1x128x64xf32, #tpu.memory_space<vmem>>
        %dma_start3A_1021 = tpu.memref_squeeze %dma_start3A_1020 : memref<1x128x64xf32, #tpu.memory_space<vmem>> -> memref<128x64xf32, #tpu.memory_space<vmem>>
        %dma_start3A_1022 = arith.constant 0 : i32
        %dma_start3A_1023 = tpu.memref_slice %arg8[%add3A_505, %dma_start3A_1022] : memref<160x128xi32, #tpu.memory_space<vmem>> -> memref<1x128xi32, #tpu.memory_space<vmem>>
        %dma_start3A_1024 = tpu.memref_squeeze %dma_start3A_1023 : memref<1x128xi32, #tpu.memory_space<vmem>> -> memref<128xi32, #tpu.memory_space<vmem>>
        %dma_start3A_1025 = arith.constant 0 : i32
        %dma_start3A_1026 = arith.constant 0 : i32
        %dma_start3A_1027 = tpu.memref_slice %arg11[%dma_start3A_1025, %dma_start3A_1026] : memref<10112x64xf32, #tpu.memory_space<vmem_shared>> -> memref<10112x64xf32, #tpu.memory_space<vmem_shared>>
        tpu.enqueue_indirect_dma source(%dma_start3A_1021 : memref<128x64xf32, #tpu.memory_space<vmem>>) target(%dma_start3A_1027 : memref<10112x64xf32, #tpu.memory_space<vmem_shared>>) offsets(%dma_start3A_1024 : memref<128xi32, #tpu.memory_space<vmem>>) semaphore(%run_scoped3A_1017 : memref<!tpu.dma_semaphore, #tpu.memory_space<semaphore_mem>>) {add = true}
        %dma_wait3A_1028 = arith.constant 0 : i32
        %dma_wait3A_1029 = arith.constant 0 : i32
        %dma_wait3A_1030 = tpu.memref_slice %arg9[%run_scoped3A_506, %dma_wait3A_1028, %dma_wait3A_1029] : memref<2x128x64xf32, #tpu.memory_space<vmem>> -> memref<1x128x64xf32, #tpu.memory_space<vmem>>
        %dma_wait3A_1031 = tpu.memref_squeeze %dma_wait3A_1030 : memref<1x128x64xf32, #tpu.memory_space<vmem>> -> memref<128x64xf32, #tpu.memory_space<vmem>>
        %dma_wait3A_1032 = arith.constant 0 : i32
        %dma_wait3A_1033 = tpu.memref_slice %arg8[%add3A_505, %dma_wait3A_1032] : memref<160x128xi32, #tpu.memory_space<vmem>> -> memref<1x128xi32, #tpu.memory_space<vmem>>
        %dma_wait3A_1034 = tpu.memref_squeeze %dma_wait3A_1033 : memref<1x128xi32, #tpu.memory_space<vmem>> -> memref<128xi32, #tpu.memory_space<vmem>>
        %dma_wait3A_1035 = arith.constant 0 : i32
        %dma_wait3A_1036 = arith.constant 0 : i32
        %dma_wait3A_1037 = tpu.memref_slice %arg11[%dma_wait3A_1035, %dma_wait3A_1036] : memref<10112x64xf32, #tpu.memory_space<vmem_shared>> -> memref<10112x64xf32, #tpu.memory_space<vmem_shared>>
        tpu.wait_indirect_dma semaphore(%run_scoped3A_1017 : memref<!tpu.dma_semaphore, #tpu.memory_space<semaphore_mem>>) src(%dma_wait3A_1031 : memref<128x64xf32, #tpu.memory_space<vmem>>) dst(%dma_wait3A_1037 : memref<10112x64xf32, #tpu.memory_space<vmem_shared>>)
        tpu.yield
      }) : () -> ()
      %dma_wait3A_507 = arith.constant 0 : i32
      %dma_wait3A_508 = arith.constant 15 : i32
      %dma_wait3A_509 = arith.constant 1 : i32
      %dma_wait3A_510 = arith.constant 0 : i32
      %dma_wait3A_511 = arith.constant 0 : i32
      %dma_wait3A_512 = tpu.memref_slice %arg9[%dma_wait3A_509, %dma_wait3A_510, %dma_wait3A_511] : memref<2x128x64xf32, #tpu.memory_space<vmem>> -> memref<1x128x64xf32, #tpu.memory_space<vmem>>
      %dma_wait3A_513 = tpu.memref_squeeze %dma_wait3A_512 : memref<1x128x64xf32, #tpu.memory_space<vmem>> -> memref<128x64xf32, #tpu.memory_space<vmem>>
      %dma_wait3A_514 = arith.constant 0 : i32
      %dma_wait3A_515 = tpu.memref_slice %arg7[%dma_wait3A_507, %dma_wait3A_508, %dma_wait3A_514] : memref<2x16x128xi32, #tpu.memory_space<vmem>> -> memref<1x1x128xi32, #tpu.memory_space<vmem>>
      %dma_wait3A_516 = tpu.memref_squeeze %dma_wait3A_515 : memref<1x1x128xi32, #tpu.memory_space<vmem>> -> memref<128xi32, #tpu.memory_space<vmem>>
      %dma_wait3A_517 = arith.constant 0 : i32
      %dma_wait3A_518 = arith.constant 0 : i32
      %dma_wait3A_519 = tpu.memref_slice %arg10[%dma_wait3A_517, %dma_wait3A_518] : memref<10112x64xf32, #tpu.memory_space<vmem_shared>> -> memref<10112x64xf32, #tpu.memory_space<vmem_shared>>
      tpu.wait_indirect_dma semaphore(%arg13 : memref<!tpu.dma_semaphore, #tpu.memory_space<semaphore_mem>>) src(%dma_wait3A_519 : memref<10112x64xf32, #tpu.memory_space<vmem_shared>>) dst(%dma_wait3A_513 : memref<128x64xf32, #tpu.memory_space<vmem>>)
      %add3A_520 = arith.constant 15 : i32
      %add3A_521 = arith.addi %mul3A_46, %add3A_520 : i32
      %run_scoped3A_522 = arith.constant 1 : i32
      "tpu.region"() ({
        %run_scoped3A_1017 = tpu.sem_alloc : memref<!tpu.dma_semaphore, #tpu.memory_space<semaphore_mem>>
        %dma_start3A_1018 = arith.constant 0 : i32
        %dma_start3A_1019 = arith.constant 0 : i32
        %dma_start3A_1020 = tpu.memref_slice %arg9[%run_scoped3A_522, %dma_start3A_1018, %dma_start3A_1019] : memref<2x128x64xf32, #tpu.memory_space<vmem>> -> memref<1x128x64xf32, #tpu.memory_space<vmem>>
        %dma_start3A_1021 = tpu.memref_squeeze %dma_start3A_1020 : memref<1x128x64xf32, #tpu.memory_space<vmem>> -> memref<128x64xf32, #tpu.memory_space<vmem>>
        %dma_start3A_1022 = arith.constant 0 : i32
        %dma_start3A_1023 = tpu.memref_slice %arg8[%add3A_521, %dma_start3A_1022] : memref<160x128xi32, #tpu.memory_space<vmem>> -> memref<1x128xi32, #tpu.memory_space<vmem>>
        %dma_start3A_1024 = tpu.memref_squeeze %dma_start3A_1023 : memref<1x128xi32, #tpu.memory_space<vmem>> -> memref<128xi32, #tpu.memory_space<vmem>>
        %dma_start3A_1025 = arith.constant 0 : i32
        %dma_start3A_1026 = arith.constant 0 : i32
        %dma_start3A_1027 = tpu.memref_slice %arg11[%dma_start3A_1025, %dma_start3A_1026] : memref<10112x64xf32, #tpu.memory_space<vmem_shared>> -> memref<10112x64xf32, #tpu.memory_space<vmem_shared>>
        tpu.enqueue_indirect_dma source(%dma_start3A_1021 : memref<128x64xf32, #tpu.memory_space<vmem>>) target(%dma_start3A_1027 : memref<10112x64xf32, #tpu.memory_space<vmem_shared>>) offsets(%dma_start3A_1024 : memref<128xi32, #tpu.memory_space<vmem>>) semaphore(%run_scoped3A_1017 : memref<!tpu.dma_semaphore, #tpu.memory_space<semaphore_mem>>) {add = true}
        %dma_wait3A_1028 = arith.constant 0 : i32
        %dma_wait3A_1029 = arith.constant 0 : i32
        %dma_wait3A_1030 = tpu.memref_slice %arg9[%run_scoped3A_522, %dma_wait3A_1028, %dma_wait3A_1029] : memref<2x128x64xf32, #tpu.memory_space<vmem>> -> memref<1x128x64xf32, #tpu.memory_space<vmem>>
        %dma_wait3A_1031 = tpu.memref_squeeze %dma_wait3A_1030 : memref<1x128x64xf32, #tpu.memory_space<vmem>> -> memref<128x64xf32, #tpu.memory_space<vmem>>
        %dma_wait3A_1032 = arith.constant 0 : i32
        %dma_wait3A_1033 = tpu.memref_slice %arg8[%add3A_521, %dma_wait3A_1032] : memref<160x128xi32, #tpu.memory_space<vmem>> -> memref<1x128xi32, #tpu.memory_space<vmem>>
        %dma_wait3A_1034 = tpu.memref_squeeze %dma_wait3A_1033 : memref<1x128xi32, #tpu.memory_space<vmem>> -> memref<128xi32, #tpu.memory_space<vmem>>
        %dma_wait3A_1035 = arith.constant 0 : i32
        %dma_wait3A_1036 = arith.constant 0 : i32
        %dma_wait3A_1037 = tpu.memref_slice %arg11[%dma_wait3A_1035, %dma_wait3A_1036] : memref<10112x64xf32, #tpu.memory_space<vmem_shared>> -> memref<10112x64xf32, #tpu.memory_space<vmem_shared>>
        tpu.wait_indirect_dma semaphore(%run_scoped3A_1017 : memref<!tpu.dma_semaphore, #tpu.memory_space<semaphore_mem>>) src(%dma_wait3A_1031 : memref<128x64xf32, #tpu.memory_space<vmem>>) dst(%dma_wait3A_1037 : memref<10112x64xf32, #tpu.memory_space<vmem_shared>>)
        tpu.yield
      }) : () -> ()
      %add3A_523 = arith.constant 2 : i32
      %add3A_524 = arith.addi %mul3A_44, %add3A_523 : i32
      %lt3A = arith.constant 10 : i32
      %lt3A_525 = arith.cmpi slt, %add3A_524, %lt3A : i32
      %convert_element_type3A_526 = arith.extui %lt3A_525 : i1 to i32
      %cond3A_527 = arith.constant 0 : i32
      %cond3A_528 = arith.cmpi ne, %convert_element_type3A_526, %cond3A_527 : i32
      scf.if %cond3A_528 {
        %add3A_1017 = arith.constant 32 : i32
        %add3A_1018 = arith.addi %mul3A_46, %add3A_1017 : i32
        %dma_start3A_1019 = arith.constant 0 : i32
        %dma_start3A_1020 = arith.constant 0 : i32
        %dma_start3A_1021 = arith.constant 0 : i32
        %dma_start3A_1022 = tpu.memref_slice %arg7[%dma_start3A_1019, %dma_start3A_1020, %dma_start3A_1021] : memref<2x16x128xi32, #tpu.memory_space<vmem>> -> memref<1x16x128xi32, #tpu.memory_space<vmem>>
        %dma_start3A_1023 = tpu.memref_squeeze %dma_start3A_1022 : memref<1x16x128xi32, #tpu.memory_space<vmem>> -> memref<16x128xi32, #tpu.memory_space<vmem>>
        %dma_start3A_1024 = arith.constant 0 : i32
        %dma_start3A_1025 = tpu.memref_slice %arg2[%arg1, %add3A_1018, %dma_start3A_1024] : memref<16x160x128xi32, #tpu.memory_space<hbm>> -> memref<1x16x128xi32, #tpu.memory_space<hbm>>
        %dma_start3A_1026 = tpu.memref_squeeze %dma_start3A_1025 : memref<1x16x128xi32, #tpu.memory_space<hbm>> -> memref<16x128xi32, #tpu.memory_space<hbm>>
        %dma_start3A_1027 = arith.constant 0 : i32
        %dma_start3A_1028 = arith.constant 0 : i32
        %dma_start3A_1029 = tpu.memref_slice %arg7[%dma_start3A_1019, %dma_start3A_1027, %dma_start3A_1028] : memref<2x16x128xi32, #tpu.memory_space<vmem>> -> memref<1x16x128xi32, #tpu.memory_space<vmem>>
        %dma_start3A_1030 = tpu.memref_squeeze %dma_start3A_1029 : memref<1x16x128xi32, #tpu.memory_space<vmem>> -> memref<16x128xi32, #tpu.memory_space<vmem>>
        %dma_start3A_1031 = arith.constant 0 : i32
        %dma_start3A_1032 = tpu.memref_slice %arg2[%arg1, %add3A_1018, %dma_start3A_1031] : memref<16x160x128xi32, #tpu.memory_space<hbm>> -> memref<1x16x128xi32, #tpu.memory_space<hbm>>
        %dma_start3A_1033 = tpu.memref_squeeze %dma_start3A_1032 : memref<1x16x128xi32, #tpu.memory_space<hbm>> -> memref<16x128xi32, #tpu.memory_space<hbm>>
        tpu.enqueue_dma source(%dma_start3A_1033 : memref<16x128xi32, #tpu.memory_space<hbm>>) target(%dma_start3A_1030 : memref<16x128xi32, #tpu.memory_space<vmem>>) target_semaphore(%arg14 : memref<!tpu.dma_semaphore, #tpu.memory_space<semaphore_mem>>)
      } else {
      }
      %add3A_529 = arith.constant 16 : i32
      %add3A_530 = arith.addi %mul3A_46, %add3A_529 : i32
      %dma_wait3A_531 = arith.constant 1 : i32
      %dma_wait3A_532 = arith.constant 0 : i32
      %dma_wait3A_533 = arith.constant 0 : i32
      %dma_wait3A_534 = tpu.memref_slice %arg7[%dma_wait3A_531, %dma_wait3A_532, %dma_wait3A_533] : memref<2x16x128xi32, #tpu.memory_space<vmem>> -> memref<1x16x128xi32, #tpu.memory_space<vmem>>
      %dma_wait3A_535 = tpu.memref_squeeze %dma_wait3A_534 : memref<1x16x128xi32, #tpu.memory_space<vmem>> -> memref<16x128xi32, #tpu.memory_space<vmem>>
      %dma_wait3A_536 = arith.constant 0 : i32
      %dma_wait3A_537 = tpu.memref_slice %arg2[%arg1, %add3A_530, %dma_wait3A_536] : memref<16x160x128xi32, #tpu.memory_space<hbm>> -> memref<1x16x128xi32, #tpu.memory_space<hbm>>
      %dma_wait3A_538 = tpu.memref_squeeze %dma_wait3A_537 : memref<1x16x128xi32, #tpu.memory_space<hbm>> -> memref<16x128xi32, #tpu.memory_space<hbm>>
      %dma_wait3A_539 = arith.constant 0 : i32
      %dma_wait3A_540 = arith.constant 0 : i32
      %dma_wait3A_541 = tpu.memref_slice %arg7[%dma_wait3A_531, %dma_wait3A_539, %dma_wait3A_540] : memref<2x16x128xi32, #tpu.memory_space<vmem>> -> memref<1x16x128xi32, #tpu.memory_space<vmem>>
      %dma_wait3A_542 = tpu.memref_squeeze %dma_wait3A_541 : memref<1x16x128xi32, #tpu.memory_space<vmem>> -> memref<16x128xi32, #tpu.memory_space<vmem>>
      %dma_wait3A_543 = arith.constant 0 : i32
      %dma_wait3A_544 = tpu.memref_slice %arg2[%arg1, %add3A_530, %dma_wait3A_543] : memref<16x160x128xi32, #tpu.memory_space<hbm>> -> memref<1x16x128xi32, #tpu.memory_space<hbm>>
      %dma_wait3A_545 = tpu.memref_squeeze %dma_wait3A_544 : memref<1x16x128xi32, #tpu.memory_space<hbm>> -> memref<16x128xi32, #tpu.memory_space<hbm>>
      tpu.wait_dma2 semaphore(%arg15 : memref<!tpu.dma_semaphore, #tpu.memory_space<semaphore_mem>>) src(%dma_wait3A_545 : memref<16x128xi32, #tpu.memory_space<hbm>>) dst(%dma_wait3A_542 : memref<16x128xi32, #tpu.memory_space<vmem>>)
      %dma_start3A_546 = arith.constant 1 : i32
      %dma_start3A_547 = arith.constant 0 : i32
      %dma_start3A_548 = arith.constant 0 : i32
      %dma_start3A_549 = arith.constant 0 : i32
      %dma_start3A_550 = arith.constant 0 : i32
      %dma_start3A_551 = tpu.memref_slice %arg9[%dma_start3A_548, %dma_start3A_549, %dma_start3A_550] : memref<2x128x64xf32, #tpu.memory_space<vmem>> -> memref<1x128x64xf32, #tpu.memory_space<vmem>>
      %dma_start3A_552 = tpu.memref_squeeze %dma_start3A_551 : memref<1x128x64xf32, #tpu.memory_space<vmem>> -> memref<128x64xf32, #tpu.memory_space<vmem>>
      %dma_start3A_553 = arith.constant 0 : i32
      %dma_start3A_554 = tpu.memref_slice %arg7[%dma_start3A_546, %dma_start3A_547, %dma_start3A_553] : memref<2x16x128xi32, #tpu.memory_space<vmem>> -> memref<1x1x128xi32, #tpu.memory_space<vmem>>
      %dma_start3A_555 = tpu.memref_squeeze %dma_start3A_554 : memref<1x1x128xi32, #tpu.memory_space<vmem>> -> memref<128xi32, #tpu.memory_space<vmem>>
      %dma_start3A_556 = arith.constant 0 : i32
      %dma_start3A_557 = arith.constant 0 : i32
      %dma_start3A_558 = tpu.memref_slice %arg10[%dma_start3A_556, %dma_start3A_557] : memref<10112x64xf32, #tpu.memory_space<vmem_shared>> -> memref<10112x64xf32, #tpu.memory_space<vmem_shared>>
      tpu.enqueue_indirect_dma source(%dma_start3A_558 : memref<10112x64xf32, #tpu.memory_space<vmem_shared>>) target(%dma_start3A_552 : memref<128x64xf32, #tpu.memory_space<vmem>>) offsets(%dma_start3A_555 : memref<128xi32, #tpu.memory_space<vmem>>) semaphore(%arg12 : memref<!tpu.dma_semaphore, #tpu.memory_space<semaphore_mem>>)
      %dma_start3A_559 = arith.constant 1 : i32
      %dma_start3A_560 = arith.constant 1 : i32
      %dma_start3A_561 = arith.constant 1 : i32
      %dma_start3A_562 = arith.constant 0 : i32
      %dma_start3A_563 = arith.constant 0 : i32
      %dma_start3A_564 = tpu.memref_slice %arg9[%dma_start3A_561, %dma_start3A_562, %dma_start3A_563] : memref<2x128x64xf32, #tpu.memory_space<vmem>> -> memref<1x128x64xf32, #tpu.memory_space<vmem>>
      %dma_start3A_565 = tpu.memref_squeeze %dma_start3A_564 : memref<1x128x64xf32, #tpu.memory_space<vmem>> -> memref<128x64xf32, #tpu.memory_space<vmem>>
      %dma_start3A_566 = arith.constant 0 : i32
      %dma_start3A_567 = tpu.memref_slice %arg7[%dma_start3A_559, %dma_start3A_560, %dma_start3A_566] : memref<2x16x128xi32, #tpu.memory_space<vmem>> -> memref<1x1x128xi32, #tpu.memory_space<vmem>>
      %dma_start3A_568 = tpu.memref_squeeze %dma_start3A_567 : memref<1x1x128xi32, #tpu.memory_space<vmem>> -> memref<128xi32, #tpu.memory_space<vmem>>
      %dma_start3A_569 = arith.constant 0 : i32
      %dma_start3A_570 = arith.constant 0 : i32
      %dma_start3A_571 = tpu.memref_slice %arg10[%dma_start3A_569, %dma_start3A_570] : memref<10112x64xf32, #tpu.memory_space<vmem_shared>> -> memref<10112x64xf32, #tpu.memory_space<vmem_shared>>
      tpu.enqueue_indirect_dma source(%dma_start3A_571 : memref<10112x64xf32, #tpu.memory_space<vmem_shared>>) target(%dma_start3A_565 : memref<128x64xf32, #tpu.memory_space<vmem>>) offsets(%dma_start3A_568 : memref<128xi32, #tpu.memory_space<vmem>>) semaphore(%arg13 : memref<!tpu.dma_semaphore, #tpu.memory_space<semaphore_mem>>)
      %dma_wait3A_572 = arith.constant 1 : i32
      %dma_wait3A_573 = arith.constant 0 : i32
      %dma_wait3A_574 = arith.constant 0 : i32
      %dma_wait3A_575 = arith.constant 0 : i32
      %dma_wait3A_576 = arith.constant 0 : i32
      %dma_wait3A_577 = tpu.memref_slice %arg9[%dma_wait3A_574, %dma_wait3A_575, %dma_wait3A_576] : memref<2x128x64xf32, #tpu.memory_space<vmem>> -> memref<1x128x64xf32, #tpu.memory_space<vmem>>
      %dma_wait3A_578 = tpu.memref_squeeze %dma_wait3A_577 : memref<1x128x64xf32, #tpu.memory_space<vmem>> -> memref<128x64xf32, #tpu.memory_space<vmem>>
      %dma_wait3A_579 = arith.constant 0 : i32
      %dma_wait3A_580 = tpu.memref_slice %arg7[%dma_wait3A_572, %dma_wait3A_573, %dma_wait3A_579] : memref<2x16x128xi32, #tpu.memory_space<vmem>> -> memref<1x1x128xi32, #tpu.memory_space<vmem>>
      %dma_wait3A_581 = tpu.memref_squeeze %dma_wait3A_580 : memref<1x1x128xi32, #tpu.memory_space<vmem>> -> memref<128xi32, #tpu.memory_space<vmem>>
      %dma_wait3A_582 = arith.constant 0 : i32
      %dma_wait3A_583 = arith.constant 0 : i32
      %dma_wait3A_584 = tpu.memref_slice %arg10[%dma_wait3A_582, %dma_wait3A_583] : memref<10112x64xf32, #tpu.memory_space<vmem_shared>> -> memref<10112x64xf32, #tpu.memory_space<vmem_shared>>
      tpu.wait_indirect_dma semaphore(%arg12 : memref<!tpu.dma_semaphore, #tpu.memory_space<semaphore_mem>>) src(%dma_wait3A_584 : memref<10112x64xf32, #tpu.memory_space<vmem_shared>>) dst(%dma_wait3A_578 : memref<128x64xf32, #tpu.memory_space<vmem>>)
      %add3A_585 = arith.constant 0 : i32
      %add3A_586 = arith.addi %add3A_530, %add3A_585 : i32
      %run_scoped3A_587 = arith.constant 0 : i32
      "tpu.region"() ({
        %run_scoped3A_1017 = tpu.sem_alloc : memref<!tpu.dma_semaphore, #tpu.memory_space<semaphore_mem>>
        %dma_start3A_1018 = arith.constant 0 : i32
        %dma_start3A_1019 = arith.constant 0 : i32
        %dma_start3A_1020 = tpu.memref_slice %arg9[%run_scoped3A_587, %dma_start3A_1018, %dma_start3A_1019] : memref<2x128x64xf32, #tpu.memory_space<vmem>> -> memref<1x128x64xf32, #tpu.memory_space<vmem>>
        %dma_start3A_1021 = tpu.memref_squeeze %dma_start3A_1020 : memref<1x128x64xf32, #tpu.memory_space<vmem>> -> memref<128x64xf32, #tpu.memory_space<vmem>>
        %dma_start3A_1022 = arith.constant 0 : i32
        %dma_start3A_1023 = tpu.memref_slice %arg8[%add3A_586, %dma_start3A_1022] : memref<160x128xi32, #tpu.memory_space<vmem>> -> memref<1x128xi32, #tpu.memory_space<vmem>>
        %dma_start3A_1024 = tpu.memref_squeeze %dma_start3A_1023 : memref<1x128xi32, #tpu.memory_space<vmem>> -> memref<128xi32, #tpu.memory_space<vmem>>
        %dma_start3A_1025 = arith.constant 0 : i32
        %dma_start3A_1026 = arith.constant 0 : i32
        %dma_start3A_1027 = tpu.memref_slice %arg11[%dma_start3A_1025, %dma_start3A_1026] : memref<10112x64xf32, #tpu.memory_space<vmem_shared>> -> memref<10112x64xf32, #tpu.memory_space<vmem_shared>>
        tpu.enqueue_indirect_dma source(%dma_start3A_1021 : memref<128x64xf32, #tpu.memory_space<vmem>>) target(%dma_start3A_1027 : memref<10112x64xf32, #tpu.memory_space<vmem_shared>>) offsets(%dma_start3A_1024 : memref<128xi32, #tpu.memory_space<vmem>>) semaphore(%run_scoped3A_1017 : memref<!tpu.dma_semaphore, #tpu.memory_space<semaphore_mem>>) {add = true}
        %dma_wait3A_1028 = arith.constant 0 : i32
        %dma_wait3A_1029 = arith.constant 0 : i32
        %dma_wait3A_1030 = tpu.memref_slice %arg9[%run_scoped3A_587, %dma_wait3A_1028, %dma_wait3A_1029] : memref<2x128x64xf32, #tpu.memory_space<vmem>> -> memref<1x128x64xf32, #tpu.memory_space<vmem>>
        %dma_wait3A_1031 = tpu.memref_squeeze %dma_wait3A_1030 : memref<1x128x64xf32, #tpu.memory_space<vmem>> -> memref<128x64xf32, #tpu.memory_space<vmem>>
        %dma_wait3A_1032 = arith.constant 0 : i32
        %dma_wait3A_1033 = tpu.memref_slice %arg8[%add3A_586, %dma_wait3A_1032] : memref<160x128xi32, #tpu.memory_space<vmem>> -> memref<1x128xi32, #tpu.memory_space<vmem>>
        %dma_wait3A_1034 = tpu.memref_squeeze %dma_wait3A_1033 : memref<1x128xi32, #tpu.memory_space<vmem>> -> memref<128xi32, #tpu.memory_space<vmem>>
        %dma_wait3A_1035 = arith.constant 0 : i32
        %dma_wait3A_1036 = arith.constant 0 : i32
        %dma_wait3A_1037 = tpu.memref_slice %arg11[%dma_wait3A_1035, %dma_wait3A_1036] : memref<10112x64xf32, #tpu.memory_space<vmem_shared>> -> memref<10112x64xf32, #tpu.memory_space<vmem_shared>>
        tpu.wait_indirect_dma semaphore(%run_scoped3A_1017 : memref<!tpu.dma_semaphore, #tpu.memory_space<semaphore_mem>>) src(%dma_wait3A_1031 : memref<128x64xf32, #tpu.memory_space<vmem>>) dst(%dma_wait3A_1037 : memref<10112x64xf32, #tpu.memory_space<vmem_shared>>)
        tpu.yield
      }) : () -> ()
      %dma_start3A_588 = arith.constant 1 : i32
      %dma_start3A_589 = arith.constant 2 : i32
      %dma_start3A_590 = arith.constant 0 : i32
      %dma_start3A_591 = arith.constant 0 : i32
      %dma_start3A_592 = arith.constant 0 : i32
      %dma_start3A_593 = tpu.memref_slice %arg9[%dma_start3A_590, %dma_start3A_591, %dma_start3A_592] : memref<2x128x64xf32, #tpu.memory_space<vmem>> -> memref<1x128x64xf32, #tpu.memory_space<vmem>>
      %dma_start3A_594 = tpu.memref_squeeze %dma_start3A_593 : memref<1x128x64xf32, #tpu.memory_space<vmem>> -> memref<128x64xf32, #tpu.memory_space<vmem>>
      %dma_start3A_595 = arith.constant 0 : i32
      %dma_start3A_596 = tpu.memref_slice %arg7[%dma_start3A_588, %dma_start3A_589, %dma_start3A_595] : memref<2x16x128xi32, #tpu.memory_space<vmem>> -> memref<1x1x128xi32, #tpu.memory_space<vmem>>
      %dma_start3A_597 = tpu.memref_squeeze %dma_start3A_596 : memref<1x1x128xi32, #tpu.memory_space<vmem>> -> memref<128xi32, #tpu.memory_space<vmem>>
      %dma_start3A_598 = arith.constant 0 : i32
      %dma_start3A_599 = arith.constant 0 : i32
      %dma_start3A_600 = tpu.memref_slice %arg10[%dma_start3A_598, %dma_start3A_599] : memref<10112x64xf32, #tpu.memory_space<vmem_shared>> -> memref<10112x64xf32, #tpu.memory_space<vmem_shared>>
      tpu.enqueue_indirect_dma source(%dma_start3A_600 : memref<10112x64xf32, #tpu.memory_space<vmem_shared>>) target(%dma_start3A_594 : memref<128x64xf32, #tpu.memory_space<vmem>>) offsets(%dma_start3A_597 : memref<128xi32, #tpu.memory_space<vmem>>) semaphore(%arg12 : memref<!tpu.dma_semaphore, #tpu.memory_space<semaphore_mem>>)
      %dma_wait3A_601 = arith.constant 1 : i32
      %dma_wait3A_602 = arith.constant 1 : i32
      %dma_wait3A_603 = arith.constant 1 : i32
      %dma_wait3A_604 = arith.constant 0 : i32
      %dma_wait3A_605 = arith.constant 0 : i32
      %dma_wait3A_606 = tpu.memref_slice %arg9[%dma_wait3A_603, %dma_wait3A_604, %dma_wait3A_605] : memref<2x128x64xf32, #tpu.memory_space<vmem>> -> memref<1x128x64xf32, #tpu.memory_space<vmem>>
      %dma_wait3A_607 = tpu.memref_squeeze %dma_wait3A_606 : memref<1x128x64xf32, #tpu.memory_space<vmem>> -> memref<128x64xf32, #tpu.memory_space<vmem>>
      %dma_wait3A_608 = arith.constant 0 : i32
      %dma_wait3A_609 = tpu.memref_slice %arg7[%dma_wait3A_601, %dma_wait3A_602, %dma_wait3A_608] : memref<2x16x128xi32, #tpu.memory_space<vmem>> -> memref<1x1x128xi32, #tpu.memory_space<vmem>>
      %dma_wait3A_610 = tpu.memref_squeeze %dma_wait3A_609 : memref<1x1x128xi32, #tpu.memory_space<vmem>> -> memref<128xi32, #tpu.memory_space<vmem>>
      %dma_wait3A_611 = arith.constant 0 : i32
      %dma_wait3A_612 = arith.constant 0 : i32
      %dma_wait3A_613 = tpu.memref_slice %arg10[%dma_wait3A_611, %dma_wait3A_612] : memref<10112x64xf32, #tpu.memory_space<vmem_shared>> -> memref<10112x64xf32, #tpu.memory_space<vmem_shared>>
      tpu.wait_indirect_dma semaphore(%arg13 : memref<!tpu.dma_semaphore, #tpu.memory_space<semaphore_mem>>) src(%dma_wait3A_613 : memref<10112x64xf32, #tpu.memory_space<vmem_shared>>) dst(%dma_wait3A_607 : memref<128x64xf32, #tpu.memory_space<vmem>>)
      %add3A_614 = arith.constant 1 : i32
      %add3A_615 = arith.addi %add3A_530, %add3A_614 : i32
      %run_scoped3A_616 = arith.constant 1 : i32
      "tpu.region"() ({
        %run_scoped3A_1017 = tpu.sem_alloc : memref<!tpu.dma_semaphore, #tpu.memory_space<semaphore_mem>>
        %dma_start3A_1018 = arith.constant 0 : i32
        %dma_start3A_1019 = arith.constant 0 : i32
        %dma_start3A_1020 = tpu.memref_slice %arg9[%run_scoped3A_616, %dma_start3A_1018, %dma_start3A_1019] : memref<2x128x64xf32, #tpu.memory_space<vmem>> -> memref<1x128x64xf32, #tpu.memory_space<vmem>>
        %dma_start3A_1021 = tpu.memref_squeeze %dma_start3A_1020 : memref<1x128x64xf32, #tpu.memory_space<vmem>> -> memref<128x64xf32, #tpu.memory_space<vmem>>
        %dma_start3A_1022 = arith.constant 0 : i32
        %dma_start3A_1023 = tpu.memref_slice %arg8[%add3A_615, %dma_start3A_1022] : memref<160x128xi32, #tpu.memory_space<vmem>> -> memref<1x128xi32, #tpu.memory_space<vmem>>
        %dma_start3A_1024 = tpu.memref_squeeze %dma_start3A_1023 : memref<1x128xi32, #tpu.memory_space<vmem>> -> memref<128xi32, #tpu.memory_space<vmem>>
        %dma_start3A_1025 = arith.constant 0 : i32
        %dma_start3A_1026 = arith.constant 0 : i32
        %dma_start3A_1027 = tpu.memref_slice %arg11[%dma_start3A_1025, %dma_start3A_1026] : memref<10112x64xf32, #tpu.memory_space<vmem_shared>> -> memref<10112x64xf32, #tpu.memory_space<vmem_shared>>
        tpu.enqueue_indirect_dma source(%dma_start3A_1021 : memref<128x64xf32, #tpu.memory_space<vmem>>) target(%dma_start3A_1027 : memref<10112x64xf32, #tpu.memory_space<vmem_shared>>) offsets(%dma_start3A_1024 : memref<128xi32, #tpu.memory_space<vmem>>) semaphore(%run_scoped3A_1017 : memref<!tpu.dma_semaphore, #tpu.memory_space<semaphore_mem>>) {add = true}
        %dma_wait3A_1028 = arith.constant 0 : i32
        %dma_wait3A_1029 = arith.constant 0 : i32
        %dma_wait3A_1030 = tpu.memref_slice %arg9[%run_scoped3A_616, %dma_wait3A_1028, %dma_wait3A_1029] : memref<2x128x64xf32, #tpu.memory_space<vmem>> -> memref<1x128x64xf32, #tpu.memory_space<vmem>>
        %dma_wait3A_1031 = tpu.memref_squeeze %dma_wait3A_1030 : memref<1x128x64xf32, #tpu.memory_space<vmem>> -> memref<128x64xf32, #tpu.memory_space<vmem>>
        %dma_wait3A_1032 = arith.constant 0 : i32
        %dma_wait3A_1033 = tpu.memref_slice %arg8[%add3A_615, %dma_wait3A_1032] : memref<160x128xi32, #tpu.memory_space<vmem>> -> memref<1x128xi32, #tpu.memory_space<vmem>>
        %dma_wait3A_1034 = tpu.memref_squeeze %dma_wait3A_1033 : memref<1x128xi32, #tpu.memory_space<vmem>> -> memref<128xi32, #tpu.memory_space<vmem>>
        %dma_wait3A_1035 = arith.constant 0 : i32
        %dma_wait3A_1036 = arith.constant 0 : i32
        %dma_wait3A_1037 = tpu.memref_slice %arg11[%dma_wait3A_1035, %dma_wait3A_1036] : memref<10112x64xf32, #tpu.memory_space<vmem_shared>> -> memref<10112x64xf32, #tpu.memory_space<vmem_shared>>
        tpu.wait_indirect_dma semaphore(%run_scoped3A_1017 : memref<!tpu.dma_semaphore, #tpu.memory_space<semaphore_mem>>) src(%dma_wait3A_1031 : memref<128x64xf32, #tpu.memory_space<vmem>>) dst(%dma_wait3A_1037 : memref<10112x64xf32, #tpu.memory_space<vmem_shared>>)
        tpu.yield
      }) : () -> ()
      %dma_start3A_617 = arith.constant 1 : i32
      %dma_start3A_618 = arith.constant 3 : i32
      %dma_start3A_619 = arith.constant 1 : i32
      %dma_start3A_620 = arith.constant 0 : i32
      %dma_start3A_621 = arith.constant 0 : i32
      %dma_start3A_622 = tpu.memref_slice %arg9[%dma_start3A_619, %dma_start3A_620, %dma_start3A_621] : memref<2x128x64xf32, #tpu.memory_space<vmem>> -> memref<1x128x64xf32, #tpu.memory_space<vmem>>
      %dma_start3A_623 = tpu.memref_squeeze %dma_start3A_622 : memref<1x128x64xf32, #tpu.memory_space<vmem>> -> memref<128x64xf32, #tpu.memory_space<vmem>>
      %dma_start3A_624 = arith.constant 0 : i32
      %dma_start3A_625 = tpu.memref_slice %arg7[%dma_start3A_617, %dma_start3A_618, %dma_start3A_624] : memref<2x16x128xi32, #tpu.memory_space<vmem>> -> memref<1x1x128xi32, #tpu.memory_space<vmem>>
      %dma_start3A_626 = tpu.memref_squeeze %dma_start3A_625 : memref<1x1x128xi32, #tpu.memory_space<vmem>> -> memref<128xi32, #tpu.memory_space<vmem>>
      %dma_start3A_627 = arith.constant 0 : i32
      %dma_start3A_628 = arith.constant 0 : i32
      %dma_start3A_629 = tpu.memref_slice %arg10[%dma_start3A_627, %dma_start3A_628] : memref<10112x64xf32, #tpu.memory_space<vmem_shared>> -> memref<10112x64xf32, #tpu.memory_space<vmem_shared>>
      tpu.enqueue_indirect_dma source(%dma_start3A_629 : memref<10112x64xf32, #tpu.memory_space<vmem_shared>>) target(%dma_start3A_623 : memref<128x64xf32, #tpu.memory_space<vmem>>) offsets(%dma_start3A_626 : memref<128xi32, #tpu.memory_space<vmem>>) semaphore(%arg13 : memref<!tpu.dma_semaphore, #tpu.memory_space<semaphore_mem>>)
      %dma_wait3A_630 = arith.constant 1 : i32
      %dma_wait3A_631 = arith.constant 2 : i32
      %dma_wait3A_632 = arith.constant 0 : i32
      %dma_wait3A_633 = arith.constant 0 : i32
      %dma_wait3A_634 = arith.constant 0 : i32
      %dma_wait3A_635 = tpu.memref_slice %arg9[%dma_wait3A_632, %dma_wait3A_633, %dma_wait3A_634] : memref<2x128x64xf32, #tpu.memory_space<vmem>> -> memref<1x128x64xf32, #tpu.memory_space<vmem>>
      %dma_wait3A_636 = tpu.memref_squeeze %dma_wait3A_635 : memref<1x128x64xf32, #tpu.memory_space<vmem>> -> memref<128x64xf32, #tpu.memory_space<vmem>>
      %dma_wait3A_637 = arith.constant 0 : i32
      %dma_wait3A_638 = tpu.memref_slice %arg7[%dma_wait3A_630, %dma_wait3A_631, %dma_wait3A_637] : memref<2x16x128xi32, #tpu.memory_space<vmem>> -> memref<1x1x128xi32, #tpu.memory_space<vmem>>
      %dma_wait3A_639 = tpu.memref_squeeze %dma_wait3A_638 : memref<1x1x128xi32, #tpu.memory_space<vmem>> -> memref<128xi32, #tpu.memory_space<vmem>>
      %dma_wait3A_640 = arith.constant 0 : i32
      %dma_wait3A_641 = arith.constant 0 : i32
      %dma_wait3A_642 = tpu.memref_slice %arg10[%dma_wait3A_640, %dma_wait3A_641] : memref<10112x64xf32, #tpu.memory_space<vmem_shared>> -> memref<10112x64xf32, #tpu.memory_space<vmem_shared>>
      tpu.wait_indirect_dma semaphore(%arg12 : memref<!tpu.dma_semaphore, #tpu.memory_space<semaphore_mem>>) src(%dma_wait3A_642 : memref<10112x64xf32, #tpu.memory_space<vmem_shared>>) dst(%dma_wait3A_636 : memref<128x64xf32, #tpu.memory_space<vmem>>)
      %add3A_643 = arith.constant 2 : i32
      %add3A_644 = arith.addi %add3A_530, %add3A_643 : i32
      %run_scoped3A_645 = arith.constant 0 : i32
      "tpu.region"() ({
        %run_scoped3A_1017 = tpu.sem_alloc : memref<!tpu.dma_semaphore, #tpu.memory_space<semaphore_mem>>
        %dma_start3A_1018 = arith.constant 0 : i32
        %dma_start3A_1019 = arith.constant 0 : i32
        %dma_start3A_1020 = tpu.memref_slice %arg9[%run_scoped3A_645, %dma_start3A_1018, %dma_start3A_1019] : memref<2x128x64xf32, #tpu.memory_space<vmem>> -> memref<1x128x64xf32, #tpu.memory_space<vmem>>
        %dma_start3A_1021 = tpu.memref_squeeze %dma_start3A_1020 : memref<1x128x64xf32, #tpu.memory_space<vmem>> -> memref<128x64xf32, #tpu.memory_space<vmem>>
        %dma_start3A_1022 = arith.constant 0 : i32
        %dma_start3A_1023 = tpu.memref_slice %arg8[%add3A_644, %dma_start3A_1022] : memref<160x128xi32, #tpu.memory_space<vmem>> -> memref<1x128xi32, #tpu.memory_space<vmem>>
        %dma_start3A_1024 = tpu.memref_squeeze %dma_start3A_1023 : memref<1x128xi32, #tpu.memory_space<vmem>> -> memref<128xi32, #tpu.memory_space<vmem>>
        %dma_start3A_1025 = arith.constant 0 : i32
        %dma_start3A_1026 = arith.constant 0 : i32
        %dma_start3A_1027 = tpu.memref_slice %arg11[%dma_start3A_1025, %dma_start3A_1026] : memref<10112x64xf32, #tpu.memory_space<vmem_shared>> -> memref<10112x64xf32, #tpu.memory_space<vmem_shared>>
        tpu.enqueue_indirect_dma source(%dma_start3A_1021 : memref<128x64xf32, #tpu.memory_space<vmem>>) target(%dma_start3A_1027 : memref<10112x64xf32, #tpu.memory_space<vmem_shared>>) offsets(%dma_start3A_1024 : memref<128xi32, #tpu.memory_space<vmem>>) semaphore(%run_scoped3A_1017 : memref<!tpu.dma_semaphore, #tpu.memory_space<semaphore_mem>>) {add = true}
        %dma_wait3A_1028 = arith.constant 0 : i32
        %dma_wait3A_1029 = arith.constant 0 : i32
        %dma_wait3A_1030 = tpu.memref_slice %arg9[%run_scoped3A_645, %dma_wait3A_1028, %dma_wait3A_1029] : memref<2x128x64xf32, #tpu.memory_space<vmem>> -> memref<1x128x64xf32, #tpu.memory_space<vmem>>
        %dma_wait3A_1031 = tpu.memref_squeeze %dma_wait3A_1030 : memref<1x128x64xf32, #tpu.memory_space<vmem>> -> memref<128x64xf32, #tpu.memory_space<vmem>>
        %dma_wait3A_1032 = arith.constant 0 : i32
        %dma_wait3A_1033 = tpu.memref_slice %arg8[%add3A_644, %dma_wait3A_1032] : memref<160x128xi32, #tpu.memory_space<vmem>> -> memref<1x128xi32, #tpu.memory_space<vmem>>
        %dma_wait3A_1034 = tpu.memref_squeeze %dma_wait3A_1033 : memref<1x128xi32, #tpu.memory_space<vmem>> -> memref<128xi32, #tpu.memory_space<vmem>>
        %dma_wait3A_1035 = arith.constant 0 : i32
        %dma_wait3A_1036 = arith.constant 0 : i32
        %dma_wait3A_1037 = tpu.memref_slice %arg11[%dma_wait3A_1035, %dma_wait3A_1036] : memref<10112x64xf32, #tpu.memory_space<vmem_shared>> -> memref<10112x64xf32, #tpu.memory_space<vmem_shared>>
        tpu.wait_indirect_dma semaphore(%run_scoped3A_1017 : memref<!tpu.dma_semaphore, #tpu.memory_space<semaphore_mem>>) src(%dma_wait3A_1031 : memref<128x64xf32, #tpu.memory_space<vmem>>) dst(%dma_wait3A_1037 : memref<10112x64xf32, #tpu.memory_space<vmem_shared>>)
        tpu.yield
      }) : () -> ()
      %dma_start3A_646 = arith.constant 1 : i32
      %dma_start3A_647 = arith.constant 4 : i32
      %dma_start3A_648 = arith.constant 0 : i32
      %dma_start3A_649 = arith.constant 0 : i32
      %dma_start3A_650 = arith.constant 0 : i32
      %dma_start3A_651 = tpu.memref_slice %arg9[%dma_start3A_648, %dma_start3A_649, %dma_start3A_650] : memref<2x128x64xf32, #tpu.memory_space<vmem>> -> memref<1x128x64xf32, #tpu.memory_space<vmem>>
      %dma_start3A_652 = tpu.memref_squeeze %dma_start3A_651 : memref<1x128x64xf32, #tpu.memory_space<vmem>> -> memref<128x64xf32, #tpu.memory_space<vmem>>
      %dma_start3A_653 = arith.constant 0 : i32
      %dma_start3A_654 = tpu.memref_slice %arg7[%dma_start3A_646, %dma_start3A_647, %dma_start3A_653] : memref<2x16x128xi32, #tpu.memory_space<vmem>> -> memref<1x1x128xi32, #tpu.memory_space<vmem>>
      %dma_start3A_655 = tpu.memref_squeeze %dma_start3A_654 : memref<1x1x128xi32, #tpu.memory_space<vmem>> -> memref<128xi32, #tpu.memory_space<vmem>>
      %dma_start3A_656 = arith.constant 0 : i32
      %dma_start3A_657 = arith.constant 0 : i32
      %dma_start3A_658 = tpu.memref_slice %arg10[%dma_start3A_656, %dma_start3A_657] : memref<10112x64xf32, #tpu.memory_space<vmem_shared>> -> memref<10112x64xf32, #tpu.memory_space<vmem_shared>>
      tpu.enqueue_indirect_dma source(%dma_start3A_658 : memref<10112x64xf32, #tpu.memory_space<vmem_shared>>) target(%dma_start3A_652 : memref<128x64xf32, #tpu.memory_space<vmem>>) offsets(%dma_start3A_655 : memref<128xi32, #tpu.memory_space<vmem>>) semaphore(%arg12 : memref<!tpu.dma_semaphore, #tpu.memory_space<semaphore_mem>>)
      %dma_wait3A_659 = arith.constant 1 : i32
      %dma_wait3A_660 = arith.constant 3 : i32
      %dma_wait3A_661 = arith.constant 1 : i32
      %dma_wait3A_662 = arith.constant 0 : i32
      %dma_wait3A_663 = arith.constant 0 : i32
      %dma_wait3A_664 = tpu.memref_slice %arg9[%dma_wait3A_661, %dma_wait3A_662, %dma_wait3A_663] : memref<2x128x64xf32, #tpu.memory_space<vmem>> -> memref<1x128x64xf32, #tpu.memory_space<vmem>>
      %dma_wait3A_665 = tpu.memref_squeeze %dma_wait3A_664 : memref<1x128x64xf32, #tpu.memory_space<vmem>> -> memref<128x64xf32, #tpu.memory_space<vmem>>
      %dma_wait3A_666 = arith.constant 0 : i32
      %dma_wait3A_667 = tpu.memref_slice %arg7[%dma_wait3A_659, %dma_wait3A_660, %dma_wait3A_666] : memref<2x16x128xi32, #tpu.memory_space<vmem>> -> memref<1x1x128xi32, #tpu.memory_space<vmem>>
      %dma_wait3A_668 = tpu.memref_squeeze %dma_wait3A_667 : memref<1x1x128xi32, #tpu.memory_space<vmem>> -> memref<128xi32, #tpu.memory_space<vmem>>
      %dma_wait3A_669 = arith.constant 0 : i32
      %dma_wait3A_670 = arith.constant 0 : i32
      %dma_wait3A_671 = tpu.memref_slice %arg10[%dma_wait3A_669, %dma_wait3A_670] : memref<10112x64xf32, #tpu.memory_space<vmem_shared>> -> memref<10112x64xf32, #tpu.memory_space<vmem_shared>>
      tpu.wait_indirect_dma semaphore(%arg13 : memref<!tpu.dma_semaphore, #tpu.memory_space<semaphore_mem>>) src(%dma_wait3A_671 : memref<10112x64xf32, #tpu.memory_space<vmem_shared>>) dst(%dma_wait3A_665 : memref<128x64xf32, #tpu.memory_space<vmem>>)
      %add3A_672 = arith.constant 3 : i32
      %add3A_673 = arith.addi %add3A_530, %add3A_672 : i32
      %run_scoped3A_674 = arith.constant 1 : i32
      "tpu.region"() ({
        %run_scoped3A_1017 = tpu.sem_alloc : memref<!tpu.dma_semaphore, #tpu.memory_space<semaphore_mem>>
        %dma_start3A_1018 = arith.constant 0 : i32
        %dma_start3A_1019 = arith.constant 0 : i32
        %dma_start3A_1020 = tpu.memref_slice %arg9[%run_scoped3A_674, %dma_start3A_1018, %dma_start3A_1019] : memref<2x128x64xf32, #tpu.memory_space<vmem>> -> memref<1x128x64xf32, #tpu.memory_space<vmem>>
        %dma_start3A_1021 = tpu.memref_squeeze %dma_start3A_1020 : memref<1x128x64xf32, #tpu.memory_space<vmem>> -> memref<128x64xf32, #tpu.memory_space<vmem>>
        %dma_start3A_1022 = arith.constant 0 : i32
        %dma_start3A_1023 = tpu.memref_slice %arg8[%add3A_673, %dma_start3A_1022] : memref<160x128xi32, #tpu.memory_space<vmem>> -> memref<1x128xi32, #tpu.memory_space<vmem>>
        %dma_start3A_1024 = tpu.memref_squeeze %dma_start3A_1023 : memref<1x128xi32, #tpu.memory_space<vmem>> -> memref<128xi32, #tpu.memory_space<vmem>>
        %dma_start3A_1025 = arith.constant 0 : i32
        %dma_start3A_1026 = arith.constant 0 : i32
        %dma_start3A_1027 = tpu.memref_slice %arg11[%dma_start3A_1025, %dma_start3A_1026] : memref<10112x64xf32, #tpu.memory_space<vmem_shared>> -> memref<10112x64xf32, #tpu.memory_space<vmem_shared>>
        tpu.enqueue_indirect_dma source(%dma_start3A_1021 : memref<128x64xf32, #tpu.memory_space<vmem>>) target(%dma_start3A_1027 : memref<10112x64xf32, #tpu.memory_space<vmem_shared>>) offsets(%dma_start3A_1024 : memref<128xi32, #tpu.memory_space<vmem>>) semaphore(%run_scoped3A_1017 : memref<!tpu.dma_semaphore, #tpu.memory_space<semaphore_mem>>) {add = true}
        %dma_wait3A_1028 = arith.constant 0 : i32
        %dma_wait3A_1029 = arith.constant 0 : i32
        %dma_wait3A_1030 = tpu.memref_slice %arg9[%run_scoped3A_674, %dma_wait3A_1028, %dma_wait3A_1029] : memref<2x128x64xf32, #tpu.memory_space<vmem>> -> memref<1x128x64xf32, #tpu.memory_space<vmem>>
        %dma_wait3A_1031 = tpu.memref_squeeze %dma_wait3A_1030 : memref<1x128x64xf32, #tpu.memory_space<vmem>> -> memref<128x64xf32, #tpu.memory_space<vmem>>
        %dma_wait3A_1032 = arith.constant 0 : i32
        %dma_wait3A_1033 = tpu.memref_slice %arg8[%add3A_673, %dma_wait3A_1032] : memref<160x128xi32, #tpu.memory_space<vmem>> -> memref<1x128xi32, #tpu.memory_space<vmem>>
        %dma_wait3A_1034 = tpu.memref_squeeze %dma_wait3A_1033 : memref<1x128xi32, #tpu.memory_space<vmem>> -> memref<128xi32, #tpu.memory_space<vmem>>
        %dma_wait3A_1035 = arith.constant 0 : i32
        %dma_wait3A_1036 = arith.constant 0 : i32
        %dma_wait3A_1037 = tpu.memref_slice %arg11[%dma_wait3A_1035, %dma_wait3A_1036] : memref<10112x64xf32, #tpu.memory_space<vmem_shared>> -> memref<10112x64xf32, #tpu.memory_space<vmem_shared>>
        tpu.wait_indirect_dma semaphore(%run_scoped3A_1017 : memref<!tpu.dma_semaphore, #tpu.memory_space<semaphore_mem>>) src(%dma_wait3A_1031 : memref<128x64xf32, #tpu.memory_space<vmem>>) dst(%dma_wait3A_1037 : memref<10112x64xf32, #tpu.memory_space<vmem_shared>>)
        tpu.yield
      }) : () -> ()
      %dma_start3A_675 = arith.constant 1 : i32
      %dma_start3A_676 = arith.constant 5 : i32
      %dma_start3A_677 = arith.constant 1 : i32
      %dma_start3A_678 = arith.constant 0 : i32
      %dma_start3A_679 = arith.constant 0 : i32
      %dma_start3A_680 = tpu.memref_slice %arg9[%dma_start3A_677, %dma_start3A_678, %dma_start3A_679] : memref<2x128x64xf32, #tpu.memory_space<vmem>> -> memref<1x128x64xf32, #tpu.memory_space<vmem>>
      %dma_start3A_681 = tpu.memref_squeeze %dma_start3A_680 : memref<1x128x64xf32, #tpu.memory_space<vmem>> -> memref<128x64xf32, #tpu.memory_space<vmem>>
      %dma_start3A_682 = arith.constant 0 : i32
      %dma_start3A_683 = tpu.memref_slice %arg7[%dma_start3A_675, %dma_start3A_676, %dma_start3A_682] : memref<2x16x128xi32, #tpu.memory_space<vmem>> -> memref<1x1x128xi32, #tpu.memory_space<vmem>>
      %dma_start3A_684 = tpu.memref_squeeze %dma_start3A_683 : memref<1x1x128xi32, #tpu.memory_space<vmem>> -> memref<128xi32, #tpu.memory_space<vmem>>
      %dma_start3A_685 = arith.constant 0 : i32
      %dma_start3A_686 = arith.constant 0 : i32
      %dma_start3A_687 = tpu.memref_slice %arg10[%dma_start3A_685, %dma_start3A_686] : memref<10112x64xf32, #tpu.memory_space<vmem_shared>> -> memref<10112x64xf32, #tpu.memory_space<vmem_shared>>
      tpu.enqueue_indirect_dma source(%dma_start3A_687 : memref<10112x64xf32, #tpu.memory_space<vmem_shared>>) target(%dma_start3A_681 : memref<128x64xf32, #tpu.memory_space<vmem>>) offsets(%dma_start3A_684 : memref<128xi32, #tpu.memory_space<vmem>>) semaphore(%arg13 : memref<!tpu.dma_semaphore, #tpu.memory_space<semaphore_mem>>)
      %dma_wait3A_688 = arith.constant 1 : i32
      %dma_wait3A_689 = arith.constant 4 : i32
      %dma_wait3A_690 = arith.constant 0 : i32
      %dma_wait3A_691 = arith.constant 0 : i32
      %dma_wait3A_692 = arith.constant 0 : i32
      %dma_wait3A_693 = tpu.memref_slice %arg9[%dma_wait3A_690, %dma_wait3A_691, %dma_wait3A_692] : memref<2x128x64xf32, #tpu.memory_space<vmem>> -> memref<1x128x64xf32, #tpu.memory_space<vmem>>
      %dma_wait3A_694 = tpu.memref_squeeze %dma_wait3A_693 : memref<1x128x64xf32, #tpu.memory_space<vmem>> -> memref<128x64xf32, #tpu.memory_space<vmem>>
      %dma_wait3A_695 = arith.constant 0 : i32
      %dma_wait3A_696 = tpu.memref_slice %arg7[%dma_wait3A_688, %dma_wait3A_689, %dma_wait3A_695] : memref<2x16x128xi32, #tpu.memory_space<vmem>> -> memref<1x1x128xi32, #tpu.memory_space<vmem>>
      %dma_wait3A_697 = tpu.memref_squeeze %dma_wait3A_696 : memref<1x1x128xi32, #tpu.memory_space<vmem>> -> memref<128xi32, #tpu.memory_space<vmem>>
      %dma_wait3A_698 = arith.constant 0 : i32
      %dma_wait3A_699 = arith.constant 0 : i32
      %dma_wait3A_700 = tpu.memref_slice %arg10[%dma_wait3A_698, %dma_wait3A_699] : memref<10112x64xf32, #tpu.memory_space<vmem_shared>> -> memref<10112x64xf32, #tpu.memory_space<vmem_shared>>
      tpu.wait_indirect_dma semaphore(%arg12 : memref<!tpu.dma_semaphore, #tpu.memory_space<semaphore_mem>>) src(%dma_wait3A_700 : memref<10112x64xf32, #tpu.memory_space<vmem_shared>>) dst(%dma_wait3A_694 : memref<128x64xf32, #tpu.memory_space<vmem>>)
      %add3A_701 = arith.constant 4 : i32
      %add3A_702 = arith.addi %add3A_530, %add3A_701 : i32
      %run_scoped3A_703 = arith.constant 0 : i32
      "tpu.region"() ({
        %run_scoped3A_1017 = tpu.sem_alloc : memref<!tpu.dma_semaphore, #tpu.memory_space<semaphore_mem>>
        %dma_start3A_1018 = arith.constant 0 : i32
        %dma_start3A_1019 = arith.constant 0 : i32
        %dma_start3A_1020 = tpu.memref_slice %arg9[%run_scoped3A_703, %dma_start3A_1018, %dma_start3A_1019] : memref<2x128x64xf32, #tpu.memory_space<vmem>> -> memref<1x128x64xf32, #tpu.memory_space<vmem>>
        %dma_start3A_1021 = tpu.memref_squeeze %dma_start3A_1020 : memref<1x128x64xf32, #tpu.memory_space<vmem>> -> memref<128x64xf32, #tpu.memory_space<vmem>>
        %dma_start3A_1022 = arith.constant 0 : i32
        %dma_start3A_1023 = tpu.memref_slice %arg8[%add3A_702, %dma_start3A_1022] : memref<160x128xi32, #tpu.memory_space<vmem>> -> memref<1x128xi32, #tpu.memory_space<vmem>>
        %dma_start3A_1024 = tpu.memref_squeeze %dma_start3A_1023 : memref<1x128xi32, #tpu.memory_space<vmem>> -> memref<128xi32, #tpu.memory_space<vmem>>
        %dma_start3A_1025 = arith.constant 0 : i32
        %dma_start3A_1026 = arith.constant 0 : i32
        %dma_start3A_1027 = tpu.memref_slice %arg11[%dma_start3A_1025, %dma_start3A_1026] : memref<10112x64xf32, #tpu.memory_space<vmem_shared>> -> memref<10112x64xf32, #tpu.memory_space<vmem_shared>>
        tpu.enqueue_indirect_dma source(%dma_start3A_1021 : memref<128x64xf32, #tpu.memory_space<vmem>>) target(%dma_start3A_1027 : memref<10112x64xf32, #tpu.memory_space<vmem_shared>>) offsets(%dma_start3A_1024 : memref<128xi32, #tpu.memory_space<vmem>>) semaphore(%run_scoped3A_1017 : memref<!tpu.dma_semaphore, #tpu.memory_space<semaphore_mem>>) {add = true}
        %dma_wait3A_1028 = arith.constant 0 : i32
        %dma_wait3A_1029 = arith.constant 0 : i32
        %dma_wait3A_1030 = tpu.memref_slice %arg9[%run_scoped3A_703, %dma_wait3A_1028, %dma_wait3A_1029] : memref<2x128x64xf32, #tpu.memory_space<vmem>> -> memref<1x128x64xf32, #tpu.memory_space<vmem>>
        %dma_wait3A_1031 = tpu.memref_squeeze %dma_wait3A_1030 : memref<1x128x64xf32, #tpu.memory_space<vmem>> -> memref<128x64xf32, #tpu.memory_space<vmem>>
        %dma_wait3A_1032 = arith.constant 0 : i32
        %dma_wait3A_1033 = tpu.memref_slice %arg8[%add3A_702, %dma_wait3A_1032] : memref<160x128xi32, #tpu.memory_space<vmem>> -> memref<1x128xi32, #tpu.memory_space<vmem>>
        %dma_wait3A_1034 = tpu.memref_squeeze %dma_wait3A_1033 : memref<1x128xi32, #tpu.memory_space<vmem>> -> memref<128xi32, #tpu.memory_space<vmem>>
        %dma_wait3A_1035 = arith.constant 0 : i32
        %dma_wait3A_1036 = arith.constant 0 : i32
        %dma_wait3A_1037 = tpu.memref_slice %arg11[%dma_wait3A_1035, %dma_wait3A_1036] : memref<10112x64xf32, #tpu.memory_space<vmem_shared>> -> memref<10112x64xf32, #tpu.memory_space<vmem_shared>>
        tpu.wait_indirect_dma semaphore(%run_scoped3A_1017 : memref<!tpu.dma_semaphore, #tpu.memory_space<semaphore_mem>>) src(%dma_wait3A_1031 : memref<128x64xf32, #tpu.memory_space<vmem>>) dst(%dma_wait3A_1037 : memref<10112x64xf32, #tpu.memory_space<vmem_shared>>)
        tpu.yield
      }) : () -> ()
      %dma_start3A_704 = arith.constant 1 : i32
      %dma_start3A_705 = arith.constant 6 : i32
      %dma_start3A_706 = arith.constant 0 : i32
      %dma_start3A_707 = arith.constant 0 : i32
      %dma_start3A_708 = arith.constant 0 : i32
      %dma_start3A_709 = tpu.memref_slice %arg9[%dma_start3A_706, %dma_start3A_707, %dma_start3A_708] : memref<2x128x64xf32, #tpu.memory_space<vmem>> -> memref<1x128x64xf32, #tpu.memory_space<vmem>>
      %dma_start3A_710 = tpu.memref_squeeze %dma_start3A_709 : memref<1x128x64xf32, #tpu.memory_space<vmem>> -> memref<128x64xf32, #tpu.memory_space<vmem>>
      %dma_start3A_711 = arith.constant 0 : i32
      %dma_start3A_712 = tpu.memref_slice %arg7[%dma_start3A_704, %dma_start3A_705, %dma_start3A_711] : memref<2x16x128xi32, #tpu.memory_space<vmem>> -> memref<1x1x128xi32, #tpu.memory_space<vmem>>
      %dma_start3A_713 = tpu.memref_squeeze %dma_start3A_712 : memref<1x1x128xi32, #tpu.memory_space<vmem>> -> memref<128xi32, #tpu.memory_space<vmem>>
      %dma_start3A_714 = arith.constant 0 : i32
      %dma_start3A_715 = arith.constant 0 : i32
      %dma_start3A_716 = tpu.memref_slice %arg10[%dma_start3A_714, %dma_start3A_715] : memref<10112x64xf32, #tpu.memory_space<vmem_shared>> -> memref<10112x64xf32, #tpu.memory_space<vmem_shared>>
      tpu.enqueue_indirect_dma source(%dma_start3A_716 : memref<10112x64xf32, #tpu.memory_space<vmem_shared>>) target(%dma_start3A_710 : memref<128x64xf32, #tpu.memory_space<vmem>>) offsets(%dma_start3A_713 : memref<128xi32, #tpu.memory_space<vmem>>) semaphore(%arg12 : memref<!tpu.dma_semaphore, #tpu.memory_space<semaphore_mem>>)
      %dma_wait3A_717 = arith.constant 1 : i32
      %dma_wait3A_718 = arith.constant 5 : i32
      %dma_wait3A_719 = arith.constant 1 : i32
      %dma_wait3A_720 = arith.constant 0 : i32
      %dma_wait3A_721 = arith.constant 0 : i32
      %dma_wait3A_722 = tpu.memref_slice %arg9[%dma_wait3A_719, %dma_wait3A_720, %dma_wait3A_721] : memref<2x128x64xf32, #tpu.memory_space<vmem>> -> memref<1x128x64xf32, #tpu.memory_space<vmem>>
      %dma_wait3A_723 = tpu.memref_squeeze %dma_wait3A_722 : memref<1x128x64xf32, #tpu.memory_space<vmem>> -> memref<128x64xf32, #tpu.memory_space<vmem>>
      %dma_wait3A_724 = arith.constant 0 : i32
      %dma_wait3A_725 = tpu.memref_slice %arg7[%dma_wait3A_717, %dma_wait3A_718, %dma_wait3A_724] : memref<2x16x128xi32, #tpu.memory_space<vmem>> -> memref<1x1x128xi32, #tpu.memory_space<vmem>>
      %dma_wait3A_726 = tpu.memref_squeeze %dma_wait3A_725 : memref<1x1x128xi32, #tpu.memory_space<vmem>> -> memref<128xi32, #tpu.memory_space<vmem>>
      %dma_wait3A_727 = arith.constant 0 : i32
      %dma_wait3A_728 = arith.constant 0 : i32
      %dma_wait3A_729 = tpu.memref_slice %arg10[%dma_wait3A_727, %dma_wait3A_728] : memref<10112x64xf32, #tpu.memory_space<vmem_shared>> -> memref<10112x64xf32, #tpu.memory_space<vmem_shared>>
      tpu.wait_indirect_dma semaphore(%arg13 : memref<!tpu.dma_semaphore, #tpu.memory_space<semaphore_mem>>) src(%dma_wait3A_729 : memref<10112x64xf32, #tpu.memory_space<vmem_shared>>) dst(%dma_wait3A_723 : memref<128x64xf32, #tpu.memory_space<vmem>>)
      %add3A_730 = arith.constant 5 : i32
      %add3A_731 = arith.addi %add3A_530, %add3A_730 : i32
      %run_scoped3A_732 = arith.constant 1 : i32
      "tpu.region"() ({
        %run_scoped3A_1017 = tpu.sem_alloc : memref<!tpu.dma_semaphore, #tpu.memory_space<semaphore_mem>>
        %dma_start3A_1018 = arith.constant 0 : i32
        %dma_start3A_1019 = arith.constant 0 : i32
        %dma_start3A_1020 = tpu.memref_slice %arg9[%run_scoped3A_732, %dma_start3A_1018, %dma_start3A_1019] : memref<2x128x64xf32, #tpu.memory_space<vmem>> -> memref<1x128x64xf32, #tpu.memory_space<vmem>>
        %dma_start3A_1021 = tpu.memref_squeeze %dma_start3A_1020 : memref<1x128x64xf32, #tpu.memory_space<vmem>> -> memref<128x64xf32, #tpu.memory_space<vmem>>
        %dma_start3A_1022 = arith.constant 0 : i32
        %dma_start3A_1023 = tpu.memref_slice %arg8[%add3A_731, %dma_start3A_1022] : memref<160x128xi32, #tpu.memory_space<vmem>> -> memref<1x128xi32, #tpu.memory_space<vmem>>
        %dma_start3A_1024 = tpu.memref_squeeze %dma_start3A_1023 : memref<1x128xi32, #tpu.memory_space<vmem>> -> memref<128xi32, #tpu.memory_space<vmem>>
        %dma_start3A_1025 = arith.constant 0 : i32
        %dma_start3A_1026 = arith.constant 0 : i32
        %dma_start3A_1027 = tpu.memref_slice %arg11[%dma_start3A_1025, %dma_start3A_1026] : memref<10112x64xf32, #tpu.memory_space<vmem_shared>> -> memref<10112x64xf32, #tpu.memory_space<vmem_shared>>
        tpu.enqueue_indirect_dma source(%dma_start3A_1021 : memref<128x64xf32, #tpu.memory_space<vmem>>) target(%dma_start3A_1027 : memref<10112x64xf32, #tpu.memory_space<vmem_shared>>) offsets(%dma_start3A_1024 : memref<128xi32, #tpu.memory_space<vmem>>) semaphore(%run_scoped3A_1017 : memref<!tpu.dma_semaphore, #tpu.memory_space<semaphore_mem>>) {add = true}
        %dma_wait3A_1028 = arith.constant 0 : i32
        %dma_wait3A_1029 = arith.constant 0 : i32
        %dma_wait3A_1030 = tpu.memref_slice %arg9[%run_scoped3A_732, %dma_wait3A_1028, %dma_wait3A_1029] : memref<2x128x64xf32, #tpu.memory_space<vmem>> -> memref<1x128x64xf32, #tpu.memory_space<vmem>>
        %dma_wait3A_1031 = tpu.memref_squeeze %dma_wait3A_1030 : memref<1x128x64xf32, #tpu.memory_space<vmem>> -> memref<128x64xf32, #tpu.memory_space<vmem>>
        %dma_wait3A_1032 = arith.constant 0 : i32
        %dma_wait3A_1033 = tpu.memref_slice %arg8[%add3A_731, %dma_wait3A_1032] : memref<160x128xi32, #tpu.memory_space<vmem>> -> memref<1x128xi32, #tpu.memory_space<vmem>>
        %dma_wait3A_1034 = tpu.memref_squeeze %dma_wait3A_1033 : memref<1x128xi32, #tpu.memory_space<vmem>> -> memref<128xi32, #tpu.memory_space<vmem>>
        %dma_wait3A_1035 = arith.constant 0 : i32
        %dma_wait3A_1036 = arith.constant 0 : i32
        %dma_wait3A_1037 = tpu.memref_slice %arg11[%dma_wait3A_1035, %dma_wait3A_1036] : memref<10112x64xf32, #tpu.memory_space<vmem_shared>> -> memref<10112x64xf32, #tpu.memory_space<vmem_shared>>
        tpu.wait_indirect_dma semaphore(%run_scoped3A_1017 : memref<!tpu.dma_semaphore, #tpu.memory_space<semaphore_mem>>) src(%dma_wait3A_1031 : memref<128x64xf32, #tpu.memory_space<vmem>>) dst(%dma_wait3A_1037 : memref<10112x64xf32, #tpu.memory_space<vmem_shared>>)
        tpu.yield
      }) : () -> ()
      %dma_start3A_733 = arith.constant 1 : i32
      %dma_start3A_734 = arith.constant 7 : i32
      %dma_start3A_735 = arith.constant 1 : i32
      %dma_start3A_736 = arith.constant 0 : i32
      %dma_start3A_737 = arith.constant 0 : i32
      %dma_start3A_738 = tpu.memref_slice %arg9[%dma_start3A_735, %dma_start3A_736, %dma_start3A_737] : memref<2x128x64xf32, #tpu.memory_space<vmem>> -> memref<1x128x64xf32, #tpu.memory_space<vmem>>
      %dma_start3A_739 = tpu.memref_squeeze %dma_start3A_738 : memref<1x128x64xf32, #tpu.memory_space<vmem>> -> memref<128x64xf32, #tpu.memory_space<vmem>>
      %dma_start3A_740 = arith.constant 0 : i32
      %dma_start3A_741 = tpu.memref_slice %arg7[%dma_start3A_733, %dma_start3A_734, %dma_start3A_740] : memref<2x16x128xi32, #tpu.memory_space<vmem>> -> memref<1x1x128xi32, #tpu.memory_space<vmem>>
      %dma_start3A_742 = tpu.memref_squeeze %dma_start3A_741 : memref<1x1x128xi32, #tpu.memory_space<vmem>> -> memref<128xi32, #tpu.memory_space<vmem>>
      %dma_start3A_743 = arith.constant 0 : i32
      %dma_start3A_744 = arith.constant 0 : i32
      %dma_start3A_745 = tpu.memref_slice %arg10[%dma_start3A_743, %dma_start3A_744] : memref<10112x64xf32, #tpu.memory_space<vmem_shared>> -> memref<10112x64xf32, #tpu.memory_space<vmem_shared>>
      tpu.enqueue_indirect_dma source(%dma_start3A_745 : memref<10112x64xf32, #tpu.memory_space<vmem_shared>>) target(%dma_start3A_739 : memref<128x64xf32, #tpu.memory_space<vmem>>) offsets(%dma_start3A_742 : memref<128xi32, #tpu.memory_space<vmem>>) semaphore(%arg13 : memref<!tpu.dma_semaphore, #tpu.memory_space<semaphore_mem>>)
      %dma_wait3A_746 = arith.constant 1 : i32
      %dma_wait3A_747 = arith.constant 6 : i32
      %dma_wait3A_748 = arith.constant 0 : i32
      %dma_wait3A_749 = arith.constant 0 : i32
      %dma_wait3A_750 = arith.constant 0 : i32
      %dma_wait3A_751 = tpu.memref_slice %arg9[%dma_wait3A_748, %dma_wait3A_749, %dma_wait3A_750] : memref<2x128x64xf32, #tpu.memory_space<vmem>> -> memref<1x128x64xf32, #tpu.memory_space<vmem>>
      %dma_wait3A_752 = tpu.memref_squeeze %dma_wait3A_751 : memref<1x128x64xf32, #tpu.memory_space<vmem>> -> memref<128x64xf32, #tpu.memory_space<vmem>>
      %dma_wait3A_753 = arith.constant 0 : i32
      %dma_wait3A_754 = tpu.memref_slice %arg7[%dma_wait3A_746, %dma_wait3A_747, %dma_wait3A_753] : memref<2x16x128xi32, #tpu.memory_space<vmem>> -> memref<1x1x128xi32, #tpu.memory_space<vmem>>
      %dma_wait3A_755 = tpu.memref_squeeze %dma_wait3A_754 : memref<1x1x128xi32, #tpu.memory_space<vmem>> -> memref<128xi32, #tpu.memory_space<vmem>>
      %dma_wait3A_756 = arith.constant 0 : i32
      %dma_wait3A_757 = arith.constant 0 : i32
      %dma_wait3A_758 = tpu.memref_slice %arg10[%dma_wait3A_756, %dma_wait3A_757] : memref<10112x64xf32, #tpu.memory_space<vmem_shared>> -> memref<10112x64xf32, #tpu.memory_space<vmem_shared>>
      tpu.wait_indirect_dma semaphore(%arg12 : memref<!tpu.dma_semaphore, #tpu.memory_space<semaphore_mem>>) src(%dma_wait3A_758 : memref<10112x64xf32, #tpu.memory_space<vmem_shared>>) dst(%dma_wait3A_752 : memref<128x64xf32, #tpu.memory_space<vmem>>)
      %add3A_759 = arith.constant 6 : i32
      %add3A_760 = arith.addi %add3A_530, %add3A_759 : i32
      %run_scoped3A_761 = arith.constant 0 : i32
      "tpu.region"() ({
        %run_scoped3A_1017 = tpu.sem_alloc : memref<!tpu.dma_semaphore, #tpu.memory_space<semaphore_mem>>
        %dma_start3A_1018 = arith.constant 0 : i32
        %dma_start3A_1019 = arith.constant 0 : i32
        %dma_start3A_1020 = tpu.memref_slice %arg9[%run_scoped3A_761, %dma_start3A_1018, %dma_start3A_1019] : memref<2x128x64xf32, #tpu.memory_space<vmem>> -> memref<1x128x64xf32, #tpu.memory_space<vmem>>
        %dma_start3A_1021 = tpu.memref_squeeze %dma_start3A_1020 : memref<1x128x64xf32, #tpu.memory_space<vmem>> -> memref<128x64xf32, #tpu.memory_space<vmem>>
        %dma_start3A_1022 = arith.constant 0 : i32
        %dma_start3A_1023 = tpu.memref_slice %arg8[%add3A_760, %dma_start3A_1022] : memref<160x128xi32, #tpu.memory_space<vmem>> -> memref<1x128xi32, #tpu.memory_space<vmem>>
        %dma_start3A_1024 = tpu.memref_squeeze %dma_start3A_1023 : memref<1x128xi32, #tpu.memory_space<vmem>> -> memref<128xi32, #tpu.memory_space<vmem>>
        %dma_start3A_1025 = arith.constant 0 : i32
        %dma_start3A_1026 = arith.constant 0 : i32
        %dma_start3A_1027 = tpu.memref_slice %arg11[%dma_start3A_1025, %dma_start3A_1026] : memref<10112x64xf32, #tpu.memory_space<vmem_shared>> -> memref<10112x64xf32, #tpu.memory_space<vmem_shared>>
        tpu.enqueue_indirect_dma source(%dma_start3A_1021 : memref<128x64xf32, #tpu.memory_space<vmem>>) target(%dma_start3A_1027 : memref<10112x64xf32, #tpu.memory_space<vmem_shared>>) offsets(%dma_start3A_1024 : memref<128xi32, #tpu.memory_space<vmem>>) semaphore(%run_scoped3A_1017 : memref<!tpu.dma_semaphore, #tpu.memory_space<semaphore_mem>>) {add = true}
        %dma_wait3A_1028 = arith.constant 0 : i32
        %dma_wait3A_1029 = arith.constant 0 : i32
        %dma_wait3A_1030 = tpu.memref_slice %arg9[%run_scoped3A_761, %dma_wait3A_1028, %dma_wait3A_1029] : memref<2x128x64xf32, #tpu.memory_space<vmem>> -> memref<1x128x64xf32, #tpu.memory_space<vmem>>
        %dma_wait3A_1031 = tpu.memref_squeeze %dma_wait3A_1030 : memref<1x128x64xf32, #tpu.memory_space<vmem>> -> memref<128x64xf32, #tpu.memory_space<vmem>>
        %dma_wait3A_1032 = arith.constant 0 : i32
        %dma_wait3A_1033 = tpu.memref_slice %arg8[%add3A_760, %dma_wait3A_1032] : memref<160x128xi32, #tpu.memory_space<vmem>> -> memref<1x128xi32, #tpu.memory_space<vmem>>
        %dma_wait3A_1034 = tpu.memref_squeeze %dma_wait3A_1033 : memref<1x128xi32, #tpu.memory_space<vmem>> -> memref<128xi32, #tpu.memory_space<vmem>>
        %dma_wait3A_1035 = arith.constant 0 : i32
        %dma_wait3A_1036 = arith.constant 0 : i32
        %dma_wait3A_1037 = tpu.memref_slice %arg11[%dma_wait3A_1035, %dma_wait3A_1036] : memref<10112x64xf32, #tpu.memory_space<vmem_shared>> -> memref<10112x64xf32, #tpu.memory_space<vmem_shared>>
        tpu.wait_indirect_dma semaphore(%run_scoped3A_1017 : memref<!tpu.dma_semaphore, #tpu.memory_space<semaphore_mem>>) src(%dma_wait3A_1031 : memref<128x64xf32, #tpu.memory_space<vmem>>) dst(%dma_wait3A_1037 : memref<10112x64xf32, #tpu.memory_space<vmem_shared>>)
        tpu.yield
      }) : () -> ()
      %dma_start3A_762 = arith.constant 1 : i32
      %dma_start3A_763 = arith.constant 8 : i32
      %dma_start3A_764 = arith.constant 0 : i32
      %dma_start3A_765 = arith.constant 0 : i32
      %dma_start3A_766 = arith.constant 0 : i32
      %dma_start3A_767 = tpu.memref_slice %arg9[%dma_start3A_764, %dma_start3A_765, %dma_start3A_766] : memref<2x128x64xf32, #tpu.memory_space<vmem>> -> memref<1x128x64xf32, #tpu.memory_space<vmem>>
      %dma_start3A_768 = tpu.memref_squeeze %dma_start3A_767 : memref<1x128x64xf32, #tpu.memory_space<vmem>> -> memref<128x64xf32, #tpu.memory_space<vmem>>
      %dma_start3A_769 = arith.constant 0 : i32
      %dma_start3A_770 = tpu.memref_slice %arg7[%dma_start3A_762, %dma_start3A_763, %dma_start3A_769] : memref<2x16x128xi32, #tpu.memory_space<vmem>> -> memref<1x1x128xi32, #tpu.memory_space<vmem>>
      %dma_start3A_771 = tpu.memref_squeeze %dma_start3A_770 : memref<1x1x128xi32, #tpu.memory_space<vmem>> -> memref<128xi32, #tpu.memory_space<vmem>>
      %dma_start3A_772 = arith.constant 0 : i32
      %dma_start3A_773 = arith.constant 0 : i32
      %dma_start3A_774 = tpu.memref_slice %arg10[%dma_start3A_772, %dma_start3A_773] : memref<10112x64xf32, #tpu.memory_space<vmem_shared>> -> memref<10112x64xf32, #tpu.memory_space<vmem_shared>>
      tpu.enqueue_indirect_dma source(%dma_start3A_774 : memref<10112x64xf32, #tpu.memory_space<vmem_shared>>) target(%dma_start3A_768 : memref<128x64xf32, #tpu.memory_space<vmem>>) offsets(%dma_start3A_771 : memref<128xi32, #tpu.memory_space<vmem>>) semaphore(%arg12 : memref<!tpu.dma_semaphore, #tpu.memory_space<semaphore_mem>>)
      %dma_wait3A_775 = arith.constant 1 : i32
      %dma_wait3A_776 = arith.constant 7 : i32
      %dma_wait3A_777 = arith.constant 1 : i32
      %dma_wait3A_778 = arith.constant 0 : i32
      %dma_wait3A_779 = arith.constant 0 : i32
      %dma_wait3A_780 = tpu.memref_slice %arg9[%dma_wait3A_777, %dma_wait3A_778, %dma_wait3A_779] : memref<2x128x64xf32, #tpu.memory_space<vmem>> -> memref<1x128x64xf32, #tpu.memory_space<vmem>>
      %dma_wait3A_781 = tpu.memref_squeeze %dma_wait3A_780 : memref<1x128x64xf32, #tpu.memory_space<vmem>> -> memref<128x64xf32, #tpu.memory_space<vmem>>
      %dma_wait3A_782 = arith.constant 0 : i32
      %dma_wait3A_783 = tpu.memref_slice %arg7[%dma_wait3A_775, %dma_wait3A_776, %dma_wait3A_782] : memref<2x16x128xi32, #tpu.memory_space<vmem>> -> memref<1x1x128xi32, #tpu.memory_space<vmem>>
      %dma_wait3A_784 = tpu.memref_squeeze %dma_wait3A_783 : memref<1x1x128xi32, #tpu.memory_space<vmem>> -> memref<128xi32, #tpu.memory_space<vmem>>
      %dma_wait3A_785 = arith.constant 0 : i32
      %dma_wait3A_786 = arith.constant 0 : i32
      %dma_wait3A_787 = tpu.memref_slice %arg10[%dma_wait3A_785, %dma_wait3A_786] : memref<10112x64xf32, #tpu.memory_space<vmem_shared>> -> memref<10112x64xf32, #tpu.memory_space<vmem_shared>>
      tpu.wait_indirect_dma semaphore(%arg13 : memref<!tpu.dma_semaphore, #tpu.memory_space<semaphore_mem>>) src(%dma_wait3A_787 : memref<10112x64xf32, #tpu.memory_space<vmem_shared>>) dst(%dma_wait3A_781 : memref<128x64xf32, #tpu.memory_space<vmem>>)
      %add3A_788 = arith.constant 7 : i32
      %add3A_789 = arith.addi %add3A_530, %add3A_788 : i32
      %run_scoped3A_790 = arith.constant 1 : i32
      "tpu.region"() ({
        %run_scoped3A_1017 = tpu.sem_alloc : memref<!tpu.dma_semaphore, #tpu.memory_space<semaphore_mem>>
        %dma_start3A_1018 = arith.constant 0 : i32
        %dma_start3A_1019 = arith.constant 0 : i32
        %dma_start3A_1020 = tpu.memref_slice %arg9[%run_scoped3A_790, %dma_start3A_1018, %dma_start3A_1019] : memref<2x128x64xf32, #tpu.memory_space<vmem>> -> memref<1x128x64xf32, #tpu.memory_space<vmem>>
        %dma_start3A_1021 = tpu.memref_squeeze %dma_start3A_1020 : memref<1x128x64xf32, #tpu.memory_space<vmem>> -> memref<128x64xf32, #tpu.memory_space<vmem>>
        %dma_start3A_1022 = arith.constant 0 : i32
        %dma_start3A_1023 = tpu.memref_slice %arg8[%add3A_789, %dma_start3A_1022] : memref<160x128xi32, #tpu.memory_space<vmem>> -> memref<1x128xi32, #tpu.memory_space<vmem>>
        %dma_start3A_1024 = tpu.memref_squeeze %dma_start3A_1023 : memref<1x128xi32, #tpu.memory_space<vmem>> -> memref<128xi32, #tpu.memory_space<vmem>>
        %dma_start3A_1025 = arith.constant 0 : i32
        %dma_start3A_1026 = arith.constant 0 : i32
        %dma_start3A_1027 = tpu.memref_slice %arg11[%dma_start3A_1025, %dma_start3A_1026] : memref<10112x64xf32, #tpu.memory_space<vmem_shared>> -> memref<10112x64xf32, #tpu.memory_space<vmem_shared>>
        tpu.enqueue_indirect_dma source(%dma_start3A_1021 : memref<128x64xf32, #tpu.memory_space<vmem>>) target(%dma_start3A_1027 : memref<10112x64xf32, #tpu.memory_space<vmem_shared>>) offsets(%dma_start3A_1024 : memref<128xi32, #tpu.memory_space<vmem>>) semaphore(%run_scoped3A_1017 : memref<!tpu.dma_semaphore, #tpu.memory_space<semaphore_mem>>) {add = true}
        %dma_wait3A_1028 = arith.constant 0 : i32
        %dma_wait3A_1029 = arith.constant 0 : i32
        %dma_wait3A_1030 = tpu.memref_slice %arg9[%run_scoped3A_790, %dma_wait3A_1028, %dma_wait3A_1029] : memref<2x128x64xf32, #tpu.memory_space<vmem>> -> memref<1x128x64xf32, #tpu.memory_space<vmem>>
        %dma_wait3A_1031 = tpu.memref_squeeze %dma_wait3A_1030 : memref<1x128x64xf32, #tpu.memory_space<vmem>> -> memref<128x64xf32, #tpu.memory_space<vmem>>
        %dma_wait3A_1032 = arith.constant 0 : i32
        %dma_wait3A_1033 = tpu.memref_slice %arg8[%add3A_789, %dma_wait3A_1032] : memref<160x128xi32, #tpu.memory_space<vmem>> -> memref<1x128xi32, #tpu.memory_space<vmem>>
        %dma_wait3A_1034 = tpu.memref_squeeze %dma_wait3A_1033 : memref<1x128xi32, #tpu.memory_space<vmem>> -> memref<128xi32, #tpu.memory_space<vmem>>
        %dma_wait3A_1035 = arith.constant 0 : i32
        %dma_wait3A_1036 = arith.constant 0 : i32
        %dma_wait3A_1037 = tpu.memref_slice %arg11[%dma_wait3A_1035, %dma_wait3A_1036] : memref<10112x64xf32, #tpu.memory_space<vmem_shared>> -> memref<10112x64xf32, #tpu.memory_space<vmem_shared>>
        tpu.wait_indirect_dma semaphore(%run_scoped3A_1017 : memref<!tpu.dma_semaphore, #tpu.memory_space<semaphore_mem>>) src(%dma_wait3A_1031 : memref<128x64xf32, #tpu.memory_space<vmem>>) dst(%dma_wait3A_1037 : memref<10112x64xf32, #tpu.memory_space<vmem_shared>>)
        tpu.yield
      }) : () -> ()
      %dma_start3A_791 = arith.constant 1 : i32
      %dma_start3A_792 = arith.constant 9 : i32
      %dma_start3A_793 = arith.constant 1 : i32
      %dma_start3A_794 = arith.constant 0 : i32
      %dma_start3A_795 = arith.constant 0 : i32
      %dma_start3A_796 = tpu.memref_slice %arg9[%dma_start3A_793, %dma_start3A_794, %dma_start3A_795] : memref<2x128x64xf32, #tpu.memory_space<vmem>> -> memref<1x128x64xf32, #tpu.memory_space<vmem>>
      %dma_start3A_797 = tpu.memref_squeeze %dma_start3A_796 : memref<1x128x64xf32, #tpu.memory_space<vmem>> -> memref<128x64xf32, #tpu.memory_space<vmem>>
      %dma_start3A_798 = arith.constant 0 : i32
      %dma_start3A_799 = tpu.memref_slice %arg7[%dma_start3A_791, %dma_start3A_792, %dma_start3A_798] : memref<2x16x128xi32, #tpu.memory_space<vmem>> -> memref<1x1x128xi32, #tpu.memory_space<vmem>>
      %dma_start3A_800 = tpu.memref_squeeze %dma_start3A_799 : memref<1x1x128xi32, #tpu.memory_space<vmem>> -> memref<128xi32, #tpu.memory_space<vmem>>
      %dma_start3A_801 = arith.constant 0 : i32
      %dma_start3A_802 = arith.constant 0 : i32
      %dma_start3A_803 = tpu.memref_slice %arg10[%dma_start3A_801, %dma_start3A_802] : memref<10112x64xf32, #tpu.memory_space<vmem_shared>> -> memref<10112x64xf32, #tpu.memory_space<vmem_shared>>
      tpu.enqueue_indirect_dma source(%dma_start3A_803 : memref<10112x64xf32, #tpu.memory_space<vmem_shared>>) target(%dma_start3A_797 : memref<128x64xf32, #tpu.memory_space<vmem>>) offsets(%dma_start3A_800 : memref<128xi32, #tpu.memory_space<vmem>>) semaphore(%arg13 : memref<!tpu.dma_semaphore, #tpu.memory_space<semaphore_mem>>)
      %dma_wait3A_804 = arith.constant 1 : i32
      %dma_wait3A_805 = arith.constant 8 : i32
      %dma_wait3A_806 = arith.constant 0 : i32
      %dma_wait3A_807 = arith.constant 0 : i32
      %dma_wait3A_808 = arith.constant 0 : i32
      %dma_wait3A_809 = tpu.memref_slice %arg9[%dma_wait3A_806, %dma_wait3A_807, %dma_wait3A_808] : memref<2x128x64xf32, #tpu.memory_space<vmem>> -> memref<1x128x64xf32, #tpu.memory_space<vmem>>
      %dma_wait3A_810 = tpu.memref_squeeze %dma_wait3A_809 : memref<1x128x64xf32, #tpu.memory_space<vmem>> -> memref<128x64xf32, #tpu.memory_space<vmem>>
      %dma_wait3A_811 = arith.constant 0 : i32
      %dma_wait3A_812 = tpu.memref_slice %arg7[%dma_wait3A_804, %dma_wait3A_805, %dma_wait3A_811] : memref<2x16x128xi32, #tpu.memory_space<vmem>> -> memref<1x1x128xi32, #tpu.memory_space<vmem>>
      %dma_wait3A_813 = tpu.memref_squeeze %dma_wait3A_812 : memref<1x1x128xi32, #tpu.memory_space<vmem>> -> memref<128xi32, #tpu.memory_space<vmem>>
      %dma_wait3A_814 = arith.constant 0 : i32
      %dma_wait3A_815 = arith.constant 0 : i32
      %dma_wait3A_816 = tpu.memref_slice %arg10[%dma_wait3A_814, %dma_wait3A_815] : memref<10112x64xf32, #tpu.memory_space<vmem_shared>> -> memref<10112x64xf32, #tpu.memory_space<vmem_shared>>
      tpu.wait_indirect_dma semaphore(%arg12 : memref<!tpu.dma_semaphore, #tpu.memory_space<semaphore_mem>>) src(%dma_wait3A_816 : memref<10112x64xf32, #tpu.memory_space<vmem_shared>>) dst(%dma_wait3A_810 : memref<128x64xf32, #tpu.memory_space<vmem>>)
      %add3A_817 = arith.constant 8 : i32
      %add3A_818 = arith.addi %add3A_530, %add3A_817 : i32
      %run_scoped3A_819 = arith.constant 0 : i32
      "tpu.region"() ({
        %run_scoped3A_1017 = tpu.sem_alloc : memref<!tpu.dma_semaphore, #tpu.memory_space<semaphore_mem>>
        %dma_start3A_1018 = arith.constant 0 : i32
        %dma_start3A_1019 = arith.constant 0 : i32
        %dma_start3A_1020 = tpu.memref_slice %arg9[%run_scoped3A_819, %dma_start3A_1018, %dma_start3A_1019] : memref<2x128x64xf32, #tpu.memory_space<vmem>> -> memref<1x128x64xf32, #tpu.memory_space<vmem>>
        %dma_start3A_1021 = tpu.memref_squeeze %dma_start3A_1020 : memref<1x128x64xf32, #tpu.memory_space<vmem>> -> memref<128x64xf32, #tpu.memory_space<vmem>>
        %dma_start3A_1022 = arith.constant 0 : i32
        %dma_start3A_1023 = tpu.memref_slice %arg8[%add3A_818, %dma_start3A_1022] : memref<160x128xi32, #tpu.memory_space<vmem>> -> memref<1x128xi32, #tpu.memory_space<vmem>>
        %dma_start3A_1024 = tpu.memref_squeeze %dma_start3A_1023 : memref<1x128xi32, #tpu.memory_space<vmem>> -> memref<128xi32, #tpu.memory_space<vmem>>
        %dma_start3A_1025 = arith.constant 0 : i32
        %dma_start3A_1026 = arith.constant 0 : i32
        %dma_start3A_1027 = tpu.memref_slice %arg11[%dma_start3A_1025, %dma_start3A_1026] : memref<10112x64xf32, #tpu.memory_space<vmem_shared>> -> memref<10112x64xf32, #tpu.memory_space<vmem_shared>>
        tpu.enqueue_indirect_dma source(%dma_start3A_1021 : memref<128x64xf32, #tpu.memory_space<vmem>>) target(%dma_start3A_1027 : memref<10112x64xf32, #tpu.memory_space<vmem_shared>>) offsets(%dma_start3A_1024 : memref<128xi32, #tpu.memory_space<vmem>>) semaphore(%run_scoped3A_1017 : memref<!tpu.dma_semaphore, #tpu.memory_space<semaphore_mem>>) {add = true}
        %dma_wait3A_1028 = arith.constant 0 : i32
        %dma_wait3A_1029 = arith.constant 0 : i32
        %dma_wait3A_1030 = tpu.memref_slice %arg9[%run_scoped3A_819, %dma_wait3A_1028, %dma_wait3A_1029] : memref<2x128x64xf32, #tpu.memory_space<vmem>> -> memref<1x128x64xf32, #tpu.memory_space<vmem>>
        %dma_wait3A_1031 = tpu.memref_squeeze %dma_wait3A_1030 : memref<1x128x64xf32, #tpu.memory_space<vmem>> -> memref<128x64xf32, #tpu.memory_space<vmem>>
        %dma_wait3A_1032 = arith.constant 0 : i32
        %dma_wait3A_1033 = tpu.memref_slice %arg8[%add3A_818, %dma_wait3A_1032] : memref<160x128xi32, #tpu.memory_space<vmem>> -> memref<1x128xi32, #tpu.memory_space<vmem>>
        %dma_wait3A_1034 = tpu.memref_squeeze %dma_wait3A_1033 : memref<1x128xi32, #tpu.memory_space<vmem>> -> memref<128xi32, #tpu.memory_space<vmem>>
        %dma_wait3A_1035 = arith.constant 0 : i32
        %dma_wait3A_1036 = arith.constant 0 : i32
        %dma_wait3A_1037 = tpu.memref_slice %arg11[%dma_wait3A_1035, %dma_wait3A_1036] : memref<10112x64xf32, #tpu.memory_space<vmem_shared>> -> memref<10112x64xf32, #tpu.memory_space<vmem_shared>>
        tpu.wait_indirect_dma semaphore(%run_scoped3A_1017 : memref<!tpu.dma_semaphore, #tpu.memory_space<semaphore_mem>>) src(%dma_wait3A_1031 : memref<128x64xf32, #tpu.memory_space<vmem>>) dst(%dma_wait3A_1037 : memref<10112x64xf32, #tpu.memory_space<vmem_shared>>)
        tpu.yield
      }) : () -> ()
      %dma_start3A_820 = arith.constant 1 : i32
      %dma_start3A_821 = arith.constant 10 : i32
      %dma_start3A_822 = arith.constant 0 : i32
      %dma_start3A_823 = arith.constant 0 : i32
      %dma_start3A_824 = arith.constant 0 : i32
      %dma_start3A_825 = tpu.memref_slice %arg9[%dma_start3A_822, %dma_start3A_823, %dma_start3A_824] : memref<2x128x64xf32, #tpu.memory_space<vmem>> -> memref<1x128x64xf32, #tpu.memory_space<vmem>>
      %dma_start3A_826 = tpu.memref_squeeze %dma_start3A_825 : memref<1x128x64xf32, #tpu.memory_space<vmem>> -> memref<128x64xf32, #tpu.memory_space<vmem>>
      %dma_start3A_827 = arith.constant 0 : i32
      %dma_start3A_828 = tpu.memref_slice %arg7[%dma_start3A_820, %dma_start3A_821, %dma_start3A_827] : memref<2x16x128xi32, #tpu.memory_space<vmem>> -> memref<1x1x128xi32, #tpu.memory_space<vmem>>
      %dma_start3A_829 = tpu.memref_squeeze %dma_start3A_828 : memref<1x1x128xi32, #tpu.memory_space<vmem>> -> memref<128xi32, #tpu.memory_space<vmem>>
      %dma_start3A_830 = arith.constant 0 : i32
      %dma_start3A_831 = arith.constant 0 : i32
      %dma_start3A_832 = tpu.memref_slice %arg10[%dma_start3A_830, %dma_start3A_831] : memref<10112x64xf32, #tpu.memory_space<vmem_shared>> -> memref<10112x64xf32, #tpu.memory_space<vmem_shared>>
      tpu.enqueue_indirect_dma source(%dma_start3A_832 : memref<10112x64xf32, #tpu.memory_space<vmem_shared>>) target(%dma_start3A_826 : memref<128x64xf32, #tpu.memory_space<vmem>>) offsets(%dma_start3A_829 : memref<128xi32, #tpu.memory_space<vmem>>) semaphore(%arg12 : memref<!tpu.dma_semaphore, #tpu.memory_space<semaphore_mem>>)
      %dma_wait3A_833 = arith.constant 1 : i32
      %dma_wait3A_834 = arith.constant 9 : i32
      %dma_wait3A_835 = arith.constant 1 : i32
      %dma_wait3A_836 = arith.constant 0 : i32
      %dma_wait3A_837 = arith.constant 0 : i32
      %dma_wait3A_838 = tpu.memref_slice %arg9[%dma_wait3A_835, %dma_wait3A_836, %dma_wait3A_837] : memref<2x128x64xf32, #tpu.memory_space<vmem>> -> memref<1x128x64xf32, #tpu.memory_space<vmem>>
      %dma_wait3A_839 = tpu.memref_squeeze %dma_wait3A_838 : memref<1x128x64xf32, #tpu.memory_space<vmem>> -> memref<128x64xf32, #tpu.memory_space<vmem>>
      %dma_wait3A_840 = arith.constant 0 : i32
      %dma_wait3A_841 = tpu.memref_slice %arg7[%dma_wait3A_833, %dma_wait3A_834, %dma_wait3A_840] : memref<2x16x128xi32, #tpu.memory_space<vmem>> -> memref<1x1x128xi32, #tpu.memory_space<vmem>>
      %dma_wait3A_842 = tpu.memref_squeeze %dma_wait3A_841 : memref<1x1x128xi32, #tpu.memory_space<vmem>> -> memref<128xi32, #tpu.memory_space<vmem>>
      %dma_wait3A_843 = arith.constant 0 : i32
      %dma_wait3A_844 = arith.constant 0 : i32
      %dma_wait3A_845 = tpu.memref_slice %arg10[%dma_wait3A_843, %dma_wait3A_844] : memref<10112x64xf32, #tpu.memory_space<vmem_shared>> -> memref<10112x64xf32, #tpu.memory_space<vmem_shared>>
      tpu.wait_indirect_dma semaphore(%arg13 : memref<!tpu.dma_semaphore, #tpu.memory_space<semaphore_mem>>) src(%dma_wait3A_845 : memref<10112x64xf32, #tpu.memory_space<vmem_shared>>) dst(%dma_wait3A_839 : memref<128x64xf32, #tpu.memory_space<vmem>>)
      %add3A_846 = arith.constant 9 : i32
      %add3A_847 = arith.addi %add3A_530, %add3A_846 : i32
      %run_scoped3A_848 = arith.constant 1 : i32
      "tpu.region"() ({
        %run_scoped3A_1017 = tpu.sem_alloc : memref<!tpu.dma_semaphore, #tpu.memory_space<semaphore_mem>>
        %dma_start3A_1018 = arith.constant 0 : i32
        %dma_start3A_1019 = arith.constant 0 : i32
        %dma_start3A_1020 = tpu.memref_slice %arg9[%run_scoped3A_848, %dma_start3A_1018, %dma_start3A_1019] : memref<2x128x64xf32, #tpu.memory_space<vmem>> -> memref<1x128x64xf32, #tpu.memory_space<vmem>>
        %dma_start3A_1021 = tpu.memref_squeeze %dma_start3A_1020 : memref<1x128x64xf32, #tpu.memory_space<vmem>> -> memref<128x64xf32, #tpu.memory_space<vmem>>
        %dma_start3A_1022 = arith.constant 0 : i32
        %dma_start3A_1023 = tpu.memref_slice %arg8[%add3A_847, %dma_start3A_1022] : memref<160x128xi32, #tpu.memory_space<vmem>> -> memref<1x128xi32, #tpu.memory_space<vmem>>
        %dma_start3A_1024 = tpu.memref_squeeze %dma_start3A_1023 : memref<1x128xi32, #tpu.memory_space<vmem>> -> memref<128xi32, #tpu.memory_space<vmem>>
        %dma_start3A_1025 = arith.constant 0 : i32
        %dma_start3A_1026 = arith.constant 0 : i32
        %dma_start3A_1027 = tpu.memref_slice %arg11[%dma_start3A_1025, %dma_start3A_1026] : memref<10112x64xf32, #tpu.memory_space<vmem_shared>> -> memref<10112x64xf32, #tpu.memory_space<vmem_shared>>
        tpu.enqueue_indirect_dma source(%dma_start3A_1021 : memref<128x64xf32, #tpu.memory_space<vmem>>) target(%dma_start3A_1027 : memref<10112x64xf32, #tpu.memory_space<vmem_shared>>) offsets(%dma_start3A_1024 : memref<128xi32, #tpu.memory_space<vmem>>) semaphore(%run_scoped3A_1017 : memref<!tpu.dma_semaphore, #tpu.memory_space<semaphore_mem>>) {add = true}
        %dma_wait3A_1028 = arith.constant 0 : i32
        %dma_wait3A_1029 = arith.constant 0 : i32
        %dma_wait3A_1030 = tpu.memref_slice %arg9[%run_scoped3A_848, %dma_wait3A_1028, %dma_wait3A_1029] : memref<2x128x64xf32, #tpu.memory_space<vmem>> -> memref<1x128x64xf32, #tpu.memory_space<vmem>>
        %dma_wait3A_1031 = tpu.memref_squeeze %dma_wait3A_1030 : memref<1x128x64xf32, #tpu.memory_space<vmem>> -> memref<128x64xf32, #tpu.memory_space<vmem>>
        %dma_wait3A_1032 = arith.constant 0 : i32
        %dma_wait3A_1033 = tpu.memref_slice %arg8[%add3A_847, %dma_wait3A_1032] : memref<160x128xi32, #tpu.memory_space<vmem>> -> memref<1x128xi32, #tpu.memory_space<vmem>>
        %dma_wait3A_1034 = tpu.memref_squeeze %dma_wait3A_1033 : memref<1x128xi32, #tpu.memory_space<vmem>> -> memref<128xi32, #tpu.memory_space<vmem>>
        %dma_wait3A_1035 = arith.constant 0 : i32
        %dma_wait3A_1036 = arith.constant 0 : i32
        %dma_wait3A_1037 = tpu.memref_slice %arg11[%dma_wait3A_1035, %dma_wait3A_1036] : memref<10112x64xf32, #tpu.memory_space<vmem_shared>> -> memref<10112x64xf32, #tpu.memory_space<vmem_shared>>
        tpu.wait_indirect_dma semaphore(%run_scoped3A_1017 : memref<!tpu.dma_semaphore, #tpu.memory_space<semaphore_mem>>) src(%dma_wait3A_1031 : memref<128x64xf32, #tpu.memory_space<vmem>>) dst(%dma_wait3A_1037 : memref<10112x64xf32, #tpu.memory_space<vmem_shared>>)
        tpu.yield
      }) : () -> ()
      %dma_start3A_849 = arith.constant 1 : i32
      %dma_start3A_850 = arith.constant 11 : i32
      %dma_start3A_851 = arith.constant 1 : i32
      %dma_start3A_852 = arith.constant 0 : i32
      %dma_start3A_853 = arith.constant 0 : i32
      %dma_start3A_854 = tpu.memref_slice %arg9[%dma_start3A_851, %dma_start3A_852, %dma_start3A_853] : memref<2x128x64xf32, #tpu.memory_space<vmem>> -> memref<1x128x64xf32, #tpu.memory_space<vmem>>
      %dma_start3A_855 = tpu.memref_squeeze %dma_start3A_854 : memref<1x128x64xf32, #tpu.memory_space<vmem>> -> memref<128x64xf32, #tpu.memory_space<vmem>>
      %dma_start3A_856 = arith.constant 0 : i32
      %dma_start3A_857 = tpu.memref_slice %arg7[%dma_start3A_849, %dma_start3A_850, %dma_start3A_856] : memref<2x16x128xi32, #tpu.memory_space<vmem>> -> memref<1x1x128xi32, #tpu.memory_space<vmem>>
      %dma_start3A_858 = tpu.memref_squeeze %dma_start3A_857 : memref<1x1x128xi32, #tpu.memory_space<vmem>> -> memref<128xi32, #tpu.memory_space<vmem>>
      %dma_start3A_859 = arith.constant 0 : i32
      %dma_start3A_860 = arith.constant 0 : i32
      %dma_start3A_861 = tpu.memref_slice %arg10[%dma_start3A_859, %dma_start3A_860] : memref<10112x64xf32, #tpu.memory_space<vmem_shared>> -> memref<10112x64xf32, #tpu.memory_space<vmem_shared>>
      tpu.enqueue_indirect_dma source(%dma_start3A_861 : memref<10112x64xf32, #tpu.memory_space<vmem_shared>>) target(%dma_start3A_855 : memref<128x64xf32, #tpu.memory_space<vmem>>) offsets(%dma_start3A_858 : memref<128xi32, #tpu.memory_space<vmem>>) semaphore(%arg13 : memref<!tpu.dma_semaphore, #tpu.memory_space<semaphore_mem>>)
      %dma_wait3A_862 = arith.constant 1 : i32
      %dma_wait3A_863 = arith.constant 10 : i32
      %dma_wait3A_864 = arith.constant 0 : i32
      %dma_wait3A_865 = arith.constant 0 : i32
      %dma_wait3A_866 = arith.constant 0 : i32
      %dma_wait3A_867 = tpu.memref_slice %arg9[%dma_wait3A_864, %dma_wait3A_865, %dma_wait3A_866] : memref<2x128x64xf32, #tpu.memory_space<vmem>> -> memref<1x128x64xf32, #tpu.memory_space<vmem>>
      %dma_wait3A_868 = tpu.memref_squeeze %dma_wait3A_867 : memref<1x128x64xf32, #tpu.memory_space<vmem>> -> memref<128x64xf32, #tpu.memory_space<vmem>>
      %dma_wait3A_869 = arith.constant 0 : i32
      %dma_wait3A_870 = tpu.memref_slice %arg7[%dma_wait3A_862, %dma_wait3A_863, %dma_wait3A_869] : memref<2x16x128xi32, #tpu.memory_space<vmem>> -> memref<1x1x128xi32, #tpu.memory_space<vmem>>
      %dma_wait3A_871 = tpu.memref_squeeze %dma_wait3A_870 : memref<1x1x128xi32, #tpu.memory_space<vmem>> -> memref<128xi32, #tpu.memory_space<vmem>>
      %dma_wait3A_872 = arith.constant 0 : i32
      %dma_wait3A_873 = arith.constant 0 : i32
      %dma_wait3A_874 = tpu.memref_slice %arg10[%dma_wait3A_872, %dma_wait3A_873] : memref<10112x64xf32, #tpu.memory_space<vmem_shared>> -> memref<10112x64xf32, #tpu.memory_space<vmem_shared>>
      tpu.wait_indirect_dma semaphore(%arg12 : memref<!tpu.dma_semaphore, #tpu.memory_space<semaphore_mem>>) src(%dma_wait3A_874 : memref<10112x64xf32, #tpu.memory_space<vmem_shared>>) dst(%dma_wait3A_868 : memref<128x64xf32, #tpu.memory_space<vmem>>)
      %add3A_875 = arith.constant 10 : i32
      %add3A_876 = arith.addi %add3A_530, %add3A_875 : i32
      %run_scoped3A_877 = arith.constant 0 : i32
      "tpu.region"() ({
        %run_scoped3A_1017 = tpu.sem_alloc : memref<!tpu.dma_semaphore, #tpu.memory_space<semaphore_mem>>
        %dma_start3A_1018 = arith.constant 0 : i32
        %dma_start3A_1019 = arith.constant 0 : i32
        %dma_start3A_1020 = tpu.memref_slice %arg9[%run_scoped3A_877, %dma_start3A_1018, %dma_start3A_1019] : memref<2x128x64xf32, #tpu.memory_space<vmem>> -> memref<1x128x64xf32, #tpu.memory_space<vmem>>
        %dma_start3A_1021 = tpu.memref_squeeze %dma_start3A_1020 : memref<1x128x64xf32, #tpu.memory_space<vmem>> -> memref<128x64xf32, #tpu.memory_space<vmem>>
        %dma_start3A_1022 = arith.constant 0 : i32
        %dma_start3A_1023 = tpu.memref_slice %arg8[%add3A_876, %dma_start3A_1022] : memref<160x128xi32, #tpu.memory_space<vmem>> -> memref<1x128xi32, #tpu.memory_space<vmem>>
        %dma_start3A_1024 = tpu.memref_squeeze %dma_start3A_1023 : memref<1x128xi32, #tpu.memory_space<vmem>> -> memref<128xi32, #tpu.memory_space<vmem>>
        %dma_start3A_1025 = arith.constant 0 : i32
        %dma_start3A_1026 = arith.constant 0 : i32
        %dma_start3A_1027 = tpu.memref_slice %arg11[%dma_start3A_1025, %dma_start3A_1026] : memref<10112x64xf32, #tpu.memory_space<vmem_shared>> -> memref<10112x64xf32, #tpu.memory_space<vmem_shared>>
        tpu.enqueue_indirect_dma source(%dma_start3A_1021 : memref<128x64xf32, #tpu.memory_space<vmem>>) target(%dma_start3A_1027 : memref<10112x64xf32, #tpu.memory_space<vmem_shared>>) offsets(%dma_start3A_1024 : memref<128xi32, #tpu.memory_space<vmem>>) semaphore(%run_scoped3A_1017 : memref<!tpu.dma_semaphore, #tpu.memory_space<semaphore_mem>>) {add = true}
        %dma_wait3A_1028 = arith.constant 0 : i32
        %dma_wait3A_1029 = arith.constant 0 : i32
        %dma_wait3A_1030 = tpu.memref_slice %arg9[%run_scoped3A_877, %dma_wait3A_1028, %dma_wait3A_1029] : memref<2x128x64xf32, #tpu.memory_space<vmem>> -> memref<1x128x64xf32, #tpu.memory_space<vmem>>
        %dma_wait3A_1031 = tpu.memref_squeeze %dma_wait3A_1030 : memref<1x128x64xf32, #tpu.memory_space<vmem>> -> memref<128x64xf32, #tpu.memory_space<vmem>>
        %dma_wait3A_1032 = arith.constant 0 : i32
        %dma_wait3A_1033 = tpu.memref_slice %arg8[%add3A_876, %dma_wait3A_1032] : memref<160x128xi32, #tpu.memory_space<vmem>> -> memref<1x128xi32, #tpu.memory_space<vmem>>
        %dma_wait3A_1034 = tpu.memref_squeeze %dma_wait3A_1033 : memref<1x128xi32, #tpu.memory_space<vmem>> -> memref<128xi32, #tpu.memory_space<vmem>>
        %dma_wait3A_1035 = arith.constant 0 : i32
        %dma_wait3A_1036 = arith.constant 0 : i32
        %dma_wait3A_1037 = tpu.memref_slice %arg11[%dma_wait3A_1035, %dma_wait3A_1036] : memref<10112x64xf32, #tpu.memory_space<vmem_shared>> -> memref<10112x64xf32, #tpu.memory_space<vmem_shared>>
        tpu.wait_indirect_dma semaphore(%run_scoped3A_1017 : memref<!tpu.dma_semaphore, #tpu.memory_space<semaphore_mem>>) src(%dma_wait3A_1031 : memref<128x64xf32, #tpu.memory_space<vmem>>) dst(%dma_wait3A_1037 : memref<10112x64xf32, #tpu.memory_space<vmem_shared>>)
        tpu.yield
      }) : () -> ()
      %dma_start3A_878 = arith.constant 1 : i32
      %dma_start3A_879 = arith.constant 12 : i32
      %dma_start3A_880 = arith.constant 0 : i32
      %dma_start3A_881 = arith.constant 0 : i32
      %dma_start3A_882 = arith.constant 0 : i32
      %dma_start3A_883 = tpu.memref_slice %arg9[%dma_start3A_880, %dma_start3A_881, %dma_start3A_882] : memref<2x128x64xf32, #tpu.memory_space<vmem>> -> memref<1x128x64xf32, #tpu.memory_space<vmem>>
      %dma_start3A_884 = tpu.memref_squeeze %dma_start3A_883 : memref<1x128x64xf32, #tpu.memory_space<vmem>> -> memref<128x64xf32, #tpu.memory_space<vmem>>
      %dma_start3A_885 = arith.constant 0 : i32
      %dma_start3A_886 = tpu.memref_slice %arg7[%dma_start3A_878, %dma_start3A_879, %dma_start3A_885] : memref<2x16x128xi32, #tpu.memory_space<vmem>> -> memref<1x1x128xi32, #tpu.memory_space<vmem>>
      %dma_start3A_887 = tpu.memref_squeeze %dma_start3A_886 : memref<1x1x128xi32, #tpu.memory_space<vmem>> -> memref<128xi32, #tpu.memory_space<vmem>>
      %dma_start3A_888 = arith.constant 0 : i32
      %dma_start3A_889 = arith.constant 0 : i32
      %dma_start3A_890 = tpu.memref_slice %arg10[%dma_start3A_888, %dma_start3A_889] : memref<10112x64xf32, #tpu.memory_space<vmem_shared>> -> memref<10112x64xf32, #tpu.memory_space<vmem_shared>>
      tpu.enqueue_indirect_dma source(%dma_start3A_890 : memref<10112x64xf32, #tpu.memory_space<vmem_shared>>) target(%dma_start3A_884 : memref<128x64xf32, #tpu.memory_space<vmem>>) offsets(%dma_start3A_887 : memref<128xi32, #tpu.memory_space<vmem>>) semaphore(%arg12 : memref<!tpu.dma_semaphore, #tpu.memory_space<semaphore_mem>>)
      %dma_wait3A_891 = arith.constant 1 : i32
      %dma_wait3A_892 = arith.constant 11 : i32
      %dma_wait3A_893 = arith.constant 1 : i32
      %dma_wait3A_894 = arith.constant 0 : i32
      %dma_wait3A_895 = arith.constant 0 : i32
      %dma_wait3A_896 = tpu.memref_slice %arg9[%dma_wait3A_893, %dma_wait3A_894, %dma_wait3A_895] : memref<2x128x64xf32, #tpu.memory_space<vmem>> -> memref<1x128x64xf32, #tpu.memory_space<vmem>>
      %dma_wait3A_897 = tpu.memref_squeeze %dma_wait3A_896 : memref<1x128x64xf32, #tpu.memory_space<vmem>> -> memref<128x64xf32, #tpu.memory_space<vmem>>
      %dma_wait3A_898 = arith.constant 0 : i32
      %dma_wait3A_899 = tpu.memref_slice %arg7[%dma_wait3A_891, %dma_wait3A_892, %dma_wait3A_898] : memref<2x16x128xi32, #tpu.memory_space<vmem>> -> memref<1x1x128xi32, #tpu.memory_space<vmem>>
      %dma_wait3A_900 = tpu.memref_squeeze %dma_wait3A_899 : memref<1x1x128xi32, #tpu.memory_space<vmem>> -> memref<128xi32, #tpu.memory_space<vmem>>
      %dma_wait3A_901 = arith.constant 0 : i32
      %dma_wait3A_902 = arith.constant 0 : i32
      %dma_wait3A_903 = tpu.memref_slice %arg10[%dma_wait3A_901, %dma_wait3A_902] : memref<10112x64xf32, #tpu.memory_space<vmem_shared>> -> memref<10112x64xf32, #tpu.memory_space<vmem_shared>>
      tpu.wait_indirect_dma semaphore(%arg13 : memref<!tpu.dma_semaphore, #tpu.memory_space<semaphore_mem>>) src(%dma_wait3A_903 : memref<10112x64xf32, #tpu.memory_space<vmem_shared>>) dst(%dma_wait3A_897 : memref<128x64xf32, #tpu.memory_space<vmem>>)
      %add3A_904 = arith.constant 11 : i32
      %add3A_905 = arith.addi %add3A_530, %add3A_904 : i32
      %run_scoped3A_906 = arith.constant 1 : i32
      "tpu.region"() ({
        %run_scoped3A_1017 = tpu.sem_alloc : memref<!tpu.dma_semaphore, #tpu.memory_space<semaphore_mem>>
        %dma_start3A_1018 = arith.constant 0 : i32
        %dma_start3A_1019 = arith.constant 0 : i32
        %dma_start3A_1020 = tpu.memref_slice %arg9[%run_scoped3A_906, %dma_start3A_1018, %dma_start3A_1019] : memref<2x128x64xf32, #tpu.memory_space<vmem>> -> memref<1x128x64xf32, #tpu.memory_space<vmem>>
        %dma_start3A_1021 = tpu.memref_squeeze %dma_start3A_1020 : memref<1x128x64xf32, #tpu.memory_space<vmem>> -> memref<128x64xf32, #tpu.memory_space<vmem>>
        %dma_start3A_1022 = arith.constant 0 : i32
        %dma_start3A_1023 = tpu.memref_slice %arg8[%add3A_905, %dma_start3A_1022] : memref<160x128xi32, #tpu.memory_space<vmem>> -> memref<1x128xi32, #tpu.memory_space<vmem>>
        %dma_start3A_1024 = tpu.memref_squeeze %dma_start3A_1023 : memref<1x128xi32, #tpu.memory_space<vmem>> -> memref<128xi32, #tpu.memory_space<vmem>>
        %dma_start3A_1025 = arith.constant 0 : i32
        %dma_start3A_1026 = arith.constant 0 : i32
        %dma_start3A_1027 = tpu.memref_slice %arg11[%dma_start3A_1025, %dma_start3A_1026] : memref<10112x64xf32, #tpu.memory_space<vmem_shared>> -> memref<10112x64xf32, #tpu.memory_space<vmem_shared>>
        tpu.enqueue_indirect_dma source(%dma_start3A_1021 : memref<128x64xf32, #tpu.memory_space<vmem>>) target(%dma_start3A_1027 : memref<10112x64xf32, #tpu.memory_space<vmem_shared>>) offsets(%dma_start3A_1024 : memref<128xi32, #tpu.memory_space<vmem>>) semaphore(%run_scoped3A_1017 : memref<!tpu.dma_semaphore, #tpu.memory_space<semaphore_mem>>) {add = true}
        %dma_wait3A_1028 = arith.constant 0 : i32
        %dma_wait3A_1029 = arith.constant 0 : i32
        %dma_wait3A_1030 = tpu.memref_slice %arg9[%run_scoped3A_906, %dma_wait3A_1028, %dma_wait3A_1029] : memref<2x128x64xf32, #tpu.memory_space<vmem>> -> memref<1x128x64xf32, #tpu.memory_space<vmem>>
        %dma_wait3A_1031 = tpu.memref_squeeze %dma_wait3A_1030 : memref<1x128x64xf32, #tpu.memory_space<vmem>> -> memref<128x64xf32, #tpu.memory_space<vmem>>
        %dma_wait3A_1032 = arith.constant 0 : i32
        %dma_wait3A_1033 = tpu.memref_slice %arg8[%add3A_905, %dma_wait3A_1032] : memref<160x128xi32, #tpu.memory_space<vmem>> -> memref<1x128xi32, #tpu.memory_space<vmem>>
        %dma_wait3A_1034 = tpu.memref_squeeze %dma_wait3A_1033 : memref<1x128xi32, #tpu.memory_space<vmem>> -> memref<128xi32, #tpu.memory_space<vmem>>
        %dma_wait3A_1035 = arith.constant 0 : i32
        %dma_wait3A_1036 = arith.constant 0 : i32
        %dma_wait3A_1037 = tpu.memref_slice %arg11[%dma_wait3A_1035, %dma_wait3A_1036] : memref<10112x64xf32, #tpu.memory_space<vmem_shared>> -> memref<10112x64xf32, #tpu.memory_space<vmem_shared>>
        tpu.wait_indirect_dma semaphore(%run_scoped3A_1017 : memref<!tpu.dma_semaphore, #tpu.memory_space<semaphore_mem>>) src(%dma_wait3A_1031 : memref<128x64xf32, #tpu.memory_space<vmem>>) dst(%dma_wait3A_1037 : memref<10112x64xf32, #tpu.memory_space<vmem_shared>>)
        tpu.yield
      }) : () -> ()
      %dma_start3A_907 = arith.constant 1 : i32
      %dma_start3A_908 = arith.constant 13 : i32
      %dma_start3A_909 = arith.constant 1 : i32
      %dma_start3A_910 = arith.constant 0 : i32
      %dma_start3A_911 = arith.constant 0 : i32
      %dma_start3A_912 = tpu.memref_slice %arg9[%dma_start3A_909, %dma_start3A_910, %dma_start3A_911] : memref<2x128x64xf32, #tpu.memory_space<vmem>> -> memref<1x128x64xf32, #tpu.memory_space<vmem>>
      %dma_start3A_913 = tpu.memref_squeeze %dma_start3A_912 : memref<1x128x64xf32, #tpu.memory_space<vmem>> -> memref<128x64xf32, #tpu.memory_space<vmem>>
      %dma_start3A_914 = arith.constant 0 : i32
      %dma_start3A_915 = tpu.memref_slice %arg7[%dma_start3A_907, %dma_start3A_908, %dma_start3A_914] : memref<2x16x128xi32, #tpu.memory_space<vmem>> -> memref<1x1x128xi32, #tpu.memory_space<vmem>>
      %dma_start3A_916 = tpu.memref_squeeze %dma_start3A_915 : memref<1x1x128xi32, #tpu.memory_space<vmem>> -> memref<128xi32, #tpu.memory_space<vmem>>
      %dma_start3A_917 = arith.constant 0 : i32
      %dma_start3A_918 = arith.constant 0 : i32
      %dma_start3A_919 = tpu.memref_slice %arg10[%dma_start3A_917, %dma_start3A_918] : memref<10112x64xf32, #tpu.memory_space<vmem_shared>> -> memref<10112x64xf32, #tpu.memory_space<vmem_shared>>
      tpu.enqueue_indirect_dma source(%dma_start3A_919 : memref<10112x64xf32, #tpu.memory_space<vmem_shared>>) target(%dma_start3A_913 : memref<128x64xf32, #tpu.memory_space<vmem>>) offsets(%dma_start3A_916 : memref<128xi32, #tpu.memory_space<vmem>>) semaphore(%arg13 : memref<!tpu.dma_semaphore, #tpu.memory_space<semaphore_mem>>)
      %dma_wait3A_920 = arith.constant 1 : i32
      %dma_wait3A_921 = arith.constant 12 : i32
      %dma_wait3A_922 = arith.constant 0 : i32
      %dma_wait3A_923 = arith.constant 0 : i32
      %dma_wait3A_924 = arith.constant 0 : i32
      %dma_wait3A_925 = tpu.memref_slice %arg9[%dma_wait3A_922, %dma_wait3A_923, %dma_wait3A_924] : memref<2x128x64xf32, #tpu.memory_space<vmem>> -> memref<1x128x64xf32, #tpu.memory_space<vmem>>
      %dma_wait3A_926 = tpu.memref_squeeze %dma_wait3A_925 : memref<1x128x64xf32, #tpu.memory_space<vmem>> -> memref<128x64xf32, #tpu.memory_space<vmem>>
      %dma_wait3A_927 = arith.constant 0 : i32
      %dma_wait3A_928 = tpu.memref_slice %arg7[%dma_wait3A_920, %dma_wait3A_921, %dma_wait3A_927] : memref<2x16x128xi32, #tpu.memory_space<vmem>> -> memref<1x1x128xi32, #tpu.memory_space<vmem>>
      %dma_wait3A_929 = tpu.memref_squeeze %dma_wait3A_928 : memref<1x1x128xi32, #tpu.memory_space<vmem>> -> memref<128xi32, #tpu.memory_space<vmem>>
      %dma_wait3A_930 = arith.constant 0 : i32
      %dma_wait3A_931 = arith.constant 0 : i32
      %dma_wait3A_932 = tpu.memref_slice %arg10[%dma_wait3A_930, %dma_wait3A_931] : memref<10112x64xf32, #tpu.memory_space<vmem_shared>> -> memref<10112x64xf32, #tpu.memory_space<vmem_shared>>
      tpu.wait_indirect_dma semaphore(%arg12 : memref<!tpu.dma_semaphore, #tpu.memory_space<semaphore_mem>>) src(%dma_wait3A_932 : memref<10112x64xf32, #tpu.memory_space<vmem_shared>>) dst(%dma_wait3A_926 : memref<128x64xf32, #tpu.memory_space<vmem>>)
      %add3A_933 = arith.constant 12 : i32
      %add3A_934 = arith.addi %add3A_530, %add3A_933 : i32
      %run_scoped3A_935 = arith.constant 0 : i32
      "tpu.region"() ({
        %run_scoped3A_1017 = tpu.sem_alloc : memref<!tpu.dma_semaphore, #tpu.memory_space<semaphore_mem>>
        %dma_start3A_1018 = arith.constant 0 : i32
        %dma_start3A_1019 = arith.constant 0 : i32
        %dma_start3A_1020 = tpu.memref_slice %arg9[%run_scoped3A_935, %dma_start3A_1018, %dma_start3A_1019] : memref<2x128x64xf32, #tpu.memory_space<vmem>> -> memref<1x128x64xf32, #tpu.memory_space<vmem>>
        %dma_start3A_1021 = tpu.memref_squeeze %dma_start3A_1020 : memref<1x128x64xf32, #tpu.memory_space<vmem>> -> memref<128x64xf32, #tpu.memory_space<vmem>>
        %dma_start3A_1022 = arith.constant 0 : i32
        %dma_start3A_1023 = tpu.memref_slice %arg8[%add3A_934, %dma_start3A_1022] : memref<160x128xi32, #tpu.memory_space<vmem>> -> memref<1x128xi32, #tpu.memory_space<vmem>>
        %dma_start3A_1024 = tpu.memref_squeeze %dma_start3A_1023 : memref<1x128xi32, #tpu.memory_space<vmem>> -> memref<128xi32, #tpu.memory_space<vmem>>
        %dma_start3A_1025 = arith.constant 0 : i32
        %dma_start3A_1026 = arith.constant 0 : i32
        %dma_start3A_1027 = tpu.memref_slice %arg11[%dma_start3A_1025, %dma_start3A_1026] : memref<10112x64xf32, #tpu.memory_space<vmem_shared>> -> memref<10112x64xf32, #tpu.memory_space<vmem_shared>>
        tpu.enqueue_indirect_dma source(%dma_start3A_1021 : memref<128x64xf32, #tpu.memory_space<vmem>>) target(%dma_start3A_1027 : memref<10112x64xf32, #tpu.memory_space<vmem_shared>>) offsets(%dma_start3A_1024 : memref<128xi32, #tpu.memory_space<vmem>>) semaphore(%run_scoped3A_1017 : memref<!tpu.dma_semaphore, #tpu.memory_space<semaphore_mem>>) {add = true}
        %dma_wait3A_1028 = arith.constant 0 : i32
        %dma_wait3A_1029 = arith.constant 0 : i32
        %dma_wait3A_1030 = tpu.memref_slice %arg9[%run_scoped3A_935, %dma_wait3A_1028, %dma_wait3A_1029] : memref<2x128x64xf32, #tpu.memory_space<vmem>> -> memref<1x128x64xf32, #tpu.memory_space<vmem>>
        %dma_wait3A_1031 = tpu.memref_squeeze %dma_wait3A_1030 : memref<1x128x64xf32, #tpu.memory_space<vmem>> -> memref<128x64xf32, #tpu.memory_space<vmem>>
        %dma_wait3A_1032 = arith.constant 0 : i32
        %dma_wait3A_1033 = tpu.memref_slice %arg8[%add3A_934, %dma_wait3A_1032] : memref<160x128xi32, #tpu.memory_space<vmem>> -> memref<1x128xi32, #tpu.memory_space<vmem>>
        %dma_wait3A_1034 = tpu.memref_squeeze %dma_wait3A_1033 : memref<1x128xi32, #tpu.memory_space<vmem>> -> memref<128xi32, #tpu.memory_space<vmem>>
        %dma_wait3A_1035 = arith.constant 0 : i32
        %dma_wait3A_1036 = arith.constant 0 : i32
        %dma_wait3A_1037 = tpu.memref_slice %arg11[%dma_wait3A_1035, %dma_wait3A_1036] : memref<10112x64xf32, #tpu.memory_space<vmem_shared>> -> memref<10112x64xf32, #tpu.memory_space<vmem_shared>>
        tpu.wait_indirect_dma semaphore(%run_scoped3A_1017 : memref<!tpu.dma_semaphore, #tpu.memory_space<semaphore_mem>>) src(%dma_wait3A_1031 : memref<128x64xf32, #tpu.memory_space<vmem>>) dst(%dma_wait3A_1037 : memref<10112x64xf32, #tpu.memory_space<vmem_shared>>)
        tpu.yield
      }) : () -> ()
      %dma_start3A_936 = arith.constant 1 : i32
      %dma_start3A_937 = arith.constant 14 : i32
      %dma_start3A_938 = arith.constant 0 : i32
      %dma_start3A_939 = arith.constant 0 : i32
      %dma_start3A_940 = arith.constant 0 : i32
      %dma_start3A_941 = tpu.memref_slice %arg9[%dma_start3A_938, %dma_start3A_939, %dma_start3A_940] : memref<2x128x64xf32, #tpu.memory_space<vmem>> -> memref<1x128x64xf32, #tpu.memory_space<vmem>>
      %dma_start3A_942 = tpu.memref_squeeze %dma_start3A_941 : memref<1x128x64xf32, #tpu.memory_space<vmem>> -> memref<128x64xf32, #tpu.memory_space<vmem>>
      %dma_start3A_943 = arith.constant 0 : i32
      %dma_start3A_944 = tpu.memref_slice %arg7[%dma_start3A_936, %dma_start3A_937, %dma_start3A_943] : memref<2x16x128xi32, #tpu.memory_space<vmem>> -> memref<1x1x128xi32, #tpu.memory_space<vmem>>
      %dma_start3A_945 = tpu.memref_squeeze %dma_start3A_944 : memref<1x1x128xi32, #tpu.memory_space<vmem>> -> memref<128xi32, #tpu.memory_space<vmem>>
      %dma_start3A_946 = arith.constant 0 : i32
      %dma_start3A_947 = arith.constant 0 : i32
      %dma_start3A_948 = tpu.memref_slice %arg10[%dma_start3A_946, %dma_start3A_947] : memref<10112x64xf32, #tpu.memory_space<vmem_shared>> -> memref<10112x64xf32, #tpu.memory_space<vmem_shared>>
      tpu.enqueue_indirect_dma source(%dma_start3A_948 : memref<10112x64xf32, #tpu.memory_space<vmem_shared>>) target(%dma_start3A_942 : memref<128x64xf32, #tpu.memory_space<vmem>>) offsets(%dma_start3A_945 : memref<128xi32, #tpu.memory_space<vmem>>) semaphore(%arg12 : memref<!tpu.dma_semaphore, #tpu.memory_space<semaphore_mem>>)
      %dma_wait3A_949 = arith.constant 1 : i32
      %dma_wait3A_950 = arith.constant 13 : i32
      %dma_wait3A_951 = arith.constant 1 : i32
      %dma_wait3A_952 = arith.constant 0 : i32
      %dma_wait3A_953 = arith.constant 0 : i32
      %dma_wait3A_954 = tpu.memref_slice %arg9[%dma_wait3A_951, %dma_wait3A_952, %dma_wait3A_953] : memref<2x128x64xf32, #tpu.memory_space<vmem>> -> memref<1x128x64xf32, #tpu.memory_space<vmem>>
      %dma_wait3A_955 = tpu.memref_squeeze %dma_wait3A_954 : memref<1x128x64xf32, #tpu.memory_space<vmem>> -> memref<128x64xf32, #tpu.memory_space<vmem>>
      %dma_wait3A_956 = arith.constant 0 : i32
      %dma_wait3A_957 = tpu.memref_slice %arg7[%dma_wait3A_949, %dma_wait3A_950, %dma_wait3A_956] : memref<2x16x128xi32, #tpu.memory_space<vmem>> -> memref<1x1x128xi32, #tpu.memory_space<vmem>>
      %dma_wait3A_958 = tpu.memref_squeeze %dma_wait3A_957 : memref<1x1x128xi32, #tpu.memory_space<vmem>> -> memref<128xi32, #tpu.memory_space<vmem>>
      %dma_wait3A_959 = arith.constant 0 : i32
      %dma_wait3A_960 = arith.constant 0 : i32
      %dma_wait3A_961 = tpu.memref_slice %arg10[%dma_wait3A_959, %dma_wait3A_960] : memref<10112x64xf32, #tpu.memory_space<vmem_shared>> -> memref<10112x64xf32, #tpu.memory_space<vmem_shared>>
      tpu.wait_indirect_dma semaphore(%arg13 : memref<!tpu.dma_semaphore, #tpu.memory_space<semaphore_mem>>) src(%dma_wait3A_961 : memref<10112x64xf32, #tpu.memory_space<vmem_shared>>) dst(%dma_wait3A_955 : memref<128x64xf32, #tpu.memory_space<vmem>>)
      %add3A_962 = arith.constant 13 : i32
      %add3A_963 = arith.addi %add3A_530, %add3A_962 : i32
      %run_scoped3A_964 = arith.constant 1 : i32
      "tpu.region"() ({
        %run_scoped3A_1017 = tpu.sem_alloc : memref<!tpu.dma_semaphore, #tpu.memory_space<semaphore_mem>>
        %dma_start3A_1018 = arith.constant 0 : i32
        %dma_start3A_1019 = arith.constant 0 : i32
        %dma_start3A_1020 = tpu.memref_slice %arg9[%run_scoped3A_964, %dma_start3A_1018, %dma_start3A_1019] : memref<2x128x64xf32, #tpu.memory_space<vmem>> -> memref<1x128x64xf32, #tpu.memory_space<vmem>>
        %dma_start3A_1021 = tpu.memref_squeeze %dma_start3A_1020 : memref<1x128x64xf32, #tpu.memory_space<vmem>> -> memref<128x64xf32, #tpu.memory_space<vmem>>
        %dma_start3A_1022 = arith.constant 0 : i32
        %dma_start3A_1023 = tpu.memref_slice %arg8[%add3A_963, %dma_start3A_1022] : memref<160x128xi32, #tpu.memory_space<vmem>> -> memref<1x128xi32, #tpu.memory_space<vmem>>
        %dma_start3A_1024 = tpu.memref_squeeze %dma_start3A_1023 : memref<1x128xi32, #tpu.memory_space<vmem>> -> memref<128xi32, #tpu.memory_space<vmem>>
        %dma_start3A_1025 = arith.constant 0 : i32
        %dma_start3A_1026 = arith.constant 0 : i32
        %dma_start3A_1027 = tpu.memref_slice %arg11[%dma_start3A_1025, %dma_start3A_1026] : memref<10112x64xf32, #tpu.memory_space<vmem_shared>> -> memref<10112x64xf32, #tpu.memory_space<vmem_shared>>
        tpu.enqueue_indirect_dma source(%dma_start3A_1021 : memref<128x64xf32, #tpu.memory_space<vmem>>) target(%dma_start3A_1027 : memref<10112x64xf32, #tpu.memory_space<vmem_shared>>) offsets(%dma_start3A_1024 : memref<128xi32, #tpu.memory_space<vmem>>) semaphore(%run_scoped3A_1017 : memref<!tpu.dma_semaphore, #tpu.memory_space<semaphore_mem>>) {add = true}
        %dma_wait3A_1028 = arith.constant 0 : i32
        %dma_wait3A_1029 = arith.constant 0 : i32
        %dma_wait3A_1030 = tpu.memref_slice %arg9[%run_scoped3A_964, %dma_wait3A_1028, %dma_wait3A_1029] : memref<2x128x64xf32, #tpu.memory_space<vmem>> -> memref<1x128x64xf32, #tpu.memory_space<vmem>>
        %dma_wait3A_1031 = tpu.memref_squeeze %dma_wait3A_1030 : memref<1x128x64xf32, #tpu.memory_space<vmem>> -> memref<128x64xf32, #tpu.memory_space<vmem>>
        %dma_wait3A_1032 = arith.constant 0 : i32
        %dma_wait3A_1033 = tpu.memref_slice %arg8[%add3A_963, %dma_wait3A_1032] : memref<160x128xi32, #tpu.memory_space<vmem>> -> memref<1x128xi32, #tpu.memory_space<vmem>>
        %dma_wait3A_1034 = tpu.memref_squeeze %dma_wait3A_1033 : memref<1x128xi32, #tpu.memory_space<vmem>> -> memref<128xi32, #tpu.memory_space<vmem>>
        %dma_wait3A_1035 = arith.constant 0 : i32
        %dma_wait3A_1036 = arith.constant 0 : i32
        %dma_wait3A_1037 = tpu.memref_slice %arg11[%dma_wait3A_1035, %dma_wait3A_1036] : memref<10112x64xf32, #tpu.memory_space<vmem_shared>> -> memref<10112x64xf32, #tpu.memory_space<vmem_shared>>
        tpu.wait_indirect_dma semaphore(%run_scoped3A_1017 : memref<!tpu.dma_semaphore, #tpu.memory_space<semaphore_mem>>) src(%dma_wait3A_1031 : memref<128x64xf32, #tpu.memory_space<vmem>>) dst(%dma_wait3A_1037 : memref<10112x64xf32, #tpu.memory_space<vmem_shared>>)
        tpu.yield
      }) : () -> ()
      %dma_start3A_965 = arith.constant 1 : i32
      %dma_start3A_966 = arith.constant 15 : i32
      %dma_start3A_967 = arith.constant 1 : i32
      %dma_start3A_968 = arith.constant 0 : i32
      %dma_start3A_969 = arith.constant 0 : i32
      %dma_start3A_970 = tpu.memref_slice %arg9[%dma_start3A_967, %dma_start3A_968, %dma_start3A_969] : memref<2x128x64xf32, #tpu.memory_space<vmem>> -> memref<1x128x64xf32, #tpu.memory_space<vmem>>
      %dma_start3A_971 = tpu.memref_squeeze %dma_start3A_970 : memref<1x128x64xf32, #tpu.memory_space<vmem>> -> memref<128x64xf32, #tpu.memory_space<vmem>>
      %dma_start3A_972 = arith.constant 0 : i32
      %dma_start3A_973 = tpu.memref_slice %arg7[%dma_start3A_965, %dma_start3A_966, %dma_start3A_972] : memref<2x16x128xi32, #tpu.memory_space<vmem>> -> memref<1x1x128xi32, #tpu.memory_space<vmem>>
      %dma_start3A_974 = tpu.memref_squeeze %dma_start3A_973 : memref<1x1x128xi32, #tpu.memory_space<vmem>> -> memref<128xi32, #tpu.memory_space<vmem>>
      %dma_start3A_975 = arith.constant 0 : i32
      %dma_start3A_976 = arith.constant 0 : i32
      %dma_start3A_977 = tpu.memref_slice %arg10[%dma_start3A_975, %dma_start3A_976] : memref<10112x64xf32, #tpu.memory_space<vmem_shared>> -> memref<10112x64xf32, #tpu.memory_space<vmem_shared>>
      tpu.enqueue_indirect_dma source(%dma_start3A_977 : memref<10112x64xf32, #tpu.memory_space<vmem_shared>>) target(%dma_start3A_971 : memref<128x64xf32, #tpu.memory_space<vmem>>) offsets(%dma_start3A_974 : memref<128xi32, #tpu.memory_space<vmem>>) semaphore(%arg13 : memref<!tpu.dma_semaphore, #tpu.memory_space<semaphore_mem>>)
      %dma_wait3A_978 = arith.constant 1 : i32
      %dma_wait3A_979 = arith.constant 14 : i32
      %dma_wait3A_980 = arith.constant 0 : i32
      %dma_wait3A_981 = arith.constant 0 : i32
      %dma_wait3A_982 = arith.constant 0 : i32
      %dma_wait3A_983 = tpu.memref_slice %arg9[%dma_wait3A_980, %dma_wait3A_981, %dma_wait3A_982] : memref<2x128x64xf32, #tpu.memory_space<vmem>> -> memref<1x128x64xf32, #tpu.memory_space<vmem>>
      %dma_wait3A_984 = tpu.memref_squeeze %dma_wait3A_983 : memref<1x128x64xf32, #tpu.memory_space<vmem>> -> memref<128x64xf32, #tpu.memory_space<vmem>>
      %dma_wait3A_985 = arith.constant 0 : i32
      %dma_wait3A_986 = tpu.memref_slice %arg7[%dma_wait3A_978, %dma_wait3A_979, %dma_wait3A_985] : memref<2x16x128xi32, #tpu.memory_space<vmem>> -> memref<1x1x128xi32, #tpu.memory_space<vmem>>
      %dma_wait3A_987 = tpu.memref_squeeze %dma_wait3A_986 : memref<1x1x128xi32, #tpu.memory_space<vmem>> -> memref<128xi32, #tpu.memory_space<vmem>>
      %dma_wait3A_988 = arith.constant 0 : i32
      %dma_wait3A_989 = arith.constant 0 : i32
      %dma_wait3A_990 = tpu.memref_slice %arg10[%dma_wait3A_988, %dma_wait3A_989] : memref<10112x64xf32, #tpu.memory_space<vmem_shared>> -> memref<10112x64xf32, #tpu.memory_space<vmem_shared>>
      tpu.wait_indirect_dma semaphore(%arg12 : memref<!tpu.dma_semaphore, #tpu.memory_space<semaphore_mem>>) src(%dma_wait3A_990 : memref<10112x64xf32, #tpu.memory_space<vmem_shared>>) dst(%dma_wait3A_984 : memref<128x64xf32, #tpu.memory_space<vmem>>)
      %add3A_991 = arith.constant 14 : i32
      %add3A_992 = arith.addi %add3A_530, %add3A_991 : i32
      %run_scoped3A_993 = arith.constant 0 : i32
      "tpu.region"() ({
        %run_scoped3A_1017 = tpu.sem_alloc : memref<!tpu.dma_semaphore, #tpu.memory_space<semaphore_mem>>
        %dma_start3A_1018 = arith.constant 0 : i32
        %dma_start3A_1019 = arith.constant 0 : i32
        %dma_start3A_1020 = tpu.memref_slice %arg9[%run_scoped3A_993, %dma_start3A_1018, %dma_start3A_1019] : memref<2x128x64xf32, #tpu.memory_space<vmem>> -> memref<1x128x64xf32, #tpu.memory_space<vmem>>
        %dma_start3A_1021 = tpu.memref_squeeze %dma_start3A_1020 : memref<1x128x64xf32, #tpu.memory_space<vmem>> -> memref<128x64xf32, #tpu.memory_space<vmem>>
        %dma_start3A_1022 = arith.constant 0 : i32
        %dma_start3A_1023 = tpu.memref_slice %arg8[%add3A_992, %dma_start3A_1022] : memref<160x128xi32, #tpu.memory_space<vmem>> -> memref<1x128xi32, #tpu.memory_space<vmem>>
        %dma_start3A_1024 = tpu.memref_squeeze %dma_start3A_1023 : memref<1x128xi32, #tpu.memory_space<vmem>> -> memref<128xi32, #tpu.memory_space<vmem>>
        %dma_start3A_1025 = arith.constant 0 : i32
        %dma_start3A_1026 = arith.constant 0 : i32
        %dma_start3A_1027 = tpu.memref_slice %arg11[%dma_start3A_1025, %dma_start3A_1026] : memref<10112x64xf32, #tpu.memory_space<vmem_shared>> -> memref<10112x64xf32, #tpu.memory_space<vmem_shared>>
        tpu.enqueue_indirect_dma source(%dma_start3A_1021 : memref<128x64xf32, #tpu.memory_space<vmem>>) target(%dma_start3A_1027 : memref<10112x64xf32, #tpu.memory_space<vmem_shared>>) offsets(%dma_start3A_1024 : memref<128xi32, #tpu.memory_space<vmem>>) semaphore(%run_scoped3A_1017 : memref<!tpu.dma_semaphore, #tpu.memory_space<semaphore_mem>>) {add = true}
        %dma_wait3A_1028 = arith.constant 0 : i32
        %dma_wait3A_1029 = arith.constant 0 : i32
        %dma_wait3A_1030 = tpu.memref_slice %arg9[%run_scoped3A_993, %dma_wait3A_1028, %dma_wait3A_1029] : memref<2x128x64xf32, #tpu.memory_space<vmem>> -> memref<1x128x64xf32, #tpu.memory_space<vmem>>
        %dma_wait3A_1031 = tpu.memref_squeeze %dma_wait3A_1030 : memref<1x128x64xf32, #tpu.memory_space<vmem>> -> memref<128x64xf32, #tpu.memory_space<vmem>>
        %dma_wait3A_1032 = arith.constant 0 : i32
        %dma_wait3A_1033 = tpu.memref_slice %arg8[%add3A_992, %dma_wait3A_1032] : memref<160x128xi32, #tpu.memory_space<vmem>> -> memref<1x128xi32, #tpu.memory_space<vmem>>
        %dma_wait3A_1034 = tpu.memref_squeeze %dma_wait3A_1033 : memref<1x128xi32, #tpu.memory_space<vmem>> -> memref<128xi32, #tpu.memory_space<vmem>>
        %dma_wait3A_1035 = arith.constant 0 : i32
        %dma_wait3A_1036 = arith.constant 0 : i32
        %dma_wait3A_1037 = tpu.memref_slice %arg11[%dma_wait3A_1035, %dma_wait3A_1036] : memref<10112x64xf32, #tpu.memory_space<vmem_shared>> -> memref<10112x64xf32, #tpu.memory_space<vmem_shared>>
        tpu.wait_indirect_dma semaphore(%run_scoped3A_1017 : memref<!tpu.dma_semaphore, #tpu.memory_space<semaphore_mem>>) src(%dma_wait3A_1031 : memref<128x64xf32, #tpu.memory_space<vmem>>) dst(%dma_wait3A_1037 : memref<10112x64xf32, #tpu.memory_space<vmem_shared>>)
        tpu.yield
      }) : () -> ()
      %dma_wait3A_994 = arith.constant 1 : i32
      %dma_wait3A_995 = arith.constant 15 : i32
      %dma_wait3A_996 = arith.constant 1 : i32
      %dma_wait3A_997 = arith.constant 0 : i32
      %dma_wait3A_998 = arith.constant 0 : i32
      %dma_wait3A_999 = tpu.memref_slice %arg9[%dma_wait3A_996, %dma_wait3A_997, %dma_wait3A_998] : memref<2x128x64xf32, #tpu.memory_space<vmem>> -> memref<1x128x64xf32, #tpu.memory_space<vmem>>
      %dma_wait3A_1000 = tpu.memref_squeeze %dma_wait3A_999 : memref<1x128x64xf32, #tpu.memory_space<vmem>> -> memref<128x64xf32, #tpu.memory_space<vmem>>
      %dma_wait3A_1001 = arith.constant 0 : i32
      %dma_wait3A_1002 = tpu.memref_slice %arg7[%dma_wait3A_994, %dma_wait3A_995, %dma_wait3A_1001] : memref<2x16x128xi32, #tpu.memory_space<vmem>> -> memref<1x1x128xi32, #tpu.memory_space<vmem>>
      %dma_wait3A_1003 = tpu.memref_squeeze %dma_wait3A_1002 : memref<1x1x128xi32, #tpu.memory_space<vmem>> -> memref<128xi32, #tpu.memory_space<vmem>>
      %dma_wait3A_1004 = arith.constant 0 : i32
      %dma_wait3A_1005 = arith.constant 0 : i32
      %dma_wait3A_1006 = tpu.memref_slice %arg10[%dma_wait3A_1004, %dma_wait3A_1005] : memref<10112x64xf32, #tpu.memory_space<vmem_shared>> -> memref<10112x64xf32, #tpu.memory_space<vmem_shared>>
      tpu.wait_indirect_dma semaphore(%arg13 : memref<!tpu.dma_semaphore, #tpu.memory_space<semaphore_mem>>) src(%dma_wait3A_1006 : memref<10112x64xf32, #tpu.memory_space<vmem_shared>>) dst(%dma_wait3A_1000 : memref<128x64xf32, #tpu.memory_space<vmem>>)
      %add3A_1007 = arith.constant 15 : i32
      %add3A_1008 = arith.addi %add3A_530, %add3A_1007 : i32
      %run_scoped3A_1009 = arith.constant 1 : i32
      "tpu.region"() ({
        %run_scoped3A_1017 = tpu.sem_alloc : memref<!tpu.dma_semaphore, #tpu.memory_space<semaphore_mem>>
        %dma_start3A_1018 = arith.constant 0 : i32
        %dma_start3A_1019 = arith.constant 0 : i32
        %dma_start3A_1020 = tpu.memref_slice %arg9[%run_scoped3A_1009, %dma_start3A_1018, %dma_start3A_1019] : memref<2x128x64xf32, #tpu.memory_space<vmem>> -> memref<1x128x64xf32, #tpu.memory_space<vmem>>
        %dma_start3A_1021 = tpu.memref_squeeze %dma_start3A_1020 : memref<1x128x64xf32, #tpu.memory_space<vmem>> -> memref<128x64xf32, #tpu.memory_space<vmem>>
        %dma_start3A_1022 = arith.constant 0 : i32
        %dma_start3A_1023 = tpu.memref_slice %arg8[%add3A_1008, %dma_start3A_1022] : memref<160x128xi32, #tpu.memory_space<vmem>> -> memref<1x128xi32, #tpu.memory_space<vmem>>
        %dma_start3A_1024 = tpu.memref_squeeze %dma_start3A_1023 : memref<1x128xi32, #tpu.memory_space<vmem>> -> memref<128xi32, #tpu.memory_space<vmem>>
        %dma_start3A_1025 = arith.constant 0 : i32
        %dma_start3A_1026 = arith.constant 0 : i32
        %dma_start3A_1027 = tpu.memref_slice %arg11[%dma_start3A_1025, %dma_start3A_1026] : memref<10112x64xf32, #tpu.memory_space<vmem_shared>> -> memref<10112x64xf32, #tpu.memory_space<vmem_shared>>
        tpu.enqueue_indirect_dma source(%dma_start3A_1021 : memref<128x64xf32, #tpu.memory_space<vmem>>) target(%dma_start3A_1027 : memref<10112x64xf32, #tpu.memory_space<vmem_shared>>) offsets(%dma_start3A_1024 : memref<128xi32, #tpu.memory_space<vmem>>) semaphore(%run_scoped3A_1017 : memref<!tpu.dma_semaphore, #tpu.memory_space<semaphore_mem>>) {add = true}
        %dma_wait3A_1028 = arith.constant 0 : i32
        %dma_wait3A_1029 = arith.constant 0 : i32
        %dma_wait3A_1030 = tpu.memref_slice %arg9[%run_scoped3A_1009, %dma_wait3A_1028, %dma_wait3A_1029] : memref<2x128x64xf32, #tpu.memory_space<vmem>> -> memref<1x128x64xf32, #tpu.memory_space<vmem>>
        %dma_wait3A_1031 = tpu.memref_squeeze %dma_wait3A_1030 : memref<1x128x64xf32, #tpu.memory_space<vmem>> -> memref<128x64xf32, #tpu.memory_space<vmem>>
        %dma_wait3A_1032 = arith.constant 0 : i32
        %dma_wait3A_1033 = tpu.memref_slice %arg8[%add3A_1008, %dma_wait3A_1032] : memref<160x128xi32, #tpu.memory_space<vmem>> -> memref<1x128xi32, #tpu.memory_space<vmem>>
        %dma_wait3A_1034 = tpu.memref_squeeze %dma_wait3A_1033 : memref<1x128xi32, #tpu.memory_space<vmem>> -> memref<128xi32, #tpu.memory_space<vmem>>
        %dma_wait3A_1035 = arith.constant 0 : i32
        %dma_wait3A_1036 = arith.constant 0 : i32
        %dma_wait3A_1037 = tpu.memref_slice %arg11[%dma_wait3A_1035, %dma_wait3A_1036] : memref<10112x64xf32, #tpu.memory_space<vmem_shared>> -> memref<10112x64xf32, #tpu.memory_space<vmem_shared>>
        tpu.wait_indirect_dma semaphore(%run_scoped3A_1017 : memref<!tpu.dma_semaphore, #tpu.memory_space<semaphore_mem>>) src(%dma_wait3A_1031 : memref<128x64xf32, #tpu.memory_space<vmem>>) dst(%dma_wait3A_1037 : memref<10112x64xf32, #tpu.memory_space<vmem_shared>>)
        tpu.yield
      }) : () -> ()
      %add3A_1010 = arith.constant 3 : i32
      %add3A_1011 = arith.addi %mul3A_44, %add3A_1010 : i32
      %lt3A_1012 = arith.constant 10 : i32
      %lt3A_1013 = arith.cmpi slt, %add3A_1011, %lt3A_1012 : i32
      %convert_element_type3A_1014 = arith.extui %lt3A_1013 : i1 to i32
      %cond3A_1015 = arith.constant 0 : i32
      %cond3A_1016 = arith.cmpi ne, %convert_element_type3A_1014, %cond3A_1015 : i32
      scf.if %cond3A_1016 {
        %add3A_1017 = arith.constant 32 : i32
        %add3A_1018 = arith.addi %add3A_530, %add3A_1017 : i32
        %dma_start3A_1019 = arith.constant 1 : i32
        %dma_start3A_1020 = arith.constant 0 : i32
        %dma_start3A_1021 = arith.constant 0 : i32
        %dma_start3A_1022 = tpu.memref_slice %arg7[%dma_start3A_1019, %dma_start3A_1020, %dma_start3A_1021] : memref<2x16x128xi32, #tpu.memory_space<vmem>> -> memref<1x16x128xi32, #tpu.memory_space<vmem>>
        %dma_start3A_1023 = tpu.memref_squeeze %dma_start3A_1022 : memref<1x16x128xi32, #tpu.memory_space<vmem>> -> memref<16x128xi32, #tpu.memory_space<vmem>>
        %dma_start3A_1024 = arith.constant 0 : i32
        %dma_start3A_1025 = tpu.memref_slice %arg2[%arg1, %add3A_1018, %dma_start3A_1024] : memref<16x160x128xi32, #tpu.memory_space<hbm>> -> memref<1x16x128xi32, #tpu.memory_space<hbm>>
        %dma_start3A_1026 = tpu.memref_squeeze %dma_start3A_1025 : memref<1x16x128xi32, #tpu.memory_space<hbm>> -> memref<16x128xi32, #tpu.memory_space<hbm>>
        %dma_start3A_1027 = arith.constant 0 : i32
        %dma_start3A_1028 = arith.constant 0 : i32
        %dma_start3A_1029 = tpu.memref_slice %arg7[%dma_start3A_1019, %dma_start3A_1027, %dma_start3A_1028] : memref<2x16x128xi32, #tpu.memory_space<vmem>> -> memref<1x16x128xi32, #tpu.memory_space<vmem>>
        %dma_start3A_1030 = tpu.memref_squeeze %dma_start3A_1029 : memref<1x16x128xi32, #tpu.memory_space<vmem>> -> memref<16x128xi32, #tpu.memory_space<vmem>>
        %dma_start3A_1031 = arith.constant 0 : i32
        %dma_start3A_1032 = tpu.memref_slice %arg2[%arg1, %add3A_1018, %dma_start3A_1031] : memref<16x160x128xi32, #tpu.memory_space<hbm>> -> memref<1x16x128xi32, #tpu.memory_space<hbm>>
        %dma_start3A_1033 = tpu.memref_squeeze %dma_start3A_1032 : memref<1x16x128xi32, #tpu.memory_space<hbm>> -> memref<16x128xi32, #tpu.memory_space<hbm>>
        tpu.enqueue_dma source(%dma_start3A_1033 : memref<16x128xi32, #tpu.memory_space<hbm>>) target(%dma_start3A_1030 : memref<16x128xi32, #tpu.memory_space<vmem>>) target_semaphore(%arg15 : memref<!tpu.dma_semaphore, #tpu.memory_space<semaphore_mem>>)
      } else {
      }
    }
    %scan3A_40 = arith.constant 5 : i32
    %barrier3A_41 = arith.constant 0 : index
    tpu.barrier barrier_id(%barrier3A_41)
    "tpu.region"() ({
      %run_scoped3A = tpu.sem_alloc : memref<!tpu.dma_semaphore, #tpu.memory_space<semaphore_mem>>
      %dma_start3A_42 = arith.constant 0 : i32
      %dma_start3A_43 = tpu.memref_slice %arg6[%arg0, %mul3A_0, %dma_start3A_42] : memref<2x10112x64xf32, #tpu.memory_space<hbm>> -> memref<1x632x64xf32, #tpu.memory_space<hbm>>
      %dma_start3A_44 = tpu.memref_squeeze %dma_start3A_43 : memref<1x632x64xf32, #tpu.memory_space<hbm>> -> memref<632x64xf32, #tpu.memory_space<hbm>>
      %dma_start3A_45 = arith.constant 0 : i32
      %dma_start3A_46 = tpu.memref_slice %arg11[%mul3A_0, %dma_start3A_45] : memref<10112x64xf32, #tpu.memory_space<vmem_shared>> -> memref<632x64xf32, #tpu.memory_space<vmem_shared>>
      tpu.enqueue_dma source(%dma_start3A_46 : memref<632x64xf32, #tpu.memory_space<vmem_shared>>) target(%dma_start3A_44 : memref<632x64xf32, #tpu.memory_space<hbm>>) target_semaphore(%run_scoped3A : memref<!tpu.dma_semaphore, #tpu.memory_space<semaphore_mem>>)
      %dma_wait3A = arith.constant 0 : i32
      %dma_wait3A_47 = tpu.memref_slice %arg6[%arg0, %mul3A_0, %dma_wait3A] : memref<2x10112x64xf32, #tpu.memory_space<hbm>> -> memref<1x632x64xf32, #tpu.memory_space<hbm>>
      %dma_wait3A_48 = tpu.memref_squeeze %dma_wait3A_47 : memref<1x632x64xf32, #tpu.memory_space<hbm>> -> memref<632x64xf32, #tpu.memory_space<hbm>>
      %dma_wait3A_49 = arith.constant 0 : i32
      %dma_wait3A_50 = tpu.memref_slice %arg11[%mul3A_0, %dma_wait3A_49] : memref<10112x64xf32, #tpu.memory_space<vmem_shared>> -> memref<632x64xf32, #tpu.memory_space<vmem_shared>>
      tpu.wait_dma2 semaphore(%run_scoped3A : memref<!tpu.dma_semaphore, #tpu.memory_space<semaphore_mem>>) src(%dma_wait3A_50 : memref<632x64xf32, #tpu.memory_space<vmem_shared>>) dst(%dma_wait3A_48 : memref<632x64xf32, #tpu.memory_space<hbm>>)
      tpu.yield
    }) : () -> ()
    return
  }
}

module attributes {stable_mosaic.version = 14 : i64} {
  func.func @body(%arg0: i32, %arg1: memref<1264x128xf32, #tpu.memory_space<vmem>>, %arg2: memref<128x128xf32, #tpu.memory_space<vmem>>, %arg3: memref<1x128xf32, #tpu.memory_space<vmem>>, %arg4: memref<1x128xf32, #tpu.memory_space<vmem>>, %arg5: memref<1x128xf32, #tpu.memory_space<vmem>>, %arg6: memref<1x128xf32, #tpu.memory_space<vmem>>, %arg7: memref<1x128xf32, #tpu.memory_space<vmem>>, %arg8: memref<2x1264x16xf32, #tpu.memory_space<vmem>>, %arg9: memref<2x1264x64xf32, #tpu.memory_space<vmem>>) attributes {dimension_semantics = [#tpu.dimension_semantics<arbitrary>], iteration_bounds = array<i64: 8>, scalar_prefetch = 0 : i64, scratch_operands = 0 : i64, tpu.core_type = #tpu.core_type<tc>, window_params = [{transform_indices = @transform_0, window_bounds = array<i64: 1264, 128>}, {pipeline_mode = #tpu.pipeline_mode<synchronous>, transform_indices = @transform_1, window_bounds = array<i64: 128, 128>}, {pipeline_mode = #tpu.pipeline_mode<synchronous>, transform_indices = @transform_2, window_bounds = array<i64: 1, 128>}, {pipeline_mode = #tpu.pipeline_mode<synchronous>, transform_indices = @transform_3, window_bounds = array<i64: 1, 128>}, {pipeline_mode = #tpu.pipeline_mode<synchronous>, transform_indices = @transform_4, window_bounds = array<i64: 1, 128>}, {pipeline_mode = #tpu.pipeline_mode<synchronous>, transform_indices = @transform_5, window_bounds = array<i64: 1, 128>}, {pipeline_mode = #tpu.pipeline_mode<synchronous>, transform_indices = @transform_6, window_bounds = array<i64: 1, 128>}, {transform_indices = @transform_7, window_bounds = array<i64: 2, 1264, 16>}, {transform_indices = @transform_8, window_bounds = array<i64: 2, 1264, 64>}]} {
    %get3A = arith.constant 0 : index
    %get3A_0 = arith.constant 0 : index
    %get3A_1 = vector.load %arg1[%get3A, %get3A_0] : memref<1264x128xf32, #tpu.memory_space<vmem>>, vector<1264x128xf32>
    %get3A_2 = arith.constant 0 : index
    %get3A_3 = arith.constant 0 : index
    %get3A_4 = vector.load %arg2[%get3A_2, %get3A_3] : memref<128x128xf32, #tpu.memory_space<vmem>>, vector<128x128xf32>
    %dot_general3A = arith.constant dense<0.000000e+00> : vector<1264x128xf32>
    %dot_general3A_5 = tpu.matmul %get3A_1, %get3A_4, %dot_general3A {dimension_numbers = #tpu.dot_dimension_numbers<[1], [0], [0], [1], [0, 0, 1, 1], [], []>, transpose_lhs_hint = false} : vector<1264x128xf32>, vector<128x128xf32>, vector<1264x128xf32> -> vector<1264x128xf32>
    %get3A_6 = arith.constant 0 : index
    %get3A_7 = arith.constant 0 : index
    %get3A_8 = vector.load %arg3[%get3A_6, %get3A_7] : memref<1x128xf32, #tpu.memory_space<vmem>>, vector<1x128xf32>
    %add3A = vector.broadcast %get3A_8 : vector<1x128xf32> to vector<1264x128xf32>
    %add3A_9 = arith.addf %dot_general3A_5, %add3A : vector<1264x128xf32>
    %max3A = arith.constant 0.000000e+00 : f32
    %max3A_10 = vector.broadcast %max3A : f32 to vector<1264x128xf32>
    %max3A_11 = arith.maximumf %add3A_9, %max3A_10 : vector<1264x128xf32>
    %get3A_12 = arith.constant 0 : index
    %get3A_13 = arith.constant 0 : index
    %get3A_14 = vector.load %arg6[%get3A_12, %get3A_13] : memref<1x128xf32, #tpu.memory_space<vmem>>, vector<1x128xf32>
    %sub3A = vector.broadcast %get3A_14 : vector<1x128xf32> to vector<1264x128xf32>
    %sub3A_15 = arith.subf %max3A_11, %sub3A : vector<1264x128xf32>
    %get3A_16 = arith.constant 0 : index
    %get3A_17 = arith.constant 0 : index
    %get3A_18 = vector.load %arg7[%get3A_16, %get3A_17] : memref<1x128xf32, #tpu.memory_space<vmem>>, vector<1x128xf32>
    %add3A_19 = arith.constant 9.99999974E-6 : f32
    %add3A_20 = vector.broadcast %add3A_19 : f32 to vector<1x128xf32>
    %add3A_21 = arith.addf %get3A_18, %add3A_20 : vector<1x128xf32>
    %rsqrt3A = math.rsqrt %add3A_21 : vector<1x128xf32>
    %mul3A = vector.broadcast %rsqrt3A : vector<1x128xf32> to vector<1264x128xf32>
    %mul3A_22 = arith.mulf %sub3A_15, %mul3A : vector<1264x128xf32>
    %get3A_23 = arith.constant 0 : index
    %get3A_24 = arith.constant 0 : index
    %get3A_25 = vector.load %arg4[%get3A_23, %get3A_24] : memref<1x128xf32, #tpu.memory_space<vmem>>, vector<1x128xf32>
    %mul3A_26 = vector.broadcast %get3A_25 : vector<1x128xf32> to vector<1264x128xf32>
    %mul3A_27 = arith.mulf %mul3A_22, %mul3A_26 : vector<1264x128xf32>
    %get3A_28 = arith.constant 0 : index
    %get3A_29 = arith.constant 0 : index
    %get3A_30 = vector.load %arg5[%get3A_28, %get3A_29] : memref<1x128xf32, #tpu.memory_space<vmem>>, vector<1x128xf32>
    %add3A_31 = vector.broadcast %get3A_30 : vector<1x128xf32> to vector<1264x128xf32>
    %add3A_32 = arith.addf %mul3A_27, %add3A_31 : vector<1264x128xf32>
    %get3A_33 = arith.constant 0 : index
    %get3A_34 = arith.constant 0 : index
    %get3A_35 = arith.constant 0 : index
    %get3A_36 = vector.load %arg8[%get3A_33, %get3A_34, %get3A_35] : memref<2x1264x16xf32, #tpu.memory_space<vmem>>, vector<1x1264x1xf32>
    %get3A_37 = vector.shape_cast %get3A_36 : vector<1x1264x1xf32> to vector<1264x1xf32>
    %get3A_38 = arith.constant 1 : index
    %get3A_39 = arith.constant 0 : index
    %get3A_40 = arith.constant 0 : index
    %get3A_41 = vector.load %arg8[%get3A_38, %get3A_39, %get3A_40] : memref<2x1264x16xf32, #tpu.memory_space<vmem>>, vector<1x1264x1xf32>
    %get3A_42 = vector.shape_cast %get3A_41 : vector<1x1264x1xf32> to vector<1264x1xf32>
    %add3A_43 = arith.addf %get3A_37, %get3A_42 : vector<1264x1xf32>
    %add3A_44 = arith.constant 1.000000e+00 : f32
    %add3A_45 = vector.broadcast %add3A_44 : f32 to vector<1264x1xf32>
    %add3A_46 = arith.addf %add3A_43, %add3A_45 : vector<1264x1xf32>
    %rsqrt3A_47 = math.rsqrt %add3A_46 : vector<1264x1xf32>
    %mul3A_48 = vector.broadcast %rsqrt3A_47 : vector<1264x1xf32> to vector<1264x128xf32>
    %mul3A_49 = arith.mulf %add3A_32, %mul3A_48 : vector<1264x128xf32>
    %slice3A = vector.extract_strided_slice %mul3A_49 {offsets = [0, 0], sizes = [1264, 64], strides = [1, 1]} : vector<1264x128xf32> to vector<1264x64xf32>
    %swap3A = arith.constant 0 : index
    %swap3A_50 = arith.constant 0 : index
    %swap3A_51 = arith.constant 0 : index
    %swap3A_52 = vector.load %arg9[%swap3A, %swap3A_50, %swap3A_51] : memref<2x1264x64xf32, #tpu.memory_space<vmem>>, vector<1x1264x64xf32>
    %swap3A_53 = vector.shape_cast %swap3A_52 : vector<1x1264x64xf32> to vector<1264x64xf32>
    %swap3A_54 = vector.shape_cast %slice3A : vector<1264x64xf32> to vector<1x1264x64xf32>
    tpu.vector_store %arg9[%swap3A, %swap3A_50, %swap3A_51], %swap3A_54 {strides = array<i32>} : memref<2x1264x64xf32, #tpu.memory_space<vmem>>, vector<1x1264x64xf32>,
    %slice3A_55 = vector.extract_strided_slice %mul3A_49 {offsets = [0, 64], sizes = [1264, 64], strides = [1, 1]} : vector<1264x128xf32> to vector<1264x64xf32>
    %swap3A_56 = arith.constant 1 : index
    %swap3A_57 = arith.constant 0 : index
    %swap3A_58 = arith.constant 0 : index
    %swap3A_59 = vector.load %arg9[%swap3A_56, %swap3A_57, %swap3A_58] : memref<2x1264x64xf32, #tpu.memory_space<vmem>>, vector<1x1264x64xf32>
    %swap3A_60 = vector.shape_cast %swap3A_59 : vector<1x1264x64xf32> to vector<1264x64xf32>
    %swap3A_61 = vector.shape_cast %slice3A_55 : vector<1264x64xf32> to vector<1x1264x64xf32>
    tpu.vector_store %arg9[%swap3A_56, %swap3A_57, %swap3A_58], %swap3A_61 {strides = array<i32>} : memref<2x1264x64xf32, #tpu.memory_space<vmem>>, vector<1x1264x64xf32>,
    return
  }
  func.func @transform_0(%arg0: i32) -> (i32, i32) {
    %c0_i32 = arith.constant 0 : i32
    %c0_i32_0 = arith.constant 0 : i32
    return %arg0, %c0_i32 : i32, i32
  }
  func.func @transform_1(%arg0: i32) -> (i32, i32) {
    %c0_i32 = arith.constant 0 : i32
    %c0_i32_0 = arith.constant 0 : i32
    %c0_i32_1 = arith.constant 0 : i32
    return %c0_i32, %c0_i32_0 : i32, i32
  }
  func.func @transform_2(%arg0: i32) -> (i32, i32) {
    %c0_i32 = arith.constant 0 : i32
    %c0_i32_0 = arith.constant 0 : i32
    %c0_i32_1 = arith.constant 0 : i32
    return %c0_i32, %c0_i32_0 : i32, i32
  }
  func.func @transform_3(%arg0: i32) -> (i32, i32) {
    %c0_i32 = arith.constant 0 : i32
    %c0_i32_0 = arith.constant 0 : i32
    %c0_i32_1 = arith.constant 0 : i32
    return %c0_i32, %c0_i32_0 : i32, i32
  }
  func.func @transform_4(%arg0: i32) -> (i32, i32) {
    %c0_i32 = arith.constant 0 : i32
    %c0_i32_0 = arith.constant 0 : i32
    %c0_i32_1 = arith.constant 0 : i32
    return %c0_i32, %c0_i32_0 : i32, i32
  }
  func.func @transform_5(%arg0: i32) -> (i32, i32) {
    %c0_i32 = arith.constant 0 : i32
    %c0_i32_0 = arith.constant 0 : i32
    %c0_i32_1 = arith.constant 0 : i32
    return %c0_i32, %c0_i32_0 : i32, i32
  }
  func.func @transform_6(%arg0: i32) -> (i32, i32) {
    %c0_i32 = arith.constant 0 : i32
    %c0_i32_0 = arith.constant 0 : i32
    %c0_i32_1 = arith.constant 0 : i32
    return %c0_i32, %c0_i32_0 : i32, i32
  }
  func.func @transform_7(%arg0: i32) -> (i32, i32, i32) {
    %c0_i32 = arith.constant 0 : i32
    %c0_i32_0 = arith.constant 0 : i32
    %c0_i32_1 = arith.constant 0 : i32
    return %c0_i32, %arg0, %c0_i32_0 : i32, i32, i32
  }
  func.func @transform_8(%arg0: i32) -> (i32, i32, i32) {
    %c0_i32 = arith.constant 0 : i32
    %c0_i32_0 = arith.constant 0 : i32
    %c0_i32_1 = arith.constant 0 : i32
    return %c0_i32, %arg0, %c0_i32_0 : i32, i32, i32
  }
}

module attributes {stable_mosaic.version = 14 : i64} {
  func.func @body(%arg0: i32, %arg1: memref<2x1264x64xf32, #tpu.memory_space<vmem>>, %arg2: memref<2x1264x64xf32, #tpu.memory_space<vmem>>, %arg3: memref<2x1264x16xf32, #tpu.memory_space<vmem>>, %arg4: memref<128x128xf32, #tpu.memory_space<vmem>>, %arg5: memref<1x128xf32, #tpu.memory_space<vmem>>, %arg6: memref<128x64xf32, #tpu.memory_space<vmem>>, %arg7: memref<1x64xf32, #tpu.memory_space<vmem>>, %arg8: memref<64x32xf32, #tpu.memory_space<vmem>>, %arg9: memref<1x32xf32, #tpu.memory_space<vmem>>, %arg10: memref<32x18xf32, #tpu.memory_space<vmem>>, %arg11: memref<1x18xf32, #tpu.memory_space<vmem>>, %arg12: memref<1264x18xf32, #tpu.memory_space<vmem>>) attributes {dimension_semantics = [#tpu.dimension_semantics<arbitrary>], iteration_bounds = array<i64: 8>, scalar_prefetch = 0 : i64, scratch_operands = 0 : i64, tpu.core_type = #tpu.core_type<tc>, window_params = [{transform_indices = @transform_0, window_bounds = array<i64: 2, 1264, 64>}, {transform_indices = @transform_1, window_bounds = array<i64: 2, 1264, 64>}, {transform_indices = @transform_2, window_bounds = array<i64: 2, 1264, 16>}, {pipeline_mode = #tpu.pipeline_mode<synchronous>, transform_indices = @transform_3, window_bounds = array<i64: 128, 128>}, {pipeline_mode = #tpu.pipeline_mode<synchronous>, transform_indices = @transform_4, window_bounds = array<i64: 1, 128>}, {pipeline_mode = #tpu.pipeline_mode<synchronous>, transform_indices = @transform_5, window_bounds = array<i64: 128, 64>}, {pipeline_mode = #tpu.pipeline_mode<synchronous>, transform_indices = @transform_6, window_bounds = array<i64: 1, 64>}, {pipeline_mode = #tpu.pipeline_mode<synchronous>, transform_indices = @transform_7, window_bounds = array<i64: 64, 32>}, {pipeline_mode = #tpu.pipeline_mode<synchronous>, transform_indices = @transform_8, window_bounds = array<i64: 1, 32>}, {pipeline_mode = #tpu.pipeline_mode<synchronous>, transform_indices = @transform_9, window_bounds = array<i64: 32, 18>}, {pipeline_mode = #tpu.pipeline_mode<synchronous>, transform_indices = @transform_10, window_bounds = array<i64: 1, 18>}, {transform_indices = @transform_11, window_bounds = array<i64: 1264, 18>}]} {
    %get3A = arith.constant 0 : index
    %get3A_0 = arith.constant 0 : index
    %get3A_1 = arith.constant 0 : index
    %get3A_2 = vector.load %arg3[%get3A, %get3A_0, %get3A_1] : memref<2x1264x16xf32, #tpu.memory_space<vmem>>, vector<1x1264x1xf32>
    %get3A_3 = vector.shape_cast %get3A_2 : vector<1x1264x1xf32> to vector<1264x1xf32>
    %get3A_4 = arith.constant 1 : index
    %get3A_5 = arith.constant 0 : index
    %get3A_6 = arith.constant 0 : index
    %get3A_7 = vector.load %arg3[%get3A_4, %get3A_5, %get3A_6] : memref<2x1264x16xf32, #tpu.memory_space<vmem>>, vector<1x1264x1xf32>
    %get3A_8 = vector.shape_cast %get3A_7 : vector<1x1264x1xf32> to vector<1264x1xf32>
    %add3A = arith.addf %get3A_3, %get3A_8 : vector<1264x1xf32>
    %add3A_9 = arith.constant 1.000000e+00 : f32
    %add3A_10 = vector.broadcast %add3A_9 : f32 to vector<1264x1xf32>
    %add3A_11 = arith.addf %add3A, %add3A_10 : vector<1264x1xf32>
    %get3A_12 = arith.constant 0 : index
    %get3A_13 = arith.constant 0 : index
    %get3A_14 = arith.constant 0 : index
    %get3A_15 = vector.load %arg1[%get3A_12, %get3A_13, %get3A_14] : memref<2x1264x64xf32, #tpu.memory_space<vmem>>, vector<1x1264x64xf32>
    %get3A_16 = vector.shape_cast %get3A_15 : vector<1x1264x64xf32> to vector<1264x64xf32>
    %get3A_17 = arith.constant 0 : index
    %get3A_18 = arith.constant 0 : index
    %get3A_19 = arith.constant 0 : index
    %get3A_20 = vector.load %arg2[%get3A_17, %get3A_18, %get3A_19] : memref<2x1264x64xf32, #tpu.memory_space<vmem>>, vector<1x1264x64xf32>
    %get3A_21 = vector.shape_cast %get3A_20 : vector<1x1264x64xf32> to vector<1264x64xf32>
    %add3A_22 = arith.addf %get3A_16, %get3A_21 : vector<1264x64xf32>
    %get3A_23 = arith.constant 1 : index
    %get3A_24 = arith.constant 0 : index
    %get3A_25 = arith.constant 0 : index
    %get3A_26 = vector.load %arg1[%get3A_23, %get3A_24, %get3A_25] : memref<2x1264x64xf32, #tpu.memory_space<vmem>>, vector<1x1264x64xf32>
    %get3A_27 = vector.shape_cast %get3A_26 : vector<1x1264x64xf32> to vector<1264x64xf32>
    %get3A_28 = arith.constant 1 : index
    %get3A_29 = arith.constant 0 : index
    %get3A_30 = arith.constant 0 : index
    %get3A_31 = vector.load %arg2[%get3A_28, %get3A_29, %get3A_30] : memref<2x1264x64xf32, #tpu.memory_space<vmem>>, vector<1x1264x64xf32>
    %get3A_32 = vector.shape_cast %get3A_31 : vector<1x1264x64xf32> to vector<1264x64xf32>
    %add3A_33 = arith.addf %get3A_27, %get3A_32 : vector<1264x64xf32>
    %concatenate3A = tpu.concatenate %add3A_22, %add3A_33 in 1 : vector<1264x64xf32>, vector<1264x64xf32> -> vector<1264x128xf32>
    %rsqrt3A = math.rsqrt %add3A_11 : vector<1264x1xf32>
    %mul3A = vector.broadcast %rsqrt3A : vector<1264x1xf32> to vector<1264x128xf32>
    %mul3A_34 = arith.mulf %concatenate3A, %mul3A : vector<1264x128xf32>
    %get3A_35 = arith.constant 0 : index
    %get3A_36 = arith.constant 0 : index
    %get3A_37 = vector.load %arg4[%get3A_35, %get3A_36] : memref<128x128xf32, #tpu.memory_space<vmem>>, vector<128x128xf32>
    %dot_general3A = arith.constant dense<0.000000e+00> : vector<1264x128xf32>
    %dot_general3A_38 = tpu.matmul %mul3A_34, %get3A_37, %dot_general3A {dimension_numbers = #tpu.dot_dimension_numbers<[1], [0], [0], [1], [0, 0, 1, 1], [], []>, transpose_lhs_hint = false} : vector<1264x128xf32>, vector<128x128xf32>, vector<1264x128xf32> -> vector<1264x128xf32>
    %get3A_39 = arith.constant 0 : index
    %get3A_40 = arith.constant 0 : index
    %get3A_41 = vector.load %arg5[%get3A_39, %get3A_40] : memref<1x128xf32, #tpu.memory_space<vmem>>, vector<1x128xf32>
    %add3A_42 = vector.broadcast %get3A_41 : vector<1x128xf32> to vector<1264x128xf32>
    %add3A_43 = arith.addf %dot_general3A_38, %add3A_42 : vector<1264x128xf32>
    %max3A = arith.constant 0.000000e+00 : f32
    %max3A_44 = vector.broadcast %max3A : f32 to vector<1264x128xf32>
    %max3A_45 = arith.maximumf %add3A_43, %max3A_44 : vector<1264x128xf32>
    %get3A_46 = arith.constant 0 : index
    %get3A_47 = arith.constant 0 : index
    %get3A_48 = vector.load %arg6[%get3A_46, %get3A_47] : memref<128x64xf32, #tpu.memory_space<vmem>>, vector<128x64xf32>
    %dot_general3A_49 = arith.constant dense<0.000000e+00> : vector<1264x64xf32>
    %dot_general3A_50 = tpu.matmul %max3A_45, %get3A_48, %dot_general3A_49 {dimension_numbers = #tpu.dot_dimension_numbers<[1], [0], [0], [1], [0, 0, 1, 1], [], []>, transpose_lhs_hint = false} : vector<1264x128xf32>, vector<128x64xf32>, vector<1264x64xf32> -> vector<1264x64xf32>
    %get3A_51 = arith.constant 0 : index
    %get3A_52 = arith.constant 0 : index
    %get3A_53 = vector.load %arg7[%get3A_51, %get3A_52] : memref<1x64xf32, #tpu.memory_space<vmem>>, vector<1x64xf32>
    %add3A_54 = vector.broadcast %get3A_53 : vector<1x64xf32> to vector<1264x64xf32>
    %add3A_55 = arith.addf %dot_general3A_50, %add3A_54 : vector<1264x64xf32>
    %max3A_56 = arith.constant 0.000000e+00 : f32
    %max3A_57 = vector.broadcast %max3A_56 : f32 to vector<1264x64xf32>
    %max3A_58 = arith.maximumf %add3A_55, %max3A_57 : vector<1264x64xf32>
    %get3A_59 = arith.constant 0 : index
    %get3A_60 = arith.constant 0 : index
    %get3A_61 = vector.load %arg8[%get3A_59, %get3A_60] : memref<64x32xf32, #tpu.memory_space<vmem>>, vector<64x32xf32>
    %dot_general3A_62 = arith.constant dense<0.000000e+00> : vector<1264x32xf32>
    %dot_general3A_63 = tpu.matmul %max3A_58, %get3A_61, %dot_general3A_62 {dimension_numbers = #tpu.dot_dimension_numbers<[1], [0], [0], [1], [0, 0, 1, 1], [], []>, transpose_lhs_hint = false} : vector<1264x64xf32>, vector<64x32xf32>, vector<1264x32xf32> -> vector<1264x32xf32>
    %get3A_64 = arith.constant 0 : index
    %get3A_65 = arith.constant 0 : index
    %get3A_66 = vector.load %arg9[%get3A_64, %get3A_65] : memref<1x32xf32, #tpu.memory_space<vmem>>, vector<1x32xf32>
    %add3A_67 = vector.broadcast %get3A_66 : vector<1x32xf32> to vector<1264x32xf32>
    %add3A_68 = arith.addf %dot_general3A_63, %add3A_67 : vector<1264x32xf32>
    %max3A_69 = arith.constant 0.000000e+00 : f32
    %max3A_70 = vector.broadcast %max3A_69 : f32 to vector<1264x32xf32>
    %max3A_71 = arith.maximumf %add3A_68, %max3A_70 : vector<1264x32xf32>
    %get3A_72 = arith.constant 0 : index
    %get3A_73 = arith.constant 0 : index
    %get3A_74 = vector.load %arg10[%get3A_72, %get3A_73] : memref<32x18xf32, #tpu.memory_space<vmem>>, vector<32x18xf32>
    %dot_general3A_75 = arith.constant dense<0.000000e+00> : vector<1264x18xf32>
    %dot_general3A_76 = tpu.matmul %max3A_71, %get3A_74, %dot_general3A_75 {dimension_numbers = #tpu.dot_dimension_numbers<[1], [0], [0], [1], [0, 0, 1, 1], [], []>, transpose_lhs_hint = false} : vector<1264x32xf32>, vector<32x18xf32>, vector<1264x18xf32> -> vector<1264x18xf32>
    %get3A_77 = arith.constant 0 : index
    %get3A_78 = arith.constant 0 : index
    %get3A_79 = vector.load %arg11[%get3A_77, %get3A_78] : memref<1x18xf32, #tpu.memory_space<vmem>>, vector<1x18xf32>
    %add3A_80 = vector.broadcast %get3A_79 : vector<1x18xf32> to vector<1264x18xf32>
    %add3A_81 = arith.addf %dot_general3A_76, %add3A_80 : vector<1264x18xf32>
    %logistic3A = arith.negf %add3A_81 : vector<1264x18xf32>
    %logistic3A_82 = math.exp %logistic3A : vector<1264x18xf32>
    %logistic3A_83 = arith.constant 1.000000e+00 : f32
    %logistic3A_84 = vector.broadcast %logistic3A_83 : f32 to vector<1264x18xf32>
    %logistic3A_85 = arith.addf %logistic3A_84, %logistic3A_82 : vector<1264x18xf32>
    %logistic3A_86 = arith.divf %logistic3A_84, %logistic3A_85 : vector<1264x18xf32>
    %swap3A = arith.constant 0 : index
    %swap3A_87 = arith.constant 0 : index
    %swap3A_88 = vector.load %arg12[%swap3A, %swap3A_87] : memref<1264x18xf32, #tpu.memory_space<vmem>>, vector<1264x18xf32>
    tpu.vector_store %arg12[%swap3A, %swap3A_87], %logistic3A_86 {strides = array<i32>} : memref<1264x18xf32, #tpu.memory_space<vmem>>, vector<1264x18xf32>,
    return
  }
  func.func @transform_0(%arg0: i32) -> (i32, i32, i32) {
    %c0_i32 = arith.constant 0 : i32
    %c0_i32_0 = arith.constant 0 : i32
    %c0_i32_1 = arith.constant 0 : i32
    return %c0_i32, %arg0, %c0_i32_0 : i32, i32, i32
  }
  func.func @transform_1(%arg0: i32) -> (i32, i32, i32) {
    %c0_i32 = arith.constant 0 : i32
    %c0_i32_0 = arith.constant 0 : i32
    %c0_i32_1 = arith.constant 0 : i32
    return %c0_i32, %arg0, %c0_i32_0 : i32, i32, i32
  }
  func.func @transform_2(%arg0: i32) -> (i32, i32, i32) {
    %c0_i32 = arith.constant 0 : i32
    %c0_i32_0 = arith.constant 0 : i32
    %c0_i32_1 = arith.constant 0 : i32
    return %c0_i32, %arg0, %c0_i32_0 : i32, i32, i32
  }
  func.func @transform_3(%arg0: i32) -> (i32, i32) {
    %c0_i32 = arith.constant 0 : i32
    %c0_i32_0 = arith.constant 0 : i32
    %c0_i32_1 = arith.constant 0 : i32
    return %c0_i32, %c0_i32_0 : i32, i32
  }
  func.func @transform_4(%arg0: i32) -> (i32, i32) {
    %c0_i32 = arith.constant 0 : i32
    %c0_i32_0 = arith.constant 0 : i32
    %c0_i32_1 = arith.constant 0 : i32
    return %c0_i32, %c0_i32_0 : i32, i32
  }
  func.func @transform_5(%arg0: i32) -> (i32, i32) {
    %c0_i32 = arith.constant 0 : i32
    %c0_i32_0 = arith.constant 0 : i32
    %c0_i32_1 = arith.constant 0 : i32
    return %c0_i32, %c0_i32_0 : i32, i32
  }
  func.func @transform_6(%arg0: i32) -> (i32, i32) {
    %c0_i32 = arith.constant 0 : i32
    %c0_i32_0 = arith.constant 0 : i32
    %c0_i32_1 = arith.constant 0 : i32
    return %c0_i32, %c0_i32_0 : i32, i32
  }
  func.func @transform_7(%arg0: i32) -> (i32, i32) {
    %c0_i32 = arith.constant 0 : i32
    %c0_i32_0 = arith.constant 0 : i32
    %c0_i32_1 = arith.constant 0 : i32
    return %c0_i32, %c0_i32_0 : i32, i32
  }
  func.func @transform_8(%arg0: i32) -> (i32, i32) {
    %c0_i32 = arith.constant 0 : i32
    %c0_i32_0 = arith.constant 0 : i32
    %c0_i32_1 = arith.constant 0 : i32
    return %c0_i32, %c0_i32_0 : i32, i32
  }
  func.func @transform_9(%arg0: i32) -> (i32, i32) {
    %c0_i32 = arith.constant 0 : i32
    %c0_i32_0 = arith.constant 0 : i32
    %c0_i32_1 = arith.constant 0 : i32
    return %c0_i32, %c0_i32_0 : i32, i32
  }
  func.func @transform_10(%arg0: i32) -> (i32, i32) {
    %c0_i32 = arith.constant 0 : i32
    %c0_i32_0 = arith.constant 0 : i32
    %c0_i32_1 = arith.constant 0 : i32
    return %c0_i32, %c0_i32_0 : i32, i32
  }
  func.func @transform_11(%arg0: i32) -> (i32, i32) {
    %c0_i32 = arith.constant 0 : i32
    %c0_i32_0 = arith.constant 0 : i32
    return %arg0, %c0_i32 : i32, i32
  }
}

</mosaic_0001>

<sc_bundles>
// kernel: kernel.6.cloned.1.call-start
scs
__scs_entry_jumppad:
0x0: {  	(pc) =	sbr.rel $0x88, $3  }
0x1: {  	(tag) =	ssettag $0x0;
	lr =	simm.s32 $0x1  }
0x2: {  	[smem:$0x3F91] =	sst lr;
	_ =	strace $0xD0000000  }
0x3: {  	_ = 	snop  }
0x4: {  	_ = 	snop  }
0x5: {  	_ = 	snop  }
0x6: {  	_ = 	snop  }
0x7: {  	_ = 	snop  }
__scs_overlays_trampoline_lowered:
0x8: {  	[smem:$0x3FA0] =	sst s0  }
0x9: {  	[smem:$0x3FA1] =	sst s1  }
0xa: {  	[smem:$0x3FA2] =	sst s2  }
0xb: {  	[smem:$0x3FA3] =	sst s3  }
0xc: {  	[smem:$0x3FA4] =	sst s4  }
0xd: {  	[smem:$0x3FA5] =	sst s5  }
0xe: {  	[smem:$0x3FA6] =	sst s6  }
0xf: {  	[smem:$0x3FA7] =	sst s7  }
0x10: {  	[smem:$0x3FA8] =	sst s8  }
0x11: {  	[smem:$0x3FA9] =	sst s9;
	s0 =	simm.s32 @!p0 $0x0  }
0x12: {  	s1 =	sld [smem:$0x3F8F];
	s0 =	simm.s32 @p0 $0x1  }
0x13: {  	[smem:$0x3FAA] =	sst s0;
	s0 =	simm.s32 @!p1 $0x0  }
0x14: {  	s2 =	sld [smem:$0x3F8E];
	s0 =	simm.s32 @p1 $0x1  }
0x15: {  	[smem:$0x3FAB] =	sst s0;
	s0 =	simm.s32 @!p2 $0x0  }
0x16: {  	s3 =	sld [smem:$0x3FDB];
	s0 =	simm.s32 @p2 $0x1  }
0x17: {  	s4 =	simm.s32 $0x1BF5;
	[smem:$0x3FAD] =	sst s0  }
0x18: {  	s0 =	sld [smem:$0x3F90];
	_ =	swait.ge [sflag:s4], $0x0  }
0x19: {  	s7 =	sld [smem:$0x3F91]  }
0x1a: {  	s8 =	sadd.s32 $0xFFFFE003, lr  }
0x1b: {  	s9 =	sadd.s32 $0xFFFFFEF7, lr;
	s5 =	simm.s32 $0xFFFFFFFF;
	p2 =	slt.u32 s8, $0xFFFFF086  }
0x1c: {  	p1 =	slt.u32 s9, $0xF7A;
	s5 =	simm.s32 @!p2 $0x0  }
0x1d: {  	s5 =	simm.s32 @p1 $0x1;
	p0 =	seq.s32 s7, s2  }
0x1e: {  	s7 =	smul.u32 @!p0 $0xF7A, s2;
	p2 =	seq.s32 @!p0 s5, $0x0  }
0x1f: {  	s9 =	smul.u32 $0xF7A, s1;
	s8 =	simm.s32 @!p0 $0x1BF5;
	p2 =	por !p2, p0  }
0x20: {  	[sflag:s8] =	ssyncset.s32 @!p0 $0xFFFFF086;
	s6 =	sadd.s32 @!p0 s3, s7;
	s7 =	simm.s32 @!p0 $0x108  }
0x21: {  	s3 =	sadd.s32 s3, s9;
	s6 =	sadd.s32 @!p0 $0x88, s6;
	s7 =	simm.s32 @p2 $0x1082  }
0x22: {  	[simem:s7], [sflag:s8] =	dma.local @!p0 [hbm:s6], $0xF7A  }
0x23: {  	s9 =	sor.u32 $0xD0000000, s2;
	s6 =	simm.s32 $0x108;
	_ =	swait.ge @!p0 [sflag:s8], $0x0  }
0x24: {  	s3 =	sadd.s32 $0x88, s3;
	s6 =	simm.s32 @!p1 $0x1082;
	[sflag:s4] =	ssyncset.s32 $0xFFFFF086  }
0x25: {  	[simem:s6], [sflag:s4] =	dma.local [hbm:s3], $0xF7A  }
0x26: {  	[smem:$0x3F91] =	sst s1;
	(tag) =	ssettag s2;
	_ =	strace s9  }
0x27: {  	s1 =	sld [smem:$0x3FA1]  }
0x28: {  	s2 =	sld [smem:$0x3FA2]  }
0x29: {  	s4 =	sld [smem:$0x3FA4]  }
0x2a: {  	p0 =	seq.s32 s5, $0x0;
	s5 =	sld [smem:$0x3FA5]  }
0x2b: {  	s6 =	sld [smem:$0x3FA6]  }
0x2c: {  	s7 =	sld [smem:$0x3FA7]  }
0x2d: {  	s3 =	simm.s32 $0x108;
	s8 =	sld [smem:$0x3FA8]  }
0x2e: {  	s3 =	simm.s32 @!p0 $0x1082;
	s9 =	sld [smem:$0x3FA9]  }
0x2f: {  	lr =	sadd.s32 s0, s3;
	s0 =	sld [smem:$0x3FA0]  }
0x30: {  	s3 =	sld [smem:$0x3FA3]  }
0x31: {  	[smem:$0x3FAC] =	sst s10  }
0x32: {  	s10 =	sld [smem:$0x3FAA];
	_ =	sdelay $0x3  }
0x33: {  	p0 =	seq.s32 s10, $0x1;
	s10 =	sld [smem:$0x3FAC];
	_ =	sdelay $0x3  }
0x34: {  	[smem:$0x3FAC] =	sst s10  }
0x35: {  	s10 =	sld [smem:$0x3FAB];
	_ =	sdelay $0x3  }
0x36: {  	p1 =	seq.s32 s10, $0x1;
	s10 =	sld [smem:$0x3FAC];
	_ =	sdelay $0x3  }
0x37: {  	[smem:$0x3FAC] =	sst s10  }
0x38: {  	s10 =	sld [smem:$0x3FAD]  }
0x39: {  	_ = 	snop;
	(pc) =	sbr.ind lr, $3  }
0x3a: {  	_ = 	snop  }
0x3b: {  	_ = 	snop  }
0x3c: {  	p2 =	seq.s32 s10, $0x1;
	s10 =	sld [smem:$0x3FAC]  }
0x3d: {  	_ =	shalt  }
0x3e: {  	_ =	shalt  }
0x3f: {  	_ =	shalt  }
0x40: {  	_ =	shalt  }
0x41: {  	_ =	shalt  }
0x42: {  	_ =	shalt  }
0x43: {  	_ =	shalt  }
0x44: {  	_ =	shalt  }
0x45: {  	_ =	shalt  }
0x46: {  	_ =	shalt  }
0x47: {  	_ =	shalt  }
0x48: {  	_ =	shalt  }
0x49: {  	_ =	shalt  }
0x4a: {  	_ =	shalt  }
0x4b: {  	_ =	shalt  }
0x4c: {  	_ =	shalt  }
0x4d: {  	_ =	shalt  }
0x4e: {  	_ =	shalt  }
0x4f: {  	_ =	shalt  }
0x50: {  	_ =	shalt  }
0x51: {  	_ =	shalt  }
0x52: {  	_ =	shalt  }
0x53: {  	_ =	shalt  }
0x54: {  	_ =	shalt  }
0x55: {  	_ =	shalt  }
0x56: {  	_ =	shalt  }
0x57: {  	_ =	shalt  }
0x58: {  	_ =	shalt  }
0x59: {  	_ =	shalt  }
0x5a: {  	_ =	shalt  }
0x5b: {  	_ =	shalt  }
0x5c: {  	_ =	shalt  }
0x5d: {  	_ =	shalt  }
0x5e: {  	_ =	shalt  }
0x5f: {  	_ =	shalt  }
0x60: {  	_ =	shalt  }
0x61: {  	_ =	shalt  }
0x62: {  	_ =	shalt  }
0x63: {  	_ =	shalt  }
0x64: {  	_ =	shalt  }
0x65: {  	_ =	shalt  }
0x66: {  	_ =	shalt  }
0x67: {  	_ =	shalt  }
0x68: {  	_ =	shalt  }
0x69: {  	_ =	shalt  }
0x6a: {  	_ =	shalt  }
0x6b: {  	_ =	shalt  }
0x6c: {  	_ =	shalt  }
0x6d: {  	_ =	shalt  }
0x6e: {  	_ =	shalt  }
0x6f: {  	_ =	shalt  }
0x70: {  	_ =	shalt  }
0x71: {  	_ =	shalt  }
0x72: {  	_ =	shalt  }
0x73: {  	_ =	shalt  }
0x74: {  	_ =	shalt  }
0x75: {  	_ =	shalt  }
0x76: {  	_ =	shalt  }
0x77: {  	_ =	shalt  }
0x78: {  	_ =	shalt  }
0x79: {  	_ =	shalt  }
0x7a: {  	_ =	shalt  }
0x7b: {  	_ =	shalt  }
0x7c: {  	_ =	shalt  }
0x7d: {  	_ =	shalt  }
0x7e: {  	_ =	shalt  }
0x7f: {  	_ =	shalt  }
0x80: {  	_ =	shalt  }
0x81: {  	_ =	shalt  }
0x82: {  	_ =	shalt  }
0x83: {  	_ =	shalt  }
0x84: {  	_ =	shalt  }
0x85: {  	_ =	shalt  }
0x86: {  	_ =	shalt  }
0x87: {  	_ =	shalt  }
.Lfunc_end0:
.L_simem_size_0:
called_computation_lowered:
.L_overlay_start_0:
0x88: {  	s2 =	sld [smem:$0x3FD9]  }
0x89: {  	s3 =	sld [smem:$0x3FFE];
	_ =	sdelay $0x1  }
0x8a: {  	s1 =	srdreg.scid  }
0x8b: {  	s0 =	sand.u32 $0x1, s1  }
0x8c: {  	s17 =	sshll.u32 s0, $0xA;
	s2 =	sadd.s32 s3, s2  }
0x8d: {  	s2 =	sadd.s32 s2, s17  }
0x8e: {  	[smem:$0x3FB8] =	sst s2  }
0x8f: {  	_ = 	snop  }
0x90: {  	s2 =	sld [smem:$0x3FD0];
	(tm) =	ssettm $0x1  }
0x91: {  	s18 =	sld [smem:$0x3FFB];
	_ =	sdelay $0x3  }
0x92: {  	_ =	strace s18  }
0x93: {  	s3 =	sld [smem:$0x3FFC];
	_ =	sdelay $0x3  }
0x94: {  	_ =	strace s3  }
0x95: {  	s3 =	sld [smem:$0x3FFD];
	_ =	sdelay $0x3  }
0x96: {  	_ =	strace s3  }
0x97: {  	_ =	strace $0x8FFFFFFF  }
0x98: {  	s19 =	sld [smem:$0x3FDB];
	_ =	sdelay $0x1  }
0x99: {  	s4 =	simm.s32 $_scs_section_size  }
0x9a: {  	s5 =	simm.s32 $_size__tile_overlayer_lowered;
	s6 =	simm.s32 $_tile_overlayer_lowered  }
0x9b: {  	s22 =	simm.s32 $0x1BFF;
	s21 =	sshll.u32 s6, $0x1;
	s3 =	sadd.s32 s4, s19  }
0x9c: {  	s7 =	simm.s32 $0x0;
	s20 =	sshll.u32 s5, $0x1;
	s5 =	sadd.s32 s21, s3  }
0x9d: {  	[timem:s7], [sflag:s22] =	dma.local [hbm:s5], s20  }
0x9e: {  	_ =	swait.ge [sflag:s22], s20  }
0x9f: {  	s4 =	ssub.s32 $0x0, s20;
	[sflag:s22] =	ssyncset.done $0x0  }
0xa0: {  	[sflag:s22] =	ssyncadd.s32 s4;
	_ =	sdelay $0x1  }
0xa1: {  	s23 =	simm.s32 $0x1B8B  }
0xa2: {  	_ =	swait.ge [sflag:s23], $0x1  }
0xa3: {  	[sflag:s23] =	ssyncset.done $0x0  }
0xa4: {  	s25 =	simm.s32 $0x1B8E;
	s24 =	sld [smem:$0x3FFE];
	[sflag:s23] =	ssyncadd.s32 $0xFFFFFFFF  }
0xa5: {  	s26 =	simm.s32 $execute0_lowered;
	[smem:$0x3FD2] =	sst s25  }
0xa6: {  	s5 =	sshll.u32 s26, $0x1;
	_ =	strace $0x80000046;
	[dreg:$0x1] =	wrdreg $0xFFFFFFFF  }
0xa7: {  	s28 =	simm.s32 $_size_execute0_lowered;
	s3 =	sadd.s32 s3, s5;
	[dreg:$0x0] =	wrdreg $0x0  }
0xa8: {  	s5 =	sshll.u32 s28, $0x1;
	[dreg:$0x2] =	wrdreg s3  }
0xa9: {  	[dreg:$0x3] =	wrdreg s5  }
0xaa: {  	[dreg:$0x4] =	wrdreg $0xC0  }
0xab: {  	_ =	task [dreg:s7], $0x5FFFF  }
0xac: {  	[dreg:$0x1] =	wrdreg $0xFFFFFFFF  }
0xad: {  	[dreg:$0x0] =	wrdreg $0x60  }
0xae: {  	[dreg:$0x2] =	wrdreg s24  }
0xaf: {  	[dreg:$0x3] =	wrdreg s2  }
0xb0: {  	[dreg:$0x4] =	wrdreg $0x58000  }
0xb1: {  	[dreg:$0x5] =	wrdreg $0x9  }
0xb2: {  	_ =	task.clear_ibuf [dreg:s7], $0x6FFFF;
	_ =	strace $0x90000046  }
0xb3: {  	s29 =	simm.s32 $0x9;
	_ =	strace $0x80000048  }
0xb4: {  	_ =	swait.ge [sflag:s29], $0x1  }
0xb5: {  	[sflag:s29] =	ssyncadd.s32 $0xFFFFFFFF  }
0xb6: {  	_ =	strace $0x90000048  }
0xb7: {  	_ =	sfence  }
0xb8: {  	s30 =	sld [smem:$0x0];
	_ =	sdelay $0x2  }
0xb9: {  	s31 =	sshll.u32 s1, $0xD;
	s1 =	sshrl.u32 s1, $0x2  }
0xba: {  	s3 =	sand.u32 $0x4000, s31;
	s1 =	sadd.s32 s1, s30  }
0xbb: {  	s0 =	sor.u32 s3, s0;
	s1 =	sshll.u32 s1, $0x11  }
0xbc: {  	s0 =	sor.u32 s1, s0  }
0xbd: {  	s0 =	sadd.s32 $0x8F2B, s0  }
0xbe: {  	[sflag:s0] =	ssyncadd.remote.s32 $0x1  }
0xbf: {  	_ =	sfence.sel $0xFFFF  }
0xc0: {  	[dreg:$0x0] =	wrdreg $0xFFFFFFFF;
	(pc) =	sbr.abs _section_cstart, $3  }
0xc1: {  	[dreg:$0x1] =	wrdreg $0xFFFFFFFF  }
0xc2: {  	_ =	task.clear_ibuf [dreg:s7], $0x2FFFF;
	_ =	strace $0x9FFFFFFF  }
0xc3: {  	(tm) =	ssettm $0x7FFFFFFF  }
tec
execute0_lowered:
.L_overlay_start_1:
0x0: {  	(tag) =	ssettag $0x1  }
0x1: {  	s5 =	rddreg [dreg:$0x0]  }
0x2: {  	s13 =	stileid.u32;
	s1 =	rddreg [dreg:$0x1]  }
0x3: {  	s0 =	srdreg.scid;
	s2 =	rddreg [dreg:$0x2];
	s3 =	simm.s32 $0x0  }
0x4: {  	s12 =	simm.s32 $0x80;
	s15 =	simm.s32 $0x0;
	s4 =	smul.u32 $0xA00, s13  }
0x5: {  	s6 =	sand.u32 $0x1, s0;
	s0 =	rddreg [dreg:$0x3];
	s8 =	smul.u32 $0x2780, s13  }
0x6: {  	[smem:$0x7FF] =	sst s3;
	p0 =	sne.s32 s13, $0x0;
	s13 =	sshll.u32 s13, $0x6  }
0x7: {  	s7 =	smul.u32 $0x27800, s6;
	_ =	strace $0x80000047;
	s10 =	ssub.s32 $0x2, s6  }
0x8: {  	s11 =	smul.u32 $0xA000, s6;
	s13 =	sor.u32 $0x1C01, s13;
	s9 =	sadd.s32 s4, s5  }
0x9: {  	s4 =	sadd.s32 $0xC600, s5;
	s31 =	sshrl.u32 s10, $0x1;
	s14 =	sadd.s32 s8, s2  }
0xa: {  	s7 =	sadd.s32 s8, s7;
	s10 =	ssub.s32 s10, s31;
	s8 =	sshrl.u32 s11, $0x2  }
0xb: {  	s11 =	sshrl.u32 @!p0 s2, $0x3;
	s14 =	sshrl.u32 s14, $0x3;
	s7 =	sshrl.u32 s7, $0x3  }
0xc: {  	s7 =	sadd.s32 s7, s5;
	s5 =	sadd.s32 $0x2600, s9;
	s9 =	simm.s32 $0x1  }
0xd: {  	s6 =	sadd.s32 $0xC800, s7;
	s7 =	smax.u32 s10, $0x1;
	s10 =	simm.s32 $0x5000  }
.LBB2_1:
0xe: {  	[tilespmem:s3], [sflag:$0x1] =	stream.linear.gather [hbm4b:s5+s3], $0x5000, $0x38;
	[tilespmem:$0x7F80] =	vst v63  }
0xf: {  	_ =	swait.ge [sflag:s9], $0x5000  }
0x10: {  	[sflag:s9] =	ssyncset.done $0x0  }
0x11: {  	[sflag:s9] =	ssyncadd.s32 $0xFFFFB000  }
0x12: {  	[tilespmem:s10], [sflag:$0x1] =	stream.linear.gather [hbm4b:s4+s3], $0x800, $0x38;
	[tilespmem:$0x7F80] =	vst v63  }
0x13: {  	_ =	swait.ge [sflag:s9], $0x800  }
0x14: {  	[sflag:s9] =	ssyncset.done $0x0  }
0x15: {  	s16 =	simm.s32 @!p0 $0x1C01;
	[sflag:s9] =	ssyncadd.s32 $0xFFFFF800  }
0x16: {  	[spmem:s11], [sflag:s16] =	dma.local @!p0 [hbm:s1], $0x4F00  }
0x17: {  	s16 =	simm.s32 @!p0 $0x1  }
0x18: {  	_ =	swait.ge @!p0 [sflag:s16], $0x4F00  }
0x19: {  	[sflag:s16] =	ssyncset.done @!p0 $0x0  }
0x1a: {  	[sflag:s16] =	ssyncadd.s32 @!p0 $0xFFFFB100  }
0x1b: {  	s31 =	sadd.s32 $0x0, s8;
	[bflag:$0x0] =	sbarrier.arrive $0xFFFF  }
0x1c: {  	[spmem:s2] =	stream.indirect.scatter.add.f32 [tilespmem:s10], [sflag:$0x1], $0x10, s31, s12, $0xb8;
	[tilespmem:$0x7F80] =	vst v63  }
0x1d: {  	s16 =	simm.s32 $0x200;
	_ =	swait.ge [sflag:s9], $0x800  }
.LBB2_2:
0x1e: {  	s17 =	sshra.s32 s16, $0x2;
	[sflag:s9] =	ssyncset.done $0x0;
	p1 =	sne.s32 s16, $0x9E00  }
.Ltmp0:
0x1f: {  	s17 =	sadd.s32 s17, s8;
	[sflag:s9] =	ssyncadd.s32 $0xFFFFF800;
	(pc) =	sbr.rel @p1 .LBB2_2-.Ltmp0, $3  }
0x20: {  	[spmem:s2] =	stream.indirect.scatter.add.f32 [tilespmem:s10], [sflag:$0x1], $0x10, s17, s12, $0xb8;
	[tilespmem:$0x7F80] =	vst v63  }
0x21: {  	s16 =	sadd.s32 $0x200, s16;
	_ =	sdelay $0x1  }
0x22: {  	_ =	swait.ge [sflag:s9], $0x800  }
0x23: {  	[sflag:s9] =	ssyncset.done $0x0;
	s15 =	sadd.s32 $0x1, s15  }
0x24: {  	[sflag:s9] =	ssyncadd.s32 $0xFFFFF800;
	p1 =	sne.s32 s15, s7  }
.Ltmp1:
0x25: {  	[bflag:$0x0] =	sbarrier.arrive $0xFFFF;
	(pc) =	sbr.rel @p1 .LBB2_1-.Ltmp1, $4  }
0x26: {  	[hbm:s6], [sflag:s13] =	dma.local [spmem:s14], $0x4F0  }
0x27: {  	_ =	swait.ge [sflag:s9], $0x4F0  }
0x28: {  	[sflag:s9] =	ssyncset.done $0x0  }
0x29: {  	[sflag:s9] =	ssyncadd.s32 $0xFFFFFB10  }
0x2a: {  	_ =	sfence.sel $0x180000  }
0x2b: {  	[bflag:$0x0] =	sbarrier.arrive $0xFFFF  }
0x2c: {  	_ =	strace $0x90000047  }
0x2d: {  	s0 =	sadd.s32 @!p0 $0x100000, s0;
	[bflag:$0x2] =	sbarrier.arrive $0xFFFF  }
0x2e: {  	[sflag:s0] =	ssyncadd.tile.s32 @!p0 $0x1;
	_ =	shalt  }
.Lfunc_end2:
_tile_overlayer_lowered:
.L_overlay_start_2:
0x2f: {  	(tag) =	ssettag $0x2  }
0x30: {  	s0 =	rddreg [dreg:$0x0];
	s2 =	stileid.u32  }
0x31: {  	s1 =	rddreg [dreg:$0x1];
	p0 =	sne.s32 s2, $0x0  }
0x32: {  	s3 =	rddreg [dreg:$0x2];
	[bflag:$0x3] =	sbarrier.arrive $0xFFFF;
	s2 =	simm.s32 @!p0 $0x1C01  }
0x33: {  	[timem:s3], [sflag:s2] =	dma.local @!p0 [hbm:s0], s1  }
0x34: {  	s0 =	simm.s32 @!p0 $0x1  }
0x35: {  	_ =	swait.ge @!p0 [sflag:s0], s1  }
0x36: {  	s1 =	ssub.s32 @!p0 $0x0, s1;
	[sflag:s0] =	ssyncset.done @!p0 $0x0  }
0x37: {  	[sflag:s0] =	ssyncadd.s32 @!p0 s1  }
0x38: {  	[bflag:$0x3] =	sbarrier.arrive $0xFFFF  }
0x39: {  	_ =	shalt  }

// kernel: kernel.9.cloned.1.call-start
scs
__scs_entry_jumppad:
0x0: {  	(pc) =	sbr.rel $0x88, $3  }
0x1: {  	(tag) =	ssettag $0x0;
	lr =	simm.s32 $0x1  }
0x2: {  	[smem:$0x3F91] =	sst lr;
	_ =	strace $0xD0000000  }
0x3: {  	_ = 	snop  }
0x4: {  	_ = 	snop  }
0x5: {  	_ = 	snop  }
0x6: {  	_ = 	snop  }
0x7: {  	_ = 	snop  }
__scs_overlays_trampoline_lowered:
0x8: {  	[smem:$0x3FA0] =	sst s0  }
0x9: {  	[smem:$0x3FA1] =	sst s1  }
0xa: {  	[smem:$0x3FA2] =	sst s2  }
0xb: {  	[smem:$0x3FA3] =	sst s3  }
0xc: {  	[smem:$0x3FA4] =	sst s4  }
0xd: {  	[smem:$0x3FA5] =	sst s5  }
0xe: {  	[smem:$0x3FA6] =	sst s6  }
0xf: {  	[smem:$0x3FA7] =	sst s7  }
0x10: {  	[smem:$0x3FA8] =	sst s8  }
0x11: {  	[smem:$0x3FA9] =	sst s9;
	s0 =	simm.s32 @!p0 $0x0  }
0x12: {  	s1 =	sld [smem:$0x3F8F];
	s0 =	simm.s32 @p0 $0x1  }
0x13: {  	[smem:$0x3FAA] =	sst s0;
	s0 =	simm.s32 @!p1 $0x0  }
0x14: {  	s2 =	sld [smem:$0x3F8E];
	s0 =	simm.s32 @p1 $0x1  }
0x15: {  	[smem:$0x3FAB] =	sst s0;
	s0 =	simm.s32 @!p2 $0x0  }
0x16: {  	s3 =	sld [smem:$0x3FDB];
	s0 =	simm.s32 @p2 $0x1  }
0x17: {  	s4 =	simm.s32 $0x1BF5;
	[smem:$0x3FAD] =	sst s0  }
0x18: {  	s0 =	sld [smem:$0x3F90];
	_ =	swait.ge [sflag:s4], $0x0  }
0x19: {  	s7 =	sld [smem:$0x3F91]  }
0x1a: {  	s8 =	sadd.s32 $0xFFFFE003, lr  }
0x1b: {  	s9 =	sadd.s32 $0xFFFFFEF7, lr;
	s5 =	simm.s32 $0xFFFFFFFF;
	p2 =	slt.u32 s8, $0xFFFFF086  }
0x1c: {  	p1 =	slt.u32 s9, $0xF7A;
	s5 =	simm.s32 @!p2 $0x0  }
0x1d: {  	s5 =	simm.s32 @p1 $0x1;
	p0 =	seq.s32 s7, s2  }
0x1e: {  	s7 =	smul.u32 @!p0 $0xF7A, s2;
	p2 =	seq.s32 @!p0 s5, $0x0  }
0x1f: {  	s9 =	smul.u32 $0xF7A, s1;
	s8 =	simm.s32 @!p0 $0x1BF5;
	p2 =	por !p2, p0  }
0x20: {  	[sflag:s8] =	ssyncset.s32 @!p0 $0xFFFFF086;
	s6 =	sadd.s32 @!p0 s3, s7;
	s7 =	simm.s32 @!p0 $0x108  }
0x21: {  	s3 =	sadd.s32 s3, s9;
	s6 =	sadd.s32 @!p0 $0x88, s6;
	s7 =	simm.s32 @p2 $0x1082  }
0x22: {  	[simem:s7], [sflag:s8] =	dma.local @!p0 [hbm:s6], $0xF7A  }
0x23: {  	s9 =	sor.u32 $0xD0000000, s2;
	s6 =	simm.s32 $0x108;
	_ =	swait.ge @!p0 [sflag:s8], $0x0  }
0x24: {  	s3 =	sadd.s32 $0x88, s3;
	s6 =	simm.s32 @!p1 $0x1082;
	[sflag:s4] =	ssyncset.s32 $0xFFFFF086  }
0x25: {  	[simem:s6], [sflag:s4] =	dma.local [hbm:s3], $0xF7A  }
0x26: {  	[smem:$0x3F91] =	sst s1;
	(tag) =	ssettag s2;
	_ =	strace s9  }
0x27: {  	s1 =	sld [smem:$0x3FA1]  }
0x28: {  	s2 =	sld [smem:$0x3FA2]  }
0x29: {  	s4 =	sld [smem:$0x3FA4]  }
0x2a: {  	p0 =	seq.s32 s5, $0x0;
	s5 =	sld [smem:$0x3FA5]  }
0x2b: {  	s6 =	sld [smem:$0x3FA6]  }
0x2c: {  	s7 =	sld [smem:$0x3FA7]  }
0x2d: {  	s3 =	simm.s32 $0x108;
	s8 =	sld [smem:$0x3FA8]  }
0x2e: {  	s3 =	simm.s32 @!p0 $0x1082;
	s9 =	sld [smem:$0x3FA9]  }
0x2f: {  	lr =	sadd.s32 s0, s3;
	s0 =	sld [smem:$0x3FA0]  }
0x30: {  	s3 =	sld [smem:$0x3FA3]  }
0x31: {  	[smem:$0x3FAC] =	sst s10  }
0x32: {  	s10 =	sld [smem:$0x3FAA];
	_ =	sdelay $0x3  }
0x33: {  	p0 =	seq.s32 s10, $0x1;
	s10 =	sld [smem:$0x3FAC];
	_ =	sdelay $0x3  }
0x34: {  	[smem:$0x3FAC] =	sst s10  }
0x35: {  	s10 =	sld [smem:$0x3FAB];
	_ =	sdelay $0x3  }
0x36: {  	p1 =	seq.s32 s10, $0x1;
	s10 =	sld [smem:$0x3FAC];
	_ =	sdelay $0x3  }
0x37: {  	[smem:$0x3FAC] =	sst s10  }
0x38: {  	s10 =	sld [smem:$0x3FAD]  }
0x39: {  	_ = 	snop;
	(pc) =	sbr.ind lr, $3  }
0x3a: {  	_ = 	snop  }
0x3b: {  	_ = 	snop  }
0x3c: {  	p2 =	seq.s32 s10, $0x1;
	s10 =	sld [smem:$0x3FAC]  }
0x3d: {  	_ =	shalt  }
0x3e: {  	_ =	shalt  }
0x3f: {  	_ =	shalt  }
0x40: {  	_ =	shalt  }
0x41: {  	_ =	shalt  }
0x42: {  	_ =	shalt  }
0x43: {  	_ =	shalt  }
0x44: {  	_ =	shalt  }
0x45: {  	_ =	shalt  }
0x46: {  	_ =	shalt  }
0x47: {  	_ =	shalt  }
0x48: {  	_ =	shalt  }
0x49: {  	_ =	shalt  }
0x4a: {  	_ =	shalt  }
0x4b: {  	_ =	shalt  }
0x4c: {  	_ =	shalt  }
0x4d: {  	_ =	shalt  }
0x4e: {  	_ =	shalt  }
0x4f: {  	_ =	shalt  }
0x50: {  	_ =	shalt  }
0x51: {  	_ =	shalt  }
0x52: {  	_ =	shalt  }
0x53: {  	_ =	shalt  }
0x54: {  	_ =	shalt  }
0x55: {  	_ =	shalt  }
0x56: {  	_ =	shalt  }
0x57: {  	_ =	shalt  }
0x58: {  	_ =	shalt  }
0x59: {  	_ =	shalt  }
0x5a: {  	_ =	shalt  }
0x5b: {  	_ =	shalt  }
0x5c: {  	_ =	shalt  }
0x5d: {  	_ =	shalt  }
0x5e: {  	_ =	shalt  }
0x5f: {  	_ =	shalt  }
0x60: {  	_ =	shalt  }
0x61: {  	_ =	shalt  }
0x62: {  	_ =	shalt  }
0x63: {  	_ =	shalt  }
0x64: {  	_ =	shalt  }
0x65: {  	_ =	shalt  }
0x66: {  	_ =	shalt  }
0x67: {  	_ =	shalt  }
0x68: {  	_ =	shalt  }
0x69: {  	_ =	shalt  }
0x6a: {  	_ =	shalt  }
0x6b: {  	_ =	shalt  }
0x6c: {  	_ =	shalt  }
0x6d: {  	_ =	shalt  }
0x6e: {  	_ =	shalt  }
0x6f: {  	_ =	shalt  }
0x70: {  	_ =	shalt  }
0x71: {  	_ =	shalt  }
0x72: {  	_ =	shalt  }
0x73: {  	_ =	shalt  }
0x74: {  	_ =	shalt  }
0x75: {  	_ =	shalt  }
0x76: {  	_ =	shalt  }
0x77: {  	_ =	shalt  }
0x78: {  	_ =	shalt  }
0x79: {  	_ =	shalt  }
0x7a: {  	_ =	shalt  }
0x7b: {  	_ =	shalt  }
0x7c: {  	_ =	shalt  }
0x7d: {  	_ =	shalt  }
0x7e: {  	_ =	shalt  }
0x7f: {  	_ =	shalt  }
0x80: {  	_ =	shalt  }
0x81: {  	_ =	shalt  }
0x82: {  	_ =	shalt  }
0x83: {  	_ =	shalt  }
0x84: {  	_ =	shalt  }
0x85: {  	_ =	shalt  }
0x86: {  	_ =	shalt  }
0x87: {  	_ =	shalt  }
.Lfunc_end0:
.L_simem_size_0:
called_computation.1_lowered:
.L_overlay_start_0:
0x88: {  	s2 =	sld [smem:$0x3FD9]  }
0x89: {  	s3 =	sld [smem:$0x3FFE];
	_ =	sdelay $0x1  }
0x8a: {  	s1 =	srdreg.scid  }
0x8b: {  	s0 =	sand.u32 $0x1, s1  }
0x8c: {  	s16 =	sshll.u32 s0, $0xA;
	s2 =	sadd.s32 s3, s2  }
0x8d: {  	s2 =	sadd.s32 s2, s16  }
0x8e: {  	[smem:$0x3FB8] =	sst s2  }
0x8f: {  	_ = 	snop  }
0x90: {  	(tm) =	ssettm $0x1  }
0x91: {  	s17 =	sld [smem:$0x3FFB];
	_ =	sdelay $0x3  }
0x92: {  	_ =	strace s17  }
0x93: {  	s2 =	sld [smem:$0x3FFC];
	_ =	sdelay $0x3  }
0x94: {  	_ =	strace s2  }
0x95: {  	s2 =	sld [smem:$0x3FFD];
	_ =	sdelay $0x3  }
0x96: {  	_ =	strace s2  }
0x97: {  	_ =	strace $0x8FFFFFFF  }
0x98: {  	s18 =	sld [smem:$0x3FDB];
	_ =	sdelay $0x1  }
0x99: {  	s19 =	simm.s32 $_scs_section_size  }
0x9a: {  	s4 =	simm.s32 $_size__tile_overlayer_lowered;
	s5 =	simm.s32 $_tile_overlayer_lowered  }
0x9b: {  	s22 =	simm.s32 $0x1BFF;
	s21 =	sshll.u32 s5, $0x1;
	s2 =	sadd.s32 s19, s18  }
0x9c: {  	s6 =	simm.s32 $0x0;
	s20 =	sshll.u32 s4, $0x1;
	s4 =	sadd.s32 s21, s2  }
0x9d: {  	[timem:s6], [sflag:s22] =	dma.local [hbm:s4], s20  }
0x9e: {  	_ =	swait.ge [sflag:s22], s20  }
0x9f: {  	s3 =	ssub.s32 $0x0, s20;
	[sflag:s22] =	ssyncset.done $0x0  }
0xa0: {  	[sflag:s22] =	ssyncadd.s32 s3;
	_ =	sdelay $0x1  }
0xa1: {  	s23 =	simm.s32 $0x1B8B  }
0xa2: {  	_ =	swait.ge [sflag:s23], $0x1  }
0xa3: {  	[sflag:s23] =	ssyncset.done $0x0  }
0xa4: {  	s25 =	simm.s32 $0x1B8E;
	s24 =	sld [smem:$0x3FFE];
	[sflag:s23] =	ssyncadd.s32 $0xFFFFFFFF  }
0xa5: {  	s26 =	simm.s32 $execute0_lowered;
	[smem:$0x3FD2] =	sst s25  }
0xa6: {  	s4 =	sshll.u32 s26, $0x1;
	_ =	strace $0x80000049;
	[dreg:$0x1] =	wrdreg $0xFFFFFFFF  }
0xa7: {  	s28 =	simm.s32 $_size_execute0_lowered;
	s2 =	sadd.s32 s2, s4;
	[dreg:$0x0] =	wrdreg $0x0  }
0xa8: {  	s4 =	sshll.u32 s28, $0x1;
	[dreg:$0x2] =	wrdreg s2  }
0xa9: {  	[dreg:$0x3] =	wrdreg s4  }
0xaa: {  	[dreg:$0x4] =	wrdreg $0xC0  }
0xab: {  	_ =	task [dreg:s6], $0x5FFFF  }
0xac: {  	[dreg:$0x1] =	wrdreg $0xFFFFFFFF  }
0xad: {  	[dreg:$0x0] =	wrdreg $0x60  }
0xae: {  	[dreg:$0x2] =	wrdreg s24  }
0xaf: {  	[dreg:$0x3] =	wrdreg $0xA0000  }
0xb0: {  	[dreg:$0x4] =	wrdreg $0x13E000  }
0xb1: {  	[dreg:$0x5] =	wrdreg $0x9  }
0xb2: {  	_ =	task.clear_ibuf [dreg:s6], $0x6FFFF;
	_ =	strace $0x90000049  }
0xb3: {  	s29 =	simm.s32 $0x9;
	_ =	strace $0x8000004B  }
0xb4: {  	_ =	swait.ge [sflag:s29], $0x1  }
0xb5: {  	[sflag:s29] =	ssyncadd.s32 $0xFFFFFFFF  }
0xb6: {  	_ =	strace $0x9000004B  }
0xb7: {  	_ =	sfence  }
0xb8: {  	s30 =	sld [smem:$0x0];
	_ =	sdelay $0x2  }
0xb9: {  	s31 =	sshll.u32 s1, $0xD;
	s1 =	sshrl.u32 s1, $0x2  }
0xba: {  	s3 =	sand.u32 $0x4000, s31;
	s1 =	sadd.s32 s1, s30  }
0xbb: {  	s0 =	sor.u32 s3, s0;
	s1 =	sshll.u32 s1, $0x11  }
0xbc: {  	s0 =	sor.u32 s1, s0  }
0xbd: {  	s0 =	sadd.s32 $0x8F2B, s0  }
0xbe: {  	[sflag:s0] =	ssyncadd.remote.s32 $0x1  }
0xbf: {  	_ =	sfence.sel $0xFFFF  }
0xc0: {  	[dreg:$0x0] =	wrdreg $0xFFFFFFFF;
	(pc) =	sbr.abs _section_cstart, $3  }
0xc1: {  	[dreg:$0x1] =	wrdreg $0xFFFFFFFF  }
0xc2: {  	_ =	task.clear_ibuf [dreg:s6], $0x2FFFF;
	_ =	strace $0x9FFFFFFF  }
0xc3: {  	(tm) =	ssettm $0x7FFFFFFF  }
tec
execute0_lowered:
.L_overlay_start_1:
0x0: {  	(tag) =	ssettag $0x1  }
0x1: {  	s0 =	rddreg [dreg:$0x0]  }
0x2: {  	s1 =	rddreg [dreg:$0x1]  }
0x3: {  	s2 =	rddreg [dreg:$0x2];
	s4 =	stileid.u32  }
0x4: {  	s6 =	srdreg.scid;
	s3 =	simm.s32 $0x0;
	s13 =	simm.s32 $0x5  }
0x5: {  	s17 =	simm.s32 $0x800;
	s18 =	simm.s32 $0x3;
	s19 =	simm.s32 $0x80  }
0x6: {  	s15 =	simm.s32 $0x900;
	s16 =	simm.s32 $0x980;
	s14 =	simm.s32 $0xA80  }
0x7: {  	s28 =	simm.s32 $0xC00;
	s29 =	simm.s32 $0xC80;
	s30 =	simm.s32 $0xD00  }
0x8: {  	s31 =	simm.s32 $0xD80;
	s5 =	smul.u32 $0x5000, s4;
	s6 =	sand.u32 $0x1, s6  }
0x9: {  	s7 =	smul.u32 $0x9E00, s4;
	[smem:$0x7FF] =	sst s3;
	s9 =	sadd.s32 $0x16600, s0  }
0xa: {  	s12 =	sadd.s32 $0xE5E00, s0;
	s22 =	smul.u32 $0xA00, s4;
	p0 =	sne.s32 s4, $0x0  }
0xb: {  	s4 =	sshll.u32 s4, $0x6;
	s8 =	smul.u32 $0x9E000, s6;
	_ =	strace $0x8000004A  }
0xc: {  	s6 =	ssub.s32 $0x2, s6;
	[dreg:$0x4] =	wrdreg s12;
	s12 =	simm.s32 $0xE80  }
0xd: {  	s5 =	sshrl.u32 s5, $0x3;
	s11 =	sshrl.u32 s6, $0x1;
	s23 =	sadd.s32 s7, s1  }
0xe: {  	s25 =	sadd.s32 s7, s2;
	s8 =	sadd.s32 s7, s8;
	s10 =	sadd.s32 s5, s0  }
0xf: {  	s6 =	ssub.s32 s6, s11;
	s21 =	sadd.s32 s9, s5;
	s5 =	sadd.s32 s22, s9  }
0x10: {  	s9 =	sor.u32 $0x1C05, s4;
	s26 =	sshrl.u32 s23, $0x3;
	[dreg:$0x6] =	wrdreg s21  }
0x11: {  	s4 =	sshrl.u32 @!p0 s2, $0x3;
	s22 =	simm.s32 $0x1;
	[dreg:$0xd] =	wrdreg s26  }
0x12: {  	s23 =	simm.s32 $0xB00;
	s8 =	sshrl.u32 s8, $0x3;
	[dreg:$0xe] =	wrdreg s4  }
0x13: {  	s20 =	sadd.s32 $0x2600, s10;
	s10 =	sadd.s32 $0x100, s21;
	[dreg:$0xc] =	wrdreg s9  }
0x14: {  	s6 =	smax.u32 s6, $0x1;
	s5 =	sadd.s32 $0x300, s5;
	[dreg:$0x5] =	wrdreg s20  }
0x15: {  	s21 =	simm.s32 $0x8000;
	s26 =	simm.s32 $0xB80;
	[dreg:$0x8] =	wrdreg s10  }
0x16: {  	s4 =	simm.s32 $0xF00;
	s0 =	sadd.s32 s8, s0;
	[dreg:$0xa] =	wrdreg s6  }
.Ltmp0:
0x17: {  	[dreg:$0xb] =	wrdreg s5;
	s20 =	simm.s32 $0x6000;
	(pc) =	sbr.rel .LBB2_1-.Ltmp0, $4  }
0x18: {  	s6 =	simm.s32 $0x4;
	s5 =	simm.s32 $0xF80;
	s24 =	sadd.s32 $0xBE600, s0  }
0x19: {  	s8 =	simm.s32 $0x0;
	s0 =	sadd.s32 $0xF9A00, s0;
	[dreg:$0x7] =	wrdreg s24  }
0x1a: {  	[dreg:$0x9] =	wrdreg s0;
	s24 =	simm.s32 $0x2;
	s0 =	sshrl.u32 s25, $0x3  }
0x1b: {  	s25 =	simm.s32 $0xA00;
	[dreg:$0xf] =	wrdreg s0;
	s0 =	simm.s32 $0xE00  }
.LBB2_4:
0x1c: {  	[bflag:$0x0] =	sbarrier.arrive $0xFFFF  }
0x1d: {  	s7 =	rddreg [dreg:$0x9]  }
0x1e: {  	s9 =	rddreg [dreg:$0xc]  }
0x1f: {  	s8 =	rddreg [dreg:$0xf]  }
0x20: {  	[hbm:s7], [sflag:s9] =	dma.local [spmem:s8], $0x13C0  }
0x21: {  	_ =	swait.ge [sflag:s13], $0x13C0  }
0x22: {  	s10 =	rddreg [dreg:$0x10]  }
0x23: {  	s11 =	rddreg [dreg:$0xa];
	s8 =	sadd.s32 $0x1, s10  }
0x24: {  	p1 =	sne.s32 s8, s11  }
.Ltmp1:
0x25: {  	_ = 	snop;
	(pc) =	sbr.rel @!p1 .LBB2_5-.Ltmp1, $3  }
0x26: {  	_ =	sdelay $0x1  }
0x27: {  	[sflag:s13] =	ssyncset.done $0x0  }
0x28: {  	[sflag:s13] =	ssyncadd.s32 $0xFFFFEC40  }
.LBB2_1:
0x29: {  	[dreg:$0x10] =	wrdreg s8  }
0x2a: {  	s7 =	rddreg [dreg:$0x5];
	s11 =	simm.s32 $0x1000  }
0x2b: {  	[tilespmem:s11], [sflag:$0x5] =	stream.linear.gather [hbm4b:s7+s3], $0x5000, $0x38;
	[tilespmem:$0x1DC00] =	vst v63  }
0x2c: {  	_ =	swait.ge [sflag:s13], $0x5000  }
0x2d: {  	[sflag:s13] =	ssyncset.done $0x0;
	s10 =	rddreg [dreg:$0x7]  }
0x2e: {  	s11 =	rddreg [dreg:$0xd];
	[sflag:s13] =	ssyncadd.s32 $0xFFFFB000  }
0x2f: {  	[spmem:s11], [sflag:s9] =	dma.local [hbm:s10], $0x13C0  }
0x30: {  	_ =	swait.ge [sflag:s13], $0x13C0  }
0x31: {  	[sflag:s13] =	ssyncset.done $0x0;
	s7 =	rddreg [dreg:$0x4]  }
0x32: {  	s8 =	rddreg [dreg:$0xe];
	[sflag:s13] =	ssyncadd.s32 $0xFFFFEC40  }
0x33: {  	[spmem:s8], [sflag:s9] =	dma.local @!p0 [hbm:s7], $0x13C00  }
0x34: {  	s7 =	simm.s32 @!p0 $0x5  }
0x35: {  	_ =	swait.ge @!p0 [sflag:s7], $0x13C00  }
0x36: {  	[sflag:s7] =	ssyncset.done @!p0 $0x0  }
0x37: {  	[sflag:s7] =	ssyncadd.s32 @!p0 $0xFFFEC400  }
0x38: {  	[bflag:$0x0] =	sbarrier.arrive $0xFFFF  }
0x39: {  	s10 =	rddreg [dreg:$0x6]  }
0x3a: {  	s11 =	rddreg [dreg:$0x8]  }
0x3b: {  	[tilespmem:s3], [sflag:$0x3] =	stream.linear.gather [hbm4b:s10+s3], $0x800, $0x38;
	[tilespmem:$0x1DC00] =	vst v63  }
0x3c: {  	s8 =	simm.s32 $0x0;
	s7 =	rddreg [dreg:$0xb]  }
0x3d: {  	[tilespmem:s17], [sflag:$0x4] =	stream.linear.gather [hbm4b:s11+s3], $0x800, $0x38;
	[tilespmem:$0x1DC00] =	vst v63  }
.LBB2_2:
0x3e: {  	_ =	swait.ge [sflag:s18], $0x800  }
0x3f: {  	[sflag:s18] =	ssyncset.done $0x0  }
0x40: {  	[sflag:s18] =	ssyncadd.s32 $0xFFFFF800  }
0x41: {  	[tilespmem:s20], [sflag:$0x1] =	stream.indirect.gather [spmem:s1], $0x40, s3, s19, $0xb8;
	[tilespmem:$0x1DC00] =	vst v63  }
0x42: {  	_ = 	snop  }
0x43: {  	[tilespmem:s21], [sflag:$0x2] =	stream.indirect.gather [spmem:s1], $0x40, s19, s19, $0xb8;
	[tilespmem:$0x1DC00] =	vst v63  }
0x44: {  	_ =	swait.ge [sflag:s22], $0x2000  }
0x45: {  	s9 =	sshra.s32 s8, $0x2;
	[sflag:s22] =	ssyncset.done $0x0  }
0x46: {  	s10 =	sadd.s32 $0x1000, s9;
	[sflag:s22] =	ssyncadd.s32 $0xFFFFE000  }
0x47: {  	[spmem:s2] =	stream.indirect.scatter.add.f32 [tilespmem:s20], [sflag:$0x5], $0x40, s10, s19, $0xb8;
	[tilespmem:$0x1DC00] =	vst v63  }
0x48: {  	_ =	swait.ge [sflag:s13], $0x2000  }
0x49: {  	[sflag:s13] =	ssyncset.done $0x0  }
0x4a: {  	s11 =	simm.s32 $0x100;
	[sflag:s13] =	ssyncadd.s32 $0xFFFFE000  }
0x4b: {  	[tilespmem:s20], [sflag:$0x1] =	stream.indirect.gather [spmem:s1], $0x40, s11, s19, $0xb8;
	[tilespmem:$0x1DC00] =	vst v63  }
0x4c: {  	_ =	swait.ge [sflag:s24], $0x2000  }
0x4d: {  	[sflag:s24] =	ssyncset.done $0x0  }
0x4e: {  	s11 =	sadd.s32 $0x1080, s9;
	[sflag:s24] =	ssyncadd.s32 $0xFFFFE000  }
0x4f: {  	[spmem:s2] =	stream.indirect.scatter.add.f32 [tilespmem:s21], [sflag:$0x5], $0x40, s11, s19, $0xb8;
	[tilespmem:$0x1DC00] =	vst v63  }
0x50: {  	_ =	swait.ge [sflag:s13], $0x2000  }
0x51: {  	[sflag:s13] =	ssyncset.done $0x0  }
0x52: {  	s11 =	simm.s32 $0x180;
	[sflag:s13] =	ssyncadd.s32 $0xFFFFE000  }
0x53: {  	[tilespmem:s21], [sflag:$0x2] =	stream.indirect.gather [spmem:s1], $0x40, s11, s19, $0xb8;
	[tilespmem:$0x1DC00] =	vst v63  }
0x54: {  	_ =	swait.ge [sflag:s22], $0x2000  }
0x55: {  	[sflag:s22] =	ssyncset.done $0x0  }
0x56: {  	s11 =	sadd.s32 $0x1100, s9;
	[sflag:s22] =	ssyncadd.s32 $0xFFFFE000  }
0x57: {  	[spmem:s2] =	stream.indirect.scatter.add.f32 [tilespmem:s20], [sflag:$0x5], $0x40, s11, s19, $0xb8;
	[tilespmem:$0x1DC00] =	vst v63  }
0x58: {  	_ =	swait.ge [sflag:s13], $0x2000  }
0x59: {  	[sflag:s13] =	ssyncset.done $0x0  }
0x5a: {  	s11 =	simm.s32 $0x200;
	[sflag:s13] =	ssyncadd.s32 $0xFFFFE000  }
0x5b: {  	[tilespmem:s20], [sflag:$0x1] =	stream.indirect.gather [spmem:s1], $0x40, s11, s19, $0xb8;
	[tilespmem:$0x1DC00] =	vst v63  }
0x5c: {  	_ =	swait.ge [sflag:s24], $0x2000  }
0x5d: {  	[sflag:s24] =	ssyncset.done $0x0  }
0x5e: {  	s11 =	sadd.s32 $0x1180, s9;
	[sflag:s24] =	ssyncadd.s32 $0xFFFFE000  }
0x5f: {  	[spmem:s2] =	stream.indirect.scatter.add.f32 [tilespmem:s21], [sflag:$0x5], $0x40, s11, s19, $0xb8;
	[tilespmem:$0x1DC00] =	vst v63  }
0x60: {  	_ =	swait.ge [sflag:s13], $0x2000  }
0x61: {  	[sflag:s13] =	ssyncset.done $0x0  }
0x62: {  	s11 =	simm.s32 $0x280;
	[sflag:s13] =	ssyncadd.s32 $0xFFFFE000  }
0x63: {  	[tilespmem:s21], [sflag:$0x2] =	stream.indirect.gather [spmem:s1], $0x40, s11, s19, $0xb8;
	[tilespmem:$0x1DC00] =	vst v63  }
0x64: {  	_ =	swait.ge [sflag:s22], $0x2000  }
0x65: {  	[sflag:s22] =	ssyncset.done $0x0  }
0x66: {  	s11 =	sadd.s32 $0x1200, s9;
	[sflag:s22] =	ssyncadd.s32 $0xFFFFE000  }
0x67: {  	[spmem:s2] =	stream.indirect.scatter.add.f32 [tilespmem:s20], [sflag:$0x5], $0x40, s11, s19, $0xb8;
	[tilespmem:$0x1DC00] =	vst v63  }
0x68: {  	_ =	swait.ge [sflag:s13], $0x2000  }
0x69: {  	[sflag:s13] =	ssyncset.done $0x0  }
0x6a: {  	s11 =	simm.s32 $0x300;
	[sflag:s13] =	ssyncadd.s32 $0xFFFFE000  }
0x6b: {  	[tilespmem:s20], [sflag:$0x1] =	stream.indirect.gather [spmem:s1], $0x40, s11, s19, $0xb8;
	[tilespmem:$0x1DC00] =	vst v63  }
0x6c: {  	_ =	swait.ge [sflag:s24], $0x2000  }
0x6d: {  	[sflag:s24] =	ssyncset.done $0x0  }
0x6e: {  	s11 =	sadd.s32 $0x1280, s9;
	[sflag:s24] =	ssyncadd.s32 $0xFFFFE000  }
0x6f: {  	[spmem:s2] =	stream.indirect.scatter.add.f32 [tilespmem:s21], [sflag:$0x5], $0x40, s11, s19, $0xb8;
	[tilespmem:$0x1DC00] =	vst v63  }
0x70: {  	_ =	swait.ge [sflag:s13], $0x2000  }
0x71: {  	[sflag:s13] =	ssyncset.done $0x0  }
0x72: {  	s11 =	simm.s32 $0x380;
	[sflag:s13] =	ssyncadd.s32 $0xFFFFE000  }
0x73: {  	[tilespmem:s21], [sflag:$0x2] =	stream.indirect.gather [spmem:s1], $0x40, s11, s19, $0xb8;
	[tilespmem:$0x1DC00] =	vst v63  }
0x74: {  	_ =	swait.ge [sflag:s22], $0x2000  }
0x75: {  	[sflag:s22] =	ssyncset.done $0x0  }
0x76: {  	s11 =	sadd.s32 $0x1300, s9;
	[sflag:s22] =	ssyncadd.s32 $0xFFFFE000  }
0x77: {  	[spmem:s2] =	stream.indirect.scatter.add.f32 [tilespmem:s20], [sflag:$0x5], $0x40, s11, s19, $0xb8;
	[tilespmem:$0x1DC00] =	vst v63  }
0x78: {  	_ =	swait.ge [sflag:s13], $0x2000  }
0x79: {  	[sflag:s13] =	ssyncset.done $0x0  }
0x7a: {  	s11 =	simm.s32 $0x400;
	[sflag:s13] =	ssyncadd.s32 $0xFFFFE000  }
0x7b: {  	[tilespmem:s20], [sflag:$0x1] =	stream.indirect.gather [spmem:s1], $0x40, s11, s19, $0xb8;
	[tilespmem:$0x1DC00] =	vst v63  }
0x7c: {  	_ =	swait.ge [sflag:s24], $0x2000  }
0x7d: {  	[sflag:s24] =	ssyncset.done $0x0  }
0x7e: {  	s11 =	sadd.s32 $0x1380, s9;
	[sflag:s24] =	ssyncadd.s32 $0xFFFFE000  }
0x7f: {  	[spmem:s2] =	stream.indirect.scatter.add.f32 [tilespmem:s21], [sflag:$0x5], $0x40, s11, s19, $0xb8;
	[tilespmem:$0x1DC00] =	vst v63  }
0x80: {  	_ =	swait.ge [sflag:s13], $0x2000  }
0x81: {  	[sflag:s13] =	ssyncset.done $0x0  }
0x82: {  	s11 =	simm.s32 $0x480;
	[sflag:s13] =	ssyncadd.s32 $0xFFFFE000  }
0x83: {  	[tilespmem:s21], [sflag:$0x2] =	stream.indirect.gather [spmem:s1], $0x40, s11, s19, $0xb8;
	[tilespmem:$0x1DC00] =	vst v63  }
0x84: {  	_ =	swait.ge [sflag:s22], $0x2000  }
0x85: {  	[sflag:s22] =	ssyncset.done $0x0  }
0x86: {  	s11 =	sadd.s32 $0x1400, s9;
	[sflag:s22] =	ssyncadd.s32 $0xFFFFE000  }
0x87: {  	[spmem:s2] =	stream.indirect.scatter.add.f32 [tilespmem:s20], [sflag:$0x5], $0x40, s11, s19, $0xb8;
	[tilespmem:$0x1DC00] =	vst v63  }
0x88: {  	_ =	swait.ge [sflag:s13], $0x2000  }
0x89: {  	[sflag:s13] =	ssyncset.done $0x0  }
0x8a: {  	s11 =	simm.s32 $0x500;
	[sflag:s13] =	ssyncadd.s32 $0xFFFFE000  }
0x8b: {  	[tilespmem:s20], [sflag:$0x1] =	stream.indirect.gather [spmem:s1], $0x40, s11, s19, $0xb8;
	[tilespmem:$0x1DC00] =	vst v63  }
0x8c: {  	_ =	swait.ge [sflag:s24], $0x2000  }
0x8d: {  	[sflag:s24] =	ssyncset.done $0x0  }
0x8e: {  	s11 =	sadd.s32 $0x1480, s9;
	[sflag:s24] =	ssyncadd.s32 $0xFFFFE000  }
0x8f: {  	[spmem:s2] =	stream.indirect.scatter.add.f32 [tilespmem:s21], [sflag:$0x5], $0x40, s11, s19, $0xb8;
	[tilespmem:$0x1DC00] =	vst v63  }
0x90: {  	_ =	swait.ge [sflag:s13], $0x2000  }
0x91: {  	[sflag:s13] =	ssyncset.done $0x0  }
0x92: {  	s11 =	simm.s32 $0x580;
	[sflag:s13] =	ssyncadd.s32 $0xFFFFE000  }
0x93: {  	[tilespmem:s21], [sflag:$0x2] =	stream.indirect.gather [spmem:s1], $0x40, s11, s19, $0xb8;
	[tilespmem:$0x1DC00] =	vst v63  }
0x94: {  	_ =	swait.ge [sflag:s22], $0x2000  }
0x95: {  	[sflag:s22] =	ssyncset.done $0x0  }
0x96: {  	s11 =	sadd.s32 $0x1500, s9;
	[sflag:s22] =	ssyncadd.s32 $0xFFFFE000  }
0x97: {  	[spmem:s2] =	stream.indirect.scatter.add.f32 [tilespmem:s20], [sflag:$0x5], $0x40, s11, s19, $0xb8;
	[tilespmem:$0x1DC00] =	vst v63  }
0x98: {  	_ =	swait.ge [sflag:s13], $0x2000  }
0x99: {  	[sflag:s13] =	ssyncset.done $0x0  }
0x9a: {  	s11 =	simm.s32 $0x600;
	[sflag:s13] =	ssyncadd.s32 $0xFFFFE000  }
0x9b: {  	[tilespmem:s20], [sflag:$0x1] =	stream.indirect.gather [spmem:s1], $0x40, s11, s19, $0xb8;
	[tilespmem:$0x1DC00] =	vst v63  }
0x9c: {  	_ =	swait.ge [sflag:s24], $0x2000  }
0x9d: {  	[sflag:s24] =	ssyncset.done $0x0  }
0x9e: {  	s11 =	sadd.s32 $0x1580, s9;
	[sflag:s24] =	ssyncadd.s32 $0xFFFFE000  }
0x9f: {  	[spmem:s2] =	stream.indirect.scatter.add.f32 [tilespmem:s21], [sflag:$0x5], $0x40, s11, s19, $0xb8;
	[tilespmem:$0x1DC00] =	vst v63  }
0xa0: {  	_ =	swait.ge [sflag:s13], $0x2000  }
0xa1: {  	[sflag:s13] =	ssyncset.done $0x0  }
0xa2: {  	s11 =	simm.s32 $0x680;
	[sflag:s13] =	ssyncadd.s32 $0xFFFFE000  }
0xa3: {  	[tilespmem:s21], [sflag:$0x2] =	stream.indirect.gather [spmem:s1], $0x40, s11, s19, $0xb8;
	[tilespmem:$0x1DC00] =	vst v63  }
0xa4: {  	_ =	swait.ge [sflag:s22], $0x2000  }
0xa5: {  	[sflag:s22] =	ssyncset.done $0x0  }
0xa6: {  	s11 =	sadd.s32 $0x1600, s9;
	[sflag:s22] =	ssyncadd.s32 $0xFFFFE000  }
0xa7: {  	[spmem:s2] =	stream.indirect.scatter.add.f32 [tilespmem:s20], [sflag:$0x5], $0x40, s11, s19, $0xb8;
	[tilespmem:$0x1DC00] =	vst v63  }
0xa8: {  	_ =	swait.ge [sflag:s13], $0x2000  }
0xa9: {  	[sflag:s13] =	ssyncset.done $0x0  }
0xaa: {  	s11 =	simm.s32 $0x700;
	[sflag:s13] =	ssyncadd.s32 $0xFFFFE000  }
0xab: {  	[tilespmem:s20], [sflag:$0x1] =	stream.indirect.gather [spmem:s1], $0x40, s11, s19, $0xb8;
	[tilespmem:$0x1DC00] =	vst v63  }
0xac: {  	_ =	swait.ge [sflag:s24], $0x2000  }
0xad: {  	[sflag:s24] =	ssyncset.done $0x0  }
0xae: {  	s11 =	sadd.s32 $0x1680, s9;
	[sflag:s24] =	ssyncadd.s32 $0xFFFFE000  }
0xaf: {  	[spmem:s2] =	stream.indirect.scatter.add.f32 [tilespmem:s21], [sflag:$0x5], $0x40, s11, s19, $0xb8;
	[tilespmem:$0x1DC00] =	vst v63  }
0xb0: {  	_ =	swait.ge [sflag:s13], $0x2000  }
0xb1: {  	[sflag:s13] =	ssyncset.done $0x0  }
0xb2: {  	s11 =	simm.s32 $0x780;
	[sflag:s13] =	ssyncadd.s32 $0xFFFFE000  }
0xb3: {  	[tilespmem:s21], [sflag:$0x2] =	stream.indirect.gather [spmem:s1], $0x40, s11, s19, $0xb8;
	[tilespmem:$0x1DC00] =	vst v63  }
0xb4: {  	_ =	swait.ge [sflag:s22], $0x2000  }
0xb5: {  	[sflag:s22] =	ssyncset.done $0x0  }
0xb6: {  	s11 =	sadd.s32 $0x1700, s9;
	[sflag:s22] =	ssyncadd.s32 $0xFFFFE000  }
0xb7: {  	[spmem:s2] =	stream.indirect.scatter.add.f32 [tilespmem:s20], [sflag:$0x5], $0x40, s11, s19, $0xb8;
	[tilespmem:$0x1DC00] =	vst v63  }
0xb8: {  	_ =	swait.ge [sflag:s13], $0x2000  }
0xb9: {  	[sflag:s13] =	ssyncset.done $0x0  }
0xba: {  	[sflag:s13] =	ssyncadd.s32 $0xFFFFE000  }
0xbb: {  	_ =	swait.ge [sflag:s24], $0x2000  }
0xbc: {  	[sflag:s24] =	ssyncset.done $0x0  }
0xbd: {  	s11 =	sadd.s32 $0x1780, s9;
	[sflag:s24] =	ssyncadd.s32 $0xFFFFE000  }
0xbe: {  	[spmem:s2] =	stream.indirect.scatter.add.f32 [tilespmem:s21], [sflag:$0x5], $0x40, s11, s19, $0xb8;
	[tilespmem:$0x1DC00] =	vst v63  }
0xbf: {  	_ =	swait.ge [sflag:s13], $0x2000  }
0xc0: {  	p1 =	seq.s32 s8, $0x10000;
	[sflag:s13] =	ssyncset.done $0x0  }
0xc1: {  	s10 =	sadd.s32 @!p1 $0xFFFFFF00, s7;
	s11 =	simm.s32 @!p1 $0x0;
	[sflag:s13] =	ssyncadd.s32 $0xFFFFE000  }
0xc2: {  	[tilespmem:s11], [sflag:$0x3] =	stream.linear.gather @!p1 [hbm4b:s10+s11], $0x800, $0x38;
	[tilespmem:$0x1DC00] =	vst v63  }
0xc3: {  	_ =	swait.ge [sflag:s6], $0x800  }
0xc4: {  	[sflag:s6] =	ssyncset.done $0x0  }
0xc5: {  	[sflag:s6] =	ssyncadd.s32 $0xFFFFF800  }
0xc6: {  	[tilespmem:s20], [sflag:$0x1] =	stream.indirect.gather [spmem:s1], $0x40, s17, s19, $0xb8;
	[tilespmem:$0x1DC00] =	vst v63  }
0xc7: {  	s11 =	simm.s32 $0x880  }
0xc8: {  	[tilespmem:s21], [sflag:$0x2] =	stream.indirect.gather [spmem:s1], $0x40, s11, s19, $0xb8;
	[tilespmem:$0x1DC00] =	vst v63  }
0xc9: {  	_ =	swait.ge [sflag:s22], $0x2000  }
0xca: {  	[sflag:s22] =	ssyncset.done $0x0  }
0xcb: {  	s11 =	sadd.s32 $0x1800, s9;
	[sflag:s22] =	ssyncadd.s32 $0xFFFFE000  }
0xcc: {  	[spmem:s2] =	stream.indirect.scatter.add.f32 [tilespmem:s20], [sflag:$0x5], $0x40, s11, s19, $0xb8;
	[tilespmem:$0x1DC00] =	vst v63  }
0xcd: {  	_ =	swait.ge [sflag:s13], $0x2000  }
0xce: {  	[sflag:s13] =	ssyncset.done $0x0  }
0xcf: {  	[sflag:s13] =	ssyncadd.s32 $0xFFFFE000  }
0xd0: {  	[tilespmem:s20], [sflag:$0x1] =	stream.indirect.gather [spmem:s1], $0x40, s15, s19, $0xb8;
	[tilespmem:$0x1DC00] =	vst v63  }
0xd1: {  	_ =	swait.ge [sflag:s24], $0x2000  }
0xd2: {  	[sflag:s24] =	ssyncset.done $0x0  }
0xd3: {  	s11 =	sadd.s32 $0x1880, s9;
	[sflag:s24] =	ssyncadd.s32 $0xFFFFE000  }
0xd4: {  	[spmem:s2] =	stream.indirect.scatter.add.f32 [tilespmem:s21], [sflag:$0x5], $0x40, s11, s19, $0xb8;
	[tilespmem:$0x1DC00] =	vst v63  }
0xd5: {  	_ =	swait.ge [sflag:s13], $0x2000  }
0xd6: {  	[sflag:s13] =	ssyncset.done $0x0  }
0xd7: {  	[sflag:s13] =	ssyncadd.s32 $0xFFFFE000  }
0xd8: {  	[tilespmem:s21], [sflag:$0x2] =	stream.indirect.gather [spmem:s1], $0x40, s16, s19, $0xb8;
	[tilespmem:$0x1DC00] =	vst v63  }
0xd9: {  	_ =	swait.ge [sflag:s22], $0x2000  }
0xda: {  	[sflag:s22] =	ssyncset.done $0x0  }
0xdb: {  	s11 =	sadd.s32 $0x1900, s9;
	[sflag:s22] =	ssyncadd.s32 $0xFFFFE000  }
0xdc: {  	[spmem:s2] =	stream.indirect.scatter.add.f32 [tilespmem:s20], [sflag:$0x5], $0x40, s11, s19, $0xb8;
	[tilespmem:$0x1DC00] =	vst v63  }
0xdd: {  	_ =	swait.ge [sflag:s13], $0x2000  }
0xde: {  	[sflag:s13] =	ssyncset.done $0x0  }
0xdf: {  	[sflag:s13] =	ssyncadd.s32 $0xFFFFE000  }
0xe0: {  	[tilespmem:s20], [sflag:$0x1] =	stream.indirect.gather [spmem:s1], $0x40, s25, s19, $0xb8;
	[tilespmem:$0x1DC00] =	vst v63  }
0xe1: {  	_ =	swait.ge [sflag:s24], $0x2000  }
0xe2: {  	[sflag:s24] =	ssyncset.done $0x0  }
0xe3: {  	s11 =	sadd.s32 $0x1980, s9;
	[sflag:s24] =	ssyncadd.s32 $0xFFFFE000  }
0xe4: {  	[spmem:s2] =	stream.indirect.scatter.add.f32 [tilespmem:s21], [sflag:$0x5], $0x40, s11, s19, $0xb8;
	[tilespmem:$0x1DC00] =	vst v63  }
0xe5: {  	_ =	swait.ge [sflag:s13], $0x2000  }
0xe6: {  	[sflag:s13] =	ssyncset.done $0x0  }
0xe7: {  	[sflag:s13] =	ssyncadd.s32 $0xFFFFE000  }
0xe8: {  	[tilespmem:s21], [sflag:$0x2] =	stream.indirect.gather [spmem:s1], $0x40, s14, s19, $0xb8;
	[tilespmem:$0x1DC00] =	vst v63  }
0xe9: {  	_ =	swait.ge [sflag:s22], $0x2000  }
0xea: {  	[sflag:s22] =	ssyncset.done $0x0  }
0xeb: {  	s11 =	sadd.s32 $0x1A00, s9;
	[sflag:s22] =	ssyncadd.s32 $0xFFFFE000  }
0xec: {  	[spmem:s2] =	stream.indirect.scatter.add.f32 [tilespmem:s20], [sflag:$0x5], $0x40, s11, s19, $0xb8;
	[tilespmem:$0x1DC00] =	vst v63  }
0xed: {  	_ =	swait.ge [sflag:s13], $0x2000  }
0xee: {  	[sflag:s13] =	ssyncset.done $0x0  }
0xef: {  	[sflag:s13] =	ssyncadd.s32 $0xFFFFE000  }
0xf0: {  	[tilespmem:s20], [sflag:$0x1] =	stream.indirect.gather [spmem:s1], $0x40, s23, s19, $0xb8;
	[tilespmem:$0x1DC00] =	vst v63  }
0xf1: {  	_ =	swait.ge [sflag:s24], $0x2000  }
0xf2: {  	[sflag:s24] =	ssyncset.done $0x0  }
0xf3: {  	s11 =	sadd.s32 $0x1A80, s9;
	[sflag:s24] =	ssyncadd.s32 $0xFFFFE000  }
0xf4: {  	[spmem:s2] =	stream.indirect.scatter.add.f32 [tilespmem:s21], [sflag:$0x5], $0x40, s11, s19, $0xb8;
	[tilespmem:$0x1DC00] =	vst v63  }
0xf5: {  	_ =	swait.ge [sflag:s13], $0x2000  }
0xf6: {  	[sflag:s13] =	ssyncset.done $0x0  }
0xf7: {  	[sflag:s13] =	ssyncadd.s32 $0xFFFFE000  }
0xf8: {  	[tilespmem:s21], [sflag:$0x2] =	stream.indirect.gather [spmem:s1], $0x40, s26, s19, $0xb8;
	[tilespmem:$0x1DC00] =	vst v63  }
0xf9: {  	_ =	swait.ge [sflag:s22], $0x2000  }
0xfa: {  	[sflag:s22] =	ssyncset.done $0x0  }
0xfb: {  	s11 =	sadd.s32 $0x1B00, s9;
	[sflag:s22] =	ssyncadd.s32 $0xFFFFE000  }
0xfc: {  	[spmem:s2] =	stream.indirect.scatter.add.f32 [tilespmem:s20], [sflag:$0x5], $0x40, s11, s19, $0xb8;
	[tilespmem:$0x1DC00] =	vst v63  }
0xfd: {  	_ =	swait.ge [sflag:s13], $0x2000  }
0xfe: {  	[sflag:s13] =	ssyncset.done $0x0  }
0xff: {  	[sflag:s13] =	ssyncadd.s32 $0xFFFFE000  }
0x100: {  	[tilespmem:s20], [sflag:$0x1] =	stream.indirect.gather [spmem:s1], $0x40, s28, s19, $0xb8;
	[tilespmem:$0x1DC00] =	vst v63  }
0x101: {  	_ =	swait.ge [sflag:s24], $0x2000  }
0x102: {  	[sflag:s24] =	ssyncset.done $0x0  }
0x103: {  	s11 =	sadd.s32 $0x1B80, s9;
	[sflag:s24] =	ssyncadd.s32 $0xFFFFE000  }
0x104: {  	[spmem:s2] =	stream.indirect.scatter.add.f32 [tilespmem:s21], [sflag:$0x5], $0x40, s11, s19, $0xb8;
	[tilespmem:$0x1DC00] =	vst v63  }
0x105: {  	_ =	swait.ge [sflag:s13], $0x2000  }
0x106: {  	[sflag:s13] =	ssyncset.done $0x0  }
0x107: {  	[sflag:s13] =	ssyncadd.s32 $0xFFFFE000  }
0x108: {  	[tilespmem:s21], [sflag:$0x2] =	stream.indirect.gather [spmem:s1], $0x40, s29, s19, $0xb8;
	[tilespmem:$0x1DC00] =	vst v63  }
0x109: {  	_ =	swait.ge [sflag:s22], $0x2000  }
0x10a: {  	[sflag:s22] =	ssyncset.done $0x0  }
0x10b: {  	s11 =	sadd.s32 $0x1C00, s9;
	[sflag:s22] =	ssyncadd.s32 $0xFFFFE000  }
0x10c: {  	[spmem:s2] =	stream.indirect.scatter.add.f32 [tilespmem:s20], [sflag:$0x5], $0x40, s11, s19, $0xb8;
	[tilespmem:$0x1DC00] =	vst v63  }
0x10d: {  	_ =	swait.ge [sflag:s13], $0x2000  }
0x10e: {  	[sflag:s13] =	ssyncset.done $0x0  }
0x10f: {  	[sflag:s13] =	ssyncadd.s32 $0xFFFFE000  }
0x110: {  	[tilespmem:s20], [sflag:$0x1] =	stream.indirect.gather [spmem:s1], $0x40, s30, s19, $0xb8;
	[tilespmem:$0x1DC00] =	vst v63  }
0x111: {  	_ =	swait.ge [sflag:s24], $0x2000  }
0x112: {  	[sflag:s24] =	ssyncset.done $0x0  }
0x113: {  	s11 =	sadd.s32 $0x1C80, s9;
	[sflag:s24] =	ssyncadd.s32 $0xFFFFE000  }
0x114: {  	[spmem:s2] =	stream.indirect.scatter.add.f32 [tilespmem:s21], [sflag:$0x5], $0x40, s11, s19, $0xb8;
	[tilespmem:$0x1DC00] =	vst v63  }
0x115: {  	_ =	swait.ge [sflag:s13], $0x2000  }
0x116: {  	[sflag:s13] =	ssyncset.done $0x0  }
0x117: {  	[sflag:s13] =	ssyncadd.s32 $0xFFFFE000  }
0x118: {  	[tilespmem:s21], [sflag:$0x2] =	stream.indirect.gather [spmem:s1], $0x40, s31, s19, $0xb8;
	[tilespmem:$0x1DC00] =	vst v63  }
0x119: {  	_ =	swait.ge [sflag:s22], $0x2000  }
0x11a: {  	[sflag:s22] =	ssyncset.done $0x0  }
0x11b: {  	s11 =	sadd.s32 $0x1D00, s9;
	[sflag:s22] =	ssyncadd.s32 $0xFFFFE000  }
0x11c: {  	[spmem:s2] =	stream.indirect.scatter.add.f32 [tilespmem:s20], [sflag:$0x5], $0x40, s11, s19, $0xb8;
	[tilespmem:$0x1DC00] =	vst v63  }
0x11d: {  	_ =	swait.ge [sflag:s13], $0x2000  }
0x11e: {  	[sflag:s13] =	ssyncset.done $0x0  }
0x11f: {  	[sflag:s13] =	ssyncadd.s32 $0xFFFFE000  }
0x120: {  	[tilespmem:s20], [sflag:$0x1] =	stream.indirect.gather [spmem:s1], $0x40, s0, s19, $0xb8;
	[tilespmem:$0x1DC00] =	vst v63  }
0x121: {  	_ =	swait.ge [sflag:s24], $0x2000  }
0x122: {  	[sflag:s24] =	ssyncset.done $0x0  }
0x123: {  	s11 =	sadd.s32 $0x1D80, s9;
	[sflag:s24] =	ssyncadd.s32 $0xFFFFE000  }
0x124: {  	[spmem:s2] =	stream.indirect.scatter.add.f32 [tilespmem:s21], [sflag:$0x5], $0x40, s11, s19, $0xb8;
	[tilespmem:$0x1DC00] =	vst v63  }
0x125: {  	_ =	swait.ge [sflag:s13], $0x2000  }
0x126: {  	[sflag:s13] =	ssyncset.done $0x0  }
0x127: {  	[sflag:s13] =	ssyncadd.s32 $0xFFFFE000  }
0x128: {  	[tilespmem:s21], [sflag:$0x2] =	stream.indirect.gather [spmem:s1], $0x40, s12, s19, $0xb8;
	[tilespmem:$0x1DC00] =	vst v63  }
0x129: {  	_ =	swait.ge [sflag:s22], $0x2000  }
0x12a: {  	[sflag:s22] =	ssyncset.done $0x0  }
0x12b: {  	s11 =	sadd.s32 $0x1E00, s9;
	[sflag:s22] =	ssyncadd.s32 $0xFFFFE000  }
0x12c: {  	[spmem:s2] =	stream.indirect.scatter.add.f32 [tilespmem:s20], [sflag:$0x5], $0x40, s11, s19, $0xb8;
	[tilespmem:$0x1DC00] =	vst v63  }
0x12d: {  	_ =	swait.ge [sflag:s13], $0x2000  }
0x12e: {  	[sflag:s13] =	ssyncset.done $0x0  }
0x12f: {  	[sflag:s13] =	ssyncadd.s32 $0xFFFFE000  }
0x130: {  	[tilespmem:s20], [sflag:$0x1] =	stream.indirect.gather [spmem:s1], $0x40, s4, s19, $0xb8;
	[tilespmem:$0x1DC00] =	vst v63  }
0x131: {  	_ =	swait.ge [sflag:s24], $0x2000  }
0x132: {  	[sflag:s24] =	ssyncset.done $0x0  }
0x133: {  	s11 =	sadd.s32 $0x1E80, s9;
	[sflag:s24] =	ssyncadd.s32 $0xFFFFE000  }
0x134: {  	[spmem:s2] =	stream.indirect.scatter.add.f32 [tilespmem:s21], [sflag:$0x5], $0x40, s11, s19, $0xb8;
	[tilespmem:$0x1DC00] =	vst v63  }
0x135: {  	_ =	swait.ge [sflag:s13], $0x2000  }
0x136: {  	[sflag:s13] =	ssyncset.done $0x0  }
0x137: {  	[sflag:s13] =	ssyncadd.s32 $0xFFFFE000  }
0x138: {  	[tilespmem:s21], [sflag:$0x2] =	stream.indirect.gather [spmem:s1], $0x40, s5, s19, $0xb8;
	[tilespmem:$0x1DC00] =	vst v63  }
0x139: {  	_ =	swait.ge [sflag:s22], $0x2000  }
0x13a: {  	[sflag:s22] =	ssyncset.done $0x0  }
0x13b: {  	s11 =	sadd.s32 $0x1F00, s9;
	[sflag:s22] =	ssyncadd.s32 $0xFFFFE000  }
0x13c: {  	[spmem:s2] =	stream.indirect.scatter.add.f32 [tilespmem:s20], [sflag:$0x5], $0x40, s11, s19, $0xb8;
	[tilespmem:$0x1DC00] =	vst v63  }
0x13d: {  	_ =	swait.ge [sflag:s13], $0x2000  }
0x13e: {  	[sflag:s13] =	ssyncset.done $0x0  }
0x13f: {  	[sflag:s13] =	ssyncadd.s32 $0xFFFFE000  }
0x140: {  	_ =	swait.ge [sflag:s24], $0x2000  }
0x141: {  	[sflag:s24] =	ssyncset.done $0x0  }
.Ltmp2:
0x142: {  	s9 =	sadd.s32 $0x1F80, s9;
	[sflag:s24] =	ssyncadd.s32 $0xFFFFE000;
	(pc) =	sbr.rel @p1 .LBB2_4-.Ltmp2, $4  }
0x143: {  	[spmem:s2] =	stream.indirect.scatter.add.f32 [tilespmem:s21], [sflag:$0x5], $0x40, s9, s19, $0xb8;
	[tilespmem:$0x1DC00] =	vst v63  }
0x144: {  	_ =	swait.ge [sflag:s13], $0x2000  }
0x145: {  	[sflag:s13] =	ssyncset.done $0x0  }
0x146: {  	[sflag:s13] =	ssyncadd.s32 $0xFFFFE000  }
.Ltmp3:
0x147: {  	(pc) =	sbr.rel .LBB2_2-.Ltmp3, $3  }
0x148: {  	_ =	sdelay $0x1  }
0x149: {  	[tilespmem:s17], [sflag:$0x4] =	stream.linear.gather [hbm4b:s7+s3], $0x800, $0x38;
	[tilespmem:$0x1DC00] =	vst v63  }
0x14a: {  	s8 =	sadd.s32 $0x4000, s8;
	s7 =	sadd.s32 $0x200, s7  }
.LBB2_5:
0x14b: {  	_ =	sfence.sel $0x180000  }
0x14c: {  	[bflag:$0x0] =	sbarrier.arrive $0xFFFF  }
0x14d: {  	_ =	strace $0x9000004A  }
0x14e: {  	[bflag:$0x2] =	sbarrier.arrive $0xFFFF  }
0x14f: {  	s0 =	rddreg [dreg:$0x3]  }
0x150: {  	s0 =	sadd.s32 @!p0 $0x100000, s0  }
0x151: {  	[sflag:s0] =	ssyncadd.tile.s32 @!p0 $0x1;
	_ =	shalt  }
.Lfunc_end2:
_tile_overlayer_lowered:
.L_overlay_start_2:
0x152: {  	(tag) =	ssettag $0x2  }
0x153: {  	s0 =	rddreg [dreg:$0x0];
	s2 =	stileid.u32  }
0x154: {  	s1 =	rddreg [dreg:$0x1];
	p0 =	sne.s32 s2, $0x0  }
0x155: {  	s3 =	rddreg [dreg:$0x2];
	[bflag:$0x3] =	sbarrier.arrive $0xFFFF;
	s2 =	simm.s32 @!p0 $0x1C05  }
0x156: {  	[timem:s3], [sflag:s2] =	dma.local @!p0 [hbm:s0], s1  }
0x157: {  	s0 =	simm.s32 @!p0 $0x5  }
0x158: {  	_ =	swait.ge @!p0 [sflag:s0], s1  }
0x159: {  	s1 =	ssub.s32 @!p0 $0x0, s1;
	[sflag:s0] =	ssyncset.done @!p0 $0x0  }
0x15a: {  	[sflag:s0] =	ssyncadd.s32 @!p0 s1  }
0x15b: {  	[bflag:$0x3] =	sbarrier.arrive $0xFFFF  }
0x15c: {  	_ =	shalt  }

</sc_bundles>
